<compile_context>
chip_gen: v7x
topology: tpu7x:2x2x1
jax: 0.10.2.dev20260603
libtpu: 0.0.44.dev20260713+nightly
codegen_flags: <defaults>
</compile_context>

<pallas_src>
import functools

import jax
import jax.numpy as jnp
from jax import lax
from jax.experimental import pallas as pl
from jax.experimental.pallas import tpu as pltpu
from jax.experimental.pallas import tpu_sc as plsc

NA = 32
NACT = 8
DPRE = 64
GPB = 16
R = NA * GPB

NODES_PER_W = 64


def _gate_sc_body(zt_hbm, w2_hbm, b2_hbm, out_hbm, zt_vm, w2_vm, b2_vm, w_vm):
    wid = lax.axis_index("s") * 2 + lax.axis_index("c")
    pltpu.sync_copy(zt_hbm.at[wid], zt_vm)
    pltpu.sync_copy(w2_hbm, w2_vm)
    pltpu.sync_copy(b2_hbm, b2_vm.at[pl.ds(0, 1)])

    zero16 = jnp.zeros((16,), jnp.float32)
    b2s = b2_vm[...][0]
    wrow = [w2_vm[pl.ds(h * 16, 16)] for h in range(4)]
    wa = [wrow[k // 16][k % 16] for k in range(NA)]
    wb = [wrow[2 + k // 16][k % 16] for k in range(NA)]
    u_vecs, v_vecs = [], []
    for h in range(NODES_PER_W // 16):
        u_vec, v_vec = zero16, zero16
        for k in range(NA):
            zt = zt_vm[k, pl.ds(h * 16, 16)]
            u_vec = u_vec + zt * wa[k]
            v_vec = v_vec + zt * wb[k]
        u_vecs.append(u_vec)
        v_vecs.append(v_vec)
    for g in range(NODES_PER_W // NA):
        u0, u1 = u_vecs[2 * g], u_vecs[2 * g + 1]
        for i in range(NA):
            arg = v_vecs[2 * g + i // 16][i % 16] + b2s
            r = (g * NA + i) * NA
            w_vm[pl.ds(r, 16)] = 1.0 / (1.0 + jnp.exp(-(u0 + arg)))
            w_vm[pl.ds(r + 16, 16)] = 1.0 / (1.0 + jnp.exp(-(u1 + arg)))

    pltpu.sync_copy(w_vm, out_hbm.at[pl.ds(wid * NODES_PER_W * NA,
                                           NODES_PER_W * NA)])


def _gate_sc(mypose_goalpose, W_attn_w, b_attn_w):
    n = mypose_goalpose.shape[0]
    mesh = plsc.VectorSubcoreMesh(core_axis_name="c", subcore_axis_name="s")
    k = functools.partial(
        pl.kernel, mesh=mesh,
        out_type=jax.ShapeDtypeStruct((n * NA,), jnp.float32),
        scratch_types=[
            pltpu.VMEM((NA, NODES_PER_W), jnp.float32),
            pltpu.VMEM((2 * NA,), jnp.float32),
            pltpu.VMEM((16,), jnp.float32),
            pltpu.VMEM((NODES_PER_W * NA,), jnp.float32),
        ],
    )(_gate_sc_body)
    zt3 = mypose_goalpose.T.reshape(NA, 32, NODES_PER_W).transpose(1, 0, 2)
    wflat = k(zt3, W_attn_w.reshape(-1), b_attn_w)
    return wflat.reshape(n, NA)


def _critic_kernel(obs_ref, z_ref, pol_ref, act_ref,
                   wfc_ref, bfc_ref, w1_ref, b1_ref, w2_ref, b2_ref,
                   wv_ref, bv_ref, x_ref):
    f32 = jnp.float32
    dot = functools.partial(jax.lax.dot_general,
                            preferred_element_type=f32)
    mm = lambda a, b: dot(a, b, (((1,), (0,)), ((), ())))
    mm_t = lambda a, b: dot(a, b, (((1,), (1,)), ((), ())))

    row_g = jax.lax.broadcasted_iota(jnp.int32, (R, R), 0) // NA
    col_g = jax.lax.broadcasted_iota(jnp.int32, (R, R), 1) // NA
    mask = (row_g == col_g).astype(f32)
    sel_c = jax.lax.broadcasted_iota(jnp.int32, (R, NA), 0) % NA
    sel_j = jax.lax.broadcasted_iota(jnp.int32, (R, NA), 1)
    T = (sel_c == sel_j).astype(f32)

    w1a = w1_ref[0:1, :DPRE]
    w1b = w1_ref[0:1, DPRE:]
    w2a = w2_ref[0:1, :NA]
    w2b = w2_ref[0:1, NA:]
    wv1 = wv_ref[0:1, :DPRE]
    wv2 = wv_ref[0:1, DPRE:DPRE + NACT]
    b1 = b1_ref[0]
    b2 = b2_ref[0]
    bv = bv_ref[0]

    obs = obs_ref[...]
    F = mm_t(obs, wfc_ref[...]) + bfc_ref[...]

    a_row = mm_t(w1a, F)
    c_col = mm_t(F, w1b)
    alpha = jax.nn.sigmoid(c_col + a_row + b1) * mask
    obs_proc = mm(alpha, F)
    s_col = mm_t(obs_proc, wv1)

    z = z_ref[...]
    u_row = mm_t(w2a, z)
    v_col = mm_t(z, w2b)
    wfull = jax.nn.sigmoid(v_col + u_row + b2) * mask

    pol = pol_ref[...]
    dp_col = mm_t(act_ref[...] - pol, wv2)
    pp_col = mm_t(pol, wv2)

    rhs_w = jnp.concatenate([T, dp_col * (1.0 / NA)], axis=1)
    ws = mm(wfull, rhs_w)
    w_out = ws[:, :NA]
    S_col = ws[:, NA:NA + 1]
    rhs_m = jnp.concatenate([T * s_col, T * dp_col, pp_col * (1.0 / NA)],
                            axis=1)
    rows = mm(mask, rhs_m)
    s_rows = rows[:, :NA]
    dp_rows = rows[:, NA:2 * NA]
    pm_col = rows[:, 2 * NA:2 * NA + 1]

    x_ref[...] = (S_col + pm_col + bv) + s_rows \
        - w_out * dp_rows * (1.0 / NA)


def kernel(obs, mypose_goalpose, policies, actions,
           W_fc, b_fc, W_attn_in, b_attn_in, W_attn_w, b_attn_w,
           W_val, b_val):
    n = obs.shape[0]
    grid = n // R

    row_spec = lambda w: pl.BlockSpec((R, w), lambda i: (i, 0))
    full = lambda a: pl.BlockSpec(a.shape, lambda *_: (0,) * a.ndim)

    x2d = pl.pallas_call(
        _critic_kernel,
        grid=(grid,),
        in_specs=[
            row_spec(obs.shape[1]),
            row_spec(mypose_goalpose.shape[1]),
            row_spec(NACT),
            row_spec(NACT),
            full(W_fc), full(b_fc),
            full(W_attn_in), full(b_attn_in),
            full(W_attn_w), full(b_attn_w),
            full(W_val), full(b_val),
        ],
        out_specs=row_spec(NA),
        out_shape=jax.ShapeDtypeStruct((n, NA), jnp.float32),
    )(obs, mypose_goalpose, policies, actions,
      W_fc, b_fc, W_attn_in, b_attn_in, W_attn_w, b_attn_w, W_val, b_val)

    w2d = _gate_sc(mypose_goalpose, W_attn_w, b_attn_w)

    return x2d[:, :, None], w2d[:, :, None]

# --- scband reference (transcript-rebuilt; emitter-appended) ---
"""Pipeline reference for scband-critic-network-62775241998799 (READ-ONLY COPY).

The authoritative reference and input builder live on the scoring server;
editing this copy changes nothing except your own understanding.
"""

import jax, jax.numpy as jnp
import numpy as np

B = 64        # number of independent graphs (environments)
NA = 32       # num_agents per graph
NACT = 8      # num_actions
DOBS = 64     # preprocess_input_dim
DPRE = 64     # preprocess_output_dim
DPOSE = 32    # weight_input_dim
N = B * NA    # total nodes


def setup_inputs(seed: int = 0) -> dict:
    key = jax.random.key(seed)
    ks = jax.random.split(key, 12)
    obs = jax.random.normal(ks[0], (N, DOBS), dtype=jnp.float32)
    mypose_goalpose = jax.random.normal(ks[1], (N, DPOSE), dtype=jnp.float32)
    policies = jax.random.uniform(ks[2], (N, NACT), dtype=jnp.float32)
    actions = jax.random.uniform(ks[3], (N, NACT), dtype=jnp.float32)
    # learned parameters
    W_fc = jax.random.normal(ks[4], (DPRE, DOBS), dtype=jnp.float32) * 0.1
    b_fc = jnp.zeros((DPRE,), dtype=jnp.float32)
    W_attn_in = jax.random.normal(ks[5], (1, 2 * DPRE), dtype=jnp.float32) * 0.1
    b_attn_in = jnp.zeros((1,), dtype=jnp.float32)
    W_attn_w = jax.random.normal(ks[6], (1, 2 * DPOSE), dtype=jnp.float32) * 0.1
    b_attn_w = jnp.zeros((1,), dtype=jnp.float32)
    W_val = jax.random.normal(ks[7], (1, DPRE + NACT), dtype=jnp.float32) * 0.1
    b_val = jnp.zeros((1,), dtype=jnp.float32)
    return {
        'obs': obs, 'mypose_goalpose': mypose_goalpose,
        'policies': policies, 'actions': actions,
        'W_fc': W_fc, 'b_fc': b_fc,
        'W_attn_in': W_attn_in, 'b_attn_in': b_attn_in,
        'W_attn_w': W_attn_w, 'b_attn_w': b_attn_w,
        'W_val': W_val, 'b_val': b_val,
    }


def reference(obs, mypose_goalpose, policies, actions,
              W_fc, b_fc, W_attn_in, b_attn_in, W_attn_w, b_attn_w, W_val, b_val):
    n = obs.shape[0]
    # batched complete graph with self-loops: edges grouped by dst node, src in agent-index order
    dst = jnp.repeat(jnp.arange(n), NA)                      # [E]
    src = (dst // NA) * NA + jnp.tile(jnp.arange(NA), n)     # [E], same graph

    # ---- GATLayerInput ----
    features = obs @ W_fc.T + b_fc                           # [N, DPRE]
    fs = jnp.take(features, src, axis=0)
    fd = jnp.take(features, dst, axis=0)
    e1 = jnp.concatenate([fs, fd], axis=1) @ W_attn_in.T + b_attn_in   # [E, 1]
    alpha = jax.nn.sigmoid(e1)
    obs_proc = jax.ops.segment_sum(alpha * fs, dst, num_segments=n)    # [N, DPRE]

    # ---- GATLayer ----
    z_ = mypose_goalpose
    zs_src = jnp.take(z_, src, axis=0)
    zd = jnp.take(z_, dst, axis=0)
    e2 = jnp.concatenate([zs_src, zd], axis=1) @ W_attn_w.T + b_attn_w  # [E, 1]
    # mailbox views: [N, deg=NA, ...] with slot order = src agent index
    e_mb = e2.reshape(n, NA, 1)
    pi_mb = jnp.take(policies, src, axis=0).reshape(n, NA, NACT)
    act_mb = jnp.take(actions, src, axis=0).reshape(n, NA, NACT)

    w = jax.nn.sigmoid(e_mb)                                  # [N, NA, 1]
    z = w * act_mb + (1.0 - w) * pi_mb                        # [N, NA, NACT]
    z = jnp.tile(z, (1, NA, 1))                               # [N, NA*NA, NACT]

    eye = jnp.eye(NA, dtype=jnp.float32)
    place_policies = jnp.broadcast_to(eye[None, :, :, None], (NA, NA, NA, NACT)).reshape(NA, NA * NA, NACT)
    place_zs = 1.0 - place_policies

    pi_r = jnp.tile(pi_mb, (1, NA, 1)).reshape(-1, NA, NA * NA, NACT) * place_policies  # [B, NA, NA*NA, NACT]
    zs = z.reshape(-1, NA, NA * NA, NACT) * place_zs
    zcomb = (pi_r + zs).reshape(-1, NA, NA, NA, NACT)
    zmean = jnp.mean(zcomb, axis=-2)                          # [B, NA, NA, NACT]

    d = obs_proc.shape[1]
    op = obs_proc.reshape(-1, NA, d)
    op = jnp.tile(op, (1, NA, 1)).reshape(-1, NA, NA, d)       # [B, NA, NA, DPRE]
    obs_final = jnp.concatenate([op.reshape(-1, d), zmean.reshape(-1, NACT)], axis=-1)
    obs_final = obs_final.reshape(op.shape[0] * NA, NA, d + NACT)  # [B*NA, NA, DPRE+NACT]

    # ---- ValueNetwork ----
    x = obs_final @ W_val.T + b_val                           # [B*NA, NA, 1]
    return x, w

if __name__ == "__main__":
    import jax
    _d = setup_inputs()
    print(jax.jit(kernel)(*tuple(_d.values())))

</pallas_src>

<mosaic_0001>
#map = affine_map<(d0, d1) -> (0, 0, 0)>
#map1 = affine_map<(d0, d1) -> (0)>
module attributes {stable_mosaic.version = 14 : i64} {
  func.func @_gate_sc_body(%arg0: i32, %arg1: i32, %arg2: memref<32x32x64xf32, #tpu.memory_space<hbm>>, %arg3: memref<64xf32, #tpu.memory_space<hbm>>, %arg4: memref<1xf32, #tpu.memory_space<hbm>>, %arg5: memref<65536xf32, #tpu.memory_space<hbm>>, %arg6: memref<32x64xf32, #tpu.memory_space<vmem>>, %arg7: memref<64xf32, #tpu.memory_space<vmem>>, %arg8: memref<16xf32, #tpu.memory_space<vmem>>, %arg9: memref<2048xf32, #tpu.memory_space<vmem>>) attributes {dimension_semantics = [#tpu.dimension_semantics<core_parallel>, #tpu.dimension_semantics<subcore_parallel>], iteration_bounds = array<i64: 2, 16>, scalar_prefetch = 0 : i64, scratch_operands = 4 : i64, tpu.core_type = #tpu.core_type<sc_vector_subcore>, window_params = [{transform_indices = #map}, {transform_indices = #map1}, {transform_indices = #map1}, {transform_indices = #map1}]} {
    %mul3A = arith.constant 2 : i32
    %mul3A_0 = arith.muli %arg1, %mul3A : i32
    %add3A = arith.addi %mul3A_0, %arg0 : i32
    "tpu.region"() ({
      %run_scoped3A = tpu.sem_alloc : memref<!tpu.dma_semaphore, #tpu.memory_space<semaphore_mem>>
      %dma_start3A = arith.constant 0 : i32
      %dma_start3A_3792 = arith.constant 0 : i32
      %dma_start3A_3793 = tpu.memref_slice %arg2[%add3A, %dma_start3A, %dma_start3A_3792] : memref<32x32x64xf32, #tpu.memory_space<hbm>> -> memref<1x32x64xf32, #tpu.memory_space<hbm>>
      %dma_start3A_3794 = tpu.memref_squeeze %dma_start3A_3793 : memref<1x32x64xf32, #tpu.memory_space<hbm>> -> memref<32x64xf32, #tpu.memory_space<hbm>>
      %dma_start3A_3795 = arith.constant 0 : i32
      %dma_start3A_3796 = arith.constant 0 : i32
      %dma_start3A_3797 = tpu.memref_slice %arg2[%add3A, %dma_start3A_3795, %dma_start3A_3796] : memref<32x32x64xf32, #tpu.memory_space<hbm>> -> memref<1x32x64xf32, #tpu.memory_space<hbm>>
      %dma_start3A_3798 = tpu.memref_squeeze %dma_start3A_3797 : memref<1x32x64xf32, #tpu.memory_space<hbm>> -> memref<32x64xf32, #tpu.memory_space<hbm>>
      tpu.enqueue_dma source(%dma_start3A_3798 : memref<32x64xf32, #tpu.memory_space<hbm>>) target(%arg6 : memref<32x64xf32, #tpu.memory_space<vmem>>) target_semaphore(%run_scoped3A : memref<!tpu.dma_semaphore, #tpu.memory_space<semaphore_mem>>)
      %dma_wait3A = arith.constant 0 : i32
      %dma_wait3A_3799 = arith.constant 0 : i32
      %dma_wait3A_3800 = tpu.memref_slice %arg2[%add3A, %dma_wait3A, %dma_wait3A_3799] : memref<32x32x64xf32, #tpu.memory_space<hbm>> -> memref<1x32x64xf32, #tpu.memory_space<hbm>>
      %dma_wait3A_3801 = tpu.memref_squeeze %dma_wait3A_3800 : memref<1x32x64xf32, #tpu.memory_space<hbm>> -> memref<32x64xf32, #tpu.memory_space<hbm>>
      %dma_wait3A_3802 = arith.constant 0 : i32
      %dma_wait3A_3803 = arith.constant 0 : i32
      %dma_wait3A_3804 = tpu.memref_slice %arg2[%add3A, %dma_wait3A_3802, %dma_wait3A_3803] : memref<32x32x64xf32, #tpu.memory_space<hbm>> -> memref<1x32x64xf32, #tpu.memory_space<hbm>>
      %dma_wait3A_3805 = tpu.memref_squeeze %dma_wait3A_3804 : memref<1x32x64xf32, #tpu.memory_space<hbm>> -> memref<32x64xf32, #tpu.memory_space<hbm>>
      tpu.wait_dma2 semaphore(%run_scoped3A : memref<!tpu.dma_semaphore, #tpu.memory_space<semaphore_mem>>) src(%dma_wait3A_3805 : memref<32x64xf32, #tpu.memory_space<hbm>>) dst(%arg6 : memref<32x64xf32, #tpu.memory_space<vmem>>)
      tpu.yield
    }) : () -> ()
    "tpu.region"() ({
      %run_scoped3A = tpu.sem_alloc : memref<!tpu.dma_semaphore, #tpu.memory_space<semaphore_mem>>
      tpu.enqueue_dma source(%arg3 : memref<64xf32, #tpu.memory_space<hbm>>) target(%arg7 : memref<64xf32, #tpu.memory_space<vmem>>) target_semaphore(%run_scoped3A : memref<!tpu.dma_semaphore, #tpu.memory_space<semaphore_mem>>)
      tpu.wait_dma2 semaphore(%run_scoped3A : memref<!tpu.dma_semaphore, #tpu.memory_space<semaphore_mem>>) src(%arg3 : memref<64xf32, #tpu.memory_space<hbm>>) dst(%arg7 : memref<64xf32, #tpu.memory_space<vmem>>)
      tpu.yield
    }) : () -> ()
    "tpu.region"() ({
      %run_scoped3A = tpu.sem_alloc : memref<!tpu.dma_semaphore, #tpu.memory_space<semaphore_mem>>
      %dma_start3A = arith.constant 0 : i32
      %dma_start3A_3792 = tpu.memref_slice %arg8[%dma_start3A] : memref<16xf32, #tpu.memory_space<vmem>> -> memref<1xf32, #tpu.memory_space<vmem>>
      %dma_start3A_3793 = arith.constant 0 : i32
      %dma_start3A_3794 = tpu.memref_slice %arg8[%dma_start3A_3793] : memref<16xf32, #tpu.memory_space<vmem>> -> memref<1xf32, #tpu.memory_space<vmem>>
      tpu.enqueue_dma source(%arg4 : memref<1xf32, #tpu.memory_space<hbm>>) target(%dma_start3A_3794 : memref<1xf32, #tpu.memory_space<vmem>>) target_semaphore(%run_scoped3A : memref<!tpu.dma_semaphore, #tpu.memory_space<semaphore_mem>>)
      %dma_wait3A = arith.constant 0 : i32
      %dma_wait3A_3795 = tpu.memref_slice %arg8[%dma_wait3A] : memref<16xf32, #tpu.memory_space<vmem>> -> memref<1xf32, #tpu.memory_space<vmem>>
      %dma_wait3A_3796 = arith.constant 0 : i32
      %dma_wait3A_3797 = tpu.memref_slice %arg8[%dma_wait3A_3796] : memref<16xf32, #tpu.memory_space<vmem>> -> memref<1xf32, #tpu.memory_space<vmem>>
      tpu.wait_dma2 semaphore(%run_scoped3A : memref<!tpu.dma_semaphore, #tpu.memory_space<semaphore_mem>>) src(%arg4 : memref<1xf32, #tpu.memory_space<hbm>>) dst(%dma_wait3A_3797 : memref<1xf32, #tpu.memory_space<vmem>>)
      tpu.yield
    }) : () -> ()
    %broadcast_in_dim3A = arith.constant 0.000000e+00 : f32
    %broadcast_in_dim3A_1 = vector.broadcast %broadcast_in_dim3A : f32 to vector<16xf32>
    %get3A = arith.constant 0 : index
    %get3A_2 = tpu.vector_load %arg8[%get3A] {strides = array<i32>} : memref<16xf32, #tpu.memory_space<vmem>>, vector<16xf32>,
    %get3A_3 = vector.shape_cast %get3A_2 : vector<16xf32> to vector<16xf32>
    %slice3A = vector.extract_strided_slice %get3A_3 {offsets = [0], sizes = [1], strides = [1]} : vector<16xf32> to vector<1xf32>
    %squeeze3A = vector.extract %slice3A[0] : f32 from vector<1xf32>
    %get3A_4 = arith.constant 0 : index
    %get3A_5 = tpu.vector_load %arg7[%get3A_4] {strides = array<i32>} : memref<64xf32, #tpu.memory_space<vmem>>, vector<16xf32>,
    %get3A_6 = vector.shape_cast %get3A_5 : vector<16xf32> to vector<16xf32>
    %get3A_7 = arith.constant 16 : index
    %get3A_8 = tpu.vector_load %arg7[%get3A_7] {strides = array<i32>} : memref<64xf32, #tpu.memory_space<vmem>>, vector<16xf32>,
    %get3A_9 = vector.shape_cast %get3A_8 : vector<16xf32> to vector<16xf32>
    %get3A_10 = arith.constant 32 : index
    %get3A_11 = tpu.vector_load %arg7[%get3A_10] {strides = array<i32>} : memref<64xf32, #tpu.memory_space<vmem>>, vector<16xf32>,
    %get3A_12 = vector.shape_cast %get3A_11 : vector<16xf32> to vector<16xf32>
    %get3A_13 = arith.constant 48 : index
    %get3A_14 = tpu.vector_load %arg7[%get3A_13] {strides = array<i32>} : memref<64xf32, #tpu.memory_space<vmem>>, vector<16xf32>,
    %get3A_15 = vector.shape_cast %get3A_14 : vector<16xf32> to vector<16xf32>
    %slice3A_16 = vector.extract_strided_slice %get3A_6 {offsets = [0], sizes = [1], strides = [1]} : vector<16xf32> to vector<1xf32>
    %squeeze3A_17 = vector.extract %slice3A_16[0] : f32 from vector<1xf32>
    %slice3A_18 = vector.extract_strided_slice %get3A_6 {offsets = [1], sizes = [1], strides = [1]} : vector<16xf32> to vector<1xf32>
    %squeeze3A_19 = vector.extract %slice3A_18[0] : f32 from vector<1xf32>
    %slice3A_20 = vector.extract_strided_slice %get3A_6 {offsets = [2], sizes = [1], strides = [1]} : vector<16xf32> to vector<1xf32>
    %squeeze3A_21 = vector.extract %slice3A_20[0] : f32 from vector<1xf32>
    %slice3A_22 = vector.extract_strided_slice %get3A_6 {offsets = [3], sizes = [1], strides = [1]} : vector<16xf32> to vector<1xf32>
    %squeeze3A_23 = vector.extract %slice3A_22[0] : f32 from vector<1xf32>
    %slice3A_24 = vector.extract_strided_slice %get3A_6 {offsets = [4], sizes = [1], strides = [1]} : vector<16xf32> to vector<1xf32>
    %squeeze3A_25 = vector.extract %slice3A_24[0] : f32 from vector<1xf32>
    %slice3A_26 = vector.extract_strided_slice %get3A_6 {offsets = [5], sizes = [1], strides = [1]} : vector<16xf32> to vector<1xf32>
    %squeeze3A_27 = vector.extract %slice3A_26[0] : f32 from vector<1xf32>
    %slice3A_28 = vector.extract_strided_slice %get3A_6 {offsets = [6], sizes = [1], strides = [1]} : vector<16xf32> to vector<1xf32>
    %squeeze3A_29 = vector.extract %slice3A_28[0] : f32 from vector<1xf32>
    %slice3A_30 = vector.extract_strided_slice %get3A_6 {offsets = [7], sizes = [1], strides = [1]} : vector<16xf32> to vector<1xf32>
    %squeeze3A_31 = vector.extract %slice3A_30[0] : f32 from vector<1xf32>
    %slice3A_32 = vector.extract_strided_slice %get3A_6 {offsets = [8], sizes = [1], strides = [1]} : vector<16xf32> to vector<1xf32>
    %squeeze3A_33 = vector.extract %slice3A_32[0] : f32 from vector<1xf32>
    %slice3A_34 = vector.extract_strided_slice %get3A_6 {offsets = [9], sizes = [1], strides = [1]} : vector<16xf32> to vector<1xf32>
    %squeeze3A_35 = vector.extract %slice3A_34[0] : f32 from vector<1xf32>
    %slice3A_36 = vector.extract_strided_slice %get3A_6 {offsets = [10], sizes = [1], strides = [1]} : vector<16xf32> to vector<1xf32>
    %squeeze3A_37 = vector.extract %slice3A_36[0] : f32 from vector<1xf32>
    %slice3A_38 = vector.extract_strided_slice %get3A_6 {offsets = [11], sizes = [1], strides = [1]} : vector<16xf32> to vector<1xf32>
    %squeeze3A_39 = vector.extract %slice3A_38[0] : f32 from vector<1xf32>
    %slice3A_40 = vector.extract_strided_slice %get3A_6 {offsets = [12], sizes = [1], strides = [1]} : vector<16xf32> to vector<1xf32>
    %squeeze3A_41 = vector.extract %slice3A_40[0] : f32 from vector<1xf32>
    %slice3A_42 = vector.extract_strided_slice %get3A_6 {offsets = [13], sizes = [1], strides = [1]} : vector<16xf32> to vector<1xf32>
    %squeeze3A_43 = vector.extract %slice3A_42[0] : f32 from vector<1xf32>
    %slice3A_44 = vector.extract_strided_slice %get3A_6 {offsets = [14], sizes = [1], strides = [1]} : vector<16xf32> to vector<1xf32>
    %squeeze3A_45 = vector.extract %slice3A_44[0] : f32 from vector<1xf32>
    %slice3A_46 = vector.extract_strided_slice %get3A_6 {offsets = [15], sizes = [1], strides = [1]} : vector<16xf32> to vector<1xf32>
    %squeeze3A_47 = vector.extract %slice3A_46[0] : f32 from vector<1xf32>
    %slice3A_48 = vector.extract_strided_slice %get3A_9 {offsets = [0], sizes = [1], strides = [1]} : vector<16xf32> to vector<1xf32>
    %squeeze3A_49 = vector.extract %slice3A_48[0] : f32 from vector<1xf32>
    %slice3A_50 = vector.extract_strided_slice %get3A_9 {offsets = [1], sizes = [1], strides = [1]} : vector<16xf32> to vector<1xf32>
    %squeeze3A_51 = vector.extract %slice3A_50[0] : f32 from vector<1xf32>
    %slice3A_52 = vector.extract_strided_slice %get3A_9 {offsets = [2], sizes = [1], strides = [1]} : vector<16xf32> to vector<1xf32>
    %squeeze3A_53 = vector.extract %slice3A_52[0] : f32 from vector<1xf32>
    %slice3A_54 = vector.extract_strided_slice %get3A_9 {offsets = [3], sizes = [1], strides = [1]} : vector<16xf32> to vector<1xf32>
    %squeeze3A_55 = vector.extract %slice3A_54[0] : f32 from vector<1xf32>
    %slice3A_56 = vector.extract_strided_slice %get3A_9 {offsets = [4], sizes = [1], strides = [1]} : vector<16xf32> to vector<1xf32>
    %squeeze3A_57 = vector.extract %slice3A_56[0] : f32 from vector<1xf32>
    %slice3A_58 = vector.extract_strided_slice %get3A_9 {offsets = [5], sizes = [1], strides = [1]} : vector<16xf32> to vector<1xf32>
    %squeeze3A_59 = vector.extract %slice3A_58[0] : f32 from vector<1xf32>
    %slice3A_60 = vector.extract_strided_slice %get3A_9 {offsets = [6], sizes = [1], strides = [1]} : vector<16xf32> to vector<1xf32>
    %squeeze3A_61 = vector.extract %slice3A_60[0] : f32 from vector<1xf32>
    %slice3A_62 = vector.extract_strided_slice %get3A_9 {offsets = [7], sizes = [1], strides = [1]} : vector<16xf32> to vector<1xf32>
    %squeeze3A_63 = vector.extract %slice3A_62[0] : f32 from vector<1xf32>
    %slice3A_64 = vector.extract_strided_slice %get3A_9 {offsets = [8], sizes = [1], strides = [1]} : vector<16xf32> to vector<1xf32>
    %squeeze3A_65 = vector.extract %slice3A_64[0] : f32 from vector<1xf32>
    %slice3A_66 = vector.extract_strided_slice %get3A_9 {offsets = [9], sizes = [1], strides = [1]} : vector<16xf32> to vector<1xf32>
    %squeeze3A_67 = vector.extract %slice3A_66[0] : f32 from vector<1xf32>
    %slice3A_68 = vector.extract_strided_slice %get3A_9 {offsets = [10], sizes = [1], strides = [1]} : vector<16xf32> to vector<1xf32>
    %squeeze3A_69 = vector.extract %slice3A_68[0] : f32 from vector<1xf32>
    %slice3A_70 = vector.extract_strided_slice %get3A_9 {offsets = [11], sizes = [1], strides = [1]} : vector<16xf32> to vector<1xf32>
    %squeeze3A_71 = vector.extract %slice3A_70[0] : f32 from vector<1xf32>
    %slice3A_72 = vector.extract_strided_slice %get3A_9 {offsets = [12], sizes = [1], strides = [1]} : vector<16xf32> to vector<1xf32>
    %squeeze3A_73 = vector.extract %slice3A_72[0] : f32 from vector<1xf32>
    %slice3A_74 = vector.extract_strided_slice %get3A_9 {offsets = [13], sizes = [1], strides = [1]} : vector<16xf32> to vector<1xf32>
    %squeeze3A_75 = vector.extract %slice3A_74[0] : f32 from vector<1xf32>
    %slice3A_76 = vector.extract_strided_slice %get3A_9 {offsets = [14], sizes = [1], strides = [1]} : vector<16xf32> to vector<1xf32>
    %squeeze3A_77 = vector.extract %slice3A_76[0] : f32 from vector<1xf32>
    %slice3A_78 = vector.extract_strided_slice %get3A_9 {offsets = [15], sizes = [1], strides = [1]} : vector<16xf32> to vector<1xf32>
    %squeeze3A_79 = vector.extract %slice3A_78[0] : f32 from vector<1xf32>
    %slice3A_80 = vector.extract_strided_slice %get3A_12 {offsets = [0], sizes = [1], strides = [1]} : vector<16xf32> to vector<1xf32>
    %squeeze3A_81 = vector.extract %slice3A_80[0] : f32 from vector<1xf32>
    %slice3A_82 = vector.extract_strided_slice %get3A_12 {offsets = [1], sizes = [1], strides = [1]} : vector<16xf32> to vector<1xf32>
    %squeeze3A_83 = vector.extract %slice3A_82[0] : f32 from vector<1xf32>
    %slice3A_84 = vector.extract_strided_slice %get3A_12 {offsets = [2], sizes = [1], strides = [1]} : vector<16xf32> to vector<1xf32>
    %squeeze3A_85 = vector.extract %slice3A_84[0] : f32 from vector<1xf32>
    %slice3A_86 = vector.extract_strided_slice %get3A_12 {offsets = [3], sizes = [1], strides = [1]} : vector<16xf32> to vector<1xf32>
    %squeeze3A_87 = vector.extract %slice3A_86[0] : f32 from vector<1xf32>
    %slice3A_88 = vector.extract_strided_slice %get3A_12 {offsets = [4], sizes = [1], strides = [1]} : vector<16xf32> to vector<1xf32>
    %squeeze3A_89 = vector.extract %slice3A_88[0] : f32 from vector<1xf32>
    %slice3A_90 = vector.extract_strided_slice %get3A_12 {offsets = [5], sizes = [1], strides = [1]} : vector<16xf32> to vector<1xf32>
    %squeeze3A_91 = vector.extract %slice3A_90[0] : f32 from vector<1xf32>
    %slice3A_92 = vector.extract_strided_slice %get3A_12 {offsets = [6], sizes = [1], strides = [1]} : vector<16xf32> to vector<1xf32>
    %squeeze3A_93 = vector.extract %slice3A_92[0] : f32 from vector<1xf32>
    %slice3A_94 = vector.extract_strided_slice %get3A_12 {offsets = [7], sizes = [1], strides = [1]} : vector<16xf32> to vector<1xf32>
    %squeeze3A_95 = vector.extract %slice3A_94[0] : f32 from vector<1xf32>
    %slice3A_96 = vector.extract_strided_slice %get3A_12 {offsets = [8], sizes = [1], strides = [1]} : vector<16xf32> to vector<1xf32>
    %squeeze3A_97 = vector.extract %slice3A_96[0] : f32 from vector<1xf32>
    %slice3A_98 = vector.extract_strided_slice %get3A_12 {offsets = [9], sizes = [1], strides = [1]} : vector<16xf32> to vector<1xf32>
    %squeeze3A_99 = vector.extract %slice3A_98[0] : f32 from vector<1xf32>
    %slice3A_100 = vector.extract_strided_slice %get3A_12 {offsets = [10], sizes = [1], strides = [1]} : vector<16xf32> to vector<1xf32>
    %squeeze3A_101 = vector.extract %slice3A_100[0] : f32 from vector<1xf32>
    %slice3A_102 = vector.extract_strided_slice %get3A_12 {offsets = [11], sizes = [1], strides = [1]} : vector<16xf32> to vector<1xf32>
    %squeeze3A_103 = vector.extract %slice3A_102[0] : f32 from vector<1xf32>
    %slice3A_104 = vector.extract_strided_slice %get3A_12 {offsets = [12], sizes = [1], strides = [1]} : vector<16xf32> to vector<1xf32>
    %squeeze3A_105 = vector.extract %slice3A_104[0] : f32 from vector<1xf32>
    %slice3A_106 = vector.extract_strided_slice %get3A_12 {offsets = [13], sizes = [1], strides = [1]} : vector<16xf32> to vector<1xf32>
    %squeeze3A_107 = vector.extract %slice3A_106[0] : f32 from vector<1xf32>
    %slice3A_108 = vector.extract_strided_slice %get3A_12 {offsets = [14], sizes = [1], strides = [1]} : vector<16xf32> to vector<1xf32>
    %squeeze3A_109 = vector.extract %slice3A_108[0] : f32 from vector<1xf32>
    %slice3A_110 = vector.extract_strided_slice %get3A_12 {offsets = [15], sizes = [1], strides = [1]} : vector<16xf32> to vector<1xf32>
    %squeeze3A_111 = vector.extract %slice3A_110[0] : f32 from vector<1xf32>
    %slice3A_112 = vector.extract_strided_slice %get3A_15 {offsets = [0], sizes = [1], strides = [1]} : vector<16xf32> to vector<1xf32>
    %squeeze3A_113 = vector.extract %slice3A_112[0] : f32 from vector<1xf32>
    %slice3A_114 = vector.extract_strided_slice %get3A_15 {offsets = [1], sizes = [1], strides = [1]} : vector<16xf32> to vector<1xf32>
    %squeeze3A_115 = vector.extract %slice3A_114[0] : f32 from vector<1xf32>
    %slice3A_116 = vector.extract_strided_slice %get3A_15 {offsets = [2], sizes = [1], strides = [1]} : vector<16xf32> to vector<1xf32>
    %squeeze3A_117 = vector.extract %slice3A_116[0] : f32 from vector<1xf32>
    %slice3A_118 = vector.extract_strided_slice %get3A_15 {offsets = [3], sizes = [1], strides = [1]} : vector<16xf32> to vector<1xf32>
    %squeeze3A_119 = vector.extract %slice3A_118[0] : f32 from vector<1xf32>
    %slice3A_120 = vector.extract_strided_slice %get3A_15 {offsets = [4], sizes = [1], strides = [1]} : vector<16xf32> to vector<1xf32>
    %squeeze3A_121 = vector.extract %slice3A_120[0] : f32 from vector<1xf32>
    %slice3A_122 = vector.extract_strided_slice %get3A_15 {offsets = [5], sizes = [1], strides = [1]} : vector<16xf32> to vector<1xf32>
    %squeeze3A_123 = vector.extract %slice3A_122[0] : f32 from vector<1xf32>
    %slice3A_124 = vector.extract_strided_slice %get3A_15 {offsets = [6], sizes = [1], strides = [1]} : vector<16xf32> to vector<1xf32>
    %squeeze3A_125 = vector.extract %slice3A_124[0] : f32 from vector<1xf32>
    %slice3A_126 = vector.extract_strided_slice %get3A_15 {offsets = [7], sizes = [1], strides = [1]} : vector<16xf32> to vector<1xf32>
    %squeeze3A_127 = vector.extract %slice3A_126[0] : f32 from vector<1xf32>
    %slice3A_128 = vector.extract_strided_slice %get3A_15 {offsets = [8], sizes = [1], strides = [1]} : vector<16xf32> to vector<1xf32>
    %squeeze3A_129 = vector.extract %slice3A_128[0] : f32 from vector<1xf32>
    %slice3A_130 = vector.extract_strided_slice %get3A_15 {offsets = [9], sizes = [1], strides = [1]} : vector<16xf32> to vector<1xf32>
    %squeeze3A_131 = vector.extract %slice3A_130[0] : f32 from vector<1xf32>
    %slice3A_132 = vector.extract_strided_slice %get3A_15 {offsets = [10], sizes = [1], strides = [1]} : vector<16xf32> to vector<1xf32>
    %squeeze3A_133 = vector.extract %slice3A_132[0] : f32 from vector<1xf32>
    %slice3A_134 = vector.extract_strided_slice %get3A_15 {offsets = [11], sizes = [1], strides = [1]} : vector<16xf32> to vector<1xf32>
    %squeeze3A_135 = vector.extract %slice3A_134[0] : f32 from vector<1xf32>
    %slice3A_136 = vector.extract_strided_slice %get3A_15 {offsets = [12], sizes = [1], strides = [1]} : vector<16xf32> to vector<1xf32>
    %squeeze3A_137 = vector.extract %slice3A_136[0] : f32 from vector<1xf32>
    %slice3A_138 = vector.extract_strided_slice %get3A_15 {offsets = [13], sizes = [1], strides = [1]} : vector<16xf32> to vector<1xf32>
    %squeeze3A_139 = vector.extract %slice3A_138[0] : f32 from vector<1xf32>
    %slice3A_140 = vector.extract_strided_slice %get3A_15 {offsets = [14], sizes = [1], strides = [1]} : vector<16xf32> to vector<1xf32>
    %squeeze3A_141 = vector.extract %slice3A_140[0] : f32 from vector<1xf32>
    %slice3A_142 = vector.extract_strided_slice %get3A_15 {offsets = [15], sizes = [1], strides = [1]} : vector<16xf32> to vector<1xf32>
    %squeeze3A_143 = vector.extract %slice3A_142[0] : f32 from vector<1xf32>
    %get3A_144 = arith.constant 0 : i32
    %get3A_145 = arith.index_cast %get3A_144 : i32 to index
    %get3A_146 = arith.constant 0 : index
    %get3A_147 = tpu.vector_load %arg6[%get3A_145, %get3A_146] {strides = array<i32>} : memref<32x64xf32, #tpu.memory_space<vmem>>, vector<1x16xf32>,
    %get3A_148 = vector.shape_cast %get3A_147 : vector<1x16xf32> to vector<16xf32>
    %mul3A_149 = vector.broadcast %squeeze3A_17 : f32 to vector<16xf32>
    %mul3A_150 = arith.mulf %get3A_148, %mul3A_149 : vector<16xf32>
    %add3A_151 = arith.addf %broadcast_in_dim3A_1, %mul3A_150 : vector<16xf32>
    %mul3A_152 = vector.broadcast %squeeze3A_81 : f32 to vector<16xf32>
    %mul3A_153 = arith.mulf %get3A_148, %mul3A_152 : vector<16xf32>
    %add3A_154 = arith.addf %broadcast_in_dim3A_1, %mul3A_153 : vector<16xf32>
    %get3A_155 = arith.constant 1 : i32
    %get3A_156 = arith.index_cast %get3A_155 : i32 to index
    %get3A_157 = arith.constant 0 : index
    %get3A_158 = tpu.vector_load %arg6[%get3A_156, %get3A_157] {strides = array<i32>} : memref<32x64xf32, #tpu.memory_space<vmem>>, vector<1x16xf32>,
    %get3A_159 = vector.shape_cast %get3A_158 : vector<1x16xf32> to vector<16xf32>
    %mul3A_160 = vector.broadcast %squeeze3A_19 : f32 to vector<16xf32>
    %mul3A_161 = arith.mulf %get3A_159, %mul3A_160 : vector<16xf32>
    %add3A_162 = arith.addf %add3A_151, %mul3A_161 : vector<16xf32>
    %mul3A_163 = vector.broadcast %squeeze3A_83 : f32 to vector<16xf32>
    %mul3A_164 = arith.mulf %get3A_159, %mul3A_163 : vector<16xf32>
    %add3A_165 = arith.addf %add3A_154, %mul3A_164 : vector<16xf32>
    %get3A_166 = arith.constant 2 : i32
    %get3A_167 = arith.index_cast %get3A_166 : i32 to index
    %get3A_168 = arith.constant 0 : index
    %get3A_169 = tpu.vector_load %arg6[%get3A_167, %get3A_168] {strides = array<i32>} : memref<32x64xf32, #tpu.memory_space<vmem>>, vector<1x16xf32>,
    %get3A_170 = vector.shape_cast %get3A_169 : vector<1x16xf32> to vector<16xf32>
    %mul3A_171 = vector.broadcast %squeeze3A_21 : f32 to vector<16xf32>
    %mul3A_172 = arith.mulf %get3A_170, %mul3A_171 : vector<16xf32>
    %add3A_173 = arith.addf %add3A_162, %mul3A_172 : vector<16xf32>
    %mul3A_174 = vector.broadcast %squeeze3A_85 : f32 to vector<16xf32>
    %mul3A_175 = arith.mulf %get3A_170, %mul3A_174 : vector<16xf32>
    %add3A_176 = arith.addf %add3A_165, %mul3A_175 : vector<16xf32>
    %get3A_177 = arith.constant 3 : i32
    %get3A_178 = arith.index_cast %get3A_177 : i32 to index
    %get3A_179 = arith.constant 0 : index
    %get3A_180 = tpu.vector_load %arg6[%get3A_178, %get3A_179] {strides = array<i32>} : memref<32x64xf32, #tpu.memory_space<vmem>>, vector<1x16xf32>,
    %get3A_181 = vector.shape_cast %get3A_180 : vector<1x16xf32> to vector<16xf32>
    %mul3A_182 = vector.broadcast %squeeze3A_23 : f32 to vector<16xf32>
    %mul3A_183 = arith.mulf %get3A_181, %mul3A_182 : vector<16xf32>
    %add3A_184 = arith.addf %add3A_173, %mul3A_183 : vector<16xf32>
    %mul3A_185 = vector.broadcast %squeeze3A_87 : f32 to vector<16xf32>
    %mul3A_186 = arith.mulf %get3A_181, %mul3A_185 : vector<16xf32>
    %add3A_187 = arith.addf %add3A_176, %mul3A_186 : vector<16xf32>
    %get3A_188 = arith.constant 4 : i32
    %get3A_189 = arith.index_cast %get3A_188 : i32 to index
    %get3A_190 = arith.constant 0 : index
    %get3A_191 = tpu.vector_load %arg6[%get3A_189, %get3A_190] {strides = array<i32>} : memref<32x64xf32, #tpu.memory_space<vmem>>, vector<1x16xf32>,
    %get3A_192 = vector.shape_cast %get3A_191 : vector<1x16xf32> to vector<16xf32>
    %mul3A_193 = vector.broadcast %squeeze3A_25 : f32 to vector<16xf32>
    %mul3A_194 = arith.mulf %get3A_192, %mul3A_193 : vector<16xf32>
    %add3A_195 = arith.addf %add3A_184, %mul3A_194 : vector<16xf32>
    %mul3A_196 = vector.broadcast %squeeze3A_89 : f32 to vector<16xf32>
    %mul3A_197 = arith.mulf %get3A_192, %mul3A_196 : vector<16xf32>
    %add3A_198 = arith.addf %add3A_187, %mul3A_197 : vector<16xf32>
    %get3A_199 = arith.constant 5 : i32
    %get3A_200 = arith.index_cast %get3A_199 : i32 to index
    %get3A_201 = arith.constant 0 : index
    %get3A_202 = tpu.vector_load %arg6[%get3A_200, %get3A_201] {strides = array<i32>} : memref<32x64xf32, #tpu.memory_space<vmem>>, vector<1x16xf32>,
    %get3A_203 = vector.shape_cast %get3A_202 : vector<1x16xf32> to vector<16xf32>
    %mul3A_204 = vector.broadcast %squeeze3A_27 : f32 to vector<16xf32>
    %mul3A_205 = arith.mulf %get3A_203, %mul3A_204 : vector<16xf32>
    %add3A_206 = arith.addf %add3A_195, %mul3A_205 : vector<16xf32>
    %mul3A_207 = vector.broadcast %squeeze3A_91 : f32 to vector<16xf32>
    %mul3A_208 = arith.mulf %get3A_203, %mul3A_207 : vector<16xf32>
    %add3A_209 = arith.addf %add3A_198, %mul3A_208 : vector<16xf32>
    %get3A_210 = arith.constant 6 : i32
    %get3A_211 = arith.index_cast %get3A_210 : i32 to index
    %get3A_212 = arith.constant 0 : index
    %get3A_213 = tpu.vector_load %arg6[%get3A_211, %get3A_212] {strides = array<i32>} : memref<32x64xf32, #tpu.memory_space<vmem>>, vector<1x16xf32>,
    %get3A_214 = vector.shape_cast %get3A_213 : vector<1x16xf32> to vector<16xf32>
    %mul3A_215 = vector.broadcast %squeeze3A_29 : f32 to vector<16xf32>
    %mul3A_216 = arith.mulf %get3A_214, %mul3A_215 : vector<16xf32>
    %add3A_217 = arith.addf %add3A_206, %mul3A_216 : vector<16xf32>
    %mul3A_218 = vector.broadcast %squeeze3A_93 : f32 to vector<16xf32>
    %mul3A_219 = arith.mulf %get3A_214, %mul3A_218 : vector<16xf32>
    %add3A_220 = arith.addf %add3A_209, %mul3A_219 : vector<16xf32>
    %get3A_221 = arith.constant 7 : i32
    %get3A_222 = arith.index_cast %get3A_221 : i32 to index
    %get3A_223 = arith.constant 0 : index
    %get3A_224 = tpu.vector_load %arg6[%get3A_222, %get3A_223] {strides = array<i32>} : memref<32x64xf32, #tpu.memory_space<vmem>>, vector<1x16xf32>,
    %get3A_225 = vector.shape_cast %get3A_224 : vector<1x16xf32> to vector<16xf32>
    %mul3A_226 = vector.broadcast %squeeze3A_31 : f32 to vector<16xf32>
    %mul3A_227 = arith.mulf %get3A_225, %mul3A_226 : vector<16xf32>
    %add3A_228 = arith.addf %add3A_217, %mul3A_227 : vector<16xf32>
    %mul3A_229 = vector.broadcast %squeeze3A_95 : f32 to vector<16xf32>
    %mul3A_230 = arith.mulf %get3A_225, %mul3A_229 : vector<16xf32>
    %add3A_231 = arith.addf %add3A_220, %mul3A_230 : vector<16xf32>
    %get3A_232 = arith.constant 8 : i32
    %get3A_233 = arith.index_cast %get3A_232 : i32 to index
    %get3A_234 = arith.constant 0 : index
    %get3A_235 = tpu.vector_load %arg6[%get3A_233, %get3A_234] {strides = array<i32>} : memref<32x64xf32, #tpu.memory_space<vmem>>, vector<1x16xf32>,
    %get3A_236 = vector.shape_cast %get3A_235 : vector<1x16xf32> to vector<16xf32>
    %mul3A_237 = vector.broadcast %squeeze3A_33 : f32 to vector<16xf32>
    %mul3A_238 = arith.mulf %get3A_236, %mul3A_237 : vector<16xf32>
    %add3A_239 = arith.addf %add3A_228, %mul3A_238 : vector<16xf32>
    %mul3A_240 = vector.broadcast %squeeze3A_97 : f32 to vector<16xf32>
    %mul3A_241 = arith.mulf %get3A_236, %mul3A_240 : vector<16xf32>
    %add3A_242 = arith.addf %add3A_231, %mul3A_241 : vector<16xf32>
    %get3A_243 = arith.constant 9 : i32
    %get3A_244 = arith.index_cast %get3A_243 : i32 to index
    %get3A_245 = arith.constant 0 : index
    %get3A_246 = tpu.vector_load %arg6[%get3A_244, %get3A_245] {strides = array<i32>} : memref<32x64xf32, #tpu.memory_space<vmem>>, vector<1x16xf32>,
    %get3A_247 = vector.shape_cast %get3A_246 : vector<1x16xf32> to vector<16xf32>
    %mul3A_248 = vector.broadcast %squeeze3A_35 : f32 to vector<16xf32>
    %mul3A_249 = arith.mulf %get3A_247, %mul3A_248 : vector<16xf32>
    %add3A_250 = arith.addf %add3A_239, %mul3A_249 : vector<16xf32>
    %mul3A_251 = vector.broadcast %squeeze3A_99 : f32 to vector<16xf32>
    %mul3A_252 = arith.mulf %get3A_247, %mul3A_251 : vector<16xf32>
    %add3A_253 = arith.addf %add3A_242, %mul3A_252 : vector<16xf32>
    %get3A_254 = arith.constant 10 : i32
    %get3A_255 = arith.index_cast %get3A_254 : i32 to index
    %get3A_256 = arith.constant 0 : index
    %get3A_257 = tpu.vector_load %arg6[%get3A_255, %get3A_256] {strides = array<i32>} : memref<32x64xf32, #tpu.memory_space<vmem>>, vector<1x16xf32>,
    %get3A_258 = vector.shape_cast %get3A_257 : vector<1x16xf32> to vector<16xf32>
    %mul3A_259 = vector.broadcast %squeeze3A_37 : f32 to vector<16xf32>
    %mul3A_260 = arith.mulf %get3A_258, %mul3A_259 : vector<16xf32>
    %add3A_261 = arith.addf %add3A_250, %mul3A_260 : vector<16xf32>
    %mul3A_262 = vector.broadcast %squeeze3A_101 : f32 to vector<16xf32>
    %mul3A_263 = arith.mulf %get3A_258, %mul3A_262 : vector<16xf32>
    %add3A_264 = arith.addf %add3A_253, %mul3A_263 : vector<16xf32>
    %get3A_265 = arith.constant 11 : i32
    %get3A_266 = arith.index_cast %get3A_265 : i32 to index
    %get3A_267 = arith.constant 0 : index
    %get3A_268 = tpu.vector_load %arg6[%get3A_266, %get3A_267] {strides = array<i32>} : memref<32x64xf32, #tpu.memory_space<vmem>>, vector<1x16xf32>,
    %get3A_269 = vector.shape_cast %get3A_268 : vector<1x16xf32> to vector<16xf32>
    %mul3A_270 = vector.broadcast %squeeze3A_39 : f32 to vector<16xf32>
    %mul3A_271 = arith.mulf %get3A_269, %mul3A_270 : vector<16xf32>
    %add3A_272 = arith.addf %add3A_261, %mul3A_271 : vector<16xf32>
    %mul3A_273 = vector.broadcast %squeeze3A_103 : f32 to vector<16xf32>
    %mul3A_274 = arith.mulf %get3A_269, %mul3A_273 : vector<16xf32>
    %add3A_275 = arith.addf %add3A_264, %mul3A_274 : vector<16xf32>
    %get3A_276 = arith.constant 12 : i32
    %get3A_277 = arith.index_cast %get3A_276 : i32 to index
    %get3A_278 = arith.constant 0 : index
    %get3A_279 = tpu.vector_load %arg6[%get3A_277, %get3A_278] {strides = array<i32>} : memref<32x64xf32, #tpu.memory_space<vmem>>, vector<1x16xf32>,
    %get3A_280 = vector.shape_cast %get3A_279 : vector<1x16xf32> to vector<16xf32>
    %mul3A_281 = vector.broadcast %squeeze3A_41 : f32 to vector<16xf32>
    %mul3A_282 = arith.mulf %get3A_280, %mul3A_281 : vector<16xf32>
    %add3A_283 = arith.addf %add3A_272, %mul3A_282 : vector<16xf32>
    %mul3A_284 = vector.broadcast %squeeze3A_105 : f32 to vector<16xf32>
    %mul3A_285 = arith.mulf %get3A_280, %mul3A_284 : vector<16xf32>
    %add3A_286 = arith.addf %add3A_275, %mul3A_285 : vector<16xf32>
    %get3A_287 = arith.constant 13 : i32
    %get3A_288 = arith.index_cast %get3A_287 : i32 to index
    %get3A_289 = arith.constant 0 : index
    %get3A_290 = tpu.vector_load %arg6[%get3A_288, %get3A_289] {strides = array<i32>} : memref<32x64xf32, #tpu.memory_space<vmem>>, vector<1x16xf32>,
    %get3A_291 = vector.shape_cast %get3A_290 : vector<1x16xf32> to vector<16xf32>
    %mul3A_292 = vector.broadcast %squeeze3A_43 : f32 to vector<16xf32>
    %mul3A_293 = arith.mulf %get3A_291, %mul3A_292 : vector<16xf32>
    %add3A_294 = arith.addf %add3A_283, %mul3A_293 : vector<16xf32>
    %mul3A_295 = vector.broadcast %squeeze3A_107 : f32 to vector<16xf32>
    %mul3A_296 = arith.mulf %get3A_291, %mul3A_295 : vector<16xf32>
    %add3A_297 = arith.addf %add3A_286, %mul3A_296 : vector<16xf32>
    %get3A_298 = arith.constant 14 : i32
    %get3A_299 = arith.index_cast %get3A_298 : i32 to index
    %get3A_300 = arith.constant 0 : index
    %get3A_301 = tpu.vector_load %arg6[%get3A_299, %get3A_300] {strides = array<i32>} : memref<32x64xf32, #tpu.memory_space<vmem>>, vector<1x16xf32>,
    %get3A_302 = vector.shape_cast %get3A_301 : vector<1x16xf32> to vector<16xf32>
    %mul3A_303 = vector.broadcast %squeeze3A_45 : f32 to vector<16xf32>
    %mul3A_304 = arith.mulf %get3A_302, %mul3A_303 : vector<16xf32>
    %add3A_305 = arith.addf %add3A_294, %mul3A_304 : vector<16xf32>
    %mul3A_306 = vector.broadcast %squeeze3A_109 : f32 to vector<16xf32>
    %mul3A_307 = arith.mulf %get3A_302, %mul3A_306 : vector<16xf32>
    %add3A_308 = arith.addf %add3A_297, %mul3A_307 : vector<16xf32>
    %get3A_309 = arith.constant 15 : i32
    %get3A_310 = arith.index_cast %get3A_309 : i32 to index
    %get3A_311 = arith.constant 0 : index
    %get3A_312 = tpu.vector_load %arg6[%get3A_310, %get3A_311] {strides = array<i32>} : memref<32x64xf32, #tpu.memory_space<vmem>>, vector<1x16xf32>,
    %get3A_313 = vector.shape_cast %get3A_312 : vector<1x16xf32> to vector<16xf32>
    %mul3A_314 = vector.broadcast %squeeze3A_47 : f32 to vector<16xf32>
    %mul3A_315 = arith.mulf %get3A_313, %mul3A_314 : vector<16xf32>
    %add3A_316 = arith.addf %add3A_305, %mul3A_315 : vector<16xf32>
    %mul3A_317 = vector.broadcast %squeeze3A_111 : f32 to vector<16xf32>
    %mul3A_318 = arith.mulf %get3A_313, %mul3A_317 : vector<16xf32>
    %add3A_319 = arith.addf %add3A_308, %mul3A_318 : vector<16xf32>
    %get3A_320 = arith.constant 16 : i32
    %get3A_321 = arith.index_cast %get3A_320 : i32 to index
    %get3A_322 = arith.constant 0 : index
    %get3A_323 = tpu.vector_load %arg6[%get3A_321, %get3A_322] {strides = array<i32>} : memref<32x64xf32, #tpu.memory_space<vmem>>, vector<1x16xf32>,
    %get3A_324 = vector.shape_cast %get3A_323 : vector<1x16xf32> to vector<16xf32>
    %mul3A_325 = vector.broadcast %squeeze3A_49 : f32 to vector<16xf32>
    %mul3A_326 = arith.mulf %get3A_324, %mul3A_325 : vector<16xf32>
    %add3A_327 = arith.addf %add3A_316, %mul3A_326 : vector<16xf32>
    %mul3A_328 = vector.broadcast %squeeze3A_113 : f32 to vector<16xf32>
    %mul3A_329 = arith.mulf %get3A_324, %mul3A_328 : vector<16xf32>
    %add3A_330 = arith.addf %add3A_319, %mul3A_329 : vector<16xf32>
    %get3A_331 = arith.constant 17 : i32
    %get3A_332 = arith.index_cast %get3A_331 : i32 to index
    %get3A_333 = arith.constant 0 : index
    %get3A_334 = tpu.vector_load %arg6[%get3A_332, %get3A_333] {strides = array<i32>} : memref<32x64xf32, #tpu.memory_space<vmem>>, vector<1x16xf32>,
    %get3A_335 = vector.shape_cast %get3A_334 : vector<1x16xf32> to vector<16xf32>
    %mul3A_336 = vector.broadcast %squeeze3A_51 : f32 to vector<16xf32>
    %mul3A_337 = arith.mulf %get3A_335, %mul3A_336 : vector<16xf32>
    %add3A_338 = arith.addf %add3A_327, %mul3A_337 : vector<16xf32>
    %mul3A_339 = vector.broadcast %squeeze3A_115 : f32 to vector<16xf32>
    %mul3A_340 = arith.mulf %get3A_335, %mul3A_339 : vector<16xf32>
    %add3A_341 = arith.addf %add3A_330, %mul3A_340 : vector<16xf32>
    %get3A_342 = arith.constant 18 : i32
    %get3A_343 = arith.index_cast %get3A_342 : i32 to index
    %get3A_344 = arith.constant 0 : index
    %get3A_345 = tpu.vector_load %arg6[%get3A_343, %get3A_344] {strides = array<i32>} : memref<32x64xf32, #tpu.memory_space<vmem>>, vector<1x16xf32>,
    %get3A_346 = vector.shape_cast %get3A_345 : vector<1x16xf32> to vector<16xf32>
    %mul3A_347 = vector.broadcast %squeeze3A_53 : f32 to vector<16xf32>
    %mul3A_348 = arith.mulf %get3A_346, %mul3A_347 : vector<16xf32>
    %add3A_349 = arith.addf %add3A_338, %mul3A_348 : vector<16xf32>
    %mul3A_350 = vector.broadcast %squeeze3A_117 : f32 to vector<16xf32>
    %mul3A_351 = arith.mulf %get3A_346, %mul3A_350 : vector<16xf32>
    %add3A_352 = arith.addf %add3A_341, %mul3A_351 : vector<16xf32>
    %get3A_353 = arith.constant 19 : i32
    %get3A_354 = arith.index_cast %get3A_353 : i32 to index
    %get3A_355 = arith.constant 0 : index
    %get3A_356 = tpu.vector_load %arg6[%get3A_354, %get3A_355] {strides = array<i32>} : memref<32x64xf32, #tpu.memory_space<vmem>>, vector<1x16xf32>,
    %get3A_357 = vector.shape_cast %get3A_356 : vector<1x16xf32> to vector<16xf32>
    %mul3A_358 = vector.broadcast %squeeze3A_55 : f32 to vector<16xf32>
    %mul3A_359 = arith.mulf %get3A_357, %mul3A_358 : vector<16xf32>
    %add3A_360 = arith.addf %add3A_349, %mul3A_359 : vector<16xf32>
    %mul3A_361 = vector.broadcast %squeeze3A_119 : f32 to vector<16xf32>
    %mul3A_362 = arith.mulf %get3A_357, %mul3A_361 : vector<16xf32>
    %add3A_363 = arith.addf %add3A_352, %mul3A_362 : vector<16xf32>
    %get3A_364 = arith.constant 20 : i32
    %get3A_365 = arith.index_cast %get3A_364 : i32 to index
    %get3A_366 = arith.constant 0 : index
    %get3A_367 = tpu.vector_load %arg6[%get3A_365, %get3A_366] {strides = array<i32>} : memref<32x64xf32, #tpu.memory_space<vmem>>, vector<1x16xf32>,
    %get3A_368 = vector.shape_cast %get3A_367 : vector<1x16xf32> to vector<16xf32>
    %mul3A_369 = vector.broadcast %squeeze3A_57 : f32 to vector<16xf32>
    %mul3A_370 = arith.mulf %get3A_368, %mul3A_369 : vector<16xf32>
    %add3A_371 = arith.addf %add3A_360, %mul3A_370 : vector<16xf32>
    %mul3A_372 = vector.broadcast %squeeze3A_121 : f32 to vector<16xf32>
    %mul3A_373 = arith.mulf %get3A_368, %mul3A_372 : vector<16xf32>
    %add3A_374 = arith.addf %add3A_363, %mul3A_373 : vector<16xf32>
    %get3A_375 = arith.constant 21 : i32
    %get3A_376 = arith.index_cast %get3A_375 : i32 to index
    %get3A_377 = arith.constant 0 : index
    %get3A_378 = tpu.vector_load %arg6[%get3A_376, %get3A_377] {strides = array<i32>} : memref<32x64xf32, #tpu.memory_space<vmem>>, vector<1x16xf32>,
    %get3A_379 = vector.shape_cast %get3A_378 : vector<1x16xf32> to vector<16xf32>
    %mul3A_380 = vector.broadcast %squeeze3A_59 : f32 to vector<16xf32>
    %mul3A_381 = arith.mulf %get3A_379, %mul3A_380 : vector<16xf32>
    %add3A_382 = arith.addf %add3A_371, %mul3A_381 : vector<16xf32>
    %mul3A_383 = vector.broadcast %squeeze3A_123 : f32 to vector<16xf32>
    %mul3A_384 = arith.mulf %get3A_379, %mul3A_383 : vector<16xf32>
    %add3A_385 = arith.addf %add3A_374, %mul3A_384 : vector<16xf32>
    %get3A_386 = arith.constant 22 : i32
    %get3A_387 = arith.index_cast %get3A_386 : i32 to index
    %get3A_388 = arith.constant 0 : index
    %get3A_389 = tpu.vector_load %arg6[%get3A_387, %get3A_388] {strides = array<i32>} : memref<32x64xf32, #tpu.memory_space<vmem>>, vector<1x16xf32>,
    %get3A_390 = vector.shape_cast %get3A_389 : vector<1x16xf32> to vector<16xf32>
    %mul3A_391 = vector.broadcast %squeeze3A_61 : f32 to vector<16xf32>
    %mul3A_392 = arith.mulf %get3A_390, %mul3A_391 : vector<16xf32>
    %add3A_393 = arith.addf %add3A_382, %mul3A_392 : vector<16xf32>
    %mul3A_394 = vector.broadcast %squeeze3A_125 : f32 to vector<16xf32>
    %mul3A_395 = arith.mulf %get3A_390, %mul3A_394 : vector<16xf32>
    %add3A_396 = arith.addf %add3A_385, %mul3A_395 : vector<16xf32>
    %get3A_397 = arith.constant 23 : i32
    %get3A_398 = arith.index_cast %get3A_397 : i32 to index
    %get3A_399 = arith.constant 0 : index
    %get3A_400 = tpu.vector_load %arg6[%get3A_398, %get3A_399] {strides = array<i32>} : memref<32x64xf32, #tpu.memory_space<vmem>>, vector<1x16xf32>,
    %get3A_401 = vector.shape_cast %get3A_400 : vector<1x16xf32> to vector<16xf32>
    %mul3A_402 = vector.broadcast %squeeze3A_63 : f32 to vector<16xf32>
    %mul3A_403 = arith.mulf %get3A_401, %mul3A_402 : vector<16xf32>
    %add3A_404 = arith.addf %add3A_393, %mul3A_403 : vector<16xf32>
    %mul3A_405 = vector.broadcast %squeeze3A_127 : f32 to vector<16xf32>
    %mul3A_406 = arith.mulf %get3A_401, %mul3A_405 : vector<16xf32>
    %add3A_407 = arith.addf %add3A_396, %mul3A_406 : vector<16xf32>
    %get3A_408 = arith.constant 24 : i32
    %get3A_409 = arith.index_cast %get3A_408 : i32 to index
    %get3A_410 = arith.constant 0 : index
    %get3A_411 = tpu.vector_load %arg6[%get3A_409, %get3A_410] {strides = array<i32>} : memref<32x64xf32, #tpu.memory_space<vmem>>, vector<1x16xf32>,
    %get3A_412 = vector.shape_cast %get3A_411 : vector<1x16xf32> to vector<16xf32>
    %mul3A_413 = vector.broadcast %squeeze3A_65 : f32 to vector<16xf32>
    %mul3A_414 = arith.mulf %get3A_412, %mul3A_413 : vector<16xf32>
    %add3A_415 = arith.addf %add3A_404, %mul3A_414 : vector<16xf32>
    %mul3A_416 = vector.broadcast %squeeze3A_129 : f32 to vector<16xf32>
    %mul3A_417 = arith.mulf %get3A_412, %mul3A_416 : vector<16xf32>
    %add3A_418 = arith.addf %add3A_407, %mul3A_417 : vector<16xf32>
    %get3A_419 = arith.constant 25 : i32
    %get3A_420 = arith.index_cast %get3A_419 : i32 to index
    %get3A_421 = arith.constant 0 : index
    %get3A_422 = tpu.vector_load %arg6[%get3A_420, %get3A_421] {strides = array<i32>} : memref<32x64xf32, #tpu.memory_space<vmem>>, vector<1x16xf32>,
    %get3A_423 = vector.shape_cast %get3A_422 : vector<1x16xf32> to vector<16xf32>
    %mul3A_424 = vector.broadcast %squeeze3A_67 : f32 to vector<16xf32>
    %mul3A_425 = arith.mulf %get3A_423, %mul3A_424 : vector<16xf32>
    %add3A_426 = arith.addf %add3A_415, %mul3A_425 : vector<16xf32>
    %mul3A_427 = vector.broadcast %squeeze3A_131 : f32 to vector<16xf32>
    %mul3A_428 = arith.mulf %get3A_423, %mul3A_427 : vector<16xf32>
    %add3A_429 = arith.addf %add3A_418, %mul3A_428 : vector<16xf32>
    %get3A_430 = arith.constant 26 : i32
    %get3A_431 = arith.index_cast %get3A_430 : i32 to index
    %get3A_432 = arith.constant 0 : index
    %get3A_433 = tpu.vector_load %arg6[%get3A_431, %get3A_432] {strides = array<i32>} : memref<32x64xf32, #tpu.memory_space<vmem>>, vector<1x16xf32>,
    %get3A_434 = vector.shape_cast %get3A_433 : vector<1x16xf32> to vector<16xf32>
    %mul3A_435 = vector.broadcast %squeeze3A_69 : f32 to vector<16xf32>
    %mul3A_436 = arith.mulf %get3A_434, %mul3A_435 : vector<16xf32>
    %add3A_437 = arith.addf %add3A_426, %mul3A_436 : vector<16xf32>
    %mul3A_438 = vector.broadcast %squeeze3A_133 : f32 to vector<16xf32>
    %mul3A_439 = arith.mulf %get3A_434, %mul3A_438 : vector<16xf32>
    %add3A_440 = arith.addf %add3A_429, %mul3A_439 : vector<16xf32>
    %get3A_441 = arith.constant 27 : i32
    %get3A_442 = arith.index_cast %get3A_441 : i32 to index
    %get3A_443 = arith.constant 0 : index
    %get3A_444 = tpu.vector_load %arg6[%get3A_442, %get3A_443] {strides = array<i32>} : memref<32x64xf32, #tpu.memory_space<vmem>>, vector<1x16xf32>,
    %get3A_445 = vector.shape_cast %get3A_444 : vector<1x16xf32> to vector<16xf32>
    %mul3A_446 = vector.broadcast %squeeze3A_71 : f32 to vector<16xf32>
    %mul3A_447 = arith.mulf %get3A_445, %mul3A_446 : vector<16xf32>
    %add3A_448 = arith.addf %add3A_437, %mul3A_447 : vector<16xf32>
    %mul3A_449 = vector.broadcast %squeeze3A_135 : f32 to vector<16xf32>
    %mul3A_450 = arith.mulf %get3A_445, %mul3A_449 : vector<16xf32>
    %add3A_451 = arith.addf %add3A_440, %mul3A_450 : vector<16xf32>
    %get3A_452 = arith.constant 28 : i32
    %get3A_453 = arith.index_cast %get3A_452 : i32 to index
    %get3A_454 = arith.constant 0 : index
    %get3A_455 = tpu.vector_load %arg6[%get3A_453, %get3A_454] {strides = array<i32>} : memref<32x64xf32, #tpu.memory_space<vmem>>, vector<1x16xf32>,
    %get3A_456 = vector.shape_cast %get3A_455 : vector<1x16xf32> to vector<16xf32>
    %mul3A_457 = vector.broadcast %squeeze3A_73 : f32 to vector<16xf32>
    %mul3A_458 = arith.mulf %get3A_456, %mul3A_457 : vector<16xf32>
    %add3A_459 = arith.addf %add3A_448, %mul3A_458 : vector<16xf32>
    %mul3A_460 = vector.broadcast %squeeze3A_137 : f32 to vector<16xf32>
    %mul3A_461 = arith.mulf %get3A_456, %mul3A_460 : vector<16xf32>
    %add3A_462 = arith.addf %add3A_451, %mul3A_461 : vector<16xf32>
    %get3A_463 = arith.constant 29 : i32
    %get3A_464 = arith.index_cast %get3A_463 : i32 to index
    %get3A_465 = arith.constant 0 : index
    %get3A_466 = tpu.vector_load %arg6[%get3A_464, %get3A_465] {strides = array<i32>} : memref<32x64xf32, #tpu.memory_space<vmem>>, vector<1x16xf32>,
    %get3A_467 = vector.shape_cast %get3A_466 : vector<1x16xf32> to vector<16xf32>
    %mul3A_468 = vector.broadcast %squeeze3A_75 : f32 to vector<16xf32>
    %mul3A_469 = arith.mulf %get3A_467, %mul3A_468 : vector<16xf32>
    %add3A_470 = arith.addf %add3A_459, %mul3A_469 : vector<16xf32>
    %mul3A_471 = vector.broadcast %squeeze3A_139 : f32 to vector<16xf32>
    %mul3A_472 = arith.mulf %get3A_467, %mul3A_471 : vector<16xf32>
    %add3A_473 = arith.addf %add3A_462, %mul3A_472 : vector<16xf32>
    %get3A_474 = arith.constant 30 : i32
    %get3A_475 = arith.index_cast %get3A_474 : i32 to index
    %get3A_476 = arith.constant 0 : index
    %get3A_477 = tpu.vector_load %arg6[%get3A_475, %get3A_476] {strides = array<i32>} : memref<32x64xf32, #tpu.memory_space<vmem>>, vector<1x16xf32>,
    %get3A_478 = vector.shape_cast %get3A_477 : vector<1x16xf32> to vector<16xf32>
    %mul3A_479 = vector.broadcast %squeeze3A_77 : f32 to vector<16xf32>
    %mul3A_480 = arith.mulf %get3A_478, %mul3A_479 : vector<16xf32>
    %add3A_481 = arith.addf %add3A_470, %mul3A_480 : vector<16xf32>
    %mul3A_482 = vector.broadcast %squeeze3A_141 : f32 to vector<16xf32>
    %mul3A_483 = arith.mulf %get3A_478, %mul3A_482 : vector<16xf32>
    %add3A_484 = arith.addf %add3A_473, %mul3A_483 : vector<16xf32>
    %get3A_485 = arith.constant 31 : i32
    %get3A_486 = arith.index_cast %get3A_485 : i32 to index
    %get3A_487 = arith.constant 0 : index
    %get3A_488 = tpu.vector_load %arg6[%get3A_486, %get3A_487] {strides = array<i32>} : memref<32x64xf32, #tpu.memory_space<vmem>>, vector<1x16xf32>,
    %get3A_489 = vector.shape_cast %get3A_488 : vector<1x16xf32> to vector<16xf32>
    %mul3A_490 = vector.broadcast %squeeze3A_79 : f32 to vector<16xf32>
    %mul3A_491 = arith.mulf %get3A_489, %mul3A_490 : vector<16xf32>
    %add3A_492 = arith.addf %add3A_481, %mul3A_491 : vector<16xf32>
    %mul3A_493 = vector.broadcast %squeeze3A_143 : f32 to vector<16xf32>
    %mul3A_494 = arith.mulf %get3A_489, %mul3A_493 : vector<16xf32>
    %add3A_495 = arith.addf %add3A_484, %mul3A_494 : vector<16xf32>
    %get3A_496 = arith.constant 0 : i32
    %get3A_497 = arith.index_cast %get3A_496 : i32 to index
    %get3A_498 = arith.constant 16 : index
    %get3A_499 = tpu.vector_load %arg6[%get3A_497, %get3A_498] {strides = array<i32>} : memref<32x64xf32, #tpu.memory_space<vmem>>, vector<1x16xf32>,
    %get3A_500 = vector.shape_cast %get3A_499 : vector<1x16xf32> to vector<16xf32>
    %mul3A_501 = vector.broadcast %squeeze3A_17 : f32 to vector<16xf32>
    %mul3A_502 = arith.mulf %get3A_500, %mul3A_501 : vector<16xf32>
    %add3A_503 = arith.addf %broadcast_in_dim3A_1, %mul3A_502 : vector<16xf32>
    %mul3A_504 = vector.broadcast %squeeze3A_81 : f32 to vector<16xf32>
    %mul3A_505 = arith.mulf %get3A_500, %mul3A_504 : vector<16xf32>
    %add3A_506 = arith.addf %broadcast_in_dim3A_1, %mul3A_505 : vector<16xf32>
    %get3A_507 = arith.constant 1 : i32
    %get3A_508 = arith.index_cast %get3A_507 : i32 to index
    %get3A_509 = arith.constant 16 : index
    %get3A_510 = tpu.vector_load %arg6[%get3A_508, %get3A_509] {strides = array<i32>} : memref<32x64xf32, #tpu.memory_space<vmem>>, vector<1x16xf32>,
    %get3A_511 = vector.shape_cast %get3A_510 : vector<1x16xf32> to vector<16xf32>
    %mul3A_512 = vector.broadcast %squeeze3A_19 : f32 to vector<16xf32>
    %mul3A_513 = arith.mulf %get3A_511, %mul3A_512 : vector<16xf32>
    %add3A_514 = arith.addf %add3A_503, %mul3A_513 : vector<16xf32>
    %mul3A_515 = vector.broadcast %squeeze3A_83 : f32 to vector<16xf32>
    %mul3A_516 = arith.mulf %get3A_511, %mul3A_515 : vector<16xf32>
    %add3A_517 = arith.addf %add3A_506, %mul3A_516 : vector<16xf32>
    %get3A_518 = arith.constant 2 : i32
    %get3A_519 = arith.index_cast %get3A_518 : i32 to index
    %get3A_520 = arith.constant 16 : index
    %get3A_521 = tpu.vector_load %arg6[%get3A_519, %get3A_520] {strides = array<i32>} : memref<32x64xf32, #tpu.memory_space<vmem>>, vector<1x16xf32>,
    %get3A_522 = vector.shape_cast %get3A_521 : vector<1x16xf32> to vector<16xf32>
    %mul3A_523 = vector.broadcast %squeeze3A_21 : f32 to vector<16xf32>
    %mul3A_524 = arith.mulf %get3A_522, %mul3A_523 : vector<16xf32>
    %add3A_525 = arith.addf %add3A_514, %mul3A_524 : vector<16xf32>
    %mul3A_526 = vector.broadcast %squeeze3A_85 : f32 to vector<16xf32>
    %mul3A_527 = arith.mulf %get3A_522, %mul3A_526 : vector<16xf32>
    %add3A_528 = arith.addf %add3A_517, %mul3A_527 : vector<16xf32>
    %get3A_529 = arith.constant 3 : i32
    %get3A_530 = arith.index_cast %get3A_529 : i32 to index
    %get3A_531 = arith.constant 16 : index
    %get3A_532 = tpu.vector_load %arg6[%get3A_530, %get3A_531] {strides = array<i32>} : memref<32x64xf32, #tpu.memory_space<vmem>>, vector<1x16xf32>,
    %get3A_533 = vector.shape_cast %get3A_532 : vector<1x16xf32> to vector<16xf32>
    %mul3A_534 = vector.broadcast %squeeze3A_23 : f32 to vector<16xf32>
    %mul3A_535 = arith.mulf %get3A_533, %mul3A_534 : vector<16xf32>
    %add3A_536 = arith.addf %add3A_525, %mul3A_535 : vector<16xf32>
    %mul3A_537 = vector.broadcast %squeeze3A_87 : f32 to vector<16xf32>
    %mul3A_538 = arith.mulf %get3A_533, %mul3A_537 : vector<16xf32>
    %add3A_539 = arith.addf %add3A_528, %mul3A_538 : vector<16xf32>
    %get3A_540 = arith.constant 4 : i32
    %get3A_541 = arith.index_cast %get3A_540 : i32 to index
    %get3A_542 = arith.constant 16 : index
    %get3A_543 = tpu.vector_load %arg6[%get3A_541, %get3A_542] {strides = array<i32>} : memref<32x64xf32, #tpu.memory_space<vmem>>, vector<1x16xf32>,
    %get3A_544 = vector.shape_cast %get3A_543 : vector<1x16xf32> to vector<16xf32>
    %mul3A_545 = vector.broadcast %squeeze3A_25 : f32 to vector<16xf32>
    %mul3A_546 = arith.mulf %get3A_544, %mul3A_545 : vector<16xf32>
    %add3A_547 = arith.addf %add3A_536, %mul3A_546 : vector<16xf32>
    %mul3A_548 = vector.broadcast %squeeze3A_89 : f32 to vector<16xf32>
    %mul3A_549 = arith.mulf %get3A_544, %mul3A_548 : vector<16xf32>
    %add3A_550 = arith.addf %add3A_539, %mul3A_549 : vector<16xf32>
    %get3A_551 = arith.constant 5 : i32
    %get3A_552 = arith.index_cast %get3A_551 : i32 to index
    %get3A_553 = arith.constant 16 : index
    %get3A_554 = tpu.vector_load %arg6[%get3A_552, %get3A_553] {strides = array<i32>} : memref<32x64xf32, #tpu.memory_space<vmem>>, vector<1x16xf32>,
    %get3A_555 = vector.shape_cast %get3A_554 : vector<1x16xf32> to vector<16xf32>
    %mul3A_556 = vector.broadcast %squeeze3A_27 : f32 to vector<16xf32>
    %mul3A_557 = arith.mulf %get3A_555, %mul3A_556 : vector<16xf32>
    %add3A_558 = arith.addf %add3A_547, %mul3A_557 : vector<16xf32>
    %mul3A_559 = vector.broadcast %squeeze3A_91 : f32 to vector<16xf32>
    %mul3A_560 = arith.mulf %get3A_555, %mul3A_559 : vector<16xf32>
    %add3A_561 = arith.addf %add3A_550, %mul3A_560 : vector<16xf32>
    %get3A_562 = arith.constant 6 : i32
    %get3A_563 = arith.index_cast %get3A_562 : i32 to index
    %get3A_564 = arith.constant 16 : index
    %get3A_565 = tpu.vector_load %arg6[%get3A_563, %get3A_564] {strides = array<i32>} : memref<32x64xf32, #tpu.memory_space<vmem>>, vector<1x16xf32>,
    %get3A_566 = vector.shape_cast %get3A_565 : vector<1x16xf32> to vector<16xf32>
    %mul3A_567 = vector.broadcast %squeeze3A_29 : f32 to vector<16xf32>
    %mul3A_568 = arith.mulf %get3A_566, %mul3A_567 : vector<16xf32>
    %add3A_569 = arith.addf %add3A_558, %mul3A_568 : vector<16xf32>
    %mul3A_570 = vector.broadcast %squeeze3A_93 : f32 to vector<16xf32>
    %mul3A_571 = arith.mulf %get3A_566, %mul3A_570 : vector<16xf32>
    %add3A_572 = arith.addf %add3A_561, %mul3A_571 : vector<16xf32>
    %get3A_573 = arith.constant 7 : i32
    %get3A_574 = arith.index_cast %get3A_573 : i32 to index
    %get3A_575 = arith.constant 16 : index
    %get3A_576 = tpu.vector_load %arg6[%get3A_574, %get3A_575] {strides = array<i32>} : memref<32x64xf32, #tpu.memory_space<vmem>>, vector<1x16xf32>,
    %get3A_577 = vector.shape_cast %get3A_576 : vector<1x16xf32> to vector<16xf32>
    %mul3A_578 = vector.broadcast %squeeze3A_31 : f32 to vector<16xf32>
    %mul3A_579 = arith.mulf %get3A_577, %mul3A_578 : vector<16xf32>
    %add3A_580 = arith.addf %add3A_569, %mul3A_579 : vector<16xf32>
    %mul3A_581 = vector.broadcast %squeeze3A_95 : f32 to vector<16xf32>
    %mul3A_582 = arith.mulf %get3A_577, %mul3A_581 : vector<16xf32>
    %add3A_583 = arith.addf %add3A_572, %mul3A_582 : vector<16xf32>
    %get3A_584 = arith.constant 8 : i32
    %get3A_585 = arith.index_cast %get3A_584 : i32 to index
    %get3A_586 = arith.constant 16 : index
    %get3A_587 = tpu.vector_load %arg6[%get3A_585, %get3A_586] {strides = array<i32>} : memref<32x64xf32, #tpu.memory_space<vmem>>, vector<1x16xf32>,
    %get3A_588 = vector.shape_cast %get3A_587 : vector<1x16xf32> to vector<16xf32>
    %mul3A_589 = vector.broadcast %squeeze3A_33 : f32 to vector<16xf32>
    %mul3A_590 = arith.mulf %get3A_588, %mul3A_589 : vector<16xf32>
    %add3A_591 = arith.addf %add3A_580, %mul3A_590 : vector<16xf32>
    %mul3A_592 = vector.broadcast %squeeze3A_97 : f32 to vector<16xf32>
    %mul3A_593 = arith.mulf %get3A_588, %mul3A_592 : vector<16xf32>
    %add3A_594 = arith.addf %add3A_583, %mul3A_593 : vector<16xf32>
    %get3A_595 = arith.constant 9 : i32
    %get3A_596 = arith.index_cast %get3A_595 : i32 to index
    %get3A_597 = arith.constant 16 : index
    %get3A_598 = tpu.vector_load %arg6[%get3A_596, %get3A_597] {strides = array<i32>} : memref<32x64xf32, #tpu.memory_space<vmem>>, vector<1x16xf32>,
    %get3A_599 = vector.shape_cast %get3A_598 : vector<1x16xf32> to vector<16xf32>
    %mul3A_600 = vector.broadcast %squeeze3A_35 : f32 to vector<16xf32>
    %mul3A_601 = arith.mulf %get3A_599, %mul3A_600 : vector<16xf32>
    %add3A_602 = arith.addf %add3A_591, %mul3A_601 : vector<16xf32>
    %mul3A_603 = vector.broadcast %squeeze3A_99 : f32 to vector<16xf32>
    %mul3A_604 = arith.mulf %get3A_599, %mul3A_603 : vector<16xf32>
    %add3A_605 = arith.addf %add3A_594, %mul3A_604 : vector<16xf32>
    %get3A_606 = arith.constant 10 : i32
    %get3A_607 = arith.index_cast %get3A_606 : i32 to index
    %get3A_608 = arith.constant 16 : index
    %get3A_609 = tpu.vector_load %arg6[%get3A_607, %get3A_608] {strides = array<i32>} : memref<32x64xf32, #tpu.memory_space<vmem>>, vector<1x16xf32>,
    %get3A_610 = vector.shape_cast %get3A_609 : vector<1x16xf32> to vector<16xf32>
    %mul3A_611 = vector.broadcast %squeeze3A_37 : f32 to vector<16xf32>
    %mul3A_612 = arith.mulf %get3A_610, %mul3A_611 : vector<16xf32>
    %add3A_613 = arith.addf %add3A_602, %mul3A_612 : vector<16xf32>
    %mul3A_614 = vector.broadcast %squeeze3A_101 : f32 to vector<16xf32>
    %mul3A_615 = arith.mulf %get3A_610, %mul3A_614 : vector<16xf32>
    %add3A_616 = arith.addf %add3A_605, %mul3A_615 : vector<16xf32>
    %get3A_617 = arith.constant 11 : i32
    %get3A_618 = arith.index_cast %get3A_617 : i32 to index
    %get3A_619 = arith.constant 16 : index
    %get3A_620 = tpu.vector_load %arg6[%get3A_618, %get3A_619] {strides = array<i32>} : memref<32x64xf32, #tpu.memory_space<vmem>>, vector<1x16xf32>,
    %get3A_621 = vector.shape_cast %get3A_620 : vector<1x16xf32> to vector<16xf32>
    %mul3A_622 = vector.broadcast %squeeze3A_39 : f32 to vector<16xf32>
    %mul3A_623 = arith.mulf %get3A_621, %mul3A_622 : vector<16xf32>
    %add3A_624 = arith.addf %add3A_613, %mul3A_623 : vector<16xf32>
    %mul3A_625 = vector.broadcast %squeeze3A_103 : f32 to vector<16xf32>
    %mul3A_626 = arith.mulf %get3A_621, %mul3A_625 : vector<16xf32>
    %add3A_627 = arith.addf %add3A_616, %mul3A_626 : vector<16xf32>
    %get3A_628 = arith.constant 12 : i32
    %get3A_629 = arith.index_cast %get3A_628 : i32 to index
    %get3A_630 = arith.constant 16 : index
    %get3A_631 = tpu.vector_load %arg6[%get3A_629, %get3A_630] {strides = array<i32>} : memref<32x64xf32, #tpu.memory_space<vmem>>, vector<1x16xf32>,
    %get3A_632 = vector.shape_cast %get3A_631 : vector<1x16xf32> to vector<16xf32>
    %mul3A_633 = vector.broadcast %squeeze3A_41 : f32 to vector<16xf32>
    %mul3A_634 = arith.mulf %get3A_632, %mul3A_633 : vector<16xf32>
    %add3A_635 = arith.addf %add3A_624, %mul3A_634 : vector<16xf32>
    %mul3A_636 = vector.broadcast %squeeze3A_105 : f32 to vector<16xf32>
    %mul3A_637 = arith.mulf %get3A_632, %mul3A_636 : vector<16xf32>
    %add3A_638 = arith.addf %add3A_627, %mul3A_637 : vector<16xf32>
    %get3A_639 = arith.constant 13 : i32
    %get3A_640 = arith.index_cast %get3A_639 : i32 to index
    %get3A_641 = arith.constant 16 : index
    %get3A_642 = tpu.vector_load %arg6[%get3A_640, %get3A_641] {strides = array<i32>} : memref<32x64xf32, #tpu.memory_space<vmem>>, vector<1x16xf32>,
    %get3A_643 = vector.shape_cast %get3A_642 : vector<1x16xf32> to vector<16xf32>
    %mul3A_644 = vector.broadcast %squeeze3A_43 : f32 to vector<16xf32>
    %mul3A_645 = arith.mulf %get3A_643, %mul3A_644 : vector<16xf32>
    %add3A_646 = arith.addf %add3A_635, %mul3A_645 : vector<16xf32>
    %mul3A_647 = vector.broadcast %squeeze3A_107 : f32 to vector<16xf32>
    %mul3A_648 = arith.mulf %get3A_643, %mul3A_647 : vector<16xf32>
    %add3A_649 = arith.addf %add3A_638, %mul3A_648 : vector<16xf32>
    %get3A_650 = arith.constant 14 : i32
    %get3A_651 = arith.index_cast %get3A_650 : i32 to index
    %get3A_652 = arith.constant 16 : index
    %get3A_653 = tpu.vector_load %arg6[%get3A_651, %get3A_652] {strides = array<i32>} : memref<32x64xf32, #tpu.memory_space<vmem>>, vector<1x16xf32>,
    %get3A_654 = vector.shape_cast %get3A_653 : vector<1x16xf32> to vector<16xf32>
    %mul3A_655 = vector.broadcast %squeeze3A_45 : f32 to vector<16xf32>
    %mul3A_656 = arith.mulf %get3A_654, %mul3A_655 : vector<16xf32>
    %add3A_657 = arith.addf %add3A_646, %mul3A_656 : vector<16xf32>
    %mul3A_658 = vector.broadcast %squeeze3A_109 : f32 to vector<16xf32>
    %mul3A_659 = arith.mulf %get3A_654, %mul3A_658 : vector<16xf32>
    %add3A_660 = arith.addf %add3A_649, %mul3A_659 : vector<16xf32>
    %get3A_661 = arith.constant 15 : i32
    %get3A_662 = arith.index_cast %get3A_661 : i32 to index
    %get3A_663 = arith.constant 16 : index
    %get3A_664 = tpu.vector_load %arg6[%get3A_662, %get3A_663] {strides = array<i32>} : memref<32x64xf32, #tpu.memory_space<vmem>>, vector<1x16xf32>,
    %get3A_665 = vector.shape_cast %get3A_664 : vector<1x16xf32> to vector<16xf32>
    %mul3A_666 = vector.broadcast %squeeze3A_47 : f32 to vector<16xf32>
    %mul3A_667 = arith.mulf %get3A_665, %mul3A_666 : vector<16xf32>
    %add3A_668 = arith.addf %add3A_657, %mul3A_667 : vector<16xf32>
    %mul3A_669 = vector.broadcast %squeeze3A_111 : f32 to vector<16xf32>
    %mul3A_670 = arith.mulf %get3A_665, %mul3A_669 : vector<16xf32>
    %add3A_671 = arith.addf %add3A_660, %mul3A_670 : vector<16xf32>
    %get3A_672 = arith.constant 16 : i32
    %get3A_673 = arith.index_cast %get3A_672 : i32 to index
    %get3A_674 = arith.constant 16 : index
    %get3A_675 = tpu.vector_load %arg6[%get3A_673, %get3A_674] {strides = array<i32>} : memref<32x64xf32, #tpu.memory_space<vmem>>, vector<1x16xf32>,
    %get3A_676 = vector.shape_cast %get3A_675 : vector<1x16xf32> to vector<16xf32>
    %mul3A_677 = vector.broadcast %squeeze3A_49 : f32 to vector<16xf32>
    %mul3A_678 = arith.mulf %get3A_676, %mul3A_677 : vector<16xf32>
    %add3A_679 = arith.addf %add3A_668, %mul3A_678 : vector<16xf32>
    %mul3A_680 = vector.broadcast %squeeze3A_113 : f32 to vector<16xf32>
    %mul3A_681 = arith.mulf %get3A_676, %mul3A_680 : vector<16xf32>
    %add3A_682 = arith.addf %add3A_671, %mul3A_681 : vector<16xf32>
    %get3A_683 = arith.constant 17 : i32
    %get3A_684 = arith.index_cast %get3A_683 : i32 to index
    %get3A_685 = arith.constant 16 : index
    %get3A_686 = tpu.vector_load %arg6[%get3A_684, %get3A_685] {strides = array<i32>} : memref<32x64xf32, #tpu.memory_space<vmem>>, vector<1x16xf32>,
    %get3A_687 = vector.shape_cast %get3A_686 : vector<1x16xf32> to vector<16xf32>
    %mul3A_688 = vector.broadcast %squeeze3A_51 : f32 to vector<16xf32>
    %mul3A_689 = arith.mulf %get3A_687, %mul3A_688 : vector<16xf32>
    %add3A_690 = arith.addf %add3A_679, %mul3A_689 : vector<16xf32>
    %mul3A_691 = vector.broadcast %squeeze3A_115 : f32 to vector<16xf32>
    %mul3A_692 = arith.mulf %get3A_687, %mul3A_691 : vector<16xf32>
    %add3A_693 = arith.addf %add3A_682, %mul3A_692 : vector<16xf32>
    %get3A_694 = arith.constant 18 : i32
    %get3A_695 = arith.index_cast %get3A_694 : i32 to index
    %get3A_696 = arith.constant 16 : index
    %get3A_697 = tpu.vector_load %arg6[%get3A_695, %get3A_696] {strides = array<i32>} : memref<32x64xf32, #tpu.memory_space<vmem>>, vector<1x16xf32>,
    %get3A_698 = vector.shape_cast %get3A_697 : vector<1x16xf32> to vector<16xf32>
    %mul3A_699 = vector.broadcast %squeeze3A_53 : f32 to vector<16xf32>
    %mul3A_700 = arith.mulf %get3A_698, %mul3A_699 : vector<16xf32>
    %add3A_701 = arith.addf %add3A_690, %mul3A_700 : vector<16xf32>
    %mul3A_702 = vector.broadcast %squeeze3A_117 : f32 to vector<16xf32>
    %mul3A_703 = arith.mulf %get3A_698, %mul3A_702 : vector<16xf32>
    %add3A_704 = arith.addf %add3A_693, %mul3A_703 : vector<16xf32>
    %get3A_705 = arith.constant 19 : i32
    %get3A_706 = arith.index_cast %get3A_705 : i32 to index
    %get3A_707 = arith.constant 16 : index
    %get3A_708 = tpu.vector_load %arg6[%get3A_706, %get3A_707] {strides = array<i32>} : memref<32x64xf32, #tpu.memory_space<vmem>>, vector<1x16xf32>,
    %get3A_709 = vector.shape_cast %get3A_708 : vector<1x16xf32> to vector<16xf32>
    %mul3A_710 = vector.broadcast %squeeze3A_55 : f32 to vector<16xf32>
    %mul3A_711 = arith.mulf %get3A_709, %mul3A_710 : vector<16xf32>
    %add3A_712 = arith.addf %add3A_701, %mul3A_711 : vector<16xf32>
    %mul3A_713 = vector.broadcast %squeeze3A_119 : f32 to vector<16xf32>
    %mul3A_714 = arith.mulf %get3A_709, %mul3A_713 : vector<16xf32>
    %add3A_715 = arith.addf %add3A_704, %mul3A_714 : vector<16xf32>
    %get3A_716 = arith.constant 20 : i32
    %get3A_717 = arith.index_cast %get3A_716 : i32 to index
    %get3A_718 = arith.constant 16 : index
    %get3A_719 = tpu.vector_load %arg6[%get3A_717, %get3A_718] {strides = array<i32>} : memref<32x64xf32, #tpu.memory_space<vmem>>, vector<1x16xf32>,
    %get3A_720 = vector.shape_cast %get3A_719 : vector<1x16xf32> to vector<16xf32>
    %mul3A_721 = vector.broadcast %squeeze3A_57 : f32 to vector<16xf32>
    %mul3A_722 = arith.mulf %get3A_720, %mul3A_721 : vector<16xf32>
    %add3A_723 = arith.addf %add3A_712, %mul3A_722 : vector<16xf32>
    %mul3A_724 = vector.broadcast %squeeze3A_121 : f32 to vector<16xf32>
    %mul3A_725 = arith.mulf %get3A_720, %mul3A_724 : vector<16xf32>
    %add3A_726 = arith.addf %add3A_715, %mul3A_725 : vector<16xf32>
    %get3A_727 = arith.constant 21 : i32
    %get3A_728 = arith.index_cast %get3A_727 : i32 to index
    %get3A_729 = arith.constant 16 : index
    %get3A_730 = tpu.vector_load %arg6[%get3A_728, %get3A_729] {strides = array<i32>} : memref<32x64xf32, #tpu.memory_space<vmem>>, vector<1x16xf32>,
    %get3A_731 = vector.shape_cast %get3A_730 : vector<1x16xf32> to vector<16xf32>
    %mul3A_732 = vector.broadcast %squeeze3A_59 : f32 to vector<16xf32>
    %mul3A_733 = arith.mulf %get3A_731, %mul3A_732 : vector<16xf32>
    %add3A_734 = arith.addf %add3A_723, %mul3A_733 : vector<16xf32>
    %mul3A_735 = vector.broadcast %squeeze3A_123 : f32 to vector<16xf32>
    %mul3A_736 = arith.mulf %get3A_731, %mul3A_735 : vector<16xf32>
    %add3A_737 = arith.addf %add3A_726, %mul3A_736 : vector<16xf32>
    %get3A_738 = arith.constant 22 : i32
    %get3A_739 = arith.index_cast %get3A_738 : i32 to index
    %get3A_740 = arith.constant 16 : index
    %get3A_741 = tpu.vector_load %arg6[%get3A_739, %get3A_740] {strides = array<i32>} : memref<32x64xf32, #tpu.memory_space<vmem>>, vector<1x16xf32>,
    %get3A_742 = vector.shape_cast %get3A_741 : vector<1x16xf32> to vector<16xf32>
    %mul3A_743 = vector.broadcast %squeeze3A_61 : f32 to vector<16xf32>
    %mul3A_744 = arith.mulf %get3A_742, %mul3A_743 : vector<16xf32>
    %add3A_745 = arith.addf %add3A_734, %mul3A_744 : vector<16xf32>
    %mul3A_746 = vector.broadcast %squeeze3A_125 : f32 to vector<16xf32>
    %mul3A_747 = arith.mulf %get3A_742, %mul3A_746 : vector<16xf32>
    %add3A_748 = arith.addf %add3A_737, %mul3A_747 : vector<16xf32>
    %get3A_749 = arith.constant 23 : i32
    %get3A_750 = arith.index_cast %get3A_749 : i32 to index
    %get3A_751 = arith.constant 16 : index
    %get3A_752 = tpu.vector_load %arg6[%get3A_750, %get3A_751] {strides = array<i32>} : memref<32x64xf32, #tpu.memory_space<vmem>>, vector<1x16xf32>,
    %get3A_753 = vector.shape_cast %get3A_752 : vector<1x16xf32> to vector<16xf32>
    %mul3A_754 = vector.broadcast %squeeze3A_63 : f32 to vector<16xf32>
    %mul3A_755 = arith.mulf %get3A_753, %mul3A_754 : vector<16xf32>
    %add3A_756 = arith.addf %add3A_745, %mul3A_755 : vector<16xf32>
    %mul3A_757 = vector.broadcast %squeeze3A_127 : f32 to vector<16xf32>
    %mul3A_758 = arith.mulf %get3A_753, %mul3A_757 : vector<16xf32>
    %add3A_759 = arith.addf %add3A_748, %mul3A_758 : vector<16xf32>
    %get3A_760 = arith.constant 24 : i32
    %get3A_761 = arith.index_cast %get3A_760 : i32 to index
    %get3A_762 = arith.constant 16 : index
    %get3A_763 = tpu.vector_load %arg6[%get3A_761, %get3A_762] {strides = array<i32>} : memref<32x64xf32, #tpu.memory_space<vmem>>, vector<1x16xf32>,
    %get3A_764 = vector.shape_cast %get3A_763 : vector<1x16xf32> to vector<16xf32>
    %mul3A_765 = vector.broadcast %squeeze3A_65 : f32 to vector<16xf32>
    %mul3A_766 = arith.mulf %get3A_764, %mul3A_765 : vector<16xf32>
    %add3A_767 = arith.addf %add3A_756, %mul3A_766 : vector<16xf32>
    %mul3A_768 = vector.broadcast %squeeze3A_129 : f32 to vector<16xf32>
    %mul3A_769 = arith.mulf %get3A_764, %mul3A_768 : vector<16xf32>
    %add3A_770 = arith.addf %add3A_759, %mul3A_769 : vector<16xf32>
    %get3A_771 = arith.constant 25 : i32
    %get3A_772 = arith.index_cast %get3A_771 : i32 to index
    %get3A_773 = arith.constant 16 : index
    %get3A_774 = tpu.vector_load %arg6[%get3A_772, %get3A_773] {strides = array<i32>} : memref<32x64xf32, #tpu.memory_space<vmem>>, vector<1x16xf32>,
    %get3A_775 = vector.shape_cast %get3A_774 : vector<1x16xf32> to vector<16xf32>
    %mul3A_776 = vector.broadcast %squeeze3A_67 : f32 to vector<16xf32>
    %mul3A_777 = arith.mulf %get3A_775, %mul3A_776 : vector<16xf32>
    %add3A_778 = arith.addf %add3A_767, %mul3A_777 : vector<16xf32>
    %mul3A_779 = vector.broadcast %squeeze3A_131 : f32 to vector<16xf32>
    %mul3A_780 = arith.mulf %get3A_775, %mul3A_779 : vector<16xf32>
    %add3A_781 = arith.addf %add3A_770, %mul3A_780 : vector<16xf32>
    %get3A_782 = arith.constant 26 : i32
    %get3A_783 = arith.index_cast %get3A_782 : i32 to index
    %get3A_784 = arith.constant 16 : index
    %get3A_785 = tpu.vector_load %arg6[%get3A_783, %get3A_784] {strides = array<i32>} : memref<32x64xf32, #tpu.memory_space<vmem>>, vector<1x16xf32>,
    %get3A_786 = vector.shape_cast %get3A_785 : vector<1x16xf32> to vector<16xf32>
    %mul3A_787 = vector.broadcast %squeeze3A_69 : f32 to vector<16xf32>
    %mul3A_788 = arith.mulf %get3A_786, %mul3A_787 : vector<16xf32>
    %add3A_789 = arith.addf %add3A_778, %mul3A_788 : vector<16xf32>
    %mul3A_790 = vector.broadcast %squeeze3A_133 : f32 to vector<16xf32>
    %mul3A_791 = arith.mulf %get3A_786, %mul3A_790 : vector<16xf32>
    %add3A_792 = arith.addf %add3A_781, %mul3A_791 : vector<16xf32>
    %get3A_793 = arith.constant 27 : i32
    %get3A_794 = arith.index_cast %get3A_793 : i32 to index
    %get3A_795 = arith.constant 16 : index
    %get3A_796 = tpu.vector_load %arg6[%get3A_794, %get3A_795] {strides = array<i32>} : memref<32x64xf32, #tpu.memory_space<vmem>>, vector<1x16xf32>,
    %get3A_797 = vector.shape_cast %get3A_796 : vector<1x16xf32> to vector<16xf32>
    %mul3A_798 = vector.broadcast %squeeze3A_71 : f32 to vector<16xf32>
    %mul3A_799 = arith.mulf %get3A_797, %mul3A_798 : vector<16xf32>
    %add3A_800 = arith.addf %add3A_789, %mul3A_799 : vector<16xf32>
    %mul3A_801 = vector.broadcast %squeeze3A_135 : f32 to vector<16xf32>
    %mul3A_802 = arith.mulf %get3A_797, %mul3A_801 : vector<16xf32>
    %add3A_803 = arith.addf %add3A_792, %mul3A_802 : vector<16xf32>
    %get3A_804 = arith.constant 28 : i32
    %get3A_805 = arith.index_cast %get3A_804 : i32 to index
    %get3A_806 = arith.constant 16 : index
    %get3A_807 = tpu.vector_load %arg6[%get3A_805, %get3A_806] {strides = array<i32>} : memref<32x64xf32, #tpu.memory_space<vmem>>, vector<1x16xf32>,
    %get3A_808 = vector.shape_cast %get3A_807 : vector<1x16xf32> to vector<16xf32>
    %mul3A_809 = vector.broadcast %squeeze3A_73 : f32 to vector<16xf32>
    %mul3A_810 = arith.mulf %get3A_808, %mul3A_809 : vector<16xf32>
    %add3A_811 = arith.addf %add3A_800, %mul3A_810 : vector<16xf32>
    %mul3A_812 = vector.broadcast %squeeze3A_137 : f32 to vector<16xf32>
    %mul3A_813 = arith.mulf %get3A_808, %mul3A_812 : vector<16xf32>
    %add3A_814 = arith.addf %add3A_803, %mul3A_813 : vector<16xf32>
    %get3A_815 = arith.constant 29 : i32
    %get3A_816 = arith.index_cast %get3A_815 : i32 to index
    %get3A_817 = arith.constant 16 : index
    %get3A_818 = tpu.vector_load %arg6[%get3A_816, %get3A_817] {strides = array<i32>} : memref<32x64xf32, #tpu.memory_space<vmem>>, vector<1x16xf32>,
    %get3A_819 = vector.shape_cast %get3A_818 : vector<1x16xf32> to vector<16xf32>
    %mul3A_820 = vector.broadcast %squeeze3A_75 : f32 to vector<16xf32>
    %mul3A_821 = arith.mulf %get3A_819, %mul3A_820 : vector<16xf32>
    %add3A_822 = arith.addf %add3A_811, %mul3A_821 : vector<16xf32>
    %mul3A_823 = vector.broadcast %squeeze3A_139 : f32 to vector<16xf32>
    %mul3A_824 = arith.mulf %get3A_819, %mul3A_823 : vector<16xf32>
    %add3A_825 = arith.addf %add3A_814, %mul3A_824 : vector<16xf32>
    %get3A_826 = arith.constant 30 : i32
    %get3A_827 = arith.index_cast %get3A_826 : i32 to index
    %get3A_828 = arith.constant 16 : index
    %get3A_829 = tpu.vector_load %arg6[%get3A_827, %get3A_828] {strides = array<i32>} : memref<32x64xf32, #tpu.memory_space<vmem>>, vector<1x16xf32>,
    %get3A_830 = vector.shape_cast %get3A_829 : vector<1x16xf32> to vector<16xf32>
    %mul3A_831 = vector.broadcast %squeeze3A_77 : f32 to vector<16xf32>
    %mul3A_832 = arith.mulf %get3A_830, %mul3A_831 : vector<16xf32>
    %add3A_833 = arith.addf %add3A_822, %mul3A_832 : vector<16xf32>
    %mul3A_834 = vector.broadcast %squeeze3A_141 : f32 to vector<16xf32>
    %mul3A_835 = arith.mulf %get3A_830, %mul3A_834 : vector<16xf32>
    %add3A_836 = arith.addf %add3A_825, %mul3A_835 : vector<16xf32>
    %get3A_837 = arith.constant 31 : i32
    %get3A_838 = arith.index_cast %get3A_837 : i32 to index
    %get3A_839 = arith.constant 16 : index
    %get3A_840 = tpu.vector_load %arg6[%get3A_838, %get3A_839] {strides = array<i32>} : memref<32x64xf32, #tpu.memory_space<vmem>>, vector<1x16xf32>,
    %get3A_841 = vector.shape_cast %get3A_840 : vector<1x16xf32> to vector<16xf32>
    %mul3A_842 = vector.broadcast %squeeze3A_79 : f32 to vector<16xf32>
    %mul3A_843 = arith.mulf %get3A_841, %mul3A_842 : vector<16xf32>
    %add3A_844 = arith.addf %add3A_833, %mul3A_843 : vector<16xf32>
    %mul3A_845 = vector.broadcast %squeeze3A_143 : f32 to vector<16xf32>
    %mul3A_846 = arith.mulf %get3A_841, %mul3A_845 : vector<16xf32>
    %add3A_847 = arith.addf %add3A_836, %mul3A_846 : vector<16xf32>
    %get3A_848 = arith.constant 0 : i32
    %get3A_849 = arith.index_cast %get3A_848 : i32 to index
    %get3A_850 = arith.constant 32 : index
    %get3A_851 = tpu.vector_load %arg6[%get3A_849, %get3A_850] {strides = array<i32>} : memref<32x64xf32, #tpu.memory_space<vmem>>, vector<1x16xf32>,
    %get3A_852 = vector.shape_cast %get3A_851 : vector<1x16xf32> to vector<16xf32>
    %mul3A_853 = vector.broadcast %squeeze3A_17 : f32 to vector<16xf32>
    %mul3A_854 = arith.mulf %get3A_852, %mul3A_853 : vector<16xf32>
    %add3A_855 = arith.addf %broadcast_in_dim3A_1, %mul3A_854 : vector<16xf32>
    %mul3A_856 = vector.broadcast %squeeze3A_81 : f32 to vector<16xf32>
    %mul3A_857 = arith.mulf %get3A_852, %mul3A_856 : vector<16xf32>
    %add3A_858 = arith.addf %broadcast_in_dim3A_1, %mul3A_857 : vector<16xf32>
    %get3A_859 = arith.constant 1 : i32
    %get3A_860 = arith.index_cast %get3A_859 : i32 to index
    %get3A_861 = arith.constant 32 : index
    %get3A_862 = tpu.vector_load %arg6[%get3A_860, %get3A_861] {strides = array<i32>} : memref<32x64xf32, #tpu.memory_space<vmem>>, vector<1x16xf32>,
    %get3A_863 = vector.shape_cast %get3A_862 : vector<1x16xf32> to vector<16xf32>
    %mul3A_864 = vector.broadcast %squeeze3A_19 : f32 to vector<16xf32>
    %mul3A_865 = arith.mulf %get3A_863, %mul3A_864 : vector<16xf32>
    %add3A_866 = arith.addf %add3A_855, %mul3A_865 : vector<16xf32>
    %mul3A_867 = vector.broadcast %squeeze3A_83 : f32 to vector<16xf32>
    %mul3A_868 = arith.mulf %get3A_863, %mul3A_867 : vector<16xf32>
    %add3A_869 = arith.addf %add3A_858, %mul3A_868 : vector<16xf32>
    %get3A_870 = arith.constant 2 : i32
    %get3A_871 = arith.index_cast %get3A_870 : i32 to index
    %get3A_872 = arith.constant 32 : index
    %get3A_873 = tpu.vector_load %arg6[%get3A_871, %get3A_872] {strides = array<i32>} : memref<32x64xf32, #tpu.memory_space<vmem>>, vector<1x16xf32>,
    %get3A_874 = vector.shape_cast %get3A_873 : vector<1x16xf32> to vector<16xf32>
    %mul3A_875 = vector.broadcast %squeeze3A_21 : f32 to vector<16xf32>
    %mul3A_876 = arith.mulf %get3A_874, %mul3A_875 : vector<16xf32>
    %add3A_877 = arith.addf %add3A_866, %mul3A_876 : vector<16xf32>
    %mul3A_878 = vector.broadcast %squeeze3A_85 : f32 to vector<16xf32>
    %mul3A_879 = arith.mulf %get3A_874, %mul3A_878 : vector<16xf32>
    %add3A_880 = arith.addf %add3A_869, %mul3A_879 : vector<16xf32>
    %get3A_881 = arith.constant 3 : i32
    %get3A_882 = arith.index_cast %get3A_881 : i32 to index
    %get3A_883 = arith.constant 32 : index
    %get3A_884 = tpu.vector_load %arg6[%get3A_882, %get3A_883] {strides = array<i32>} : memref<32x64xf32, #tpu.memory_space<vmem>>, vector<1x16xf32>,
    %get3A_885 = vector.shape_cast %get3A_884 : vector<1x16xf32> to vector<16xf32>
    %mul3A_886 = vector.broadcast %squeeze3A_23 : f32 to vector<16xf32>
    %mul3A_887 = arith.mulf %get3A_885, %mul3A_886 : vector<16xf32>
    %add3A_888 = arith.addf %add3A_877, %mul3A_887 : vector<16xf32>
    %mul3A_889 = vector.broadcast %squeeze3A_87 : f32 to vector<16xf32>
    %mul3A_890 = arith.mulf %get3A_885, %mul3A_889 : vector<16xf32>
    %add3A_891 = arith.addf %add3A_880, %mul3A_890 : vector<16xf32>
    %get3A_892 = arith.constant 4 : i32
    %get3A_893 = arith.index_cast %get3A_892 : i32 to index
    %get3A_894 = arith.constant 32 : index
    %get3A_895 = tpu.vector_load %arg6[%get3A_893, %get3A_894] {strides = array<i32>} : memref<32x64xf32, #tpu.memory_space<vmem>>, vector<1x16xf32>,
    %get3A_896 = vector.shape_cast %get3A_895 : vector<1x16xf32> to vector<16xf32>
    %mul3A_897 = vector.broadcast %squeeze3A_25 : f32 to vector<16xf32>
    %mul3A_898 = arith.mulf %get3A_896, %mul3A_897 : vector<16xf32>
    %add3A_899 = arith.addf %add3A_888, %mul3A_898 : vector<16xf32>
    %mul3A_900 = vector.broadcast %squeeze3A_89 : f32 to vector<16xf32>
    %mul3A_901 = arith.mulf %get3A_896, %mul3A_900 : vector<16xf32>
    %add3A_902 = arith.addf %add3A_891, %mul3A_901 : vector<16xf32>
    %get3A_903 = arith.constant 5 : i32
    %get3A_904 = arith.index_cast %get3A_903 : i32 to index
    %get3A_905 = arith.constant 32 : index
    %get3A_906 = tpu.vector_load %arg6[%get3A_904, %get3A_905] {strides = array<i32>} : memref<32x64xf32, #tpu.memory_space<vmem>>, vector<1x16xf32>,
    %get3A_907 = vector.shape_cast %get3A_906 : vector<1x16xf32> to vector<16xf32>
    %mul3A_908 = vector.broadcast %squeeze3A_27 : f32 to vector<16xf32>
    %mul3A_909 = arith.mulf %get3A_907, %mul3A_908 : vector<16xf32>
    %add3A_910 = arith.addf %add3A_899, %mul3A_909 : vector<16xf32>
    %mul3A_911 = vector.broadcast %squeeze3A_91 : f32 to vector<16xf32>
    %mul3A_912 = arith.mulf %get3A_907, %mul3A_911 : vector<16xf32>
    %add3A_913 = arith.addf %add3A_902, %mul3A_912 : vector<16xf32>
    %get3A_914 = arith.constant 6 : i32
    %get3A_915 = arith.index_cast %get3A_914 : i32 to index
    %get3A_916 = arith.constant 32 : index
    %get3A_917 = tpu.vector_load %arg6[%get3A_915, %get3A_916] {strides = array<i32>} : memref<32x64xf32, #tpu.memory_space<vmem>>, vector<1x16xf32>,
    %get3A_918 = vector.shape_cast %get3A_917 : vector<1x16xf32> to vector<16xf32>
    %mul3A_919 = vector.broadcast %squeeze3A_29 : f32 to vector<16xf32>
    %mul3A_920 = arith.mulf %get3A_918, %mul3A_919 : vector<16xf32>
    %add3A_921 = arith.addf %add3A_910, %mul3A_920 : vector<16xf32>
    %mul3A_922 = vector.broadcast %squeeze3A_93 : f32 to vector<16xf32>
    %mul3A_923 = arith.mulf %get3A_918, %mul3A_922 : vector<16xf32>
    %add3A_924 = arith.addf %add3A_913, %mul3A_923 : vector<16xf32>
    %get3A_925 = arith.constant 7 : i32
    %get3A_926 = arith.index_cast %get3A_925 : i32 to index
    %get3A_927 = arith.constant 32 : index
    %get3A_928 = tpu.vector_load %arg6[%get3A_926, %get3A_927] {strides = array<i32>} : memref<32x64xf32, #tpu.memory_space<vmem>>, vector<1x16xf32>,
    %get3A_929 = vector.shape_cast %get3A_928 : vector<1x16xf32> to vector<16xf32>
    %mul3A_930 = vector.broadcast %squeeze3A_31 : f32 to vector<16xf32>
    %mul3A_931 = arith.mulf %get3A_929, %mul3A_930 : vector<16xf32>
    %add3A_932 = arith.addf %add3A_921, %mul3A_931 : vector<16xf32>
    %mul3A_933 = vector.broadcast %squeeze3A_95 : f32 to vector<16xf32>
    %mul3A_934 = arith.mulf %get3A_929, %mul3A_933 : vector<16xf32>
    %add3A_935 = arith.addf %add3A_924, %mul3A_934 : vector<16xf32>
    %get3A_936 = arith.constant 8 : i32
    %get3A_937 = arith.index_cast %get3A_936 : i32 to index
    %get3A_938 = arith.constant 32 : index
    %get3A_939 = tpu.vector_load %arg6[%get3A_937, %get3A_938] {strides = array<i32>} : memref<32x64xf32, #tpu.memory_space<vmem>>, vector<1x16xf32>,
    %get3A_940 = vector.shape_cast %get3A_939 : vector<1x16xf32> to vector<16xf32>
    %mul3A_941 = vector.broadcast %squeeze3A_33 : f32 to vector<16xf32>
    %mul3A_942 = arith.mulf %get3A_940, %mul3A_941 : vector<16xf32>
    %add3A_943 = arith.addf %add3A_932, %mul3A_942 : vector<16xf32>
    %mul3A_944 = vector.broadcast %squeeze3A_97 : f32 to vector<16xf32>
    %mul3A_945 = arith.mulf %get3A_940, %mul3A_944 : vector<16xf32>
    %add3A_946 = arith.addf %add3A_935, %mul3A_945 : vector<16xf32>
    %get3A_947 = arith.constant 9 : i32
    %get3A_948 = arith.index_cast %get3A_947 : i32 to index
    %get3A_949 = arith.constant 32 : index
    %get3A_950 = tpu.vector_load %arg6[%get3A_948, %get3A_949] {strides = array<i32>} : memref<32x64xf32, #tpu.memory_space<vmem>>, vector<1x16xf32>,
    %get3A_951 = vector.shape_cast %get3A_950 : vector<1x16xf32> to vector<16xf32>
    %mul3A_952 = vector.broadcast %squeeze3A_35 : f32 to vector<16xf32>
    %mul3A_953 = arith.mulf %get3A_951, %mul3A_952 : vector<16xf32>
    %add3A_954 = arith.addf %add3A_943, %mul3A_953 : vector<16xf32>
    %mul3A_955 = vector.broadcast %squeeze3A_99 : f32 to vector<16xf32>
    %mul3A_956 = arith.mulf %get3A_951, %mul3A_955 : vector<16xf32>
    %add3A_957 = arith.addf %add3A_946, %mul3A_956 : vector<16xf32>
    %get3A_958 = arith.constant 10 : i32
    %get3A_959 = arith.index_cast %get3A_958 : i32 to index
    %get3A_960 = arith.constant 32 : index
    %get3A_961 = tpu.vector_load %arg6[%get3A_959, %get3A_960] {strides = array<i32>} : memref<32x64xf32, #tpu.memory_space<vmem>>, vector<1x16xf32>,
    %get3A_962 = vector.shape_cast %get3A_961 : vector<1x16xf32> to vector<16xf32>
    %mul3A_963 = vector.broadcast %squeeze3A_37 : f32 to vector<16xf32>
    %mul3A_964 = arith.mulf %get3A_962, %mul3A_963 : vector<16xf32>
    %add3A_965 = arith.addf %add3A_954, %mul3A_964 : vector<16xf32>
    %mul3A_966 = vector.broadcast %squeeze3A_101 : f32 to vector<16xf32>
    %mul3A_967 = arith.mulf %get3A_962, %mul3A_966 : vector<16xf32>
    %add3A_968 = arith.addf %add3A_957, %mul3A_967 : vector<16xf32>
    %get3A_969 = arith.constant 11 : i32
    %get3A_970 = arith.index_cast %get3A_969 : i32 to index
    %get3A_971 = arith.constant 32 : index
    %get3A_972 = tpu.vector_load %arg6[%get3A_970, %get3A_971] {strides = array<i32>} : memref<32x64xf32, #tpu.memory_space<vmem>>, vector<1x16xf32>,
    %get3A_973 = vector.shape_cast %get3A_972 : vector<1x16xf32> to vector<16xf32>
    %mul3A_974 = vector.broadcast %squeeze3A_39 : f32 to vector<16xf32>
    %mul3A_975 = arith.mulf %get3A_973, %mul3A_974 : vector<16xf32>
    %add3A_976 = arith.addf %add3A_965, %mul3A_975 : vector<16xf32>
    %mul3A_977 = vector.broadcast %squeeze3A_103 : f32 to vector<16xf32>
    %mul3A_978 = arith.mulf %get3A_973, %mul3A_977 : vector<16xf32>
    %add3A_979 = arith.addf %add3A_968, %mul3A_978 : vector<16xf32>
    %get3A_980 = arith.constant 12 : i32
    %get3A_981 = arith.index_cast %get3A_980 : i32 to index
    %get3A_982 = arith.constant 32 : index
    %get3A_983 = tpu.vector_load %arg6[%get3A_981, %get3A_982] {strides = array<i32>} : memref<32x64xf32, #tpu.memory_space<vmem>>, vector<1x16xf32>,
    %get3A_984 = vector.shape_cast %get3A_983 : vector<1x16xf32> to vector<16xf32>
    %mul3A_985 = vector.broadcast %squeeze3A_41 : f32 to vector<16xf32>
    %mul3A_986 = arith.mulf %get3A_984, %mul3A_985 : vector<16xf32>
    %add3A_987 = arith.addf %add3A_976, %mul3A_986 : vector<16xf32>
    %mul3A_988 = vector.broadcast %squeeze3A_105 : f32 to vector<16xf32>
    %mul3A_989 = arith.mulf %get3A_984, %mul3A_988 : vector<16xf32>
    %add3A_990 = arith.addf %add3A_979, %mul3A_989 : vector<16xf32>
    %get3A_991 = arith.constant 13 : i32
    %get3A_992 = arith.index_cast %get3A_991 : i32 to index
    %get3A_993 = arith.constant 32 : index
    %get3A_994 = tpu.vector_load %arg6[%get3A_992, %get3A_993] {strides = array<i32>} : memref<32x64xf32, #tpu.memory_space<vmem>>, vector<1x16xf32>,
    %get3A_995 = vector.shape_cast %get3A_994 : vector<1x16xf32> to vector<16xf32>
    %mul3A_996 = vector.broadcast %squeeze3A_43 : f32 to vector<16xf32>
    %mul3A_997 = arith.mulf %get3A_995, %mul3A_996 : vector<16xf32>
    %add3A_998 = arith.addf %add3A_987, %mul3A_997 : vector<16xf32>
    %mul3A_999 = vector.broadcast %squeeze3A_107 : f32 to vector<16xf32>
    %mul3A_1000 = arith.mulf %get3A_995, %mul3A_999 : vector<16xf32>
    %add3A_1001 = arith.addf %add3A_990, %mul3A_1000 : vector<16xf32>
    %get3A_1002 = arith.constant 14 : i32
    %get3A_1003 = arith.index_cast %get3A_1002 : i32 to index
    %get3A_1004 = arith.constant 32 : index
    %get3A_1005 = tpu.vector_load %arg6[%get3A_1003, %get3A_1004] {strides = array<i32>} : memref<32x64xf32, #tpu.memory_space<vmem>>, vector<1x16xf32>,
    %get3A_1006 = vector.shape_cast %get3A_1005 : vector<1x16xf32> to vector<16xf32>
    %mul3A_1007 = vector.broadcast %squeeze3A_45 : f32 to vector<16xf32>
    %mul3A_1008 = arith.mulf %get3A_1006, %mul3A_1007 : vector<16xf32>
    %add3A_1009 = arith.addf %add3A_998, %mul3A_1008 : vector<16xf32>
    %mul3A_1010 = vector.broadcast %squeeze3A_109 : f32 to vector<16xf32>
    %mul3A_1011 = arith.mulf %get3A_1006, %mul3A_1010 : vector<16xf32>
    %add3A_1012 = arith.addf %add3A_1001, %mul3A_1011 : vector<16xf32>
    %get3A_1013 = arith.constant 15 : i32
    %get3A_1014 = arith.index_cast %get3A_1013 : i32 to index
    %get3A_1015 = arith.constant 32 : index
    %get3A_1016 = tpu.vector_load %arg6[%get3A_1014, %get3A_1015] {strides = array<i32>} : memref<32x64xf32, #tpu.memory_space<vmem>>, vector<1x16xf32>,
    %get3A_1017 = vector.shape_cast %get3A_1016 : vector<1x16xf32> to vector<16xf32>
    %mul3A_1018 = vector.broadcast %squeeze3A_47 : f32 to vector<16xf32>
    %mul3A_1019 = arith.mulf %get3A_1017, %mul3A_1018 : vector<16xf32>
    %add3A_1020 = arith.addf %add3A_1009, %mul3A_1019 : vector<16xf32>
    %mul3A_1021 = vector.broadcast %squeeze3A_111 : f32 to vector<16xf32>
    %mul3A_1022 = arith.mulf %get3A_1017, %mul3A_1021 : vector<16xf32>
    %add3A_1023 = arith.addf %add3A_1012, %mul3A_1022 : vector<16xf32>
    %get3A_1024 = arith.constant 16 : i32
    %get3A_1025 = arith.index_cast %get3A_1024 : i32 to index
    %get3A_1026 = arith.constant 32 : index
    %get3A_1027 = tpu.vector_load %arg6[%get3A_1025, %get3A_1026] {strides = array<i32>} : memref<32x64xf32, #tpu.memory_space<vmem>>, vector<1x16xf32>,
    %get3A_1028 = vector.shape_cast %get3A_1027 : vector<1x16xf32> to vector<16xf32>
    %mul3A_1029 = vector.broadcast %squeeze3A_49 : f32 to vector<16xf32>
    %mul3A_1030 = arith.mulf %get3A_1028, %mul3A_1029 : vector<16xf32>
    %add3A_1031 = arith.addf %add3A_1020, %mul3A_1030 : vector<16xf32>
    %mul3A_1032 = vector.broadcast %squeeze3A_113 : f32 to vector<16xf32>
    %mul3A_1033 = arith.mulf %get3A_1028, %mul3A_1032 : vector<16xf32>
    %add3A_1034 = arith.addf %add3A_1023, %mul3A_1033 : vector<16xf32>
    %get3A_1035 = arith.constant 17 : i32
    %get3A_1036 = arith.index_cast %get3A_1035 : i32 to index
    %get3A_1037 = arith.constant 32 : index
    %get3A_1038 = tpu.vector_load %arg6[%get3A_1036, %get3A_1037] {strides = array<i32>} : memref<32x64xf32, #tpu.memory_space<vmem>>, vector<1x16xf32>,
    %get3A_1039 = vector.shape_cast %get3A_1038 : vector<1x16xf32> to vector<16xf32>
    %mul3A_1040 = vector.broadcast %squeeze3A_51 : f32 to vector<16xf32>
    %mul3A_1041 = arith.mulf %get3A_1039, %mul3A_1040 : vector<16xf32>
    %add3A_1042 = arith.addf %add3A_1031, %mul3A_1041 : vector<16xf32>
    %mul3A_1043 = vector.broadcast %squeeze3A_115 : f32 to vector<16xf32>
    %mul3A_1044 = arith.mulf %get3A_1039, %mul3A_1043 : vector<16xf32>
    %add3A_1045 = arith.addf %add3A_1034, %mul3A_1044 : vector<16xf32>
    %get3A_1046 = arith.constant 18 : i32
    %get3A_1047 = arith.index_cast %get3A_1046 : i32 to index
    %get3A_1048 = arith.constant 32 : index
    %get3A_1049 = tpu.vector_load %arg6[%get3A_1047, %get3A_1048] {strides = array<i32>} : memref<32x64xf32, #tpu.memory_space<vmem>>, vector<1x16xf32>,
    %get3A_1050 = vector.shape_cast %get3A_1049 : vector<1x16xf32> to vector<16xf32>
    %mul3A_1051 = vector.broadcast %squeeze3A_53 : f32 to vector<16xf32>
    %mul3A_1052 = arith.mulf %get3A_1050, %mul3A_1051 : vector<16xf32>
    %add3A_1053 = arith.addf %add3A_1042, %mul3A_1052 : vector<16xf32>
    %mul3A_1054 = vector.broadcast %squeeze3A_117 : f32 to vector<16xf32>
    %mul3A_1055 = arith.mulf %get3A_1050, %mul3A_1054 : vector<16xf32>
    %add3A_1056 = arith.addf %add3A_1045, %mul3A_1055 : vector<16xf32>
    %get3A_1057 = arith.constant 19 : i32
    %get3A_1058 = arith.index_cast %get3A_1057 : i32 to index
    %get3A_1059 = arith.constant 32 : index
    %get3A_1060 = tpu.vector_load %arg6[%get3A_1058, %get3A_1059] {strides = array<i32>} : memref<32x64xf32, #tpu.memory_space<vmem>>, vector<1x16xf32>,
    %get3A_1061 = vector.shape_cast %get3A_1060 : vector<1x16xf32> to vector<16xf32>
    %mul3A_1062 = vector.broadcast %squeeze3A_55 : f32 to vector<16xf32>
    %mul3A_1063 = arith.mulf %get3A_1061, %mul3A_1062 : vector<16xf32>
    %add3A_1064 = arith.addf %add3A_1053, %mul3A_1063 : vector<16xf32>
    %mul3A_1065 = vector.broadcast %squeeze3A_119 : f32 to vector<16xf32>
    %mul3A_1066 = arith.mulf %get3A_1061, %mul3A_1065 : vector<16xf32>
    %add3A_1067 = arith.addf %add3A_1056, %mul3A_1066 : vector<16xf32>
    %get3A_1068 = arith.constant 20 : i32
    %get3A_1069 = arith.index_cast %get3A_1068 : i32 to index
    %get3A_1070 = arith.constant 32 : index
    %get3A_1071 = tpu.vector_load %arg6[%get3A_1069, %get3A_1070] {strides = array<i32>} : memref<32x64xf32, #tpu.memory_space<vmem>>, vector<1x16xf32>,
    %get3A_1072 = vector.shape_cast %get3A_1071 : vector<1x16xf32> to vector<16xf32>
    %mul3A_1073 = vector.broadcast %squeeze3A_57 : f32 to vector<16xf32>
    %mul3A_1074 = arith.mulf %get3A_1072, %mul3A_1073 : vector<16xf32>
    %add3A_1075 = arith.addf %add3A_1064, %mul3A_1074 : vector<16xf32>
    %mul3A_1076 = vector.broadcast %squeeze3A_121 : f32 to vector<16xf32>
    %mul3A_1077 = arith.mulf %get3A_1072, %mul3A_1076 : vector<16xf32>
    %add3A_1078 = arith.addf %add3A_1067, %mul3A_1077 : vector<16xf32>
    %get3A_1079 = arith.constant 21 : i32
    %get3A_1080 = arith.index_cast %get3A_1079 : i32 to index
    %get3A_1081 = arith.constant 32 : index
    %get3A_1082 = tpu.vector_load %arg6[%get3A_1080, %get3A_1081] {strides = array<i32>} : memref<32x64xf32, #tpu.memory_space<vmem>>, vector<1x16xf32>,
    %get3A_1083 = vector.shape_cast %get3A_1082 : vector<1x16xf32> to vector<16xf32>
    %mul3A_1084 = vector.broadcast %squeeze3A_59 : f32 to vector<16xf32>
    %mul3A_1085 = arith.mulf %get3A_1083, %mul3A_1084 : vector<16xf32>
    %add3A_1086 = arith.addf %add3A_1075, %mul3A_1085 : vector<16xf32>
    %mul3A_1087 = vector.broadcast %squeeze3A_123 : f32 to vector<16xf32>
    %mul3A_1088 = arith.mulf %get3A_1083, %mul3A_1087 : vector<16xf32>
    %add3A_1089 = arith.addf %add3A_1078, %mul3A_1088 : vector<16xf32>
    %get3A_1090 = arith.constant 22 : i32
    %get3A_1091 = arith.index_cast %get3A_1090 : i32 to index
    %get3A_1092 = arith.constant 32 : index
    %get3A_1093 = tpu.vector_load %arg6[%get3A_1091, %get3A_1092] {strides = array<i32>} : memref<32x64xf32, #tpu.memory_space<vmem>>, vector<1x16xf32>,
    %get3A_1094 = vector.shape_cast %get3A_1093 : vector<1x16xf32> to vector<16xf32>
    %mul3A_1095 = vector.broadcast %squeeze3A_61 : f32 to vector<16xf32>
    %mul3A_1096 = arith.mulf %get3A_1094, %mul3A_1095 : vector<16xf32>
    %add3A_1097 = arith.addf %add3A_1086, %mul3A_1096 : vector<16xf32>
    %mul3A_1098 = vector.broadcast %squeeze3A_125 : f32 to vector<16xf32>
    %mul3A_1099 = arith.mulf %get3A_1094, %mul3A_1098 : vector<16xf32>
    %add3A_1100 = arith.addf %add3A_1089, %mul3A_1099 : vector<16xf32>
    %get3A_1101 = arith.constant 23 : i32
    %get3A_1102 = arith.index_cast %get3A_1101 : i32 to index
    %get3A_1103 = arith.constant 32 : index
    %get3A_1104 = tpu.vector_load %arg6[%get3A_1102, %get3A_1103] {strides = array<i32>} : memref<32x64xf32, #tpu.memory_space<vmem>>, vector<1x16xf32>,
    %get3A_1105 = vector.shape_cast %get3A_1104 : vector<1x16xf32> to vector<16xf32>
    %mul3A_1106 = vector.broadcast %squeeze3A_63 : f32 to vector<16xf32>
    %mul3A_1107 = arith.mulf %get3A_1105, %mul3A_1106 : vector<16xf32>
    %add3A_1108 = arith.addf %add3A_1097, %mul3A_1107 : vector<16xf32>
    %mul3A_1109 = vector.broadcast %squeeze3A_127 : f32 to vector<16xf32>
    %mul3A_1110 = arith.mulf %get3A_1105, %mul3A_1109 : vector<16xf32>
    %add3A_1111 = arith.addf %add3A_1100, %mul3A_1110 : vector<16xf32>
    %get3A_1112 = arith.constant 24 : i32
    %get3A_1113 = arith.index_cast %get3A_1112 : i32 to index
    %get3A_1114 = arith.constant 32 : index
    %get3A_1115 = tpu.vector_load %arg6[%get3A_1113, %get3A_1114] {strides = array<i32>} : memref<32x64xf32, #tpu.memory_space<vmem>>, vector<1x16xf32>,
    %get3A_1116 = vector.shape_cast %get3A_1115 : vector<1x16xf32> to vector<16xf32>
    %mul3A_1117 = vector.broadcast %squeeze3A_65 : f32 to vector<16xf32>
    %mul3A_1118 = arith.mulf %get3A_1116, %mul3A_1117 : vector<16xf32>
    %add3A_1119 = arith.addf %add3A_1108, %mul3A_1118 : vector<16xf32>
    %mul3A_1120 = vector.broadcast %squeeze3A_129 : f32 to vector<16xf32>
    %mul3A_1121 = arith.mulf %get3A_1116, %mul3A_1120 : vector<16xf32>
    %add3A_1122 = arith.addf %add3A_1111, %mul3A_1121 : vector<16xf32>
    %get3A_1123 = arith.constant 25 : i32
    %get3A_1124 = arith.index_cast %get3A_1123 : i32 to index
    %get3A_1125 = arith.constant 32 : index
    %get3A_1126 = tpu.vector_load %arg6[%get3A_1124, %get3A_1125] {strides = array<i32>} : memref<32x64xf32, #tpu.memory_space<vmem>>, vector<1x16xf32>,
    %get3A_1127 = vector.shape_cast %get3A_1126 : vector<1x16xf32> to vector<16xf32>
    %mul3A_1128 = vector.broadcast %squeeze3A_67 : f32 to vector<16xf32>
    %mul3A_1129 = arith.mulf %get3A_1127, %mul3A_1128 : vector<16xf32>
    %add3A_1130 = arith.addf %add3A_1119, %mul3A_1129 : vector<16xf32>
    %mul3A_1131 = vector.broadcast %squeeze3A_131 : f32 to vector<16xf32>
    %mul3A_1132 = arith.mulf %get3A_1127, %mul3A_1131 : vector<16xf32>
    %add3A_1133 = arith.addf %add3A_1122, %mul3A_1132 : vector<16xf32>
    %get3A_1134 = arith.constant 26 : i32
    %get3A_1135 = arith.index_cast %get3A_1134 : i32 to index
    %get3A_1136 = arith.constant 32 : index
    %get3A_1137 = tpu.vector_load %arg6[%get3A_1135, %get3A_1136] {strides = array<i32>} : memref<32x64xf32, #tpu.memory_space<vmem>>, vector<1x16xf32>,
    %get3A_1138 = vector.shape_cast %get3A_1137 : vector<1x16xf32> to vector<16xf32>
    %mul3A_1139 = vector.broadcast %squeeze3A_69 : f32 to vector<16xf32>
    %mul3A_1140 = arith.mulf %get3A_1138, %mul3A_1139 : vector<16xf32>
    %add3A_1141 = arith.addf %add3A_1130, %mul3A_1140 : vector<16xf32>
    %mul3A_1142 = vector.broadcast %squeeze3A_133 : f32 to vector<16xf32>
    %mul3A_1143 = arith.mulf %get3A_1138, %mul3A_1142 : vector<16xf32>
    %add3A_1144 = arith.addf %add3A_1133, %mul3A_1143 : vector<16xf32>
    %get3A_1145 = arith.constant 27 : i32
    %get3A_1146 = arith.index_cast %get3A_1145 : i32 to index
    %get3A_1147 = arith.constant 32 : index
    %get3A_1148 = tpu.vector_load %arg6[%get3A_1146, %get3A_1147] {strides = array<i32>} : memref<32x64xf32, #tpu.memory_space<vmem>>, vector<1x16xf32>,
    %get3A_1149 = vector.shape_cast %get3A_1148 : vector<1x16xf32> to vector<16xf32>
    %mul3A_1150 = vector.broadcast %squeeze3A_71 : f32 to vector<16xf32>
    %mul3A_1151 = arith.mulf %get3A_1149, %mul3A_1150 : vector<16xf32>
    %add3A_1152 = arith.addf %add3A_1141, %mul3A_1151 : vector<16xf32>
    %mul3A_1153 = vector.broadcast %squeeze3A_135 : f32 to vector<16xf32>
    %mul3A_1154 = arith.mulf %get3A_1149, %mul3A_1153 : vector<16xf32>
    %add3A_1155 = arith.addf %add3A_1144, %mul3A_1154 : vector<16xf32>
    %get3A_1156 = arith.constant 28 : i32
    %get3A_1157 = arith.index_cast %get3A_1156 : i32 to index
    %get3A_1158 = arith.constant 32 : index
    %get3A_1159 = tpu.vector_load %arg6[%get3A_1157, %get3A_1158] {strides = array<i32>} : memref<32x64xf32, #tpu.memory_space<vmem>>, vector<1x16xf32>,
    %get3A_1160 = vector.shape_cast %get3A_1159 : vector<1x16xf32> to vector<16xf32>
    %mul3A_1161 = vector.broadcast %squeeze3A_73 : f32 to vector<16xf32>
    %mul3A_1162 = arith.mulf %get3A_1160, %mul3A_1161 : vector<16xf32>
    %add3A_1163 = arith.addf %add3A_1152, %mul3A_1162 : vector<16xf32>
    %mul3A_1164 = vector.broadcast %squeeze3A_137 : f32 to vector<16xf32>
    %mul3A_1165 = arith.mulf %get3A_1160, %mul3A_1164 : vector<16xf32>
    %add3A_1166 = arith.addf %add3A_1155, %mul3A_1165 : vector<16xf32>
    %get3A_1167 = arith.constant 29 : i32
    %get3A_1168 = arith.index_cast %get3A_1167 : i32 to index
    %get3A_1169 = arith.constant 32 : index
    %get3A_1170 = tpu.vector_load %arg6[%get3A_1168, %get3A_1169] {strides = array<i32>} : memref<32x64xf32, #tpu.memory_space<vmem>>, vector<1x16xf32>,
    %get3A_1171 = vector.shape_cast %get3A_1170 : vector<1x16xf32> to vector<16xf32>
    %mul3A_1172 = vector.broadcast %squeeze3A_75 : f32 to vector<16xf32>
    %mul3A_1173 = arith.mulf %get3A_1171, %mul3A_1172 : vector<16xf32>
    %add3A_1174 = arith.addf %add3A_1163, %mul3A_1173 : vector<16xf32>
    %mul3A_1175 = vector.broadcast %squeeze3A_139 : f32 to vector<16xf32>
    %mul3A_1176 = arith.mulf %get3A_1171, %mul3A_1175 : vector<16xf32>
    %add3A_1177 = arith.addf %add3A_1166, %mul3A_1176 : vector<16xf32>
    %get3A_1178 = arith.constant 30 : i32
    %get3A_1179 = arith.index_cast %get3A_1178 : i32 to index
    %get3A_1180 = arith.constant 32 : index
    %get3A_1181 = tpu.vector_load %arg6[%get3A_1179, %get3A_1180] {strides = array<i32>} : memref<32x64xf32, #tpu.memory_space<vmem>>, vector<1x16xf32>,
    %get3A_1182 = vector.shape_cast %get3A_1181 : vector<1x16xf32> to vector<16xf32>
    %mul3A_1183 = vector.broadcast %squeeze3A_77 : f32 to vector<16xf32>
    %mul3A_1184 = arith.mulf %get3A_1182, %mul3A_1183 : vector<16xf32>
    %add3A_1185 = arith.addf %add3A_1174, %mul3A_1184 : vector<16xf32>
    %mul3A_1186 = vector.broadcast %squeeze3A_141 : f32 to vector<16xf32>
    %mul3A_1187 = arith.mulf %get3A_1182, %mul3A_1186 : vector<16xf32>
    %add3A_1188 = arith.addf %add3A_1177, %mul3A_1187 : vector<16xf32>
    %get3A_1189 = arith.constant 31 : i32
    %get3A_1190 = arith.index_cast %get3A_1189 : i32 to index
    %get3A_1191 = arith.constant 32 : index
    %get3A_1192 = tpu.vector_load %arg6[%get3A_1190, %get3A_1191] {strides = array<i32>} : memref<32x64xf32, #tpu.memory_space<vmem>>, vector<1x16xf32>,
    %get3A_1193 = vector.shape_cast %get3A_1192 : vector<1x16xf32> to vector<16xf32>
    %mul3A_1194 = vector.broadcast %squeeze3A_79 : f32 to vector<16xf32>
    %mul3A_1195 = arith.mulf %get3A_1193, %mul3A_1194 : vector<16xf32>
    %add3A_1196 = arith.addf %add3A_1185, %mul3A_1195 : vector<16xf32>
    %mul3A_1197 = vector.broadcast %squeeze3A_143 : f32 to vector<16xf32>
    %mul3A_1198 = arith.mulf %get3A_1193, %mul3A_1197 : vector<16xf32>
    %add3A_1199 = arith.addf %add3A_1188, %mul3A_1198 : vector<16xf32>
    %get3A_1200 = arith.constant 0 : i32
    %get3A_1201 = arith.index_cast %get3A_1200 : i32 to index
    %get3A_1202 = arith.constant 48 : index
    %get3A_1203 = tpu.vector_load %arg6[%get3A_1201, %get3A_1202] {strides = array<i32>} : memref<32x64xf32, #tpu.memory_space<vmem>>, vector<1x16xf32>,
    %get3A_1204 = vector.shape_cast %get3A_1203 : vector<1x16xf32> to vector<16xf32>
    %mul3A_1205 = vector.broadcast %squeeze3A_17 : f32 to vector<16xf32>
    %mul3A_1206 = arith.mulf %get3A_1204, %mul3A_1205 : vector<16xf32>
    %add3A_1207 = arith.addf %broadcast_in_dim3A_1, %mul3A_1206 : vector<16xf32>
    %mul3A_1208 = vector.broadcast %squeeze3A_81 : f32 to vector<16xf32>
    %mul3A_1209 = arith.mulf %get3A_1204, %mul3A_1208 : vector<16xf32>
    %add3A_1210 = arith.addf %broadcast_in_dim3A_1, %mul3A_1209 : vector<16xf32>
    %get3A_1211 = arith.constant 1 : i32
    %get3A_1212 = arith.index_cast %get3A_1211 : i32 to index
    %get3A_1213 = arith.constant 48 : index
    %get3A_1214 = tpu.vector_load %arg6[%get3A_1212, %get3A_1213] {strides = array<i32>} : memref<32x64xf32, #tpu.memory_space<vmem>>, vector<1x16xf32>,
    %get3A_1215 = vector.shape_cast %get3A_1214 : vector<1x16xf32> to vector<16xf32>
    %mul3A_1216 = vector.broadcast %squeeze3A_19 : f32 to vector<16xf32>
    %mul3A_1217 = arith.mulf %get3A_1215, %mul3A_1216 : vector<16xf32>
    %add3A_1218 = arith.addf %add3A_1207, %mul3A_1217 : vector<16xf32>
    %mul3A_1219 = vector.broadcast %squeeze3A_83 : f32 to vector<16xf32>
    %mul3A_1220 = arith.mulf %get3A_1215, %mul3A_1219 : vector<16xf32>
    %add3A_1221 = arith.addf %add3A_1210, %mul3A_1220 : vector<16xf32>
    %get3A_1222 = arith.constant 2 : i32
    %get3A_1223 = arith.index_cast %get3A_1222 : i32 to index
    %get3A_1224 = arith.constant 48 : index
    %get3A_1225 = tpu.vector_load %arg6[%get3A_1223, %get3A_1224] {strides = array<i32>} : memref<32x64xf32, #tpu.memory_space<vmem>>, vector<1x16xf32>,
    %get3A_1226 = vector.shape_cast %get3A_1225 : vector<1x16xf32> to vector<16xf32>
    %mul3A_1227 = vector.broadcast %squeeze3A_21 : f32 to vector<16xf32>
    %mul3A_1228 = arith.mulf %get3A_1226, %mul3A_1227 : vector<16xf32>
    %add3A_1229 = arith.addf %add3A_1218, %mul3A_1228 : vector<16xf32>
    %mul3A_1230 = vector.broadcast %squeeze3A_85 : f32 to vector<16xf32>
    %mul3A_1231 = arith.mulf %get3A_1226, %mul3A_1230 : vector<16xf32>
    %add3A_1232 = arith.addf %add3A_1221, %mul3A_1231 : vector<16xf32>
    %get3A_1233 = arith.constant 3 : i32
    %get3A_1234 = arith.index_cast %get3A_1233 : i32 to index
    %get3A_1235 = arith.constant 48 : index
    %get3A_1236 = tpu.vector_load %arg6[%get3A_1234, %get3A_1235] {strides = array<i32>} : memref<32x64xf32, #tpu.memory_space<vmem>>, vector<1x16xf32>,
    %get3A_1237 = vector.shape_cast %get3A_1236 : vector<1x16xf32> to vector<16xf32>
    %mul3A_1238 = vector.broadcast %squeeze3A_23 : f32 to vector<16xf32>
    %mul3A_1239 = arith.mulf %get3A_1237, %mul3A_1238 : vector<16xf32>
    %add3A_1240 = arith.addf %add3A_1229, %mul3A_1239 : vector<16xf32>
    %mul3A_1241 = vector.broadcast %squeeze3A_87 : f32 to vector<16xf32>
    %mul3A_1242 = arith.mulf %get3A_1237, %mul3A_1241 : vector<16xf32>
    %add3A_1243 = arith.addf %add3A_1232, %mul3A_1242 : vector<16xf32>
    %get3A_1244 = arith.constant 4 : i32
    %get3A_1245 = arith.index_cast %get3A_1244 : i32 to index
    %get3A_1246 = arith.constant 48 : index
    %get3A_1247 = tpu.vector_load %arg6[%get3A_1245, %get3A_1246] {strides = array<i32>} : memref<32x64xf32, #tpu.memory_space<vmem>>, vector<1x16xf32>,
    %get3A_1248 = vector.shape_cast %get3A_1247 : vector<1x16xf32> to vector<16xf32>
    %mul3A_1249 = vector.broadcast %squeeze3A_25 : f32 to vector<16xf32>
    %mul3A_1250 = arith.mulf %get3A_1248, %mul3A_1249 : vector<16xf32>
    %add3A_1251 = arith.addf %add3A_1240, %mul3A_1250 : vector<16xf32>
    %mul3A_1252 = vector.broadcast %squeeze3A_89 : f32 to vector<16xf32>
    %mul3A_1253 = arith.mulf %get3A_1248, %mul3A_1252 : vector<16xf32>
    %add3A_1254 = arith.addf %add3A_1243, %mul3A_1253 : vector<16xf32>
    %get3A_1255 = arith.constant 5 : i32
    %get3A_1256 = arith.index_cast %get3A_1255 : i32 to index
    %get3A_1257 = arith.constant 48 : index
    %get3A_1258 = tpu.vector_load %arg6[%get3A_1256, %get3A_1257] {strides = array<i32>} : memref<32x64xf32, #tpu.memory_space<vmem>>, vector<1x16xf32>,
    %get3A_1259 = vector.shape_cast %get3A_1258 : vector<1x16xf32> to vector<16xf32>
    %mul3A_1260 = vector.broadcast %squeeze3A_27 : f32 to vector<16xf32>
    %mul3A_1261 = arith.mulf %get3A_1259, %mul3A_1260 : vector<16xf32>
    %add3A_1262 = arith.addf %add3A_1251, %mul3A_1261 : vector<16xf32>
    %mul3A_1263 = vector.broadcast %squeeze3A_91 : f32 to vector<16xf32>
    %mul3A_1264 = arith.mulf %get3A_1259, %mul3A_1263 : vector<16xf32>
    %add3A_1265 = arith.addf %add3A_1254, %mul3A_1264 : vector<16xf32>
    %get3A_1266 = arith.constant 6 : i32
    %get3A_1267 = arith.index_cast %get3A_1266 : i32 to index
    %get3A_1268 = arith.constant 48 : index
    %get3A_1269 = tpu.vector_load %arg6[%get3A_1267, %get3A_1268] {strides = array<i32>} : memref<32x64xf32, #tpu.memory_space<vmem>>, vector<1x16xf32>,
    %get3A_1270 = vector.shape_cast %get3A_1269 : vector<1x16xf32> to vector<16xf32>
    %mul3A_1271 = vector.broadcast %squeeze3A_29 : f32 to vector<16xf32>
    %mul3A_1272 = arith.mulf %get3A_1270, %mul3A_1271 : vector<16xf32>
    %add3A_1273 = arith.addf %add3A_1262, %mul3A_1272 : vector<16xf32>
    %mul3A_1274 = vector.broadcast %squeeze3A_93 : f32 to vector<16xf32>
    %mul3A_1275 = arith.mulf %get3A_1270, %mul3A_1274 : vector<16xf32>
    %add3A_1276 = arith.addf %add3A_1265, %mul3A_1275 : vector<16xf32>
    %get3A_1277 = arith.constant 7 : i32
    %get3A_1278 = arith.index_cast %get3A_1277 : i32 to index
    %get3A_1279 = arith.constant 48 : index
    %get3A_1280 = tpu.vector_load %arg6[%get3A_1278, %get3A_1279] {strides = array<i32>} : memref<32x64xf32, #tpu.memory_space<vmem>>, vector<1x16xf32>,
    %get3A_1281 = vector.shape_cast %get3A_1280 : vector<1x16xf32> to vector<16xf32>
    %mul3A_1282 = vector.broadcast %squeeze3A_31 : f32 to vector<16xf32>
    %mul3A_1283 = arith.mulf %get3A_1281, %mul3A_1282 : vector<16xf32>
    %add3A_1284 = arith.addf %add3A_1273, %mul3A_1283 : vector<16xf32>
    %mul3A_1285 = vector.broadcast %squeeze3A_95 : f32 to vector<16xf32>
    %mul3A_1286 = arith.mulf %get3A_1281, %mul3A_1285 : vector<16xf32>
    %add3A_1287 = arith.addf %add3A_1276, %mul3A_1286 : vector<16xf32>
    %get3A_1288 = arith.constant 8 : i32
    %get3A_1289 = arith.index_cast %get3A_1288 : i32 to index
    %get3A_1290 = arith.constant 48 : index
    %get3A_1291 = tpu.vector_load %arg6[%get3A_1289, %get3A_1290] {strides = array<i32>} : memref<32x64xf32, #tpu.memory_space<vmem>>, vector<1x16xf32>,
    %get3A_1292 = vector.shape_cast %get3A_1291 : vector<1x16xf32> to vector<16xf32>
    %mul3A_1293 = vector.broadcast %squeeze3A_33 : f32 to vector<16xf32>
    %mul3A_1294 = arith.mulf %get3A_1292, %mul3A_1293 : vector<16xf32>
    %add3A_1295 = arith.addf %add3A_1284, %mul3A_1294 : vector<16xf32>
    %mul3A_1296 = vector.broadcast %squeeze3A_97 : f32 to vector<16xf32>
    %mul3A_1297 = arith.mulf %get3A_1292, %mul3A_1296 : vector<16xf32>
    %add3A_1298 = arith.addf %add3A_1287, %mul3A_1297 : vector<16xf32>
    %get3A_1299 = arith.constant 9 : i32
    %get3A_1300 = arith.index_cast %get3A_1299 : i32 to index
    %get3A_1301 = arith.constant 48 : index
    %get3A_1302 = tpu.vector_load %arg6[%get3A_1300, %get3A_1301] {strides = array<i32>} : memref<32x64xf32, #tpu.memory_space<vmem>>, vector<1x16xf32>,
    %get3A_1303 = vector.shape_cast %get3A_1302 : vector<1x16xf32> to vector<16xf32>
    %mul3A_1304 = vector.broadcast %squeeze3A_35 : f32 to vector<16xf32>
    %mul3A_1305 = arith.mulf %get3A_1303, %mul3A_1304 : vector<16xf32>
    %add3A_1306 = arith.addf %add3A_1295, %mul3A_1305 : vector<16xf32>
    %mul3A_1307 = vector.broadcast %squeeze3A_99 : f32 to vector<16xf32>
    %mul3A_1308 = arith.mulf %get3A_1303, %mul3A_1307 : vector<16xf32>
    %add3A_1309 = arith.addf %add3A_1298, %mul3A_1308 : vector<16xf32>
    %get3A_1310 = arith.constant 10 : i32
    %get3A_1311 = arith.index_cast %get3A_1310 : i32 to index
    %get3A_1312 = arith.constant 48 : index
    %get3A_1313 = tpu.vector_load %arg6[%get3A_1311, %get3A_1312] {strides = array<i32>} : memref<32x64xf32, #tpu.memory_space<vmem>>, vector<1x16xf32>,
    %get3A_1314 = vector.shape_cast %get3A_1313 : vector<1x16xf32> to vector<16xf32>
    %mul3A_1315 = vector.broadcast %squeeze3A_37 : f32 to vector<16xf32>
    %mul3A_1316 = arith.mulf %get3A_1314, %mul3A_1315 : vector<16xf32>
    %add3A_1317 = arith.addf %add3A_1306, %mul3A_1316 : vector<16xf32>
    %mul3A_1318 = vector.broadcast %squeeze3A_101 : f32 to vector<16xf32>
    %mul3A_1319 = arith.mulf %get3A_1314, %mul3A_1318 : vector<16xf32>
    %add3A_1320 = arith.addf %add3A_1309, %mul3A_1319 : vector<16xf32>
    %get3A_1321 = arith.constant 11 : i32
    %get3A_1322 = arith.index_cast %get3A_1321 : i32 to index
    %get3A_1323 = arith.constant 48 : index
    %get3A_1324 = tpu.vector_load %arg6[%get3A_1322, %get3A_1323] {strides = array<i32>} : memref<32x64xf32, #tpu.memory_space<vmem>>, vector<1x16xf32>,
    %get3A_1325 = vector.shape_cast %get3A_1324 : vector<1x16xf32> to vector<16xf32>
    %mul3A_1326 = vector.broadcast %squeeze3A_39 : f32 to vector<16xf32>
    %mul3A_1327 = arith.mulf %get3A_1325, %mul3A_1326 : vector<16xf32>
    %add3A_1328 = arith.addf %add3A_1317, %mul3A_1327 : vector<16xf32>
    %mul3A_1329 = vector.broadcast %squeeze3A_103 : f32 to vector<16xf32>
    %mul3A_1330 = arith.mulf %get3A_1325, %mul3A_1329 : vector<16xf32>
    %add3A_1331 = arith.addf %add3A_1320, %mul3A_1330 : vector<16xf32>
    %get3A_1332 = arith.constant 12 : i32
    %get3A_1333 = arith.index_cast %get3A_1332 : i32 to index
    %get3A_1334 = arith.constant 48 : index
    %get3A_1335 = tpu.vector_load %arg6[%get3A_1333, %get3A_1334] {strides = array<i32>} : memref<32x64xf32, #tpu.memory_space<vmem>>, vector<1x16xf32>,
    %get3A_1336 = vector.shape_cast %get3A_1335 : vector<1x16xf32> to vector<16xf32>
    %mul3A_1337 = vector.broadcast %squeeze3A_41 : f32 to vector<16xf32>
    %mul3A_1338 = arith.mulf %get3A_1336, %mul3A_1337 : vector<16xf32>
    %add3A_1339 = arith.addf %add3A_1328, %mul3A_1338 : vector<16xf32>
    %mul3A_1340 = vector.broadcast %squeeze3A_105 : f32 to vector<16xf32>
    %mul3A_1341 = arith.mulf %get3A_1336, %mul3A_1340 : vector<16xf32>
    %add3A_1342 = arith.addf %add3A_1331, %mul3A_1341 : vector<16xf32>
    %get3A_1343 = arith.constant 13 : i32
    %get3A_1344 = arith.index_cast %get3A_1343 : i32 to index
    %get3A_1345 = arith.constant 48 : index
    %get3A_1346 = tpu.vector_load %arg6[%get3A_1344, %get3A_1345] {strides = array<i32>} : memref<32x64xf32, #tpu.memory_space<vmem>>, vector<1x16xf32>,
    %get3A_1347 = vector.shape_cast %get3A_1346 : vector<1x16xf32> to vector<16xf32>
    %mul3A_1348 = vector.broadcast %squeeze3A_43 : f32 to vector<16xf32>
    %mul3A_1349 = arith.mulf %get3A_1347, %mul3A_1348 : vector<16xf32>
    %add3A_1350 = arith.addf %add3A_1339, %mul3A_1349 : vector<16xf32>
    %mul3A_1351 = vector.broadcast %squeeze3A_107 : f32 to vector<16xf32>
    %mul3A_1352 = arith.mulf %get3A_1347, %mul3A_1351 : vector<16xf32>
    %add3A_1353 = arith.addf %add3A_1342, %mul3A_1352 : vector<16xf32>
    %get3A_1354 = arith.constant 14 : i32
    %get3A_1355 = arith.index_cast %get3A_1354 : i32 to index
    %get3A_1356 = arith.constant 48 : index
    %get3A_1357 = tpu.vector_load %arg6[%get3A_1355, %get3A_1356] {strides = array<i32>} : memref<32x64xf32, #tpu.memory_space<vmem>>, vector<1x16xf32>,
    %get3A_1358 = vector.shape_cast %get3A_1357 : vector<1x16xf32> to vector<16xf32>
    %mul3A_1359 = vector.broadcast %squeeze3A_45 : f32 to vector<16xf32>
    %mul3A_1360 = arith.mulf %get3A_1358, %mul3A_1359 : vector<16xf32>
    %add3A_1361 = arith.addf %add3A_1350, %mul3A_1360 : vector<16xf32>
    %mul3A_1362 = vector.broadcast %squeeze3A_109 : f32 to vector<16xf32>
    %mul3A_1363 = arith.mulf %get3A_1358, %mul3A_1362 : vector<16xf32>
    %add3A_1364 = arith.addf %add3A_1353, %mul3A_1363 : vector<16xf32>
    %get3A_1365 = arith.constant 15 : i32
    %get3A_1366 = arith.index_cast %get3A_1365 : i32 to index
    %get3A_1367 = arith.constant 48 : index
    %get3A_1368 = tpu.vector_load %arg6[%get3A_1366, %get3A_1367] {strides = array<i32>} : memref<32x64xf32, #tpu.memory_space<vmem>>, vector<1x16xf32>,
    %get3A_1369 = vector.shape_cast %get3A_1368 : vector<1x16xf32> to vector<16xf32>
    %mul3A_1370 = vector.broadcast %squeeze3A_47 : f32 to vector<16xf32>
    %mul3A_1371 = arith.mulf %get3A_1369, %mul3A_1370 : vector<16xf32>
    %add3A_1372 = arith.addf %add3A_1361, %mul3A_1371 : vector<16xf32>
    %mul3A_1373 = vector.broadcast %squeeze3A_111 : f32 to vector<16xf32>
    %mul3A_1374 = arith.mulf %get3A_1369, %mul3A_1373 : vector<16xf32>
    %add3A_1375 = arith.addf %add3A_1364, %mul3A_1374 : vector<16xf32>
    %get3A_1376 = arith.constant 16 : i32
    %get3A_1377 = arith.index_cast %get3A_1376 : i32 to index
    %get3A_1378 = arith.constant 48 : index
    %get3A_1379 = tpu.vector_load %arg6[%get3A_1377, %get3A_1378] {strides = array<i32>} : memref<32x64xf32, #tpu.memory_space<vmem>>, vector<1x16xf32>,
    %get3A_1380 = vector.shape_cast %get3A_1379 : vector<1x16xf32> to vector<16xf32>
    %mul3A_1381 = vector.broadcast %squeeze3A_49 : f32 to vector<16xf32>
    %mul3A_1382 = arith.mulf %get3A_1380, %mul3A_1381 : vector<16xf32>
    %add3A_1383 = arith.addf %add3A_1372, %mul3A_1382 : vector<16xf32>
    %mul3A_1384 = vector.broadcast %squeeze3A_113 : f32 to vector<16xf32>
    %mul3A_1385 = arith.mulf %get3A_1380, %mul3A_1384 : vector<16xf32>
    %add3A_1386 = arith.addf %add3A_1375, %mul3A_1385 : vector<16xf32>
    %get3A_1387 = arith.constant 17 : i32
    %get3A_1388 = arith.index_cast %get3A_1387 : i32 to index
    %get3A_1389 = arith.constant 48 : index
    %get3A_1390 = tpu.vector_load %arg6[%get3A_1388, %get3A_1389] {strides = array<i32>} : memref<32x64xf32, #tpu.memory_space<vmem>>, vector<1x16xf32>,
    %get3A_1391 = vector.shape_cast %get3A_1390 : vector<1x16xf32> to vector<16xf32>
    %mul3A_1392 = vector.broadcast %squeeze3A_51 : f32 to vector<16xf32>
    %mul3A_1393 = arith.mulf %get3A_1391, %mul3A_1392 : vector<16xf32>
    %add3A_1394 = arith.addf %add3A_1383, %mul3A_1393 : vector<16xf32>
    %mul3A_1395 = vector.broadcast %squeeze3A_115 : f32 to vector<16xf32>
    %mul3A_1396 = arith.mulf %get3A_1391, %mul3A_1395 : vector<16xf32>
    %add3A_1397 = arith.addf %add3A_1386, %mul3A_1396 : vector<16xf32>
    %get3A_1398 = arith.constant 18 : i32
    %get3A_1399 = arith.index_cast %get3A_1398 : i32 to index
    %get3A_1400 = arith.constant 48 : index
    %get3A_1401 = tpu.vector_load %arg6[%get3A_1399, %get3A_1400] {strides = array<i32>} : memref<32x64xf32, #tpu.memory_space<vmem>>, vector<1x16xf32>,
    %get3A_1402 = vector.shape_cast %get3A_1401 : vector<1x16xf32> to vector<16xf32>
    %mul3A_1403 = vector.broadcast %squeeze3A_53 : f32 to vector<16xf32>
    %mul3A_1404 = arith.mulf %get3A_1402, %mul3A_1403 : vector<16xf32>
    %add3A_1405 = arith.addf %add3A_1394, %mul3A_1404 : vector<16xf32>
    %mul3A_1406 = vector.broadcast %squeeze3A_117 : f32 to vector<16xf32>
    %mul3A_1407 = arith.mulf %get3A_1402, %mul3A_1406 : vector<16xf32>
    %add3A_1408 = arith.addf %add3A_1397, %mul3A_1407 : vector<16xf32>
    %get3A_1409 = arith.constant 19 : i32
    %get3A_1410 = arith.index_cast %get3A_1409 : i32 to index
    %get3A_1411 = arith.constant 48 : index
    %get3A_1412 = tpu.vector_load %arg6[%get3A_1410, %get3A_1411] {strides = array<i32>} : memref<32x64xf32, #tpu.memory_space<vmem>>, vector<1x16xf32>,
    %get3A_1413 = vector.shape_cast %get3A_1412 : vector<1x16xf32> to vector<16xf32>
    %mul3A_1414 = vector.broadcast %squeeze3A_55 : f32 to vector<16xf32>
    %mul3A_1415 = arith.mulf %get3A_1413, %mul3A_1414 : vector<16xf32>
    %add3A_1416 = arith.addf %add3A_1405, %mul3A_1415 : vector<16xf32>
    %mul3A_1417 = vector.broadcast %squeeze3A_119 : f32 to vector<16xf32>
    %mul3A_1418 = arith.mulf %get3A_1413, %mul3A_1417 : vector<16xf32>
    %add3A_1419 = arith.addf %add3A_1408, %mul3A_1418 : vector<16xf32>
    %get3A_1420 = arith.constant 20 : i32
    %get3A_1421 = arith.index_cast %get3A_1420 : i32 to index
    %get3A_1422 = arith.constant 48 : index
    %get3A_1423 = tpu.vector_load %arg6[%get3A_1421, %get3A_1422] {strides = array<i32>} : memref<32x64xf32, #tpu.memory_space<vmem>>, vector<1x16xf32>,
    %get3A_1424 = vector.shape_cast %get3A_1423 : vector<1x16xf32> to vector<16xf32>
    %mul3A_1425 = vector.broadcast %squeeze3A_57 : f32 to vector<16xf32>
    %mul3A_1426 = arith.mulf %get3A_1424, %mul3A_1425 : vector<16xf32>
    %add3A_1427 = arith.addf %add3A_1416, %mul3A_1426 : vector<16xf32>
    %mul3A_1428 = vector.broadcast %squeeze3A_121 : f32 to vector<16xf32>
    %mul3A_1429 = arith.mulf %get3A_1424, %mul3A_1428 : vector<16xf32>
    %add3A_1430 = arith.addf %add3A_1419, %mul3A_1429 : vector<16xf32>
    %get3A_1431 = arith.constant 21 : i32
    %get3A_1432 = arith.index_cast %get3A_1431 : i32 to index
    %get3A_1433 = arith.constant 48 : index
    %get3A_1434 = tpu.vector_load %arg6[%get3A_1432, %get3A_1433] {strides = array<i32>} : memref<32x64xf32, #tpu.memory_space<vmem>>, vector<1x16xf32>,
    %get3A_1435 = vector.shape_cast %get3A_1434 : vector<1x16xf32> to vector<16xf32>
    %mul3A_1436 = vector.broadcast %squeeze3A_59 : f32 to vector<16xf32>
    %mul3A_1437 = arith.mulf %get3A_1435, %mul3A_1436 : vector<16xf32>
    %add3A_1438 = arith.addf %add3A_1427, %mul3A_1437 : vector<16xf32>
    %mul3A_1439 = vector.broadcast %squeeze3A_123 : f32 to vector<16xf32>
    %mul3A_1440 = arith.mulf %get3A_1435, %mul3A_1439 : vector<16xf32>
    %add3A_1441 = arith.addf %add3A_1430, %mul3A_1440 : vector<16xf32>
    %get3A_1442 = arith.constant 22 : i32
    %get3A_1443 = arith.index_cast %get3A_1442 : i32 to index
    %get3A_1444 = arith.constant 48 : index
    %get3A_1445 = tpu.vector_load %arg6[%get3A_1443, %get3A_1444] {strides = array<i32>} : memref<32x64xf32, #tpu.memory_space<vmem>>, vector<1x16xf32>,
    %get3A_1446 = vector.shape_cast %get3A_1445 : vector<1x16xf32> to vector<16xf32>
    %mul3A_1447 = vector.broadcast %squeeze3A_61 : f32 to vector<16xf32>
    %mul3A_1448 = arith.mulf %get3A_1446, %mul3A_1447 : vector<16xf32>
    %add3A_1449 = arith.addf %add3A_1438, %mul3A_1448 : vector<16xf32>
    %mul3A_1450 = vector.broadcast %squeeze3A_125 : f32 to vector<16xf32>
    %mul3A_1451 = arith.mulf %get3A_1446, %mul3A_1450 : vector<16xf32>
    %add3A_1452 = arith.addf %add3A_1441, %mul3A_1451 : vector<16xf32>
    %get3A_1453 = arith.constant 23 : i32
    %get3A_1454 = arith.index_cast %get3A_1453 : i32 to index
    %get3A_1455 = arith.constant 48 : index
    %get3A_1456 = tpu.vector_load %arg6[%get3A_1454, %get3A_1455] {strides = array<i32>} : memref<32x64xf32, #tpu.memory_space<vmem>>, vector<1x16xf32>,
    %get3A_1457 = vector.shape_cast %get3A_1456 : vector<1x16xf32> to vector<16xf32>
    %mul3A_1458 = vector.broadcast %squeeze3A_63 : f32 to vector<16xf32>
    %mul3A_1459 = arith.mulf %get3A_1457, %mul3A_1458 : vector<16xf32>
    %add3A_1460 = arith.addf %add3A_1449, %mul3A_1459 : vector<16xf32>
    %mul3A_1461 = vector.broadcast %squeeze3A_127 : f32 to vector<16xf32>
    %mul3A_1462 = arith.mulf %get3A_1457, %mul3A_1461 : vector<16xf32>
    %add3A_1463 = arith.addf %add3A_1452, %mul3A_1462 : vector<16xf32>
    %get3A_1464 = arith.constant 24 : i32
    %get3A_1465 = arith.index_cast %get3A_1464 : i32 to index
    %get3A_1466 = arith.constant 48 : index
    %get3A_1467 = tpu.vector_load %arg6[%get3A_1465, %get3A_1466] {strides = array<i32>} : memref<32x64xf32, #tpu.memory_space<vmem>>, vector<1x16xf32>,
    %get3A_1468 = vector.shape_cast %get3A_1467 : vector<1x16xf32> to vector<16xf32>
    %mul3A_1469 = vector.broadcast %squeeze3A_65 : f32 to vector<16xf32>
    %mul3A_1470 = arith.mulf %get3A_1468, %mul3A_1469 : vector<16xf32>
    %add3A_1471 = arith.addf %add3A_1460, %mul3A_1470 : vector<16xf32>
    %mul3A_1472 = vector.broadcast %squeeze3A_129 : f32 to vector<16xf32>
    %mul3A_1473 = arith.mulf %get3A_1468, %mul3A_1472 : vector<16xf32>
    %add3A_1474 = arith.addf %add3A_1463, %mul3A_1473 : vector<16xf32>
    %get3A_1475 = arith.constant 25 : i32
    %get3A_1476 = arith.index_cast %get3A_1475 : i32 to index
    %get3A_1477 = arith.constant 48 : index
    %get3A_1478 = tpu.vector_load %arg6[%get3A_1476, %get3A_1477] {strides = array<i32>} : memref<32x64xf32, #tpu.memory_space<vmem>>, vector<1x16xf32>,
    %get3A_1479 = vector.shape_cast %get3A_1478 : vector<1x16xf32> to vector<16xf32>
    %mul3A_1480 = vector.broadcast %squeeze3A_67 : f32 to vector<16xf32>
    %mul3A_1481 = arith.mulf %get3A_1479, %mul3A_1480 : vector<16xf32>
    %add3A_1482 = arith.addf %add3A_1471, %mul3A_1481 : vector<16xf32>
    %mul3A_1483 = vector.broadcast %squeeze3A_131 : f32 to vector<16xf32>
    %mul3A_1484 = arith.mulf %get3A_1479, %mul3A_1483 : vector<16xf32>
    %add3A_1485 = arith.addf %add3A_1474, %mul3A_1484 : vector<16xf32>
    %get3A_1486 = arith.constant 26 : i32
    %get3A_1487 = arith.index_cast %get3A_1486 : i32 to index
    %get3A_1488 = arith.constant 48 : index
    %get3A_1489 = tpu.vector_load %arg6[%get3A_1487, %get3A_1488] {strides = array<i32>} : memref<32x64xf32, #tpu.memory_space<vmem>>, vector<1x16xf32>,
    %get3A_1490 = vector.shape_cast %get3A_1489 : vector<1x16xf32> to vector<16xf32>
    %mul3A_1491 = vector.broadcast %squeeze3A_69 : f32 to vector<16xf32>
    %mul3A_1492 = arith.mulf %get3A_1490, %mul3A_1491 : vector<16xf32>
    %add3A_1493 = arith.addf %add3A_1482, %mul3A_1492 : vector<16xf32>
    %mul3A_1494 = vector.broadcast %squeeze3A_133 : f32 to vector<16xf32>
    %mul3A_1495 = arith.mulf %get3A_1490, %mul3A_1494 : vector<16xf32>
    %add3A_1496 = arith.addf %add3A_1485, %mul3A_1495 : vector<16xf32>
    %get3A_1497 = arith.constant 27 : i32
    %get3A_1498 = arith.index_cast %get3A_1497 : i32 to index
    %get3A_1499 = arith.constant 48 : index
    %get3A_1500 = tpu.vector_load %arg6[%get3A_1498, %get3A_1499] {strides = array<i32>} : memref<32x64xf32, #tpu.memory_space<vmem>>, vector<1x16xf32>,
    %get3A_1501 = vector.shape_cast %get3A_1500 : vector<1x16xf32> to vector<16xf32>
    %mul3A_1502 = vector.broadcast %squeeze3A_71 : f32 to vector<16xf32>
    %mul3A_1503 = arith.mulf %get3A_1501, %mul3A_1502 : vector<16xf32>
    %add3A_1504 = arith.addf %add3A_1493, %mul3A_1503 : vector<16xf32>
    %mul3A_1505 = vector.broadcast %squeeze3A_135 : f32 to vector<16xf32>
    %mul3A_1506 = arith.mulf %get3A_1501, %mul3A_1505 : vector<16xf32>
    %add3A_1507 = arith.addf %add3A_1496, %mul3A_1506 : vector<16xf32>
    %get3A_1508 = arith.constant 28 : i32
    %get3A_1509 = arith.index_cast %get3A_1508 : i32 to index
    %get3A_1510 = arith.constant 48 : index
    %get3A_1511 = tpu.vector_load %arg6[%get3A_1509, %get3A_1510] {strides = array<i32>} : memref<32x64xf32, #tpu.memory_space<vmem>>, vector<1x16xf32>,
    %get3A_1512 = vector.shape_cast %get3A_1511 : vector<1x16xf32> to vector<16xf32>
    %mul3A_1513 = vector.broadcast %squeeze3A_73 : f32 to vector<16xf32>
    %mul3A_1514 = arith.mulf %get3A_1512, %mul3A_1513 : vector<16xf32>
    %add3A_1515 = arith.addf %add3A_1504, %mul3A_1514 : vector<16xf32>
    %mul3A_1516 = vector.broadcast %squeeze3A_137 : f32 to vector<16xf32>
    %mul3A_1517 = arith.mulf %get3A_1512, %mul3A_1516 : vector<16xf32>
    %add3A_1518 = arith.addf %add3A_1507, %mul3A_1517 : vector<16xf32>
    %get3A_1519 = arith.constant 29 : i32
    %get3A_1520 = arith.index_cast %get3A_1519 : i32 to index
    %get3A_1521 = arith.constant 48 : index
    %get3A_1522 = tpu.vector_load %arg6[%get3A_1520, %get3A_1521] {strides = array<i32>} : memref<32x64xf32, #tpu.memory_space<vmem>>, vector<1x16xf32>,
    %get3A_1523 = vector.shape_cast %get3A_1522 : vector<1x16xf32> to vector<16xf32>
    %mul3A_1524 = vector.broadcast %squeeze3A_75 : f32 to vector<16xf32>
    %mul3A_1525 = arith.mulf %get3A_1523, %mul3A_1524 : vector<16xf32>
    %add3A_1526 = arith.addf %add3A_1515, %mul3A_1525 : vector<16xf32>
    %mul3A_1527 = vector.broadcast %squeeze3A_139 : f32 to vector<16xf32>
    %mul3A_1528 = arith.mulf %get3A_1523, %mul3A_1527 : vector<16xf32>
    %add3A_1529 = arith.addf %add3A_1518, %mul3A_1528 : vector<16xf32>
    %get3A_1530 = arith.constant 30 : i32
    %get3A_1531 = arith.index_cast %get3A_1530 : i32 to index
    %get3A_1532 = arith.constant 48 : index
    %get3A_1533 = tpu.vector_load %arg6[%get3A_1531, %get3A_1532] {strides = array<i32>} : memref<32x64xf32, #tpu.memory_space<vmem>>, vector<1x16xf32>,
    %get3A_1534 = vector.shape_cast %get3A_1533 : vector<1x16xf32> to vector<16xf32>
    %mul3A_1535 = vector.broadcast %squeeze3A_77 : f32 to vector<16xf32>
    %mul3A_1536 = arith.mulf %get3A_1534, %mul3A_1535 : vector<16xf32>
    %add3A_1537 = arith.addf %add3A_1526, %mul3A_1536 : vector<16xf32>
    %mul3A_1538 = vector.broadcast %squeeze3A_141 : f32 to vector<16xf32>
    %mul3A_1539 = arith.mulf %get3A_1534, %mul3A_1538 : vector<16xf32>
    %add3A_1540 = arith.addf %add3A_1529, %mul3A_1539 : vector<16xf32>
    %get3A_1541 = arith.constant 31 : i32
    %get3A_1542 = arith.index_cast %get3A_1541 : i32 to index
    %get3A_1543 = arith.constant 48 : index
    %get3A_1544 = tpu.vector_load %arg6[%get3A_1542, %get3A_1543] {strides = array<i32>} : memref<32x64xf32, #tpu.memory_space<vmem>>, vector<1x16xf32>,
    %get3A_1545 = vector.shape_cast %get3A_1544 : vector<1x16xf32> to vector<16xf32>
    %mul3A_1546 = vector.broadcast %squeeze3A_79 : f32 to vector<16xf32>
    %mul3A_1547 = arith.mulf %get3A_1545, %mul3A_1546 : vector<16xf32>
    %add3A_1548 = arith.addf %add3A_1537, %mul3A_1547 : vector<16xf32>
    %mul3A_1549 = vector.broadcast %squeeze3A_143 : f32 to vector<16xf32>
    %mul3A_1550 = arith.mulf %get3A_1545, %mul3A_1549 : vector<16xf32>
    %add3A_1551 = arith.addf %add3A_1540, %mul3A_1550 : vector<16xf32>
    %slice3A_1552 = vector.extract_strided_slice %add3A_495 {offsets = [0], sizes = [1], strides = [1]} : vector<16xf32> to vector<1xf32>
    %squeeze3A_1553 = vector.extract %slice3A_1552[0] : f32 from vector<1xf32>
    %add3A_1554 = arith.addf %squeeze3A_1553, %squeeze3A : f32
    %add3A_1555 = vector.broadcast %add3A_1554 : f32 to vector<16xf32>
    %add3A_1556 = arith.addf %add3A_492, %add3A_1555 : vector<16xf32>
    %neg3A = arith.constant 0.000000e+00 : f32
    %neg3A_1557 = vector.broadcast %neg3A : f32 to vector<16xf32>
    %neg3A_1558 = arith.subf %neg3A_1557, %add3A_1556 : vector<16xf32>
    %exp3A = math.exp %neg3A_1558 : vector<16xf32>
    %add3A_1559 = arith.constant 1.000000e+00 : f32
    %add3A_1560 = vector.broadcast %add3A_1559 : f32 to vector<16xf32>
    %add3A_1561 = arith.addf %add3A_1560, %exp3A : vector<16xf32>
    %div3A = arith.constant 1.000000e+00 : f32
    %div3A_1562 = vector.broadcast %div3A : f32 to vector<16xf32>
    %div3A_1563 = arith.divf %div3A_1562, %add3A_1561 : vector<16xf32>
    %swap3A = arith.constant 0 : index
    %swap3A_1564 = tpu.vector_load %arg9[%swap3A] {strides = array<i32>} : memref<2048xf32, #tpu.memory_space<vmem>>, vector<16xf32>,
    %swap3A_1565 = vector.shape_cast %swap3A_1564 : vector<16xf32> to vector<16xf32>
    %swap3A_1566 = vector.shape_cast %div3A_1563 : vector<16xf32> to vector<16xf32>
    tpu.vector_store %arg9[%swap3A], %swap3A_1566 {strides = array<i32>} : memref<2048xf32, #tpu.memory_space<vmem>>, vector<16xf32>,
    %add3A_1567 = vector.broadcast %add3A_1554 : f32 to vector<16xf32>
    %add3A_1568 = arith.addf %add3A_844, %add3A_1567 : vector<16xf32>
    %neg3A_1569 = arith.constant 0.000000e+00 : f32
    %neg3A_1570 = vector.broadcast %neg3A_1569 : f32 to vector<16xf32>
    %neg3A_1571 = arith.subf %neg3A_1570, %add3A_1568 : vector<16xf32>
    %exp3A_1572 = math.exp %neg3A_1571 : vector<16xf32>
    %add3A_1573 = arith.constant 1.000000e+00 : f32
    %add3A_1574 = vector.broadcast %add3A_1573 : f32 to vector<16xf32>
    %add3A_1575 = arith.addf %add3A_1574, %exp3A_1572 : vector<16xf32>
    %div3A_1576 = arith.constant 1.000000e+00 : f32
    %div3A_1577 = vector.broadcast %div3A_1576 : f32 to vector<16xf32>
    %div3A_1578 = arith.divf %div3A_1577, %add3A_1575 : vector<16xf32>
    %swap3A_1579 = arith.constant 16 : index
    %swap3A_1580 = tpu.vector_load %arg9[%swap3A_1579] {strides = array<i32>} : memref<2048xf32, #tpu.memory_space<vmem>>, vector<16xf32>,
    %swap3A_1581 = vector.shape_cast %swap3A_1580 : vector<16xf32> to vector<16xf32>
    %swap3A_1582 = vector.shape_cast %div3A_1578 : vector<16xf32> to vector<16xf32>
    tpu.vector_store %arg9[%swap3A_1579], %swap3A_1582 {strides = array<i32>} : memref<2048xf32, #tpu.memory_space<vmem>>, vector<16xf32>,
    %slice3A_1583 = vector.extract_strided_slice %add3A_495 {offsets = [1], sizes = [1], strides = [1]} : vector<16xf32> to vector<1xf32>
    %squeeze3A_1584 = vector.extract %slice3A_1583[0] : f32 from vector<1xf32>
    %add3A_1585 = arith.addf %squeeze3A_1584, %squeeze3A : f32
    %add3A_1586 = vector.broadcast %add3A_1585 : f32 to vector<16xf32>
    %add3A_1587 = arith.addf %add3A_492, %add3A_1586 : vector<16xf32>
    %neg3A_1588 = arith.constant 0.000000e+00 : f32
    %neg3A_1589 = vector.broadcast %neg3A_1588 : f32 to vector<16xf32>
    %neg3A_1590 = arith.subf %neg3A_1589, %add3A_1587 : vector<16xf32>
    %exp3A_1591 = math.exp %neg3A_1590 : vector<16xf32>
    %add3A_1592 = arith.constant 1.000000e+00 : f32
    %add3A_1593 = vector.broadcast %add3A_1592 : f32 to vector<16xf32>
    %add3A_1594 = arith.addf %add3A_1593, %exp3A_1591 : vector<16xf32>
    %div3A_1595 = arith.constant 1.000000e+00 : f32
    %div3A_1596 = vector.broadcast %div3A_1595 : f32 to vector<16xf32>
    %div3A_1597 = arith.divf %div3A_1596, %add3A_1594 : vector<16xf32>
    %swap3A_1598 = arith.constant 32 : index
    %swap3A_1599 = tpu.vector_load %arg9[%swap3A_1598] {strides = array<i32>} : memref<2048xf32, #tpu.memory_space<vmem>>, vector<16xf32>,
    %swap3A_1600 = vector.shape_cast %swap3A_1599 : vector<16xf32> to vector<16xf32>
    %swap3A_1601 = vector.shape_cast %div3A_1597 : vector<16xf32> to vector<16xf32>
    tpu.vector_store %arg9[%swap3A_1598], %swap3A_1601 {strides = array<i32>} : memref<2048xf32, #tpu.memory_space<vmem>>, vector<16xf32>,
    %add3A_1602 = vector.broadcast %add3A_1585 : f32 to vector<16xf32>
    %add3A_1603 = arith.addf %add3A_844, %add3A_1602 : vector<16xf32>
    %neg3A_1604 = arith.constant 0.000000e+00 : f32
    %neg3A_1605 = vector.broadcast %neg3A_1604 : f32 to vector<16xf32>
    %neg3A_1606 = arith.subf %neg3A_1605, %add3A_1603 : vector<16xf32>
    %exp3A_1607 = math.exp %neg3A_1606 : vector<16xf32>
    %add3A_1608 = arith.constant 1.000000e+00 : f32
    %add3A_1609 = vector.broadcast %add3A_1608 : f32 to vector<16xf32>
    %add3A_1610 = arith.addf %add3A_1609, %exp3A_1607 : vector<16xf32>
    %div3A_1611 = arith.constant 1.000000e+00 : f32
    %div3A_1612 = vector.broadcast %div3A_1611 : f32 to vector<16xf32>
    %div3A_1613 = arith.divf %div3A_1612, %add3A_1610 : vector<16xf32>
    %swap3A_1614 = arith.constant 48 : index
    %swap3A_1615 = tpu.vector_load %arg9[%swap3A_1614] {strides = array<i32>} : memref<2048xf32, #tpu.memory_space<vmem>>, vector<16xf32>,
    %swap3A_1616 = vector.shape_cast %swap3A_1615 : vector<16xf32> to vector<16xf32>
    %swap3A_1617 = vector.shape_cast %div3A_1613 : vector<16xf32> to vector<16xf32>
    tpu.vector_store %arg9[%swap3A_1614], %swap3A_1617 {strides = array<i32>} : memref<2048xf32, #tpu.memory_space<vmem>>, vector<16xf32>,
    %slice3A_1618 = vector.extract_strided_slice %add3A_495 {offsets = [2], sizes = [1], strides = [1]} : vector<16xf32> to vector<1xf32>
    %squeeze3A_1619 = vector.extract %slice3A_1618[0] : f32 from vector<1xf32>
    %add3A_1620 = arith.addf %squeeze3A_1619, %squeeze3A : f32
    %add3A_1621 = vector.broadcast %add3A_1620 : f32 to vector<16xf32>
    %add3A_1622 = arith.addf %add3A_492, %add3A_1621 : vector<16xf32>
    %neg3A_1623 = arith.constant 0.000000e+00 : f32
    %neg3A_1624 = vector.broadcast %neg3A_1623 : f32 to vector<16xf32>
    %neg3A_1625 = arith.subf %neg3A_1624, %add3A_1622 : vector<16xf32>
    %exp3A_1626 = math.exp %neg3A_1625 : vector<16xf32>
    %add3A_1627 = arith.constant 1.000000e+00 : f32
    %add3A_1628 = vector.broadcast %add3A_1627 : f32 to vector<16xf32>
    %add3A_1629 = arith.addf %add3A_1628, %exp3A_1626 : vector<16xf32>
    %div3A_1630 = arith.constant 1.000000e+00 : f32
    %div3A_1631 = vector.broadcast %div3A_1630 : f32 to vector<16xf32>
    %div3A_1632 = arith.divf %div3A_1631, %add3A_1629 : vector<16xf32>
    %swap3A_1633 = arith.constant 64 : index
    %swap3A_1634 = tpu.vector_load %arg9[%swap3A_1633] {strides = array<i32>} : memref<2048xf32, #tpu.memory_space<vmem>>, vector<16xf32>,
    %swap3A_1635 = vector.shape_cast %swap3A_1634 : vector<16xf32> to vector<16xf32>
    %swap3A_1636 = vector.shape_cast %div3A_1632 : vector<16xf32> to vector<16xf32>
    tpu.vector_store %arg9[%swap3A_1633], %swap3A_1636 {strides = array<i32>} : memref<2048xf32, #tpu.memory_space<vmem>>, vector<16xf32>,
    %add3A_1637 = vector.broadcast %add3A_1620 : f32 to vector<16xf32>
    %add3A_1638 = arith.addf %add3A_844, %add3A_1637 : vector<16xf32>
    %neg3A_1639 = arith.constant 0.000000e+00 : f32
    %neg3A_1640 = vector.broadcast %neg3A_1639 : f32 to vector<16xf32>
    %neg3A_1641 = arith.subf %neg3A_1640, %add3A_1638 : vector<16xf32>
    %exp3A_1642 = math.exp %neg3A_1641 : vector<16xf32>
    %add3A_1643 = arith.constant 1.000000e+00 : f32
    %add3A_1644 = vector.broadcast %add3A_1643 : f32 to vector<16xf32>
    %add3A_1645 = arith.addf %add3A_1644, %exp3A_1642 : vector<16xf32>
    %div3A_1646 = arith.constant 1.000000e+00 : f32
    %div3A_1647 = vector.broadcast %div3A_1646 : f32 to vector<16xf32>
    %div3A_1648 = arith.divf %div3A_1647, %add3A_1645 : vector<16xf32>
    %swap3A_1649 = arith.constant 80 : index
    %swap3A_1650 = tpu.vector_load %arg9[%swap3A_1649] {strides = array<i32>} : memref<2048xf32, #tpu.memory_space<vmem>>, vector<16xf32>,
    %swap3A_1651 = vector.shape_cast %swap3A_1650 : vector<16xf32> to vector<16xf32>
    %swap3A_1652 = vector.shape_cast %div3A_1648 : vector<16xf32> to vector<16xf32>
    tpu.vector_store %arg9[%swap3A_1649], %swap3A_1652 {strides = array<i32>} : memref<2048xf32, #tpu.memory_space<vmem>>, vector<16xf32>,
    %slice3A_1653 = vector.extract_strided_slice %add3A_495 {offsets = [3], sizes = [1], strides = [1]} : vector<16xf32> to vector<1xf32>
    %squeeze3A_1654 = vector.extract %slice3A_1653[0] : f32 from vector<1xf32>
    %add3A_1655 = arith.addf %squeeze3A_1654, %squeeze3A : f32
    %add3A_1656 = vector.broadcast %add3A_1655 : f32 to vector<16xf32>
    %add3A_1657 = arith.addf %add3A_492, %add3A_1656 : vector<16xf32>
    %neg3A_1658 = arith.constant 0.000000e+00 : f32
    %neg3A_1659 = vector.broadcast %neg3A_1658 : f32 to vector<16xf32>
    %neg3A_1660 = arith.subf %neg3A_1659, %add3A_1657 : vector<16xf32>
    %exp3A_1661 = math.exp %neg3A_1660 : vector<16xf32>
    %add3A_1662 = arith.constant 1.000000e+00 : f32
    %add3A_1663 = vector.broadcast %add3A_1662 : f32 to vector<16xf32>
    %add3A_1664 = arith.addf %add3A_1663, %exp3A_1661 : vector<16xf32>
    %div3A_1665 = arith.constant 1.000000e+00 : f32
    %div3A_1666 = vector.broadcast %div3A_1665 : f32 to vector<16xf32>
    %div3A_1667 = arith.divf %div3A_1666, %add3A_1664 : vector<16xf32>
    %swap3A_1668 = arith.constant 96 : index
    %swap3A_1669 = tpu.vector_load %arg9[%swap3A_1668] {strides = array<i32>} : memref<2048xf32, #tpu.memory_space<vmem>>, vector<16xf32>,
    %swap3A_1670 = vector.shape_cast %swap3A_1669 : vector<16xf32> to vector<16xf32>
    %swap3A_1671 = vector.shape_cast %div3A_1667 : vector<16xf32> to vector<16xf32>
    tpu.vector_store %arg9[%swap3A_1668], %swap3A_1671 {strides = array<i32>} : memref<2048xf32, #tpu.memory_space<vmem>>, vector<16xf32>,
    %add3A_1672 = vector.broadcast %add3A_1655 : f32 to vector<16xf32>
    %add3A_1673 = arith.addf %add3A_844, %add3A_1672 : vector<16xf32>
    %neg3A_1674 = arith.constant 0.000000e+00 : f32
    %neg3A_1675 = vector.broadcast %neg3A_1674 : f32 to vector<16xf32>
    %neg3A_1676 = arith.subf %neg3A_1675, %add3A_1673 : vector<16xf32>
    %exp3A_1677 = math.exp %neg3A_1676 : vector<16xf32>
    %add3A_1678 = arith.constant 1.000000e+00 : f32
    %add3A_1679 = vector.broadcast %add3A_1678 : f32 to vector<16xf32>
    %add3A_1680 = arith.addf %add3A_1679, %exp3A_1677 : vector<16xf32>
    %div3A_1681 = arith.constant 1.000000e+00 : f32
    %div3A_1682 = vector.broadcast %div3A_1681 : f32 to vector<16xf32>
    %div3A_1683 = arith.divf %div3A_1682, %add3A_1680 : vector<16xf32>
    %swap3A_1684 = arith.constant 112 : index
    %swap3A_1685 = tpu.vector_load %arg9[%swap3A_1684] {strides = array<i32>} : memref<2048xf32, #tpu.memory_space<vmem>>, vector<16xf32>,
    %swap3A_1686 = vector.shape_cast %swap3A_1685 : vector<16xf32> to vector<16xf32>
    %swap3A_1687 = vector.shape_cast %div3A_1683 : vector<16xf32> to vector<16xf32>
    tpu.vector_store %arg9[%swap3A_1684], %swap3A_1687 {strides = array<i32>} : memref<2048xf32, #tpu.memory_space<vmem>>, vector<16xf32>,
    %slice3A_1688 = vector.extract_strided_slice %add3A_495 {offsets = [4], sizes = [1], strides = [1]} : vector<16xf32> to vector<1xf32>
    %squeeze3A_1689 = vector.extract %slice3A_1688[0] : f32 from vector<1xf32>
    %add3A_1690 = arith.addf %squeeze3A_1689, %squeeze3A : f32
    %add3A_1691 = vector.broadcast %add3A_1690 : f32 to vector<16xf32>
    %add3A_1692 = arith.addf %add3A_492, %add3A_1691 : vector<16xf32>
    %neg3A_1693 = arith.constant 0.000000e+00 : f32
    %neg3A_1694 = vector.broadcast %neg3A_1693 : f32 to vector<16xf32>
    %neg3A_1695 = arith.subf %neg3A_1694, %add3A_1692 : vector<16xf32>
    %exp3A_1696 = math.exp %neg3A_1695 : vector<16xf32>
    %add3A_1697 = arith.constant 1.000000e+00 : f32
    %add3A_1698 = vector.broadcast %add3A_1697 : f32 to vector<16xf32>
    %add3A_1699 = arith.addf %add3A_1698, %exp3A_1696 : vector<16xf32>
    %div3A_1700 = arith.constant 1.000000e+00 : f32
    %div3A_1701 = vector.broadcast %div3A_1700 : f32 to vector<16xf32>
    %div3A_1702 = arith.divf %div3A_1701, %add3A_1699 : vector<16xf32>
    %swap3A_1703 = arith.constant 128 : index
    %swap3A_1704 = tpu.vector_load %arg9[%swap3A_1703] {strides = array<i32>} : memref<2048xf32, #tpu.memory_space<vmem>>, vector<16xf32>,
    %swap3A_1705 = vector.shape_cast %swap3A_1704 : vector<16xf32> to vector<16xf32>
    %swap3A_1706 = vector.shape_cast %div3A_1702 : vector<16xf32> to vector<16xf32>
    tpu.vector_store %arg9[%swap3A_1703], %swap3A_1706 {strides = array<i32>} : memref<2048xf32, #tpu.memory_space<vmem>>, vector<16xf32>,
    %add3A_1707 = vector.broadcast %add3A_1690 : f32 to vector<16xf32>
    %add3A_1708 = arith.addf %add3A_844, %add3A_1707 : vector<16xf32>
    %neg3A_1709 = arith.constant 0.000000e+00 : f32
    %neg3A_1710 = vector.broadcast %neg3A_1709 : f32 to vector<16xf32>
    %neg3A_1711 = arith.subf %neg3A_1710, %add3A_1708 : vector<16xf32>
    %exp3A_1712 = math.exp %neg3A_1711 : vector<16xf32>
    %add3A_1713 = arith.constant 1.000000e+00 : f32
    %add3A_1714 = vector.broadcast %add3A_1713 : f32 to vector<16xf32>
    %add3A_1715 = arith.addf %add3A_1714, %exp3A_1712 : vector<16xf32>
    %div3A_1716 = arith.constant 1.000000e+00 : f32
    %div3A_1717 = vector.broadcast %div3A_1716 : f32 to vector<16xf32>
    %div3A_1718 = arith.divf %div3A_1717, %add3A_1715 : vector<16xf32>
    %swap3A_1719 = arith.constant 144 : index
    %swap3A_1720 = tpu.vector_load %arg9[%swap3A_1719] {strides = array<i32>} : memref<2048xf32, #tpu.memory_space<vmem>>, vector<16xf32>,
    %swap3A_1721 = vector.shape_cast %swap3A_1720 : vector<16xf32> to vector<16xf32>
    %swap3A_1722 = vector.shape_cast %div3A_1718 : vector<16xf32> to vector<16xf32>
    tpu.vector_store %arg9[%swap3A_1719], %swap3A_1722 {strides = array<i32>} : memref<2048xf32, #tpu.memory_space<vmem>>, vector<16xf32>,
    %slice3A_1723 = vector.extract_strided_slice %add3A_495 {offsets = [5], sizes = [1], strides = [1]} : vector<16xf32> to vector<1xf32>
    %squeeze3A_1724 = vector.extract %slice3A_1723[0] : f32 from vector<1xf32>
    %add3A_1725 = arith.addf %squeeze3A_1724, %squeeze3A : f32
    %add3A_1726 = vector.broadcast %add3A_1725 : f32 to vector<16xf32>
    %add3A_1727 = arith.addf %add3A_492, %add3A_1726 : vector<16xf32>
    %neg3A_1728 = arith.constant 0.000000e+00 : f32
    %neg3A_1729 = vector.broadcast %neg3A_1728 : f32 to vector<16xf32>
    %neg3A_1730 = arith.subf %neg3A_1729, %add3A_1727 : vector<16xf32>
    %exp3A_1731 = math.exp %neg3A_1730 : vector<16xf32>
    %add3A_1732 = arith.constant 1.000000e+00 : f32
    %add3A_1733 = vector.broadcast %add3A_1732 : f32 to vector<16xf32>
    %add3A_1734 = arith.addf %add3A_1733, %exp3A_1731 : vector<16xf32>
    %div3A_1735 = arith.constant 1.000000e+00 : f32
    %div3A_1736 = vector.broadcast %div3A_1735 : f32 to vector<16xf32>
    %div3A_1737 = arith.divf %div3A_1736, %add3A_1734 : vector<16xf32>
    %swap3A_1738 = arith.constant 160 : index
    %swap3A_1739 = tpu.vector_load %arg9[%swap3A_1738] {strides = array<i32>} : memref<2048xf32, #tpu.memory_space<vmem>>, vector<16xf32>,
    %swap3A_1740 = vector.shape_cast %swap3A_1739 : vector<16xf32> to vector<16xf32>
    %swap3A_1741 = vector.shape_cast %div3A_1737 : vector<16xf32> to vector<16xf32>
    tpu.vector_store %arg9[%swap3A_1738], %swap3A_1741 {strides = array<i32>} : memref<2048xf32, #tpu.memory_space<vmem>>, vector<16xf32>,
    %add3A_1742 = vector.broadcast %add3A_1725 : f32 to vector<16xf32>
    %add3A_1743 = arith.addf %add3A_844, %add3A_1742 : vector<16xf32>
    %neg3A_1744 = arith.constant 0.000000e+00 : f32
    %neg3A_1745 = vector.broadcast %neg3A_1744 : f32 to vector<16xf32>
    %neg3A_1746 = arith.subf %neg3A_1745, %add3A_1743 : vector<16xf32>
    %exp3A_1747 = math.exp %neg3A_1746 : vector<16xf32>
    %add3A_1748 = arith.constant 1.000000e+00 : f32
    %add3A_1749 = vector.broadcast %add3A_1748 : f32 to vector<16xf32>
    %add3A_1750 = arith.addf %add3A_1749, %exp3A_1747 : vector<16xf32>
    %div3A_1751 = arith.constant 1.000000e+00 : f32
    %div3A_1752 = vector.broadcast %div3A_1751 : f32 to vector<16xf32>
    %div3A_1753 = arith.divf %div3A_1752, %add3A_1750 : vector<16xf32>
    %swap3A_1754 = arith.constant 176 : index
    %swap3A_1755 = tpu.vector_load %arg9[%swap3A_1754] {strides = array<i32>} : memref<2048xf32, #tpu.memory_space<vmem>>, vector<16xf32>,
    %swap3A_1756 = vector.shape_cast %swap3A_1755 : vector<16xf32> to vector<16xf32>
    %swap3A_1757 = vector.shape_cast %div3A_1753 : vector<16xf32> to vector<16xf32>
    tpu.vector_store %arg9[%swap3A_1754], %swap3A_1757 {strides = array<i32>} : memref<2048xf32, #tpu.memory_space<vmem>>, vector<16xf32>,
    %slice3A_1758 = vector.extract_strided_slice %add3A_495 {offsets = [6], sizes = [1], strides = [1]} : vector<16xf32> to vector<1xf32>
    %squeeze3A_1759 = vector.extract %slice3A_1758[0] : f32 from vector<1xf32>
    %add3A_1760 = arith.addf %squeeze3A_1759, %squeeze3A : f32
    %add3A_1761 = vector.broadcast %add3A_1760 : f32 to vector<16xf32>
    %add3A_1762 = arith.addf %add3A_492, %add3A_1761 : vector<16xf32>
    %neg3A_1763 = arith.constant 0.000000e+00 : f32
    %neg3A_1764 = vector.broadcast %neg3A_1763 : f32 to vector<16xf32>
    %neg3A_1765 = arith.subf %neg3A_1764, %add3A_1762 : vector<16xf32>
    %exp3A_1766 = math.exp %neg3A_1765 : vector<16xf32>
    %add3A_1767 = arith.constant 1.000000e+00 : f32
    %add3A_1768 = vector.broadcast %add3A_1767 : f32 to vector<16xf32>
    %add3A_1769 = arith.addf %add3A_1768, %exp3A_1766 : vector<16xf32>
    %div3A_1770 = arith.constant 1.000000e+00 : f32
    %div3A_1771 = vector.broadcast %div3A_1770 : f32 to vector<16xf32>
    %div3A_1772 = arith.divf %div3A_1771, %add3A_1769 : vector<16xf32>
    %swap3A_1773 = arith.constant 192 : index
    %swap3A_1774 = tpu.vector_load %arg9[%swap3A_1773] {strides = array<i32>} : memref<2048xf32, #tpu.memory_space<vmem>>, vector<16xf32>,
    %swap3A_1775 = vector.shape_cast %swap3A_1774 : vector<16xf32> to vector<16xf32>
    %swap3A_1776 = vector.shape_cast %div3A_1772 : vector<16xf32> to vector<16xf32>
    tpu.vector_store %arg9[%swap3A_1773], %swap3A_1776 {strides = array<i32>} : memref<2048xf32, #tpu.memory_space<vmem>>, vector<16xf32>,
    %add3A_1777 = vector.broadcast %add3A_1760 : f32 to vector<16xf32>
    %add3A_1778 = arith.addf %add3A_844, %add3A_1777 : vector<16xf32>
    %neg3A_1779 = arith.constant 0.000000e+00 : f32
    %neg3A_1780 = vector.broadcast %neg3A_1779 : f32 to vector<16xf32>
    %neg3A_1781 = arith.subf %neg3A_1780, %add3A_1778 : vector<16xf32>
    %exp3A_1782 = math.exp %neg3A_1781 : vector<16xf32>
    %add3A_1783 = arith.constant 1.000000e+00 : f32
    %add3A_1784 = vector.broadcast %add3A_1783 : f32 to vector<16xf32>
    %add3A_1785 = arith.addf %add3A_1784, %exp3A_1782 : vector<16xf32>
    %div3A_1786 = arith.constant 1.000000e+00 : f32
    %div3A_1787 = vector.broadcast %div3A_1786 : f32 to vector<16xf32>
    %div3A_1788 = arith.divf %div3A_1787, %add3A_1785 : vector<16xf32>
    %swap3A_1789 = arith.constant 208 : index
    %swap3A_1790 = tpu.vector_load %arg9[%swap3A_1789] {strides = array<i32>} : memref<2048xf32, #tpu.memory_space<vmem>>, vector<16xf32>,
    %swap3A_1791 = vector.shape_cast %swap3A_1790 : vector<16xf32> to vector<16xf32>
    %swap3A_1792 = vector.shape_cast %div3A_1788 : vector<16xf32> to vector<16xf32>
    tpu.vector_store %arg9[%swap3A_1789], %swap3A_1792 {strides = array<i32>} : memref<2048xf32, #tpu.memory_space<vmem>>, vector<16xf32>,
    %slice3A_1793 = vector.extract_strided_slice %add3A_495 {offsets = [7], sizes = [1], strides = [1]} : vector<16xf32> to vector<1xf32>
    %squeeze3A_1794 = vector.extract %slice3A_1793[0] : f32 from vector<1xf32>
    %add3A_1795 = arith.addf %squeeze3A_1794, %squeeze3A : f32
    %add3A_1796 = vector.broadcast %add3A_1795 : f32 to vector<16xf32>
    %add3A_1797 = arith.addf %add3A_492, %add3A_1796 : vector<16xf32>
    %neg3A_1798 = arith.constant 0.000000e+00 : f32
    %neg3A_1799 = vector.broadcast %neg3A_1798 : f32 to vector<16xf32>
    %neg3A_1800 = arith.subf %neg3A_1799, %add3A_1797 : vector<16xf32>
    %exp3A_1801 = math.exp %neg3A_1800 : vector<16xf32>
    %add3A_1802 = arith.constant 1.000000e+00 : f32
    %add3A_1803 = vector.broadcast %add3A_1802 : f32 to vector<16xf32>
    %add3A_1804 = arith.addf %add3A_1803, %exp3A_1801 : vector<16xf32>
    %div3A_1805 = arith.constant 1.000000e+00 : f32
    %div3A_1806 = vector.broadcast %div3A_1805 : f32 to vector<16xf32>
    %div3A_1807 = arith.divf %div3A_1806, %add3A_1804 : vector<16xf32>
    %swap3A_1808 = arith.constant 224 : index
    %swap3A_1809 = tpu.vector_load %arg9[%swap3A_1808] {strides = array<i32>} : memref<2048xf32, #tpu.memory_space<vmem>>, vector<16xf32>,
    %swap3A_1810 = vector.shape_cast %swap3A_1809 : vector<16xf32> to vector<16xf32>
    %swap3A_1811 = vector.shape_cast %div3A_1807 : vector<16xf32> to vector<16xf32>
    tpu.vector_store %arg9[%swap3A_1808], %swap3A_1811 {strides = array<i32>} : memref<2048xf32, #tpu.memory_space<vmem>>, vector<16xf32>,
    %add3A_1812 = vector.broadcast %add3A_1795 : f32 to vector<16xf32>
    %add3A_1813 = arith.addf %add3A_844, %add3A_1812 : vector<16xf32>
    %neg3A_1814 = arith.constant 0.000000e+00 : f32
    %neg3A_1815 = vector.broadcast %neg3A_1814 : f32 to vector<16xf32>
    %neg3A_1816 = arith.subf %neg3A_1815, %add3A_1813 : vector<16xf32>
    %exp3A_1817 = math.exp %neg3A_1816 : vector<16xf32>
    %add3A_1818 = arith.constant 1.000000e+00 : f32
    %add3A_1819 = vector.broadcast %add3A_1818 : f32 to vector<16xf32>
    %add3A_1820 = arith.addf %add3A_1819, %exp3A_1817 : vector<16xf32>
    %div3A_1821 = arith.constant 1.000000e+00 : f32
    %div3A_1822 = vector.broadcast %div3A_1821 : f32 to vector<16xf32>
    %div3A_1823 = arith.divf %div3A_1822, %add3A_1820 : vector<16xf32>
    %swap3A_1824 = arith.constant 240 : index
    %swap3A_1825 = tpu.vector_load %arg9[%swap3A_1824] {strides = array<i32>} : memref<2048xf32, #tpu.memory_space<vmem>>, vector<16xf32>,
    %swap3A_1826 = vector.shape_cast %swap3A_1825 : vector<16xf32> to vector<16xf32>
    %swap3A_1827 = vector.shape_cast %div3A_1823 : vector<16xf32> to vector<16xf32>
    tpu.vector_store %arg9[%swap3A_1824], %swap3A_1827 {strides = array<i32>} : memref<2048xf32, #tpu.memory_space<vmem>>, vector<16xf32>,
    %slice3A_1828 = vector.extract_strided_slice %add3A_495 {offsets = [8], sizes = [1], strides = [1]} : vector<16xf32> to vector<1xf32>
    %squeeze3A_1829 = vector.extract %slice3A_1828[0] : f32 from vector<1xf32>
    %add3A_1830 = arith.addf %squeeze3A_1829, %squeeze3A : f32
    %add3A_1831 = vector.broadcast %add3A_1830 : f32 to vector<16xf32>
    %add3A_1832 = arith.addf %add3A_492, %add3A_1831 : vector<16xf32>
    %neg3A_1833 = arith.constant 0.000000e+00 : f32
    %neg3A_1834 = vector.broadcast %neg3A_1833 : f32 to vector<16xf32>
    %neg3A_1835 = arith.subf %neg3A_1834, %add3A_1832 : vector<16xf32>
    %exp3A_1836 = math.exp %neg3A_1835 : vector<16xf32>
    %add3A_1837 = arith.constant 1.000000e+00 : f32
    %add3A_1838 = vector.broadcast %add3A_1837 : f32 to vector<16xf32>
    %add3A_1839 = arith.addf %add3A_1838, %exp3A_1836 : vector<16xf32>
    %div3A_1840 = arith.constant 1.000000e+00 : f32
    %div3A_1841 = vector.broadcast %div3A_1840 : f32 to vector<16xf32>
    %div3A_1842 = arith.divf %div3A_1841, %add3A_1839 : vector<16xf32>
    %swap3A_1843 = arith.constant 256 : index
    %swap3A_1844 = tpu.vector_load %arg9[%swap3A_1843] {strides = array<i32>} : memref<2048xf32, #tpu.memory_space<vmem>>, vector<16xf32>,
    %swap3A_1845 = vector.shape_cast %swap3A_1844 : vector<16xf32> to vector<16xf32>
    %swap3A_1846 = vector.shape_cast %div3A_1842 : vector<16xf32> to vector<16xf32>
    tpu.vector_store %arg9[%swap3A_1843], %swap3A_1846 {strides = array<i32>} : memref<2048xf32, #tpu.memory_space<vmem>>, vector<16xf32>,
    %add3A_1847 = vector.broadcast %add3A_1830 : f32 to vector<16xf32>
    %add3A_1848 = arith.addf %add3A_844, %add3A_1847 : vector<16xf32>
    %neg3A_1849 = arith.constant 0.000000e+00 : f32
    %neg3A_1850 = vector.broadcast %neg3A_1849 : f32 to vector<16xf32>
    %neg3A_1851 = arith.subf %neg3A_1850, %add3A_1848 : vector<16xf32>
    %exp3A_1852 = math.exp %neg3A_1851 : vector<16xf32>
    %add3A_1853 = arith.constant 1.000000e+00 : f32
    %add3A_1854 = vector.broadcast %add3A_1853 : f32 to vector<16xf32>
    %add3A_1855 = arith.addf %add3A_1854, %exp3A_1852 : vector<16xf32>
    %div3A_1856 = arith.constant 1.000000e+00 : f32
    %div3A_1857 = vector.broadcast %div3A_1856 : f32 to vector<16xf32>
    %div3A_1858 = arith.divf %div3A_1857, %add3A_1855 : vector<16xf32>
    %swap3A_1859 = arith.constant 272 : index
    %swap3A_1860 = tpu.vector_load %arg9[%swap3A_1859] {strides = array<i32>} : memref<2048xf32, #tpu.memory_space<vmem>>, vector<16xf32>,
    %swap3A_1861 = vector.shape_cast %swap3A_1860 : vector<16xf32> to vector<16xf32>
    %swap3A_1862 = vector.shape_cast %div3A_1858 : vector<16xf32> to vector<16xf32>
    tpu.vector_store %arg9[%swap3A_1859], %swap3A_1862 {strides = array<i32>} : memref<2048xf32, #tpu.memory_space<vmem>>, vector<16xf32>,
    %slice3A_1863 = vector.extract_strided_slice %add3A_495 {offsets = [9], sizes = [1], strides = [1]} : vector<16xf32> to vector<1xf32>
    %squeeze3A_1864 = vector.extract %slice3A_1863[0] : f32 from vector<1xf32>
    %add3A_1865 = arith.addf %squeeze3A_1864, %squeeze3A : f32
    %add3A_1866 = vector.broadcast %add3A_1865 : f32 to vector<16xf32>
    %add3A_1867 = arith.addf %add3A_492, %add3A_1866 : vector<16xf32>
    %neg3A_1868 = arith.constant 0.000000e+00 : f32
    %neg3A_1869 = vector.broadcast %neg3A_1868 : f32 to vector<16xf32>
    %neg3A_1870 = arith.subf %neg3A_1869, %add3A_1867 : vector<16xf32>
    %exp3A_1871 = math.exp %neg3A_1870 : vector<16xf32>
    %add3A_1872 = arith.constant 1.000000e+00 : f32
    %add3A_1873 = vector.broadcast %add3A_1872 : f32 to vector<16xf32>
    %add3A_1874 = arith.addf %add3A_1873, %exp3A_1871 : vector<16xf32>
    %div3A_1875 = arith.constant 1.000000e+00 : f32
    %div3A_1876 = vector.broadcast %div3A_1875 : f32 to vector<16xf32>
    %div3A_1877 = arith.divf %div3A_1876, %add3A_1874 : vector<16xf32>
    %swap3A_1878 = arith.constant 288 : index
    %swap3A_1879 = tpu.vector_load %arg9[%swap3A_1878] {strides = array<i32>} : memref<2048xf32, #tpu.memory_space<vmem>>, vector<16xf32>,
    %swap3A_1880 = vector.shape_cast %swap3A_1879 : vector<16xf32> to vector<16xf32>
    %swap3A_1881 = vector.shape_cast %div3A_1877 : vector<16xf32> to vector<16xf32>
    tpu.vector_store %arg9[%swap3A_1878], %swap3A_1881 {strides = array<i32>} : memref<2048xf32, #tpu.memory_space<vmem>>, vector<16xf32>,
    %add3A_1882 = vector.broadcast %add3A_1865 : f32 to vector<16xf32>
    %add3A_1883 = arith.addf %add3A_844, %add3A_1882 : vector<16xf32>
    %neg3A_1884 = arith.constant 0.000000e+00 : f32
    %neg3A_1885 = vector.broadcast %neg3A_1884 : f32 to vector<16xf32>
    %neg3A_1886 = arith.subf %neg3A_1885, %add3A_1883 : vector<16xf32>
    %exp3A_1887 = math.exp %neg3A_1886 : vector<16xf32>
    %add3A_1888 = arith.constant 1.000000e+00 : f32
    %add3A_1889 = vector.broadcast %add3A_1888 : f32 to vector<16xf32>
    %add3A_1890 = arith.addf %add3A_1889, %exp3A_1887 : vector<16xf32>
    %div3A_1891 = arith.constant 1.000000e+00 : f32
    %div3A_1892 = vector.broadcast %div3A_1891 : f32 to vector<16xf32>
    %div3A_1893 = arith.divf %div3A_1892, %add3A_1890 : vector<16xf32>
    %swap3A_1894 = arith.constant 304 : index
    %swap3A_1895 = tpu.vector_load %arg9[%swap3A_1894] {strides = array<i32>} : memref<2048xf32, #tpu.memory_space<vmem>>, vector<16xf32>,
    %swap3A_1896 = vector.shape_cast %swap3A_1895 : vector<16xf32> to vector<16xf32>
    %swap3A_1897 = vector.shape_cast %div3A_1893 : vector<16xf32> to vector<16xf32>
    tpu.vector_store %arg9[%swap3A_1894], %swap3A_1897 {strides = array<i32>} : memref<2048xf32, #tpu.memory_space<vmem>>, vector<16xf32>,
    %slice3A_1898 = vector.extract_strided_slice %add3A_495 {offsets = [10], sizes = [1], strides = [1]} : vector<16xf32> to vector<1xf32>
    %squeeze3A_1899 = vector.extract %slice3A_1898[0] : f32 from vector<1xf32>
    %add3A_1900 = arith.addf %squeeze3A_1899, %squeeze3A : f32
    %add3A_1901 = vector.broadcast %add3A_1900 : f32 to vector<16xf32>
    %add3A_1902 = arith.addf %add3A_492, %add3A_1901 : vector<16xf32>
    %neg3A_1903 = arith.constant 0.000000e+00 : f32
    %neg3A_1904 = vector.broadcast %neg3A_1903 : f32 to vector<16xf32>
    %neg3A_1905 = arith.subf %neg3A_1904, %add3A_1902 : vector<16xf32>
    %exp3A_1906 = math.exp %neg3A_1905 : vector<16xf32>
    %add3A_1907 = arith.constant 1.000000e+00 : f32
    %add3A_1908 = vector.broadcast %add3A_1907 : f32 to vector<16xf32>
    %add3A_1909 = arith.addf %add3A_1908, %exp3A_1906 : vector<16xf32>
    %div3A_1910 = arith.constant 1.000000e+00 : f32
    %div3A_1911 = vector.broadcast %div3A_1910 : f32 to vector<16xf32>
    %div3A_1912 = arith.divf %div3A_1911, %add3A_1909 : vector<16xf32>
    %swap3A_1913 = arith.constant 320 : index
    %swap3A_1914 = tpu.vector_load %arg9[%swap3A_1913] {strides = array<i32>} : memref<2048xf32, #tpu.memory_space<vmem>>, vector<16xf32>,
    %swap3A_1915 = vector.shape_cast %swap3A_1914 : vector<16xf32> to vector<16xf32>
    %swap3A_1916 = vector.shape_cast %div3A_1912 : vector<16xf32> to vector<16xf32>
    tpu.vector_store %arg9[%swap3A_1913], %swap3A_1916 {strides = array<i32>} : memref<2048xf32, #tpu.memory_space<vmem>>, vector<16xf32>,
    %add3A_1917 = vector.broadcast %add3A_1900 : f32 to vector<16xf32>
    %add3A_1918 = arith.addf %add3A_844, %add3A_1917 : vector<16xf32>
    %neg3A_1919 = arith.constant 0.000000e+00 : f32
    %neg3A_1920 = vector.broadcast %neg3A_1919 : f32 to vector<16xf32>
    %neg3A_1921 = arith.subf %neg3A_1920, %add3A_1918 : vector<16xf32>
    %exp3A_1922 = math.exp %neg3A_1921 : vector<16xf32>
    %add3A_1923 = arith.constant 1.000000e+00 : f32
    %add3A_1924 = vector.broadcast %add3A_1923 : f32 to vector<16xf32>
    %add3A_1925 = arith.addf %add3A_1924, %exp3A_1922 : vector<16xf32>
    %div3A_1926 = arith.constant 1.000000e+00 : f32
    %div3A_1927 = vector.broadcast %div3A_1926 : f32 to vector<16xf32>
    %div3A_1928 = arith.divf %div3A_1927, %add3A_1925 : vector<16xf32>
    %swap3A_1929 = arith.constant 336 : index
    %swap3A_1930 = tpu.vector_load %arg9[%swap3A_1929] {strides = array<i32>} : memref<2048xf32, #tpu.memory_space<vmem>>, vector<16xf32>,
    %swap3A_1931 = vector.shape_cast %swap3A_1930 : vector<16xf32> to vector<16xf32>
    %swap3A_1932 = vector.shape_cast %div3A_1928 : vector<16xf32> to vector<16xf32>
    tpu.vector_store %arg9[%swap3A_1929], %swap3A_1932 {strides = array<i32>} : memref<2048xf32, #tpu.memory_space<vmem>>, vector<16xf32>,
    %slice3A_1933 = vector.extract_strided_slice %add3A_495 {offsets = [11], sizes = [1], strides = [1]} : vector<16xf32> to vector<1xf32>
    %squeeze3A_1934 = vector.extract %slice3A_1933[0] : f32 from vector<1xf32>
    %add3A_1935 = arith.addf %squeeze3A_1934, %squeeze3A : f32
    %add3A_1936 = vector.broadcast %add3A_1935 : f32 to vector<16xf32>
    %add3A_1937 = arith.addf %add3A_492, %add3A_1936 : vector<16xf32>
    %neg3A_1938 = arith.constant 0.000000e+00 : f32
    %neg3A_1939 = vector.broadcast %neg3A_1938 : f32 to vector<16xf32>
    %neg3A_1940 = arith.subf %neg3A_1939, %add3A_1937 : vector<16xf32>
    %exp3A_1941 = math.exp %neg3A_1940 : vector<16xf32>
    %add3A_1942 = arith.constant 1.000000e+00 : f32
    %add3A_1943 = vector.broadcast %add3A_1942 : f32 to vector<16xf32>
    %add3A_1944 = arith.addf %add3A_1943, %exp3A_1941 : vector<16xf32>
    %div3A_1945 = arith.constant 1.000000e+00 : f32
    %div3A_1946 = vector.broadcast %div3A_1945 : f32 to vector<16xf32>
    %div3A_1947 = arith.divf %div3A_1946, %add3A_1944 : vector<16xf32>
    %swap3A_1948 = arith.constant 352 : index
    %swap3A_1949 = tpu.vector_load %arg9[%swap3A_1948] {strides = array<i32>} : memref<2048xf32, #tpu.memory_space<vmem>>, vector<16xf32>,
    %swap3A_1950 = vector.shape_cast %swap3A_1949 : vector<16xf32> to vector<16xf32>
    %swap3A_1951 = vector.shape_cast %div3A_1947 : vector<16xf32> to vector<16xf32>
    tpu.vector_store %arg9[%swap3A_1948], %swap3A_1951 {strides = array<i32>} : memref<2048xf32, #tpu.memory_space<vmem>>, vector<16xf32>,
    %add3A_1952 = vector.broadcast %add3A_1935 : f32 to vector<16xf32>
    %add3A_1953 = arith.addf %add3A_844, %add3A_1952 : vector<16xf32>
    %neg3A_1954 = arith.constant 0.000000e+00 : f32
    %neg3A_1955 = vector.broadcast %neg3A_1954 : f32 to vector<16xf32>
    %neg3A_1956 = arith.subf %neg3A_1955, %add3A_1953 : vector<16xf32>
    %exp3A_1957 = math.exp %neg3A_1956 : vector<16xf32>
    %add3A_1958 = arith.constant 1.000000e+00 : f32
    %add3A_1959 = vector.broadcast %add3A_1958 : f32 to vector<16xf32>
    %add3A_1960 = arith.addf %add3A_1959, %exp3A_1957 : vector<16xf32>
    %div3A_1961 = arith.constant 1.000000e+00 : f32
    %div3A_1962 = vector.broadcast %div3A_1961 : f32 to vector<16xf32>
    %div3A_1963 = arith.divf %div3A_1962, %add3A_1960 : vector<16xf32>
    %swap3A_1964 = arith.constant 368 : index
    %swap3A_1965 = tpu.vector_load %arg9[%swap3A_1964] {strides = array<i32>} : memref<2048xf32, #tpu.memory_space<vmem>>, vector<16xf32>,
    %swap3A_1966 = vector.shape_cast %swap3A_1965 : vector<16xf32> to vector<16xf32>
    %swap3A_1967 = vector.shape_cast %div3A_1963 : vector<16xf32> to vector<16xf32>
    tpu.vector_store %arg9[%swap3A_1964], %swap3A_1967 {strides = array<i32>} : memref<2048xf32, #tpu.memory_space<vmem>>, vector<16xf32>,
    %slice3A_1968 = vector.extract_strided_slice %add3A_495 {offsets = [12], sizes = [1], strides = [1]} : vector<16xf32> to vector<1xf32>
    %squeeze3A_1969 = vector.extract %slice3A_1968[0] : f32 from vector<1xf32>
    %add3A_1970 = arith.addf %squeeze3A_1969, %squeeze3A : f32
    %add3A_1971 = vector.broadcast %add3A_1970 : f32 to vector<16xf32>
    %add3A_1972 = arith.addf %add3A_492, %add3A_1971 : vector<16xf32>
    %neg3A_1973 = arith.constant 0.000000e+00 : f32
    %neg3A_1974 = vector.broadcast %neg3A_1973 : f32 to vector<16xf32>
    %neg3A_1975 = arith.subf %neg3A_1974, %add3A_1972 : vector<16xf32>
    %exp3A_1976 = math.exp %neg3A_1975 : vector<16xf32>
    %add3A_1977 = arith.constant 1.000000e+00 : f32
    %add3A_1978 = vector.broadcast %add3A_1977 : f32 to vector<16xf32>
    %add3A_1979 = arith.addf %add3A_1978, %exp3A_1976 : vector<16xf32>
    %div3A_1980 = arith.constant 1.000000e+00 : f32
    %div3A_1981 = vector.broadcast %div3A_1980 : f32 to vector<16xf32>
    %div3A_1982 = arith.divf %div3A_1981, %add3A_1979 : vector<16xf32>
    %swap3A_1983 = arith.constant 384 : index
    %swap3A_1984 = tpu.vector_load %arg9[%swap3A_1983] {strides = array<i32>} : memref<2048xf32, #tpu.memory_space<vmem>>, vector<16xf32>,
    %swap3A_1985 = vector.shape_cast %swap3A_1984 : vector<16xf32> to vector<16xf32>
    %swap3A_1986 = vector.shape_cast %div3A_1982 : vector<16xf32> to vector<16xf32>
    tpu.vector_store %arg9[%swap3A_1983], %swap3A_1986 {strides = array<i32>} : memref<2048xf32, #tpu.memory_space<vmem>>, vector<16xf32>,
    %add3A_1987 = vector.broadcast %add3A_1970 : f32 to vector<16xf32>
    %add3A_1988 = arith.addf %add3A_844, %add3A_1987 : vector<16xf32>
    %neg3A_1989 = arith.constant 0.000000e+00 : f32
    %neg3A_1990 = vector.broadcast %neg3A_1989 : f32 to vector<16xf32>
    %neg3A_1991 = arith.subf %neg3A_1990, %add3A_1988 : vector<16xf32>
    %exp3A_1992 = math.exp %neg3A_1991 : vector<16xf32>
    %add3A_1993 = arith.constant 1.000000e+00 : f32
    %add3A_1994 = vector.broadcast %add3A_1993 : f32 to vector<16xf32>
    %add3A_1995 = arith.addf %add3A_1994, %exp3A_1992 : vector<16xf32>
    %div3A_1996 = arith.constant 1.000000e+00 : f32
    %div3A_1997 = vector.broadcast %div3A_1996 : f32 to vector<16xf32>
    %div3A_1998 = arith.divf %div3A_1997, %add3A_1995 : vector<16xf32>
    %swap3A_1999 = arith.constant 400 : index
    %swap3A_2000 = tpu.vector_load %arg9[%swap3A_1999] {strides = array<i32>} : memref<2048xf32, #tpu.memory_space<vmem>>, vector<16xf32>,
    %swap3A_2001 = vector.shape_cast %swap3A_2000 : vector<16xf32> to vector<16xf32>
    %swap3A_2002 = vector.shape_cast %div3A_1998 : vector<16xf32> to vector<16xf32>
    tpu.vector_store %arg9[%swap3A_1999], %swap3A_2002 {strides = array<i32>} : memref<2048xf32, #tpu.memory_space<vmem>>, vector<16xf32>,
    %slice3A_2003 = vector.extract_strided_slice %add3A_495 {offsets = [13], sizes = [1], strides = [1]} : vector<16xf32> to vector<1xf32>
    %squeeze3A_2004 = vector.extract %slice3A_2003[0] : f32 from vector<1xf32>
    %add3A_2005 = arith.addf %squeeze3A_2004, %squeeze3A : f32
    %add3A_2006 = vector.broadcast %add3A_2005 : f32 to vector<16xf32>
    %add3A_2007 = arith.addf %add3A_492, %add3A_2006 : vector<16xf32>
    %neg3A_2008 = arith.constant 0.000000e+00 : f32
    %neg3A_2009 = vector.broadcast %neg3A_2008 : f32 to vector<16xf32>
    %neg3A_2010 = arith.subf %neg3A_2009, %add3A_2007 : vector<16xf32>
    %exp3A_2011 = math.exp %neg3A_2010 : vector<16xf32>
    %add3A_2012 = arith.constant 1.000000e+00 : f32
    %add3A_2013 = vector.broadcast %add3A_2012 : f32 to vector<16xf32>
    %add3A_2014 = arith.addf %add3A_2013, %exp3A_2011 : vector<16xf32>
    %div3A_2015 = arith.constant 1.000000e+00 : f32
    %div3A_2016 = vector.broadcast %div3A_2015 : f32 to vector<16xf32>
    %div3A_2017 = arith.divf %div3A_2016, %add3A_2014 : vector<16xf32>
    %swap3A_2018 = arith.constant 416 : index
    %swap3A_2019 = tpu.vector_load %arg9[%swap3A_2018] {strides = array<i32>} : memref<2048xf32, #tpu.memory_space<vmem>>, vector<16xf32>,
    %swap3A_2020 = vector.shape_cast %swap3A_2019 : vector<16xf32> to vector<16xf32>
    %swap3A_2021 = vector.shape_cast %div3A_2017 : vector<16xf32> to vector<16xf32>
    tpu.vector_store %arg9[%swap3A_2018], %swap3A_2021 {strides = array<i32>} : memref<2048xf32, #tpu.memory_space<vmem>>, vector<16xf32>,
    %add3A_2022 = vector.broadcast %add3A_2005 : f32 to vector<16xf32>
    %add3A_2023 = arith.addf %add3A_844, %add3A_2022 : vector<16xf32>
    %neg3A_2024 = arith.constant 0.000000e+00 : f32
    %neg3A_2025 = vector.broadcast %neg3A_2024 : f32 to vector<16xf32>
    %neg3A_2026 = arith.subf %neg3A_2025, %add3A_2023 : vector<16xf32>
    %exp3A_2027 = math.exp %neg3A_2026 : vector<16xf32>
    %add3A_2028 = arith.constant 1.000000e+00 : f32
    %add3A_2029 = vector.broadcast %add3A_2028 : f32 to vector<16xf32>
    %add3A_2030 = arith.addf %add3A_2029, %exp3A_2027 : vector<16xf32>
    %div3A_2031 = arith.constant 1.000000e+00 : f32
    %div3A_2032 = vector.broadcast %div3A_2031 : f32 to vector<16xf32>
    %div3A_2033 = arith.divf %div3A_2032, %add3A_2030 : vector<16xf32>
    %swap3A_2034 = arith.constant 432 : index
    %swap3A_2035 = tpu.vector_load %arg9[%swap3A_2034] {strides = array<i32>} : memref<2048xf32, #tpu.memory_space<vmem>>, vector<16xf32>,
    %swap3A_2036 = vector.shape_cast %swap3A_2035 : vector<16xf32> to vector<16xf32>
    %swap3A_2037 = vector.shape_cast %div3A_2033 : vector<16xf32> to vector<16xf32>
    tpu.vector_store %arg9[%swap3A_2034], %swap3A_2037 {strides = array<i32>} : memref<2048xf32, #tpu.memory_space<vmem>>, vector<16xf32>,
    %slice3A_2038 = vector.extract_strided_slice %add3A_495 {offsets = [14], sizes = [1], strides = [1]} : vector<16xf32> to vector<1xf32>
    %squeeze3A_2039 = vector.extract %slice3A_2038[0] : f32 from vector<1xf32>
    %add3A_2040 = arith.addf %squeeze3A_2039, %squeeze3A : f32
    %add3A_2041 = vector.broadcast %add3A_2040 : f32 to vector<16xf32>
    %add3A_2042 = arith.addf %add3A_492, %add3A_2041 : vector<16xf32>
    %neg3A_2043 = arith.constant 0.000000e+00 : f32
    %neg3A_2044 = vector.broadcast %neg3A_2043 : f32 to vector<16xf32>
    %neg3A_2045 = arith.subf %neg3A_2044, %add3A_2042 : vector<16xf32>
    %exp3A_2046 = math.exp %neg3A_2045 : vector<16xf32>
    %add3A_2047 = arith.constant 1.000000e+00 : f32
    %add3A_2048 = vector.broadcast %add3A_2047 : f32 to vector<16xf32>
    %add3A_2049 = arith.addf %add3A_2048, %exp3A_2046 : vector<16xf32>
    %div3A_2050 = arith.constant 1.000000e+00 : f32
    %div3A_2051 = vector.broadcast %div3A_2050 : f32 to vector<16xf32>
    %div3A_2052 = arith.divf %div3A_2051, %add3A_2049 : vector<16xf32>
    %swap3A_2053 = arith.constant 448 : index
    %swap3A_2054 = tpu.vector_load %arg9[%swap3A_2053] {strides = array<i32>} : memref<2048xf32, #tpu.memory_space<vmem>>, vector<16xf32>,
    %swap3A_2055 = vector.shape_cast %swap3A_2054 : vector<16xf32> to vector<16xf32>
    %swap3A_2056 = vector.shape_cast %div3A_2052 : vector<16xf32> to vector<16xf32>
    tpu.vector_store %arg9[%swap3A_2053], %swap3A_2056 {strides = array<i32>} : memref<2048xf32, #tpu.memory_space<vmem>>, vector<16xf32>,
    %add3A_2057 = vector.broadcast %add3A_2040 : f32 to vector<16xf32>
    %add3A_2058 = arith.addf %add3A_844, %add3A_2057 : vector<16xf32>
    %neg3A_2059 = arith.constant 0.000000e+00 : f32
    %neg3A_2060 = vector.broadcast %neg3A_2059 : f32 to vector<16xf32>
    %neg3A_2061 = arith.subf %neg3A_2060, %add3A_2058 : vector<16xf32>
    %exp3A_2062 = math.exp %neg3A_2061 : vector<16xf32>
    %add3A_2063 = arith.constant 1.000000e+00 : f32
    %add3A_2064 = vector.broadcast %add3A_2063 : f32 to vector<16xf32>
    %add3A_2065 = arith.addf %add3A_2064, %exp3A_2062 : vector<16xf32>
    %div3A_2066 = arith.constant 1.000000e+00 : f32
    %div3A_2067 = vector.broadcast %div3A_2066 : f32 to vector<16xf32>
    %div3A_2068 = arith.divf %div3A_2067, %add3A_2065 : vector<16xf32>
    %swap3A_2069 = arith.constant 464 : index
    %swap3A_2070 = tpu.vector_load %arg9[%swap3A_2069] {strides = array<i32>} : memref<2048xf32, #tpu.memory_space<vmem>>, vector<16xf32>,
    %swap3A_2071 = vector.shape_cast %swap3A_2070 : vector<16xf32> to vector<16xf32>
    %swap3A_2072 = vector.shape_cast %div3A_2068 : vector<16xf32> to vector<16xf32>
    tpu.vector_store %arg9[%swap3A_2069], %swap3A_2072 {strides = array<i32>} : memref<2048xf32, #tpu.memory_space<vmem>>, vector<16xf32>,
    %slice3A_2073 = vector.extract_strided_slice %add3A_495 {offsets = [15], sizes = [1], strides = [1]} : vector<16xf32> to vector<1xf32>
    %squeeze3A_2074 = vector.extract %slice3A_2073[0] : f32 from vector<1xf32>
    %add3A_2075 = arith.addf %squeeze3A_2074, %squeeze3A : f32
    %add3A_2076 = vector.broadcast %add3A_2075 : f32 to vector<16xf32>
    %add3A_2077 = arith.addf %add3A_492, %add3A_2076 : vector<16xf32>
    %neg3A_2078 = arith.constant 0.000000e+00 : f32
    %neg3A_2079 = vector.broadcast %neg3A_2078 : f32 to vector<16xf32>
    %neg3A_2080 = arith.subf %neg3A_2079, %add3A_2077 : vector<16xf32>
    %exp3A_2081 = math.exp %neg3A_2080 : vector<16xf32>
    %add3A_2082 = arith.constant 1.000000e+00 : f32
    %add3A_2083 = vector.broadcast %add3A_2082 : f32 to vector<16xf32>
    %add3A_2084 = arith.addf %add3A_2083, %exp3A_2081 : vector<16xf32>
    %div3A_2085 = arith.constant 1.000000e+00 : f32
    %div3A_2086 = vector.broadcast %div3A_2085 : f32 to vector<16xf32>
    %div3A_2087 = arith.divf %div3A_2086, %add3A_2084 : vector<16xf32>
    %swap3A_2088 = arith.constant 480 : index
    %swap3A_2089 = tpu.vector_load %arg9[%swap3A_2088] {strides = array<i32>} : memref<2048xf32, #tpu.memory_space<vmem>>, vector<16xf32>,
    %swap3A_2090 = vector.shape_cast %swap3A_2089 : vector<16xf32> to vector<16xf32>
    %swap3A_2091 = vector.shape_cast %div3A_2087 : vector<16xf32> to vector<16xf32>
    tpu.vector_store %arg9[%swap3A_2088], %swap3A_2091 {strides = array<i32>} : memref<2048xf32, #tpu.memory_space<vmem>>, vector<16xf32>,
    %add3A_2092 = vector.broadcast %add3A_2075 : f32 to vector<16xf32>
    %add3A_2093 = arith.addf %add3A_844, %add3A_2092 : vector<16xf32>
    %neg3A_2094 = arith.constant 0.000000e+00 : f32
    %neg3A_2095 = vector.broadcast %neg3A_2094 : f32 to vector<16xf32>
    %neg3A_2096 = arith.subf %neg3A_2095, %add3A_2093 : vector<16xf32>
    %exp3A_2097 = math.exp %neg3A_2096 : vector<16xf32>
    %add3A_2098 = arith.constant 1.000000e+00 : f32
    %add3A_2099 = vector.broadcast %add3A_2098 : f32 to vector<16xf32>
    %add3A_2100 = arith.addf %add3A_2099, %exp3A_2097 : vector<16xf32>
    %div3A_2101 = arith.constant 1.000000e+00 : f32
    %div3A_2102 = vector.broadcast %div3A_2101 : f32 to vector<16xf32>
    %div3A_2103 = arith.divf %div3A_2102, %add3A_2100 : vector<16xf32>
    %swap3A_2104 = arith.constant 496 : index
    %swap3A_2105 = tpu.vector_load %arg9[%swap3A_2104] {strides = array<i32>} : memref<2048xf32, #tpu.memory_space<vmem>>, vector<16xf32>,
    %swap3A_2106 = vector.shape_cast %swap3A_2105 : vector<16xf32> to vector<16xf32>
    %swap3A_2107 = vector.shape_cast %div3A_2103 : vector<16xf32> to vector<16xf32>
    tpu.vector_store %arg9[%swap3A_2104], %swap3A_2107 {strides = array<i32>} : memref<2048xf32, #tpu.memory_space<vmem>>, vector<16xf32>,
    %slice3A_2108 = vector.extract_strided_slice %add3A_847 {offsets = [0], sizes = [1], strides = [1]} : vector<16xf32> to vector<1xf32>
    %squeeze3A_2109 = vector.extract %slice3A_2108[0] : f32 from vector<1xf32>
    %add3A_2110 = arith.addf %squeeze3A_2109, %squeeze3A : f32
    %add3A_2111 = vector.broadcast %add3A_2110 : f32 to vector<16xf32>
    %add3A_2112 = arith.addf %add3A_492, %add3A_2111 : vector<16xf32>
    %neg3A_2113 = arith.constant 0.000000e+00 : f32
    %neg3A_2114 = vector.broadcast %neg3A_2113 : f32 to vector<16xf32>
    %neg3A_2115 = arith.subf %neg3A_2114, %add3A_2112 : vector<16xf32>
    %exp3A_2116 = math.exp %neg3A_2115 : vector<16xf32>
    %add3A_2117 = arith.constant 1.000000e+00 : f32
    %add3A_2118 = vector.broadcast %add3A_2117 : f32 to vector<16xf32>
    %add3A_2119 = arith.addf %add3A_2118, %exp3A_2116 : vector<16xf32>
    %div3A_2120 = arith.constant 1.000000e+00 : f32
    %div3A_2121 = vector.broadcast %div3A_2120 : f32 to vector<16xf32>
    %div3A_2122 = arith.divf %div3A_2121, %add3A_2119 : vector<16xf32>
    %swap3A_2123 = arith.constant 512 : index
    %swap3A_2124 = tpu.vector_load %arg9[%swap3A_2123] {strides = array<i32>} : memref<2048xf32, #tpu.memory_space<vmem>>, vector<16xf32>,
    %swap3A_2125 = vector.shape_cast %swap3A_2124 : vector<16xf32> to vector<16xf32>
    %swap3A_2126 = vector.shape_cast %div3A_2122 : vector<16xf32> to vector<16xf32>
    tpu.vector_store %arg9[%swap3A_2123], %swap3A_2126 {strides = array<i32>} : memref<2048xf32, #tpu.memory_space<vmem>>, vector<16xf32>,
    %add3A_2127 = vector.broadcast %add3A_2110 : f32 to vector<16xf32>
    %add3A_2128 = arith.addf %add3A_844, %add3A_2127 : vector<16xf32>
    %neg3A_2129 = arith.constant 0.000000e+00 : f32
    %neg3A_2130 = vector.broadcast %neg3A_2129 : f32 to vector<16xf32>
    %neg3A_2131 = arith.subf %neg3A_2130, %add3A_2128 : vector<16xf32>
    %exp3A_2132 = math.exp %neg3A_2131 : vector<16xf32>
    %add3A_2133 = arith.constant 1.000000e+00 : f32
    %add3A_2134 = vector.broadcast %add3A_2133 : f32 to vector<16xf32>
    %add3A_2135 = arith.addf %add3A_2134, %exp3A_2132 : vector<16xf32>
    %div3A_2136 = arith.constant 1.000000e+00 : f32
    %div3A_2137 = vector.broadcast %div3A_2136 : f32 to vector<16xf32>
    %div3A_2138 = arith.divf %div3A_2137, %add3A_2135 : vector<16xf32>
    %swap3A_2139 = arith.constant 528 : index
    %swap3A_2140 = tpu.vector_load %arg9[%swap3A_2139] {strides = array<i32>} : memref<2048xf32, #tpu.memory_space<vmem>>, vector<16xf32>,
    %swap3A_2141 = vector.shape_cast %swap3A_2140 : vector<16xf32> to vector<16xf32>
    %swap3A_2142 = vector.shape_cast %div3A_2138 : vector<16xf32> to vector<16xf32>
    tpu.vector_store %arg9[%swap3A_2139], %swap3A_2142 {strides = array<i32>} : memref<2048xf32, #tpu.memory_space<vmem>>, vector<16xf32>,
    %slice3A_2143 = vector.extract_strided_slice %add3A_847 {offsets = [1], sizes = [1], strides = [1]} : vector<16xf32> to vector<1xf32>
    %squeeze3A_2144 = vector.extract %slice3A_2143[0] : f32 from vector<1xf32>
    %add3A_2145 = arith.addf %squeeze3A_2144, %squeeze3A : f32
    %add3A_2146 = vector.broadcast %add3A_2145 : f32 to vector<16xf32>
    %add3A_2147 = arith.addf %add3A_492, %add3A_2146 : vector<16xf32>
    %neg3A_2148 = arith.constant 0.000000e+00 : f32
    %neg3A_2149 = vector.broadcast %neg3A_2148 : f32 to vector<16xf32>
    %neg3A_2150 = arith.subf %neg3A_2149, %add3A_2147 : vector<16xf32>
    %exp3A_2151 = math.exp %neg3A_2150 : vector<16xf32>
    %add3A_2152 = arith.constant 1.000000e+00 : f32
    %add3A_2153 = vector.broadcast %add3A_2152 : f32 to vector<16xf32>
    %add3A_2154 = arith.addf %add3A_2153, %exp3A_2151 : vector<16xf32>
    %div3A_2155 = arith.constant 1.000000e+00 : f32
    %div3A_2156 = vector.broadcast %div3A_2155 : f32 to vector<16xf32>
    %div3A_2157 = arith.divf %div3A_2156, %add3A_2154 : vector<16xf32>
    %swap3A_2158 = arith.constant 544 : index
    %swap3A_2159 = tpu.vector_load %arg9[%swap3A_2158] {strides = array<i32>} : memref<2048xf32, #tpu.memory_space<vmem>>, vector<16xf32>,
    %swap3A_2160 = vector.shape_cast %swap3A_2159 : vector<16xf32> to vector<16xf32>
    %swap3A_2161 = vector.shape_cast %div3A_2157 : vector<16xf32> to vector<16xf32>
    tpu.vector_store %arg9[%swap3A_2158], %swap3A_2161 {strides = array<i32>} : memref<2048xf32, #tpu.memory_space<vmem>>, vector<16xf32>,
    %add3A_2162 = vector.broadcast %add3A_2145 : f32 to vector<16xf32>
    %add3A_2163 = arith.addf %add3A_844, %add3A_2162 : vector<16xf32>
    %neg3A_2164 = arith.constant 0.000000e+00 : f32
    %neg3A_2165 = vector.broadcast %neg3A_2164 : f32 to vector<16xf32>
    %neg3A_2166 = arith.subf %neg3A_2165, %add3A_2163 : vector<16xf32>
    %exp3A_2167 = math.exp %neg3A_2166 : vector<16xf32>
    %add3A_2168 = arith.constant 1.000000e+00 : f32
    %add3A_2169 = vector.broadcast %add3A_2168 : f32 to vector<16xf32>
    %add3A_2170 = arith.addf %add3A_2169, %exp3A_2167 : vector<16xf32>
    %div3A_2171 = arith.constant 1.000000e+00 : f32
    %div3A_2172 = vector.broadcast %div3A_2171 : f32 to vector<16xf32>
    %div3A_2173 = arith.divf %div3A_2172, %add3A_2170 : vector<16xf32>
    %swap3A_2174 = arith.constant 560 : index
    %swap3A_2175 = tpu.vector_load %arg9[%swap3A_2174] {strides = array<i32>} : memref<2048xf32, #tpu.memory_space<vmem>>, vector<16xf32>,
    %swap3A_2176 = vector.shape_cast %swap3A_2175 : vector<16xf32> to vector<16xf32>
    %swap3A_2177 = vector.shape_cast %div3A_2173 : vector<16xf32> to vector<16xf32>
    tpu.vector_store %arg9[%swap3A_2174], %swap3A_2177 {strides = array<i32>} : memref<2048xf32, #tpu.memory_space<vmem>>, vector<16xf32>,
    %slice3A_2178 = vector.extract_strided_slice %add3A_847 {offsets = [2], sizes = [1], strides = [1]} : vector<16xf32> to vector<1xf32>
    %squeeze3A_2179 = vector.extract %slice3A_2178[0] : f32 from vector<1xf32>
    %add3A_2180 = arith.addf %squeeze3A_2179, %squeeze3A : f32
    %add3A_2181 = vector.broadcast %add3A_2180 : f32 to vector<16xf32>
    %add3A_2182 = arith.addf %add3A_492, %add3A_2181 : vector<16xf32>
    %neg3A_2183 = arith.constant 0.000000e+00 : f32
    %neg3A_2184 = vector.broadcast %neg3A_2183 : f32 to vector<16xf32>
    %neg3A_2185 = arith.subf %neg3A_2184, %add3A_2182 : vector<16xf32>
    %exp3A_2186 = math.exp %neg3A_2185 : vector<16xf32>
    %add3A_2187 = arith.constant 1.000000e+00 : f32
    %add3A_2188 = vector.broadcast %add3A_2187 : f32 to vector<16xf32>
    %add3A_2189 = arith.addf %add3A_2188, %exp3A_2186 : vector<16xf32>
    %div3A_2190 = arith.constant 1.000000e+00 : f32
    %div3A_2191 = vector.broadcast %div3A_2190 : f32 to vector<16xf32>
    %div3A_2192 = arith.divf %div3A_2191, %add3A_2189 : vector<16xf32>
    %swap3A_2193 = arith.constant 576 : index
    %swap3A_2194 = tpu.vector_load %arg9[%swap3A_2193] {strides = array<i32>} : memref<2048xf32, #tpu.memory_space<vmem>>, vector<16xf32>,
    %swap3A_2195 = vector.shape_cast %swap3A_2194 : vector<16xf32> to vector<16xf32>
    %swap3A_2196 = vector.shape_cast %div3A_2192 : vector<16xf32> to vector<16xf32>
    tpu.vector_store %arg9[%swap3A_2193], %swap3A_2196 {strides = array<i32>} : memref<2048xf32, #tpu.memory_space<vmem>>, vector<16xf32>,
    %add3A_2197 = vector.broadcast %add3A_2180 : f32 to vector<16xf32>
    %add3A_2198 = arith.addf %add3A_844, %add3A_2197 : vector<16xf32>
    %neg3A_2199 = arith.constant 0.000000e+00 : f32
    %neg3A_2200 = vector.broadcast %neg3A_2199 : f32 to vector<16xf32>
    %neg3A_2201 = arith.subf %neg3A_2200, %add3A_2198 : vector<16xf32>
    %exp3A_2202 = math.exp %neg3A_2201 : vector<16xf32>
    %add3A_2203 = arith.constant 1.000000e+00 : f32
    %add3A_2204 = vector.broadcast %add3A_2203 : f32 to vector<16xf32>
    %add3A_2205 = arith.addf %add3A_2204, %exp3A_2202 : vector<16xf32>
    %div3A_2206 = arith.constant 1.000000e+00 : f32
    %div3A_2207 = vector.broadcast %div3A_2206 : f32 to vector<16xf32>
    %div3A_2208 = arith.divf %div3A_2207, %add3A_2205 : vector<16xf32>
    %swap3A_2209 = arith.constant 592 : index
    %swap3A_2210 = tpu.vector_load %arg9[%swap3A_2209] {strides = array<i32>} : memref<2048xf32, #tpu.memory_space<vmem>>, vector<16xf32>,
    %swap3A_2211 = vector.shape_cast %swap3A_2210 : vector<16xf32> to vector<16xf32>
    %swap3A_2212 = vector.shape_cast %div3A_2208 : vector<16xf32> to vector<16xf32>
    tpu.vector_store %arg9[%swap3A_2209], %swap3A_2212 {strides = array<i32>} : memref<2048xf32, #tpu.memory_space<vmem>>, vector<16xf32>,
    %slice3A_2213 = vector.extract_strided_slice %add3A_847 {offsets = [3], sizes = [1], strides = [1]} : vector<16xf32> to vector<1xf32>
    %squeeze3A_2214 = vector.extract %slice3A_2213[0] : f32 from vector<1xf32>
    %add3A_2215 = arith.addf %squeeze3A_2214, %squeeze3A : f32
    %add3A_2216 = vector.broadcast %add3A_2215 : f32 to vector<16xf32>
    %add3A_2217 = arith.addf %add3A_492, %add3A_2216 : vector<16xf32>
    %neg3A_2218 = arith.constant 0.000000e+00 : f32
    %neg3A_2219 = vector.broadcast %neg3A_2218 : f32 to vector<16xf32>
    %neg3A_2220 = arith.subf %neg3A_2219, %add3A_2217 : vector<16xf32>
    %exp3A_2221 = math.exp %neg3A_2220 : vector<16xf32>
    %add3A_2222 = arith.constant 1.000000e+00 : f32
    %add3A_2223 = vector.broadcast %add3A_2222 : f32 to vector<16xf32>
    %add3A_2224 = arith.addf %add3A_2223, %exp3A_2221 : vector<16xf32>
    %div3A_2225 = arith.constant 1.000000e+00 : f32
    %div3A_2226 = vector.broadcast %div3A_2225 : f32 to vector<16xf32>
    %div3A_2227 = arith.divf %div3A_2226, %add3A_2224 : vector<16xf32>
    %swap3A_2228 = arith.constant 608 : index
    %swap3A_2229 = tpu.vector_load %arg9[%swap3A_2228] {strides = array<i32>} : memref<2048xf32, #tpu.memory_space<vmem>>, vector<16xf32>,
    %swap3A_2230 = vector.shape_cast %swap3A_2229 : vector<16xf32> to vector<16xf32>
    %swap3A_2231 = vector.shape_cast %div3A_2227 : vector<16xf32> to vector<16xf32>
    tpu.vector_store %arg9[%swap3A_2228], %swap3A_2231 {strides = array<i32>} : memref<2048xf32, #tpu.memory_space<vmem>>, vector<16xf32>,
    %add3A_2232 = vector.broadcast %add3A_2215 : f32 to vector<16xf32>
    %add3A_2233 = arith.addf %add3A_844, %add3A_2232 : vector<16xf32>
    %neg3A_2234 = arith.constant 0.000000e+00 : f32
    %neg3A_2235 = vector.broadcast %neg3A_2234 : f32 to vector<16xf32>
    %neg3A_2236 = arith.subf %neg3A_2235, %add3A_2233 : vector<16xf32>
    %exp3A_2237 = math.exp %neg3A_2236 : vector<16xf32>
    %add3A_2238 = arith.constant 1.000000e+00 : f32
    %add3A_2239 = vector.broadcast %add3A_2238 : f32 to vector<16xf32>
    %add3A_2240 = arith.addf %add3A_2239, %exp3A_2237 : vector<16xf32>
    %div3A_2241 = arith.constant 1.000000e+00 : f32
    %div3A_2242 = vector.broadcast %div3A_2241 : f32 to vector<16xf32>
    %div3A_2243 = arith.divf %div3A_2242, %add3A_2240 : vector<16xf32>
    %swap3A_2244 = arith.constant 624 : index
    %swap3A_2245 = tpu.vector_load %arg9[%swap3A_2244] {strides = array<i32>} : memref<2048xf32, #tpu.memory_space<vmem>>, vector<16xf32>,
    %swap3A_2246 = vector.shape_cast %swap3A_2245 : vector<16xf32> to vector<16xf32>
    %swap3A_2247 = vector.shape_cast %div3A_2243 : vector<16xf32> to vector<16xf32>
    tpu.vector_store %arg9[%swap3A_2244], %swap3A_2247 {strides = array<i32>} : memref<2048xf32, #tpu.memory_space<vmem>>, vector<16xf32>,
    %slice3A_2248 = vector.extract_strided_slice %add3A_847 {offsets = [4], sizes = [1], strides = [1]} : vector<16xf32> to vector<1xf32>
    %squeeze3A_2249 = vector.extract %slice3A_2248[0] : f32 from vector<1xf32>
    %add3A_2250 = arith.addf %squeeze3A_2249, %squeeze3A : f32
    %add3A_2251 = vector.broadcast %add3A_2250 : f32 to vector<16xf32>
    %add3A_2252 = arith.addf %add3A_492, %add3A_2251 : vector<16xf32>
    %neg3A_2253 = arith.constant 0.000000e+00 : f32
    %neg3A_2254 = vector.broadcast %neg3A_2253 : f32 to vector<16xf32>
    %neg3A_2255 = arith.subf %neg3A_2254, %add3A_2252 : vector<16xf32>
    %exp3A_2256 = math.exp %neg3A_2255 : vector<16xf32>
    %add3A_2257 = arith.constant 1.000000e+00 : f32
    %add3A_2258 = vector.broadcast %add3A_2257 : f32 to vector<16xf32>
    %add3A_2259 = arith.addf %add3A_2258, %exp3A_2256 : vector<16xf32>
    %div3A_2260 = arith.constant 1.000000e+00 : f32
    %div3A_2261 = vector.broadcast %div3A_2260 : f32 to vector<16xf32>
    %div3A_2262 = arith.divf %div3A_2261, %add3A_2259 : vector<16xf32>
    %swap3A_2263 = arith.constant 640 : index
    %swap3A_2264 = tpu.vector_load %arg9[%swap3A_2263] {strides = array<i32>} : memref<2048xf32, #tpu.memory_space<vmem>>, vector<16xf32>,
    %swap3A_2265 = vector.shape_cast %swap3A_2264 : vector<16xf32> to vector<16xf32>
    %swap3A_2266 = vector.shape_cast %div3A_2262 : vector<16xf32> to vector<16xf32>
    tpu.vector_store %arg9[%swap3A_2263], %swap3A_2266 {strides = array<i32>} : memref<2048xf32, #tpu.memory_space<vmem>>, vector<16xf32>,
    %add3A_2267 = vector.broadcast %add3A_2250 : f32 to vector<16xf32>
    %add3A_2268 = arith.addf %add3A_844, %add3A_2267 : vector<16xf32>
    %neg3A_2269 = arith.constant 0.000000e+00 : f32
    %neg3A_2270 = vector.broadcast %neg3A_2269 : f32 to vector<16xf32>
    %neg3A_2271 = arith.subf %neg3A_2270, %add3A_2268 : vector<16xf32>
    %exp3A_2272 = math.exp %neg3A_2271 : vector<16xf32>
    %add3A_2273 = arith.constant 1.000000e+00 : f32
    %add3A_2274 = vector.broadcast %add3A_2273 : f32 to vector<16xf32>
    %add3A_2275 = arith.addf %add3A_2274, %exp3A_2272 : vector<16xf32>
    %div3A_2276 = arith.constant 1.000000e+00 : f32
    %div3A_2277 = vector.broadcast %div3A_2276 : f32 to vector<16xf32>
    %div3A_2278 = arith.divf %div3A_2277, %add3A_2275 : vector<16xf32>
    %swap3A_2279 = arith.constant 656 : index
    %swap3A_2280 = tpu.vector_load %arg9[%swap3A_2279] {strides = array<i32>} : memref<2048xf32, #tpu.memory_space<vmem>>, vector<16xf32>,
    %swap3A_2281 = vector.shape_cast %swap3A_2280 : vector<16xf32> to vector<16xf32>
    %swap3A_2282 = vector.shape_cast %div3A_2278 : vector<16xf32> to vector<16xf32>
    tpu.vector_store %arg9[%swap3A_2279], %swap3A_2282 {strides = array<i32>} : memref<2048xf32, #tpu.memory_space<vmem>>, vector<16xf32>,
    %slice3A_2283 = vector.extract_strided_slice %add3A_847 {offsets = [5], sizes = [1], strides = [1]} : vector<16xf32> to vector<1xf32>
    %squeeze3A_2284 = vector.extract %slice3A_2283[0] : f32 from vector<1xf32>
    %add3A_2285 = arith.addf %squeeze3A_2284, %squeeze3A : f32
    %add3A_2286 = vector.broadcast %add3A_2285 : f32 to vector<16xf32>
    %add3A_2287 = arith.addf %add3A_492, %add3A_2286 : vector<16xf32>
    %neg3A_2288 = arith.constant 0.000000e+00 : f32
    %neg3A_2289 = vector.broadcast %neg3A_2288 : f32 to vector<16xf32>
    %neg3A_2290 = arith.subf %neg3A_2289, %add3A_2287 : vector<16xf32>
    %exp3A_2291 = math.exp %neg3A_2290 : vector<16xf32>
    %add3A_2292 = arith.constant 1.000000e+00 : f32
    %add3A_2293 = vector.broadcast %add3A_2292 : f32 to vector<16xf32>
    %add3A_2294 = arith.addf %add3A_2293, %exp3A_2291 : vector<16xf32>
    %div3A_2295 = arith.constant 1.000000e+00 : f32
    %div3A_2296 = vector.broadcast %div3A_2295 : f32 to vector<16xf32>
    %div3A_2297 = arith.divf %div3A_2296, %add3A_2294 : vector<16xf32>
    %swap3A_2298 = arith.constant 672 : index
    %swap3A_2299 = tpu.vector_load %arg9[%swap3A_2298] {strides = array<i32>} : memref<2048xf32, #tpu.memory_space<vmem>>, vector<16xf32>,
    %swap3A_2300 = vector.shape_cast %swap3A_2299 : vector<16xf32> to vector<16xf32>
    %swap3A_2301 = vector.shape_cast %div3A_2297 : vector<16xf32> to vector<16xf32>
    tpu.vector_store %arg9[%swap3A_2298], %swap3A_2301 {strides = array<i32>} : memref<2048xf32, #tpu.memory_space<vmem>>, vector<16xf32>,
    %add3A_2302 = vector.broadcast %add3A_2285 : f32 to vector<16xf32>
    %add3A_2303 = arith.addf %add3A_844, %add3A_2302 : vector<16xf32>
    %neg3A_2304 = arith.constant 0.000000e+00 : f32
    %neg3A_2305 = vector.broadcast %neg3A_2304 : f32 to vector<16xf32>
    %neg3A_2306 = arith.subf %neg3A_2305, %add3A_2303 : vector<16xf32>
    %exp3A_2307 = math.exp %neg3A_2306 : vector<16xf32>
    %add3A_2308 = arith.constant 1.000000e+00 : f32
    %add3A_2309 = vector.broadcast %add3A_2308 : f32 to vector<16xf32>
    %add3A_2310 = arith.addf %add3A_2309, %exp3A_2307 : vector<16xf32>
    %div3A_2311 = arith.constant 1.000000e+00 : f32
    %div3A_2312 = vector.broadcast %div3A_2311 : f32 to vector<16xf32>
    %div3A_2313 = arith.divf %div3A_2312, %add3A_2310 : vector<16xf32>
    %swap3A_2314 = arith.constant 688 : index
    %swap3A_2315 = tpu.vector_load %arg9[%swap3A_2314] {strides = array<i32>} : memref<2048xf32, #tpu.memory_space<vmem>>, vector<16xf32>,
    %swap3A_2316 = vector.shape_cast %swap3A_2315 : vector<16xf32> to vector<16xf32>
    %swap3A_2317 = vector.shape_cast %div3A_2313 : vector<16xf32> to vector<16xf32>
    tpu.vector_store %arg9[%swap3A_2314], %swap3A_2317 {strides = array<i32>} : memref<2048xf32, #tpu.memory_space<vmem>>, vector<16xf32>,
    %slice3A_2318 = vector.extract_strided_slice %add3A_847 {offsets = [6], sizes = [1], strides = [1]} : vector<16xf32> to vector<1xf32>
    %squeeze3A_2319 = vector.extract %slice3A_2318[0] : f32 from vector<1xf32>
    %add3A_2320 = arith.addf %squeeze3A_2319, %squeeze3A : f32
    %add3A_2321 = vector.broadcast %add3A_2320 : f32 to vector<16xf32>
    %add3A_2322 = arith.addf %add3A_492, %add3A_2321 : vector<16xf32>
    %neg3A_2323 = arith.constant 0.000000e+00 : f32
    %neg3A_2324 = vector.broadcast %neg3A_2323 : f32 to vector<16xf32>
    %neg3A_2325 = arith.subf %neg3A_2324, %add3A_2322 : vector<16xf32>
    %exp3A_2326 = math.exp %neg3A_2325 : vector<16xf32>
    %add3A_2327 = arith.constant 1.000000e+00 : f32
    %add3A_2328 = vector.broadcast %add3A_2327 : f32 to vector<16xf32>
    %add3A_2329 = arith.addf %add3A_2328, %exp3A_2326 : vector<16xf32>
    %div3A_2330 = arith.constant 1.000000e+00 : f32
    %div3A_2331 = vector.broadcast %div3A_2330 : f32 to vector<16xf32>
    %div3A_2332 = arith.divf %div3A_2331, %add3A_2329 : vector<16xf32>
    %swap3A_2333 = arith.constant 704 : index
    %swap3A_2334 = tpu.vector_load %arg9[%swap3A_2333] {strides = array<i32>} : memref<2048xf32, #tpu.memory_space<vmem>>, vector<16xf32>,
    %swap3A_2335 = vector.shape_cast %swap3A_2334 : vector<16xf32> to vector<16xf32>
    %swap3A_2336 = vector.shape_cast %div3A_2332 : vector<16xf32> to vector<16xf32>
    tpu.vector_store %arg9[%swap3A_2333], %swap3A_2336 {strides = array<i32>} : memref<2048xf32, #tpu.memory_space<vmem>>, vector<16xf32>,
    %add3A_2337 = vector.broadcast %add3A_2320 : f32 to vector<16xf32>
    %add3A_2338 = arith.addf %add3A_844, %add3A_2337 : vector<16xf32>
    %neg3A_2339 = arith.constant 0.000000e+00 : f32
    %neg3A_2340 = vector.broadcast %neg3A_2339 : f32 to vector<16xf32>
    %neg3A_2341 = arith.subf %neg3A_2340, %add3A_2338 : vector<16xf32>
    %exp3A_2342 = math.exp %neg3A_2341 : vector<16xf32>
    %add3A_2343 = arith.constant 1.000000e+00 : f32
    %add3A_2344 = vector.broadcast %add3A_2343 : f32 to vector<16xf32>
    %add3A_2345 = arith.addf %add3A_2344, %exp3A_2342 : vector<16xf32>
    %div3A_2346 = arith.constant 1.000000e+00 : f32
    %div3A_2347 = vector.broadcast %div3A_2346 : f32 to vector<16xf32>
    %div3A_2348 = arith.divf %div3A_2347, %add3A_2345 : vector<16xf32>
    %swap3A_2349 = arith.constant 720 : index
    %swap3A_2350 = tpu.vector_load %arg9[%swap3A_2349] {strides = array<i32>} : memref<2048xf32, #tpu.memory_space<vmem>>, vector<16xf32>,
    %swap3A_2351 = vector.shape_cast %swap3A_2350 : vector<16xf32> to vector<16xf32>
    %swap3A_2352 = vector.shape_cast %div3A_2348 : vector<16xf32> to vector<16xf32>
    tpu.vector_store %arg9[%swap3A_2349], %swap3A_2352 {strides = array<i32>} : memref<2048xf32, #tpu.memory_space<vmem>>, vector<16xf32>,
    %slice3A_2353 = vector.extract_strided_slice %add3A_847 {offsets = [7], sizes = [1], strides = [1]} : vector<16xf32> to vector<1xf32>
    %squeeze3A_2354 = vector.extract %slice3A_2353[0] : f32 from vector<1xf32>
    %add3A_2355 = arith.addf %squeeze3A_2354, %squeeze3A : f32
    %add3A_2356 = vector.broadcast %add3A_2355 : f32 to vector<16xf32>
    %add3A_2357 = arith.addf %add3A_492, %add3A_2356 : vector<16xf32>
    %neg3A_2358 = arith.constant 0.000000e+00 : f32
    %neg3A_2359 = vector.broadcast %neg3A_2358 : f32 to vector<16xf32>
    %neg3A_2360 = arith.subf %neg3A_2359, %add3A_2357 : vector<16xf32>
    %exp3A_2361 = math.exp %neg3A_2360 : vector<16xf32>
    %add3A_2362 = arith.constant 1.000000e+00 : f32
    %add3A_2363 = vector.broadcast %add3A_2362 : f32 to vector<16xf32>
    %add3A_2364 = arith.addf %add3A_2363, %exp3A_2361 : vector<16xf32>
    %div3A_2365 = arith.constant 1.000000e+00 : f32
    %div3A_2366 = vector.broadcast %div3A_2365 : f32 to vector<16xf32>
    %div3A_2367 = arith.divf %div3A_2366, %add3A_2364 : vector<16xf32>
    %swap3A_2368 = arith.constant 736 : index
    %swap3A_2369 = tpu.vector_load %arg9[%swap3A_2368] {strides = array<i32>} : memref<2048xf32, #tpu.memory_space<vmem>>, vector<16xf32>,
    %swap3A_2370 = vector.shape_cast %swap3A_2369 : vector<16xf32> to vector<16xf32>
    %swap3A_2371 = vector.shape_cast %div3A_2367 : vector<16xf32> to vector<16xf32>
    tpu.vector_store %arg9[%swap3A_2368], %swap3A_2371 {strides = array<i32>} : memref<2048xf32, #tpu.memory_space<vmem>>, vector<16xf32>,
    %add3A_2372 = vector.broadcast %add3A_2355 : f32 to vector<16xf32>
    %add3A_2373 = arith.addf %add3A_844, %add3A_2372 : vector<16xf32>
    %neg3A_2374 = arith.constant 0.000000e+00 : f32
    %neg3A_2375 = vector.broadcast %neg3A_2374 : f32 to vector<16xf32>
    %neg3A_2376 = arith.subf %neg3A_2375, %add3A_2373 : vector<16xf32>
    %exp3A_2377 = math.exp %neg3A_2376 : vector<16xf32>
    %add3A_2378 = arith.constant 1.000000e+00 : f32
    %add3A_2379 = vector.broadcast %add3A_2378 : f32 to vector<16xf32>
    %add3A_2380 = arith.addf %add3A_2379, %exp3A_2377 : vector<16xf32>
    %div3A_2381 = arith.constant 1.000000e+00 : f32
    %div3A_2382 = vector.broadcast %div3A_2381 : f32 to vector<16xf32>
    %div3A_2383 = arith.divf %div3A_2382, %add3A_2380 : vector<16xf32>
    %swap3A_2384 = arith.constant 752 : index
    %swap3A_2385 = tpu.vector_load %arg9[%swap3A_2384] {strides = array<i32>} : memref<2048xf32, #tpu.memory_space<vmem>>, vector<16xf32>,
    %swap3A_2386 = vector.shape_cast %swap3A_2385 : vector<16xf32> to vector<16xf32>
    %swap3A_2387 = vector.shape_cast %div3A_2383 : vector<16xf32> to vector<16xf32>
    tpu.vector_store %arg9[%swap3A_2384], %swap3A_2387 {strides = array<i32>} : memref<2048xf32, #tpu.memory_space<vmem>>, vector<16xf32>,
    %slice3A_2388 = vector.extract_strided_slice %add3A_847 {offsets = [8], sizes = [1], strides = [1]} : vector<16xf32> to vector<1xf32>
    %squeeze3A_2389 = vector.extract %slice3A_2388[0] : f32 from vector<1xf32>
    %add3A_2390 = arith.addf %squeeze3A_2389, %squeeze3A : f32
    %add3A_2391 = vector.broadcast %add3A_2390 : f32 to vector<16xf32>
    %add3A_2392 = arith.addf %add3A_492, %add3A_2391 : vector<16xf32>
    %neg3A_2393 = arith.constant 0.000000e+00 : f32
    %neg3A_2394 = vector.broadcast %neg3A_2393 : f32 to vector<16xf32>
    %neg3A_2395 = arith.subf %neg3A_2394, %add3A_2392 : vector<16xf32>
    %exp3A_2396 = math.exp %neg3A_2395 : vector<16xf32>
    %add3A_2397 = arith.constant 1.000000e+00 : f32
    %add3A_2398 = vector.broadcast %add3A_2397 : f32 to vector<16xf32>
    %add3A_2399 = arith.addf %add3A_2398, %exp3A_2396 : vector<16xf32>
    %div3A_2400 = arith.constant 1.000000e+00 : f32
    %div3A_2401 = vector.broadcast %div3A_2400 : f32 to vector<16xf32>
    %div3A_2402 = arith.divf %div3A_2401, %add3A_2399 : vector<16xf32>
    %swap3A_2403 = arith.constant 768 : index
    %swap3A_2404 = tpu.vector_load %arg9[%swap3A_2403] {strides = array<i32>} : memref<2048xf32, #tpu.memory_space<vmem>>, vector<16xf32>,
    %swap3A_2405 = vector.shape_cast %swap3A_2404 : vector<16xf32> to vector<16xf32>
    %swap3A_2406 = vector.shape_cast %div3A_2402 : vector<16xf32> to vector<16xf32>
    tpu.vector_store %arg9[%swap3A_2403], %swap3A_2406 {strides = array<i32>} : memref<2048xf32, #tpu.memory_space<vmem>>, vector<16xf32>,
    %add3A_2407 = vector.broadcast %add3A_2390 : f32 to vector<16xf32>
    %add3A_2408 = arith.addf %add3A_844, %add3A_2407 : vector<16xf32>
    %neg3A_2409 = arith.constant 0.000000e+00 : f32
    %neg3A_2410 = vector.broadcast %neg3A_2409 : f32 to vector<16xf32>
    %neg3A_2411 = arith.subf %neg3A_2410, %add3A_2408 : vector<16xf32>
    %exp3A_2412 = math.exp %neg3A_2411 : vector<16xf32>
    %add3A_2413 = arith.constant 1.000000e+00 : f32
    %add3A_2414 = vector.broadcast %add3A_2413 : f32 to vector<16xf32>
    %add3A_2415 = arith.addf %add3A_2414, %exp3A_2412 : vector<16xf32>
    %div3A_2416 = arith.constant 1.000000e+00 : f32
    %div3A_2417 = vector.broadcast %div3A_2416 : f32 to vector<16xf32>
    %div3A_2418 = arith.divf %div3A_2417, %add3A_2415 : vector<16xf32>
    %swap3A_2419 = arith.constant 784 : index
    %swap3A_2420 = tpu.vector_load %arg9[%swap3A_2419] {strides = array<i32>} : memref<2048xf32, #tpu.memory_space<vmem>>, vector<16xf32>,
    %swap3A_2421 = vector.shape_cast %swap3A_2420 : vector<16xf32> to vector<16xf32>
    %swap3A_2422 = vector.shape_cast %div3A_2418 : vector<16xf32> to vector<16xf32>
    tpu.vector_store %arg9[%swap3A_2419], %swap3A_2422 {strides = array<i32>} : memref<2048xf32, #tpu.memory_space<vmem>>, vector<16xf32>,
    %slice3A_2423 = vector.extract_strided_slice %add3A_847 {offsets = [9], sizes = [1], strides = [1]} : vector<16xf32> to vector<1xf32>
    %squeeze3A_2424 = vector.extract %slice3A_2423[0] : f32 from vector<1xf32>
    %add3A_2425 = arith.addf %squeeze3A_2424, %squeeze3A : f32
    %add3A_2426 = vector.broadcast %add3A_2425 : f32 to vector<16xf32>
    %add3A_2427 = arith.addf %add3A_492, %add3A_2426 : vector<16xf32>
    %neg3A_2428 = arith.constant 0.000000e+00 : f32
    %neg3A_2429 = vector.broadcast %neg3A_2428 : f32 to vector<16xf32>
    %neg3A_2430 = arith.subf %neg3A_2429, %add3A_2427 : vector<16xf32>
    %exp3A_2431 = math.exp %neg3A_2430 : vector<16xf32>
    %add3A_2432 = arith.constant 1.000000e+00 : f32
    %add3A_2433 = vector.broadcast %add3A_2432 : f32 to vector<16xf32>
    %add3A_2434 = arith.addf %add3A_2433, %exp3A_2431 : vector<16xf32>
    %div3A_2435 = arith.constant 1.000000e+00 : f32
    %div3A_2436 = vector.broadcast %div3A_2435 : f32 to vector<16xf32>
    %div3A_2437 = arith.divf %div3A_2436, %add3A_2434 : vector<16xf32>
    %swap3A_2438 = arith.constant 800 : index
    %swap3A_2439 = tpu.vector_load %arg9[%swap3A_2438] {strides = array<i32>} : memref<2048xf32, #tpu.memory_space<vmem>>, vector<16xf32>,
    %swap3A_2440 = vector.shape_cast %swap3A_2439 : vector<16xf32> to vector<16xf32>
    %swap3A_2441 = vector.shape_cast %div3A_2437 : vector<16xf32> to vector<16xf32>
    tpu.vector_store %arg9[%swap3A_2438], %swap3A_2441 {strides = array<i32>} : memref<2048xf32, #tpu.memory_space<vmem>>, vector<16xf32>,
    %add3A_2442 = vector.broadcast %add3A_2425 : f32 to vector<16xf32>
    %add3A_2443 = arith.addf %add3A_844, %add3A_2442 : vector<16xf32>
    %neg3A_2444 = arith.constant 0.000000e+00 : f32
    %neg3A_2445 = vector.broadcast %neg3A_2444 : f32 to vector<16xf32>
    %neg3A_2446 = arith.subf %neg3A_2445, %add3A_2443 : vector<16xf32>
    %exp3A_2447 = math.exp %neg3A_2446 : vector<16xf32>
    %add3A_2448 = arith.constant 1.000000e+00 : f32
    %add3A_2449 = vector.broadcast %add3A_2448 : f32 to vector<16xf32>
    %add3A_2450 = arith.addf %add3A_2449, %exp3A_2447 : vector<16xf32>
    %div3A_2451 = arith.constant 1.000000e+00 : f32
    %div3A_2452 = vector.broadcast %div3A_2451 : f32 to vector<16xf32>
    %div3A_2453 = arith.divf %div3A_2452, %add3A_2450 : vector<16xf32>
    %swap3A_2454 = arith.constant 816 : index
    %swap3A_2455 = tpu.vector_load %arg9[%swap3A_2454] {strides = array<i32>} : memref<2048xf32, #tpu.memory_space<vmem>>, vector<16xf32>,
    %swap3A_2456 = vector.shape_cast %swap3A_2455 : vector<16xf32> to vector<16xf32>
    %swap3A_2457 = vector.shape_cast %div3A_2453 : vector<16xf32> to vector<16xf32>
    tpu.vector_store %arg9[%swap3A_2454], %swap3A_2457 {strides = array<i32>} : memref<2048xf32, #tpu.memory_space<vmem>>, vector<16xf32>,
    %slice3A_2458 = vector.extract_strided_slice %add3A_847 {offsets = [10], sizes = [1], strides = [1]} : vector<16xf32> to vector<1xf32>
    %squeeze3A_2459 = vector.extract %slice3A_2458[0] : f32 from vector<1xf32>
    %add3A_2460 = arith.addf %squeeze3A_2459, %squeeze3A : f32
    %add3A_2461 = vector.broadcast %add3A_2460 : f32 to vector<16xf32>
    %add3A_2462 = arith.addf %add3A_492, %add3A_2461 : vector<16xf32>
    %neg3A_2463 = arith.constant 0.000000e+00 : f32
    %neg3A_2464 = vector.broadcast %neg3A_2463 : f32 to vector<16xf32>
    %neg3A_2465 = arith.subf %neg3A_2464, %add3A_2462 : vector<16xf32>
    %exp3A_2466 = math.exp %neg3A_2465 : vector<16xf32>
    %add3A_2467 = arith.constant 1.000000e+00 : f32
    %add3A_2468 = vector.broadcast %add3A_2467 : f32 to vector<16xf32>
    %add3A_2469 = arith.addf %add3A_2468, %exp3A_2466 : vector<16xf32>
    %div3A_2470 = arith.constant 1.000000e+00 : f32
    %div3A_2471 = vector.broadcast %div3A_2470 : f32 to vector<16xf32>
    %div3A_2472 = arith.divf %div3A_2471, %add3A_2469 : vector<16xf32>
    %swap3A_2473 = arith.constant 832 : index
    %swap3A_2474 = tpu.vector_load %arg9[%swap3A_2473] {strides = array<i32>} : memref<2048xf32, #tpu.memory_space<vmem>>, vector<16xf32>,
    %swap3A_2475 = vector.shape_cast %swap3A_2474 : vector<16xf32> to vector<16xf32>
    %swap3A_2476 = vector.shape_cast %div3A_2472 : vector<16xf32> to vector<16xf32>
    tpu.vector_store %arg9[%swap3A_2473], %swap3A_2476 {strides = array<i32>} : memref<2048xf32, #tpu.memory_space<vmem>>, vector<16xf32>,
    %add3A_2477 = vector.broadcast %add3A_2460 : f32 to vector<16xf32>
    %add3A_2478 = arith.addf %add3A_844, %add3A_2477 : vector<16xf32>
    %neg3A_2479 = arith.constant 0.000000e+00 : f32
    %neg3A_2480 = vector.broadcast %neg3A_2479 : f32 to vector<16xf32>
    %neg3A_2481 = arith.subf %neg3A_2480, %add3A_2478 : vector<16xf32>
    %exp3A_2482 = math.exp %neg3A_2481 : vector<16xf32>
    %add3A_2483 = arith.constant 1.000000e+00 : f32
    %add3A_2484 = vector.broadcast %add3A_2483 : f32 to vector<16xf32>
    %add3A_2485 = arith.addf %add3A_2484, %exp3A_2482 : vector<16xf32>
    %div3A_2486 = arith.constant 1.000000e+00 : f32
    %div3A_2487 = vector.broadcast %div3A_2486 : f32 to vector<16xf32>
    %div3A_2488 = arith.divf %div3A_2487, %add3A_2485 : vector<16xf32>
    %swap3A_2489 = arith.constant 848 : index
    %swap3A_2490 = tpu.vector_load %arg9[%swap3A_2489] {strides = array<i32>} : memref<2048xf32, #tpu.memory_space<vmem>>, vector<16xf32>,
    %swap3A_2491 = vector.shape_cast %swap3A_2490 : vector<16xf32> to vector<16xf32>
    %swap3A_2492 = vector.shape_cast %div3A_2488 : vector<16xf32> to vector<16xf32>
    tpu.vector_store %arg9[%swap3A_2489], %swap3A_2492 {strides = array<i32>} : memref<2048xf32, #tpu.memory_space<vmem>>, vector<16xf32>,
    %slice3A_2493 = vector.extract_strided_slice %add3A_847 {offsets = [11], sizes = [1], strides = [1]} : vector<16xf32> to vector<1xf32>
    %squeeze3A_2494 = vector.extract %slice3A_2493[0] : f32 from vector<1xf32>
    %add3A_2495 = arith.addf %squeeze3A_2494, %squeeze3A : f32
    %add3A_2496 = vector.broadcast %add3A_2495 : f32 to vector<16xf32>
    %add3A_2497 = arith.addf %add3A_492, %add3A_2496 : vector<16xf32>
    %neg3A_2498 = arith.constant 0.000000e+00 : f32
    %neg3A_2499 = vector.broadcast %neg3A_2498 : f32 to vector<16xf32>
    %neg3A_2500 = arith.subf %neg3A_2499, %add3A_2497 : vector<16xf32>
    %exp3A_2501 = math.exp %neg3A_2500 : vector<16xf32>
    %add3A_2502 = arith.constant 1.000000e+00 : f32
    %add3A_2503 = vector.broadcast %add3A_2502 : f32 to vector<16xf32>
    %add3A_2504 = arith.addf %add3A_2503, %exp3A_2501 : vector<16xf32>
    %div3A_2505 = arith.constant 1.000000e+00 : f32
    %div3A_2506 = vector.broadcast %div3A_2505 : f32 to vector<16xf32>
    %div3A_2507 = arith.divf %div3A_2506, %add3A_2504 : vector<16xf32>
    %swap3A_2508 = arith.constant 864 : index
    %swap3A_2509 = tpu.vector_load %arg9[%swap3A_2508] {strides = array<i32>} : memref<2048xf32, #tpu.memory_space<vmem>>, vector<16xf32>,
    %swap3A_2510 = vector.shape_cast %swap3A_2509 : vector<16xf32> to vector<16xf32>
    %swap3A_2511 = vector.shape_cast %div3A_2507 : vector<16xf32> to vector<16xf32>
    tpu.vector_store %arg9[%swap3A_2508], %swap3A_2511 {strides = array<i32>} : memref<2048xf32, #tpu.memory_space<vmem>>, vector<16xf32>,
    %add3A_2512 = vector.broadcast %add3A_2495 : f32 to vector<16xf32>
    %add3A_2513 = arith.addf %add3A_844, %add3A_2512 : vector<16xf32>
    %neg3A_2514 = arith.constant 0.000000e+00 : f32
    %neg3A_2515 = vector.broadcast %neg3A_2514 : f32 to vector<16xf32>
    %neg3A_2516 = arith.subf %neg3A_2515, %add3A_2513 : vector<16xf32>
    %exp3A_2517 = math.exp %neg3A_2516 : vector<16xf32>
    %add3A_2518 = arith.constant 1.000000e+00 : f32
    %add3A_2519 = vector.broadcast %add3A_2518 : f32 to vector<16xf32>
    %add3A_2520 = arith.addf %add3A_2519, %exp3A_2517 : vector<16xf32>
    %div3A_2521 = arith.constant 1.000000e+00 : f32
    %div3A_2522 = vector.broadcast %div3A_2521 : f32 to vector<16xf32>
    %div3A_2523 = arith.divf %div3A_2522, %add3A_2520 : vector<16xf32>
    %swap3A_2524 = arith.constant 880 : index
    %swap3A_2525 = tpu.vector_load %arg9[%swap3A_2524] {strides = array<i32>} : memref<2048xf32, #tpu.memory_space<vmem>>, vector<16xf32>,
    %swap3A_2526 = vector.shape_cast %swap3A_2525 : vector<16xf32> to vector<16xf32>
    %swap3A_2527 = vector.shape_cast %div3A_2523 : vector<16xf32> to vector<16xf32>
    tpu.vector_store %arg9[%swap3A_2524], %swap3A_2527 {strides = array<i32>} : memref<2048xf32, #tpu.memory_space<vmem>>, vector<16xf32>,
    %slice3A_2528 = vector.extract_strided_slice %add3A_847 {offsets = [12], sizes = [1], strides = [1]} : vector<16xf32> to vector<1xf32>
    %squeeze3A_2529 = vector.extract %slice3A_2528[0] : f32 from vector<1xf32>
    %add3A_2530 = arith.addf %squeeze3A_2529, %squeeze3A : f32
    %add3A_2531 = vector.broadcast %add3A_2530 : f32 to vector<16xf32>
    %add3A_2532 = arith.addf %add3A_492, %add3A_2531 : vector<16xf32>
    %neg3A_2533 = arith.constant 0.000000e+00 : f32
    %neg3A_2534 = vector.broadcast %neg3A_2533 : f32 to vector<16xf32>
    %neg3A_2535 = arith.subf %neg3A_2534, %add3A_2532 : vector<16xf32>
    %exp3A_2536 = math.exp %neg3A_2535 : vector<16xf32>
    %add3A_2537 = arith.constant 1.000000e+00 : f32
    %add3A_2538 = vector.broadcast %add3A_2537 : f32 to vector<16xf32>
    %add3A_2539 = arith.addf %add3A_2538, %exp3A_2536 : vector<16xf32>
    %div3A_2540 = arith.constant 1.000000e+00 : f32
    %div3A_2541 = vector.broadcast %div3A_2540 : f32 to vector<16xf32>
    %div3A_2542 = arith.divf %div3A_2541, %add3A_2539 : vector<16xf32>
    %swap3A_2543 = arith.constant 896 : index
    %swap3A_2544 = tpu.vector_load %arg9[%swap3A_2543] {strides = array<i32>} : memref<2048xf32, #tpu.memory_space<vmem>>, vector<16xf32>,
    %swap3A_2545 = vector.shape_cast %swap3A_2544 : vector<16xf32> to vector<16xf32>
    %swap3A_2546 = vector.shape_cast %div3A_2542 : vector<16xf32> to vector<16xf32>
    tpu.vector_store %arg9[%swap3A_2543], %swap3A_2546 {strides = array<i32>} : memref<2048xf32, #tpu.memory_space<vmem>>, vector<16xf32>,
    %add3A_2547 = vector.broadcast %add3A_2530 : f32 to vector<16xf32>
    %add3A_2548 = arith.addf %add3A_844, %add3A_2547 : vector<16xf32>
    %neg3A_2549 = arith.constant 0.000000e+00 : f32
    %neg3A_2550 = vector.broadcast %neg3A_2549 : f32 to vector<16xf32>
    %neg3A_2551 = arith.subf %neg3A_2550, %add3A_2548 : vector<16xf32>
    %exp3A_2552 = math.exp %neg3A_2551 : vector<16xf32>
    %add3A_2553 = arith.constant 1.000000e+00 : f32
    %add3A_2554 = vector.broadcast %add3A_2553 : f32 to vector<16xf32>
    %add3A_2555 = arith.addf %add3A_2554, %exp3A_2552 : vector<16xf32>
    %div3A_2556 = arith.constant 1.000000e+00 : f32
    %div3A_2557 = vector.broadcast %div3A_2556 : f32 to vector<16xf32>
    %div3A_2558 = arith.divf %div3A_2557, %add3A_2555 : vector<16xf32>
    %swap3A_2559 = arith.constant 912 : index
    %swap3A_2560 = tpu.vector_load %arg9[%swap3A_2559] {strides = array<i32>} : memref<2048xf32, #tpu.memory_space<vmem>>, vector<16xf32>,
    %swap3A_2561 = vector.shape_cast %swap3A_2560 : vector<16xf32> to vector<16xf32>
    %swap3A_2562 = vector.shape_cast %div3A_2558 : vector<16xf32> to vector<16xf32>
    tpu.vector_store %arg9[%swap3A_2559], %swap3A_2562 {strides = array<i32>} : memref<2048xf32, #tpu.memory_space<vmem>>, vector<16xf32>,
    %slice3A_2563 = vector.extract_strided_slice %add3A_847 {offsets = [13], sizes = [1], strides = [1]} : vector<16xf32> to vector<1xf32>
    %squeeze3A_2564 = vector.extract %slice3A_2563[0] : f32 from vector<1xf32>
    %add3A_2565 = arith.addf %squeeze3A_2564, %squeeze3A : f32
    %add3A_2566 = vector.broadcast %add3A_2565 : f32 to vector<16xf32>
    %add3A_2567 = arith.addf %add3A_492, %add3A_2566 : vector<16xf32>
    %neg3A_2568 = arith.constant 0.000000e+00 : f32
    %neg3A_2569 = vector.broadcast %neg3A_2568 : f32 to vector<16xf32>
    %neg3A_2570 = arith.subf %neg3A_2569, %add3A_2567 : vector<16xf32>
    %exp3A_2571 = math.exp %neg3A_2570 : vector<16xf32>
    %add3A_2572 = arith.constant 1.000000e+00 : f32
    %add3A_2573 = vector.broadcast %add3A_2572 : f32 to vector<16xf32>
    %add3A_2574 = arith.addf %add3A_2573, %exp3A_2571 : vector<16xf32>
    %div3A_2575 = arith.constant 1.000000e+00 : f32
    %div3A_2576 = vector.broadcast %div3A_2575 : f32 to vector<16xf32>
    %div3A_2577 = arith.divf %div3A_2576, %add3A_2574 : vector<16xf32>
    %swap3A_2578 = arith.constant 928 : index
    %swap3A_2579 = tpu.vector_load %arg9[%swap3A_2578] {strides = array<i32>} : memref<2048xf32, #tpu.memory_space<vmem>>, vector<16xf32>,
    %swap3A_2580 = vector.shape_cast %swap3A_2579 : vector<16xf32> to vector<16xf32>
    %swap3A_2581 = vector.shape_cast %div3A_2577 : vector<16xf32> to vector<16xf32>
    tpu.vector_store %arg9[%swap3A_2578], %swap3A_2581 {strides = array<i32>} : memref<2048xf32, #tpu.memory_space<vmem>>, vector<16xf32>,
    %add3A_2582 = vector.broadcast %add3A_2565 : f32 to vector<16xf32>
    %add3A_2583 = arith.addf %add3A_844, %add3A_2582 : vector<16xf32>
    %neg3A_2584 = arith.constant 0.000000e+00 : f32
    %neg3A_2585 = vector.broadcast %neg3A_2584 : f32 to vector<16xf32>
    %neg3A_2586 = arith.subf %neg3A_2585, %add3A_2583 : vector<16xf32>
    %exp3A_2587 = math.exp %neg3A_2586 : vector<16xf32>
    %add3A_2588 = arith.constant 1.000000e+00 : f32
    %add3A_2589 = vector.broadcast %add3A_2588 : f32 to vector<16xf32>
    %add3A_2590 = arith.addf %add3A_2589, %exp3A_2587 : vector<16xf32>
    %div3A_2591 = arith.constant 1.000000e+00 : f32
    %div3A_2592 = vector.broadcast %div3A_2591 : f32 to vector<16xf32>
    %div3A_2593 = arith.divf %div3A_2592, %add3A_2590 : vector<16xf32>
    %swap3A_2594 = arith.constant 944 : index
    %swap3A_2595 = tpu.vector_load %arg9[%swap3A_2594] {strides = array<i32>} : memref<2048xf32, #tpu.memory_space<vmem>>, vector<16xf32>,
    %swap3A_2596 = vector.shape_cast %swap3A_2595 : vector<16xf32> to vector<16xf32>
    %swap3A_2597 = vector.shape_cast %div3A_2593 : vector<16xf32> to vector<16xf32>
    tpu.vector_store %arg9[%swap3A_2594], %swap3A_2597 {strides = array<i32>} : memref<2048xf32, #tpu.memory_space<vmem>>, vector<16xf32>,
    %slice3A_2598 = vector.extract_strided_slice %add3A_847 {offsets = [14], sizes = [1], strides = [1]} : vector<16xf32> to vector<1xf32>
    %squeeze3A_2599 = vector.extract %slice3A_2598[0] : f32 from vector<1xf32>
    %add3A_2600 = arith.addf %squeeze3A_2599, %squeeze3A : f32
    %add3A_2601 = vector.broadcast %add3A_2600 : f32 to vector<16xf32>
    %add3A_2602 = arith.addf %add3A_492, %add3A_2601 : vector<16xf32>
    %neg3A_2603 = arith.constant 0.000000e+00 : f32
    %neg3A_2604 = vector.broadcast %neg3A_2603 : f32 to vector<16xf32>
    %neg3A_2605 = arith.subf %neg3A_2604, %add3A_2602 : vector<16xf32>
    %exp3A_2606 = math.exp %neg3A_2605 : vector<16xf32>
    %add3A_2607 = arith.constant 1.000000e+00 : f32
    %add3A_2608 = vector.broadcast %add3A_2607 : f32 to vector<16xf32>
    %add3A_2609 = arith.addf %add3A_2608, %exp3A_2606 : vector<16xf32>
    %div3A_2610 = arith.constant 1.000000e+00 : f32
    %div3A_2611 = vector.broadcast %div3A_2610 : f32 to vector<16xf32>
    %div3A_2612 = arith.divf %div3A_2611, %add3A_2609 : vector<16xf32>
    %swap3A_2613 = arith.constant 960 : index
    %swap3A_2614 = tpu.vector_load %arg9[%swap3A_2613] {strides = array<i32>} : memref<2048xf32, #tpu.memory_space<vmem>>, vector<16xf32>,
    %swap3A_2615 = vector.shape_cast %swap3A_2614 : vector<16xf32> to vector<16xf32>
    %swap3A_2616 = vector.shape_cast %div3A_2612 : vector<16xf32> to vector<16xf32>
    tpu.vector_store %arg9[%swap3A_2613], %swap3A_2616 {strides = array<i32>} : memref<2048xf32, #tpu.memory_space<vmem>>, vector<16xf32>,
    %add3A_2617 = vector.broadcast %add3A_2600 : f32 to vector<16xf32>
    %add3A_2618 = arith.addf %add3A_844, %add3A_2617 : vector<16xf32>
    %neg3A_2619 = arith.constant 0.000000e+00 : f32
    %neg3A_2620 = vector.broadcast %neg3A_2619 : f32 to vector<16xf32>
    %neg3A_2621 = arith.subf %neg3A_2620, %add3A_2618 : vector<16xf32>
    %exp3A_2622 = math.exp %neg3A_2621 : vector<16xf32>
    %add3A_2623 = arith.constant 1.000000e+00 : f32
    %add3A_2624 = vector.broadcast %add3A_2623 : f32 to vector<16xf32>
    %add3A_2625 = arith.addf %add3A_2624, %exp3A_2622 : vector<16xf32>
    %div3A_2626 = arith.constant 1.000000e+00 : f32
    %div3A_2627 = vector.broadcast %div3A_2626 : f32 to vector<16xf32>
    %div3A_2628 = arith.divf %div3A_2627, %add3A_2625 : vector<16xf32>
    %swap3A_2629 = arith.constant 976 : index
    %swap3A_2630 = tpu.vector_load %arg9[%swap3A_2629] {strides = array<i32>} : memref<2048xf32, #tpu.memory_space<vmem>>, vector<16xf32>,
    %swap3A_2631 = vector.shape_cast %swap3A_2630 : vector<16xf32> to vector<16xf32>
    %swap3A_2632 = vector.shape_cast %div3A_2628 : vector<16xf32> to vector<16xf32>
    tpu.vector_store %arg9[%swap3A_2629], %swap3A_2632 {strides = array<i32>} : memref<2048xf32, #tpu.memory_space<vmem>>, vector<16xf32>,
    %slice3A_2633 = vector.extract_strided_slice %add3A_847 {offsets = [15], sizes = [1], strides = [1]} : vector<16xf32> to vector<1xf32>
    %squeeze3A_2634 = vector.extract %slice3A_2633[0] : f32 from vector<1xf32>
    %add3A_2635 = arith.addf %squeeze3A_2634, %squeeze3A : f32
    %add3A_2636 = vector.broadcast %add3A_2635 : f32 to vector<16xf32>
    %add3A_2637 = arith.addf %add3A_492, %add3A_2636 : vector<16xf32>
    %neg3A_2638 = arith.constant 0.000000e+00 : f32
    %neg3A_2639 = vector.broadcast %neg3A_2638 : f32 to vector<16xf32>
    %neg3A_2640 = arith.subf %neg3A_2639, %add3A_2637 : vector<16xf32>
    %exp3A_2641 = math.exp %neg3A_2640 : vector<16xf32>
    %add3A_2642 = arith.constant 1.000000e+00 : f32
    %add3A_2643 = vector.broadcast %add3A_2642 : f32 to vector<16xf32>
    %add3A_2644 = arith.addf %add3A_2643, %exp3A_2641 : vector<16xf32>
    %div3A_2645 = arith.constant 1.000000e+00 : f32
    %div3A_2646 = vector.broadcast %div3A_2645 : f32 to vector<16xf32>
    %div3A_2647 = arith.divf %div3A_2646, %add3A_2644 : vector<16xf32>
    %swap3A_2648 = arith.constant 992 : index
    %swap3A_2649 = tpu.vector_load %arg9[%swap3A_2648] {strides = array<i32>} : memref<2048xf32, #tpu.memory_space<vmem>>, vector<16xf32>,
    %swap3A_2650 = vector.shape_cast %swap3A_2649 : vector<16xf32> to vector<16xf32>
    %swap3A_2651 = vector.shape_cast %div3A_2647 : vector<16xf32> to vector<16xf32>
    tpu.vector_store %arg9[%swap3A_2648], %swap3A_2651 {strides = array<i32>} : memref<2048xf32, #tpu.memory_space<vmem>>, vector<16xf32>,
    %add3A_2652 = vector.broadcast %add3A_2635 : f32 to vector<16xf32>
    %add3A_2653 = arith.addf %add3A_844, %add3A_2652 : vector<16xf32>
    %neg3A_2654 = arith.constant 0.000000e+00 : f32
    %neg3A_2655 = vector.broadcast %neg3A_2654 : f32 to vector<16xf32>
    %neg3A_2656 = arith.subf %neg3A_2655, %add3A_2653 : vector<16xf32>
    %exp3A_2657 = math.exp %neg3A_2656 : vector<16xf32>
    %add3A_2658 = arith.constant 1.000000e+00 : f32
    %add3A_2659 = vector.broadcast %add3A_2658 : f32 to vector<16xf32>
    %add3A_2660 = arith.addf %add3A_2659, %exp3A_2657 : vector<16xf32>
    %div3A_2661 = arith.constant 1.000000e+00 : f32
    %div3A_2662 = vector.broadcast %div3A_2661 : f32 to vector<16xf32>
    %div3A_2663 = arith.divf %div3A_2662, %add3A_2660 : vector<16xf32>
    %swap3A_2664 = arith.constant 1008 : index
    %swap3A_2665 = tpu.vector_load %arg9[%swap3A_2664] {strides = array<i32>} : memref<2048xf32, #tpu.memory_space<vmem>>, vector<16xf32>,
    %swap3A_2666 = vector.shape_cast %swap3A_2665 : vector<16xf32> to vector<16xf32>
    %swap3A_2667 = vector.shape_cast %div3A_2663 : vector<16xf32> to vector<16xf32>
    tpu.vector_store %arg9[%swap3A_2664], %swap3A_2667 {strides = array<i32>} : memref<2048xf32, #tpu.memory_space<vmem>>, vector<16xf32>,
    %slice3A_2668 = vector.extract_strided_slice %add3A_1199 {offsets = [0], sizes = [1], strides = [1]} : vector<16xf32> to vector<1xf32>
    %squeeze3A_2669 = vector.extract %slice3A_2668[0] : f32 from vector<1xf32>
    %add3A_2670 = arith.addf %squeeze3A_2669, %squeeze3A : f32
    %add3A_2671 = vector.broadcast %add3A_2670 : f32 to vector<16xf32>
    %add3A_2672 = arith.addf %add3A_1196, %add3A_2671 : vector<16xf32>
    %neg3A_2673 = arith.constant 0.000000e+00 : f32
    %neg3A_2674 = vector.broadcast %neg3A_2673 : f32 to vector<16xf32>
    %neg3A_2675 = arith.subf %neg3A_2674, %add3A_2672 : vector<16xf32>
    %exp3A_2676 = math.exp %neg3A_2675 : vector<16xf32>
    %add3A_2677 = arith.constant 1.000000e+00 : f32
    %add3A_2678 = vector.broadcast %add3A_2677 : f32 to vector<16xf32>
    %add3A_2679 = arith.addf %add3A_2678, %exp3A_2676 : vector<16xf32>
    %div3A_2680 = arith.constant 1.000000e+00 : f32
    %div3A_2681 = vector.broadcast %div3A_2680 : f32 to vector<16xf32>
    %div3A_2682 = arith.divf %div3A_2681, %add3A_2679 : vector<16xf32>
    %swap3A_2683 = arith.constant 1024 : index
    %swap3A_2684 = tpu.vector_load %arg9[%swap3A_2683] {strides = array<i32>} : memref<2048xf32, #tpu.memory_space<vmem>>, vector<16xf32>,
    %swap3A_2685 = vector.shape_cast %swap3A_2684 : vector<16xf32> to vector<16xf32>
    %swap3A_2686 = vector.shape_cast %div3A_2682 : vector<16xf32> to vector<16xf32>
    tpu.vector_store %arg9[%swap3A_2683], %swap3A_2686 {strides = array<i32>} : memref<2048xf32, #tpu.memory_space<vmem>>, vector<16xf32>,
    %add3A_2687 = vector.broadcast %add3A_2670 : f32 to vector<16xf32>
    %add3A_2688 = arith.addf %add3A_1548, %add3A_2687 : vector<16xf32>
    %neg3A_2689 = arith.constant 0.000000e+00 : f32
    %neg3A_2690 = vector.broadcast %neg3A_2689 : f32 to vector<16xf32>
    %neg3A_2691 = arith.subf %neg3A_2690, %add3A_2688 : vector<16xf32>
    %exp3A_2692 = math.exp %neg3A_2691 : vector<16xf32>
    %add3A_2693 = arith.constant 1.000000e+00 : f32
    %add3A_2694 = vector.broadcast %add3A_2693 : f32 to vector<16xf32>
    %add3A_2695 = arith.addf %add3A_2694, %exp3A_2692 : vector<16xf32>
    %div3A_2696 = arith.constant 1.000000e+00 : f32
    %div3A_2697 = vector.broadcast %div3A_2696 : f32 to vector<16xf32>
    %div3A_2698 = arith.divf %div3A_2697, %add3A_2695 : vector<16xf32>
    %swap3A_2699 = arith.constant 1040 : index
    %swap3A_2700 = tpu.vector_load %arg9[%swap3A_2699] {strides = array<i32>} : memref<2048xf32, #tpu.memory_space<vmem>>, vector<16xf32>,
    %swap3A_2701 = vector.shape_cast %swap3A_2700 : vector<16xf32> to vector<16xf32>
    %swap3A_2702 = vector.shape_cast %div3A_2698 : vector<16xf32> to vector<16xf32>
    tpu.vector_store %arg9[%swap3A_2699], %swap3A_2702 {strides = array<i32>} : memref<2048xf32, #tpu.memory_space<vmem>>, vector<16xf32>,
    %slice3A_2703 = vector.extract_strided_slice %add3A_1199 {offsets = [1], sizes = [1], strides = [1]} : vector<16xf32> to vector<1xf32>
    %squeeze3A_2704 = vector.extract %slice3A_2703[0] : f32 from vector<1xf32>
    %add3A_2705 = arith.addf %squeeze3A_2704, %squeeze3A : f32
    %add3A_2706 = vector.broadcast %add3A_2705 : f32 to vector<16xf32>
    %add3A_2707 = arith.addf %add3A_1196, %add3A_2706 : vector<16xf32>
    %neg3A_2708 = arith.constant 0.000000e+00 : f32
    %neg3A_2709 = vector.broadcast %neg3A_2708 : f32 to vector<16xf32>
    %neg3A_2710 = arith.subf %neg3A_2709, %add3A_2707 : vector<16xf32>
    %exp3A_2711 = math.exp %neg3A_2710 : vector<16xf32>
    %add3A_2712 = arith.constant 1.000000e+00 : f32
    %add3A_2713 = vector.broadcast %add3A_2712 : f32 to vector<16xf32>
    %add3A_2714 = arith.addf %add3A_2713, %exp3A_2711 : vector<16xf32>
    %div3A_2715 = arith.constant 1.000000e+00 : f32
    %div3A_2716 = vector.broadcast %div3A_2715 : f32 to vector<16xf32>
    %div3A_2717 = arith.divf %div3A_2716, %add3A_2714 : vector<16xf32>
    %swap3A_2718 = arith.constant 1056 : index
    %swap3A_2719 = tpu.vector_load %arg9[%swap3A_2718] {strides = array<i32>} : memref<2048xf32, #tpu.memory_space<vmem>>, vector<16xf32>,
    %swap3A_2720 = vector.shape_cast %swap3A_2719 : vector<16xf32> to vector<16xf32>
    %swap3A_2721 = vector.shape_cast %div3A_2717 : vector<16xf32> to vector<16xf32>
    tpu.vector_store %arg9[%swap3A_2718], %swap3A_2721 {strides = array<i32>} : memref<2048xf32, #tpu.memory_space<vmem>>, vector<16xf32>,
    %add3A_2722 = vector.broadcast %add3A_2705 : f32 to vector<16xf32>
    %add3A_2723 = arith.addf %add3A_1548, %add3A_2722 : vector<16xf32>
    %neg3A_2724 = arith.constant 0.000000e+00 : f32
    %neg3A_2725 = vector.broadcast %neg3A_2724 : f32 to vector<16xf32>
    %neg3A_2726 = arith.subf %neg3A_2725, %add3A_2723 : vector<16xf32>
    %exp3A_2727 = math.exp %neg3A_2726 : vector<16xf32>
    %add3A_2728 = arith.constant 1.000000e+00 : f32
    %add3A_2729 = vector.broadcast %add3A_2728 : f32 to vector<16xf32>
    %add3A_2730 = arith.addf %add3A_2729, %exp3A_2727 : vector<16xf32>
    %div3A_2731 = arith.constant 1.000000e+00 : f32
    %div3A_2732 = vector.broadcast %div3A_2731 : f32 to vector<16xf32>
    %div3A_2733 = arith.divf %div3A_2732, %add3A_2730 : vector<16xf32>
    %swap3A_2734 = arith.constant 1072 : index
    %swap3A_2735 = tpu.vector_load %arg9[%swap3A_2734] {strides = array<i32>} : memref<2048xf32, #tpu.memory_space<vmem>>, vector<16xf32>,
    %swap3A_2736 = vector.shape_cast %swap3A_2735 : vector<16xf32> to vector<16xf32>
    %swap3A_2737 = vector.shape_cast %div3A_2733 : vector<16xf32> to vector<16xf32>
    tpu.vector_store %arg9[%swap3A_2734], %swap3A_2737 {strides = array<i32>} : memref<2048xf32, #tpu.memory_space<vmem>>, vector<16xf32>,
    %slice3A_2738 = vector.extract_strided_slice %add3A_1199 {offsets = [2], sizes = [1], strides = [1]} : vector<16xf32> to vector<1xf32>
    %squeeze3A_2739 = vector.extract %slice3A_2738[0] : f32 from vector<1xf32>
    %add3A_2740 = arith.addf %squeeze3A_2739, %squeeze3A : f32
    %add3A_2741 = vector.broadcast %add3A_2740 : f32 to vector<16xf32>
    %add3A_2742 = arith.addf %add3A_1196, %add3A_2741 : vector<16xf32>
    %neg3A_2743 = arith.constant 0.000000e+00 : f32
    %neg3A_2744 = vector.broadcast %neg3A_2743 : f32 to vector<16xf32>
    %neg3A_2745 = arith.subf %neg3A_2744, %add3A_2742 : vector<16xf32>
    %exp3A_2746 = math.exp %neg3A_2745 : vector<16xf32>
    %add3A_2747 = arith.constant 1.000000e+00 : f32
    %add3A_2748 = vector.broadcast %add3A_2747 : f32 to vector<16xf32>
    %add3A_2749 = arith.addf %add3A_2748, %exp3A_2746 : vector<16xf32>
    %div3A_2750 = arith.constant 1.000000e+00 : f32
    %div3A_2751 = vector.broadcast %div3A_2750 : f32 to vector<16xf32>
    %div3A_2752 = arith.divf %div3A_2751, %add3A_2749 : vector<16xf32>
    %swap3A_2753 = arith.constant 1088 : index
    %swap3A_2754 = tpu.vector_load %arg9[%swap3A_2753] {strides = array<i32>} : memref<2048xf32, #tpu.memory_space<vmem>>, vector<16xf32>,
    %swap3A_2755 = vector.shape_cast %swap3A_2754 : vector<16xf32> to vector<16xf32>
    %swap3A_2756 = vector.shape_cast %div3A_2752 : vector<16xf32> to vector<16xf32>
    tpu.vector_store %arg9[%swap3A_2753], %swap3A_2756 {strides = array<i32>} : memref<2048xf32, #tpu.memory_space<vmem>>, vector<16xf32>,
    %add3A_2757 = vector.broadcast %add3A_2740 : f32 to vector<16xf32>
    %add3A_2758 = arith.addf %add3A_1548, %add3A_2757 : vector<16xf32>
    %neg3A_2759 = arith.constant 0.000000e+00 : f32
    %neg3A_2760 = vector.broadcast %neg3A_2759 : f32 to vector<16xf32>
    %neg3A_2761 = arith.subf %neg3A_2760, %add3A_2758 : vector<16xf32>
    %exp3A_2762 = math.exp %neg3A_2761 : vector<16xf32>
    %add3A_2763 = arith.constant 1.000000e+00 : f32
    %add3A_2764 = vector.broadcast %add3A_2763 : f32 to vector<16xf32>
    %add3A_2765 = arith.addf %add3A_2764, %exp3A_2762 : vector<16xf32>
    %div3A_2766 = arith.constant 1.000000e+00 : f32
    %div3A_2767 = vector.broadcast %div3A_2766 : f32 to vector<16xf32>
    %div3A_2768 = arith.divf %div3A_2767, %add3A_2765 : vector<16xf32>
    %swap3A_2769 = arith.constant 1104 : index
    %swap3A_2770 = tpu.vector_load %arg9[%swap3A_2769] {strides = array<i32>} : memref<2048xf32, #tpu.memory_space<vmem>>, vector<16xf32>,
    %swap3A_2771 = vector.shape_cast %swap3A_2770 : vector<16xf32> to vector<16xf32>
    %swap3A_2772 = vector.shape_cast %div3A_2768 : vector<16xf32> to vector<16xf32>
    tpu.vector_store %arg9[%swap3A_2769], %swap3A_2772 {strides = array<i32>} : memref<2048xf32, #tpu.memory_space<vmem>>, vector<16xf32>,
    %slice3A_2773 = vector.extract_strided_slice %add3A_1199 {offsets = [3], sizes = [1], strides = [1]} : vector<16xf32> to vector<1xf32>
    %squeeze3A_2774 = vector.extract %slice3A_2773[0] : f32 from vector<1xf32>
    %add3A_2775 = arith.addf %squeeze3A_2774, %squeeze3A : f32
    %add3A_2776 = vector.broadcast %add3A_2775 : f32 to vector<16xf32>
    %add3A_2777 = arith.addf %add3A_1196, %add3A_2776 : vector<16xf32>
    %neg3A_2778 = arith.constant 0.000000e+00 : f32
    %neg3A_2779 = vector.broadcast %neg3A_2778 : f32 to vector<16xf32>
    %neg3A_2780 = arith.subf %neg3A_2779, %add3A_2777 : vector<16xf32>
    %exp3A_2781 = math.exp %neg3A_2780 : vector<16xf32>
    %add3A_2782 = arith.constant 1.000000e+00 : f32
    %add3A_2783 = vector.broadcast %add3A_2782 : f32 to vector<16xf32>
    %add3A_2784 = arith.addf %add3A_2783, %exp3A_2781 : vector<16xf32>
    %div3A_2785 = arith.constant 1.000000e+00 : f32
    %div3A_2786 = vector.broadcast %div3A_2785 : f32 to vector<16xf32>
    %div3A_2787 = arith.divf %div3A_2786, %add3A_2784 : vector<16xf32>
    %swap3A_2788 = arith.constant 1120 : index
    %swap3A_2789 = tpu.vector_load %arg9[%swap3A_2788] {strides = array<i32>} : memref<2048xf32, #tpu.memory_space<vmem>>, vector<16xf32>,
    %swap3A_2790 = vector.shape_cast %swap3A_2789 : vector<16xf32> to vector<16xf32>
    %swap3A_2791 = vector.shape_cast %div3A_2787 : vector<16xf32> to vector<16xf32>
    tpu.vector_store %arg9[%swap3A_2788], %swap3A_2791 {strides = array<i32>} : memref<2048xf32, #tpu.memory_space<vmem>>, vector<16xf32>,
    %add3A_2792 = vector.broadcast %add3A_2775 : f32 to vector<16xf32>
    %add3A_2793 = arith.addf %add3A_1548, %add3A_2792 : vector<16xf32>
    %neg3A_2794 = arith.constant 0.000000e+00 : f32
    %neg3A_2795 = vector.broadcast %neg3A_2794 : f32 to vector<16xf32>
    %neg3A_2796 = arith.subf %neg3A_2795, %add3A_2793 : vector<16xf32>
    %exp3A_2797 = math.exp %neg3A_2796 : vector<16xf32>
    %add3A_2798 = arith.constant 1.000000e+00 : f32
    %add3A_2799 = vector.broadcast %add3A_2798 : f32 to vector<16xf32>
    %add3A_2800 = arith.addf %add3A_2799, %exp3A_2797 : vector<16xf32>
    %div3A_2801 = arith.constant 1.000000e+00 : f32
    %div3A_2802 = vector.broadcast %div3A_2801 : f32 to vector<16xf32>
    %div3A_2803 = arith.divf %div3A_2802, %add3A_2800 : vector<16xf32>
    %swap3A_2804 = arith.constant 1136 : index
    %swap3A_2805 = tpu.vector_load %arg9[%swap3A_2804] {strides = array<i32>} : memref<2048xf32, #tpu.memory_space<vmem>>, vector<16xf32>,
    %swap3A_2806 = vector.shape_cast %swap3A_2805 : vector<16xf32> to vector<16xf32>
    %swap3A_2807 = vector.shape_cast %div3A_2803 : vector<16xf32> to vector<16xf32>
    tpu.vector_store %arg9[%swap3A_2804], %swap3A_2807 {strides = array<i32>} : memref<2048xf32, #tpu.memory_space<vmem>>, vector<16xf32>,
    %slice3A_2808 = vector.extract_strided_slice %add3A_1199 {offsets = [4], sizes = [1], strides = [1]} : vector<16xf32> to vector<1xf32>
    %squeeze3A_2809 = vector.extract %slice3A_2808[0] : f32 from vector<1xf32>
    %add3A_2810 = arith.addf %squeeze3A_2809, %squeeze3A : f32
    %add3A_2811 = vector.broadcast %add3A_2810 : f32 to vector<16xf32>
    %add3A_2812 = arith.addf %add3A_1196, %add3A_2811 : vector<16xf32>
    %neg3A_2813 = arith.constant 0.000000e+00 : f32
    %neg3A_2814 = vector.broadcast %neg3A_2813 : f32 to vector<16xf32>
    %neg3A_2815 = arith.subf %neg3A_2814, %add3A_2812 : vector<16xf32>
    %exp3A_2816 = math.exp %neg3A_2815 : vector<16xf32>
    %add3A_2817 = arith.constant 1.000000e+00 : f32
    %add3A_2818 = vector.broadcast %add3A_2817 : f32 to vector<16xf32>
    %add3A_2819 = arith.addf %add3A_2818, %exp3A_2816 : vector<16xf32>
    %div3A_2820 = arith.constant 1.000000e+00 : f32
    %div3A_2821 = vector.broadcast %div3A_2820 : f32 to vector<16xf32>
    %div3A_2822 = arith.divf %div3A_2821, %add3A_2819 : vector<16xf32>
    %swap3A_2823 = arith.constant 1152 : index
    %swap3A_2824 = tpu.vector_load %arg9[%swap3A_2823] {strides = array<i32>} : memref<2048xf32, #tpu.memory_space<vmem>>, vector<16xf32>,
    %swap3A_2825 = vector.shape_cast %swap3A_2824 : vector<16xf32> to vector<16xf32>
    %swap3A_2826 = vector.shape_cast %div3A_2822 : vector<16xf32> to vector<16xf32>
    tpu.vector_store %arg9[%swap3A_2823], %swap3A_2826 {strides = array<i32>} : memref<2048xf32, #tpu.memory_space<vmem>>, vector<16xf32>,
    %add3A_2827 = vector.broadcast %add3A_2810 : f32 to vector<16xf32>
    %add3A_2828 = arith.addf %add3A_1548, %add3A_2827 : vector<16xf32>
    %neg3A_2829 = arith.constant 0.000000e+00 : f32
    %neg3A_2830 = vector.broadcast %neg3A_2829 : f32 to vector<16xf32>
    %neg3A_2831 = arith.subf %neg3A_2830, %add3A_2828 : vector<16xf32>
    %exp3A_2832 = math.exp %neg3A_2831 : vector<16xf32>
    %add3A_2833 = arith.constant 1.000000e+00 : f32
    %add3A_2834 = vector.broadcast %add3A_2833 : f32 to vector<16xf32>
    %add3A_2835 = arith.addf %add3A_2834, %exp3A_2832 : vector<16xf32>
    %div3A_2836 = arith.constant 1.000000e+00 : f32
    %div3A_2837 = vector.broadcast %div3A_2836 : f32 to vector<16xf32>
    %div3A_2838 = arith.divf %div3A_2837, %add3A_2835 : vector<16xf32>
    %swap3A_2839 = arith.constant 1168 : index
    %swap3A_2840 = tpu.vector_load %arg9[%swap3A_2839] {strides = array<i32>} : memref<2048xf32, #tpu.memory_space<vmem>>, vector<16xf32>,
    %swap3A_2841 = vector.shape_cast %swap3A_2840 : vector<16xf32> to vector<16xf32>
    %swap3A_2842 = vector.shape_cast %div3A_2838 : vector<16xf32> to vector<16xf32>
    tpu.vector_store %arg9[%swap3A_2839], %swap3A_2842 {strides = array<i32>} : memref<2048xf32, #tpu.memory_space<vmem>>, vector<16xf32>,
    %slice3A_2843 = vector.extract_strided_slice %add3A_1199 {offsets = [5], sizes = [1], strides = [1]} : vector<16xf32> to vector<1xf32>
    %squeeze3A_2844 = vector.extract %slice3A_2843[0] : f32 from vector<1xf32>
    %add3A_2845 = arith.addf %squeeze3A_2844, %squeeze3A : f32
    %add3A_2846 = vector.broadcast %add3A_2845 : f32 to vector<16xf32>
    %add3A_2847 = arith.addf %add3A_1196, %add3A_2846 : vector<16xf32>
    %neg3A_2848 = arith.constant 0.000000e+00 : f32
    %neg3A_2849 = vector.broadcast %neg3A_2848 : f32 to vector<16xf32>
    %neg3A_2850 = arith.subf %neg3A_2849, %add3A_2847 : vector<16xf32>
    %exp3A_2851 = math.exp %neg3A_2850 : vector<16xf32>
    %add3A_2852 = arith.constant 1.000000e+00 : f32
    %add3A_2853 = vector.broadcast %add3A_2852 : f32 to vector<16xf32>
    %add3A_2854 = arith.addf %add3A_2853, %exp3A_2851 : vector<16xf32>
    %div3A_2855 = arith.constant 1.000000e+00 : f32
    %div3A_2856 = vector.broadcast %div3A_2855 : f32 to vector<16xf32>
    %div3A_2857 = arith.divf %div3A_2856, %add3A_2854 : vector<16xf32>
    %swap3A_2858 = arith.constant 1184 : index
    %swap3A_2859 = tpu.vector_load %arg9[%swap3A_2858] {strides = array<i32>} : memref<2048xf32, #tpu.memory_space<vmem>>, vector<16xf32>,
    %swap3A_2860 = vector.shape_cast %swap3A_2859 : vector<16xf32> to vector<16xf32>
    %swap3A_2861 = vector.shape_cast %div3A_2857 : vector<16xf32> to vector<16xf32>
    tpu.vector_store %arg9[%swap3A_2858], %swap3A_2861 {strides = array<i32>} : memref<2048xf32, #tpu.memory_space<vmem>>, vector<16xf32>,
    %add3A_2862 = vector.broadcast %add3A_2845 : f32 to vector<16xf32>
    %add3A_2863 = arith.addf %add3A_1548, %add3A_2862 : vector<16xf32>
    %neg3A_2864 = arith.constant 0.000000e+00 : f32
    %neg3A_2865 = vector.broadcast %neg3A_2864 : f32 to vector<16xf32>
    %neg3A_2866 = arith.subf %neg3A_2865, %add3A_2863 : vector<16xf32>
    %exp3A_2867 = math.exp %neg3A_2866 : vector<16xf32>
    %add3A_2868 = arith.constant 1.000000e+00 : f32
    %add3A_2869 = vector.broadcast %add3A_2868 : f32 to vector<16xf32>
    %add3A_2870 = arith.addf %add3A_2869, %exp3A_2867 : vector<16xf32>
    %div3A_2871 = arith.constant 1.000000e+00 : f32
    %div3A_2872 = vector.broadcast %div3A_2871 : f32 to vector<16xf32>
    %div3A_2873 = arith.divf %div3A_2872, %add3A_2870 : vector<16xf32>
    %swap3A_2874 = arith.constant 1200 : index
    %swap3A_2875 = tpu.vector_load %arg9[%swap3A_2874] {strides = array<i32>} : memref<2048xf32, #tpu.memory_space<vmem>>, vector<16xf32>,
    %swap3A_2876 = vector.shape_cast %swap3A_2875 : vector<16xf32> to vector<16xf32>
    %swap3A_2877 = vector.shape_cast %div3A_2873 : vector<16xf32> to vector<16xf32>
    tpu.vector_store %arg9[%swap3A_2874], %swap3A_2877 {strides = array<i32>} : memref<2048xf32, #tpu.memory_space<vmem>>, vector<16xf32>,
    %slice3A_2878 = vector.extract_strided_slice %add3A_1199 {offsets = [6], sizes = [1], strides = [1]} : vector<16xf32> to vector<1xf32>
    %squeeze3A_2879 = vector.extract %slice3A_2878[0] : f32 from vector<1xf32>
    %add3A_2880 = arith.addf %squeeze3A_2879, %squeeze3A : f32
    %add3A_2881 = vector.broadcast %add3A_2880 : f32 to vector<16xf32>
    %add3A_2882 = arith.addf %add3A_1196, %add3A_2881 : vector<16xf32>
    %neg3A_2883 = arith.constant 0.000000e+00 : f32
    %neg3A_2884 = vector.broadcast %neg3A_2883 : f32 to vector<16xf32>
    %neg3A_2885 = arith.subf %neg3A_2884, %add3A_2882 : vector<16xf32>
    %exp3A_2886 = math.exp %neg3A_2885 : vector<16xf32>
    %add3A_2887 = arith.constant 1.000000e+00 : f32
    %add3A_2888 = vector.broadcast %add3A_2887 : f32 to vector<16xf32>
    %add3A_2889 = arith.addf %add3A_2888, %exp3A_2886 : vector<16xf32>
    %div3A_2890 = arith.constant 1.000000e+00 : f32
    %div3A_2891 = vector.broadcast %div3A_2890 : f32 to vector<16xf32>
    %div3A_2892 = arith.divf %div3A_2891, %add3A_2889 : vector<16xf32>
    %swap3A_2893 = arith.constant 1216 : index
    %swap3A_2894 = tpu.vector_load %arg9[%swap3A_2893] {strides = array<i32>} : memref<2048xf32, #tpu.memory_space<vmem>>, vector<16xf32>,
    %swap3A_2895 = vector.shape_cast %swap3A_2894 : vector<16xf32> to vector<16xf32>
    %swap3A_2896 = vector.shape_cast %div3A_2892 : vector<16xf32> to vector<16xf32>
    tpu.vector_store %arg9[%swap3A_2893], %swap3A_2896 {strides = array<i32>} : memref<2048xf32, #tpu.memory_space<vmem>>, vector<16xf32>,
    %add3A_2897 = vector.broadcast %add3A_2880 : f32 to vector<16xf32>
    %add3A_2898 = arith.addf %add3A_1548, %add3A_2897 : vector<16xf32>
    %neg3A_2899 = arith.constant 0.000000e+00 : f32
    %neg3A_2900 = vector.broadcast %neg3A_2899 : f32 to vector<16xf32>
    %neg3A_2901 = arith.subf %neg3A_2900, %add3A_2898 : vector<16xf32>
    %exp3A_2902 = math.exp %neg3A_2901 : vector<16xf32>
    %add3A_2903 = arith.constant 1.000000e+00 : f32
    %add3A_2904 = vector.broadcast %add3A_2903 : f32 to vector<16xf32>
    %add3A_2905 = arith.addf %add3A_2904, %exp3A_2902 : vector<16xf32>
    %div3A_2906 = arith.constant 1.000000e+00 : f32
    %div3A_2907 = vector.broadcast %div3A_2906 : f32 to vector<16xf32>
    %div3A_2908 = arith.divf %div3A_2907, %add3A_2905 : vector<16xf32>
    %swap3A_2909 = arith.constant 1232 : index
    %swap3A_2910 = tpu.vector_load %arg9[%swap3A_2909] {strides = array<i32>} : memref<2048xf32, #tpu.memory_space<vmem>>, vector<16xf32>,
    %swap3A_2911 = vector.shape_cast %swap3A_2910 : vector<16xf32> to vector<16xf32>
    %swap3A_2912 = vector.shape_cast %div3A_2908 : vector<16xf32> to vector<16xf32>
    tpu.vector_store %arg9[%swap3A_2909], %swap3A_2912 {strides = array<i32>} : memref<2048xf32, #tpu.memory_space<vmem>>, vector<16xf32>,
    %slice3A_2913 = vector.extract_strided_slice %add3A_1199 {offsets = [7], sizes = [1], strides = [1]} : vector<16xf32> to vector<1xf32>
    %squeeze3A_2914 = vector.extract %slice3A_2913[0] : f32 from vector<1xf32>
    %add3A_2915 = arith.addf %squeeze3A_2914, %squeeze3A : f32
    %add3A_2916 = vector.broadcast %add3A_2915 : f32 to vector<16xf32>
    %add3A_2917 = arith.addf %add3A_1196, %add3A_2916 : vector<16xf32>
    %neg3A_2918 = arith.constant 0.000000e+00 : f32
    %neg3A_2919 = vector.broadcast %neg3A_2918 : f32 to vector<16xf32>
    %neg3A_2920 = arith.subf %neg3A_2919, %add3A_2917 : vector<16xf32>
    %exp3A_2921 = math.exp %neg3A_2920 : vector<16xf32>
    %add3A_2922 = arith.constant 1.000000e+00 : f32
    %add3A_2923 = vector.broadcast %add3A_2922 : f32 to vector<16xf32>
    %add3A_2924 = arith.addf %add3A_2923, %exp3A_2921 : vector<16xf32>
    %div3A_2925 = arith.constant 1.000000e+00 : f32
    %div3A_2926 = vector.broadcast %div3A_2925 : f32 to vector<16xf32>
    %div3A_2927 = arith.divf %div3A_2926, %add3A_2924 : vector<16xf32>
    %swap3A_2928 = arith.constant 1248 : index
    %swap3A_2929 = tpu.vector_load %arg9[%swap3A_2928] {strides = array<i32>} : memref<2048xf32, #tpu.memory_space<vmem>>, vector<16xf32>,
    %swap3A_2930 = vector.shape_cast %swap3A_2929 : vector<16xf32> to vector<16xf32>
    %swap3A_2931 = vector.shape_cast %div3A_2927 : vector<16xf32> to vector<16xf32>
    tpu.vector_store %arg9[%swap3A_2928], %swap3A_2931 {strides = array<i32>} : memref<2048xf32, #tpu.memory_space<vmem>>, vector<16xf32>,
    %add3A_2932 = vector.broadcast %add3A_2915 : f32 to vector<16xf32>
    %add3A_2933 = arith.addf %add3A_1548, %add3A_2932 : vector<16xf32>
    %neg3A_2934 = arith.constant 0.000000e+00 : f32
    %neg3A_2935 = vector.broadcast %neg3A_2934 : f32 to vector<16xf32>
    %neg3A_2936 = arith.subf %neg3A_2935, %add3A_2933 : vector<16xf32>
    %exp3A_2937 = math.exp %neg3A_2936 : vector<16xf32>
    %add3A_2938 = arith.constant 1.000000e+00 : f32
    %add3A_2939 = vector.broadcast %add3A_2938 : f32 to vector<16xf32>
    %add3A_2940 = arith.addf %add3A_2939, %exp3A_2937 : vector<16xf32>
    %div3A_2941 = arith.constant 1.000000e+00 : f32
    %div3A_2942 = vector.broadcast %div3A_2941 : f32 to vector<16xf32>
    %div3A_2943 = arith.divf %div3A_2942, %add3A_2940 : vector<16xf32>
    %swap3A_2944 = arith.constant 1264 : index
    %swap3A_2945 = tpu.vector_load %arg9[%swap3A_2944] {strides = array<i32>} : memref<2048xf32, #tpu.memory_space<vmem>>, vector<16xf32>,
    %swap3A_2946 = vector.shape_cast %swap3A_2945 : vector<16xf32> to vector<16xf32>
    %swap3A_2947 = vector.shape_cast %div3A_2943 : vector<16xf32> to vector<16xf32>
    tpu.vector_store %arg9[%swap3A_2944], %swap3A_2947 {strides = array<i32>} : memref<2048xf32, #tpu.memory_space<vmem>>, vector<16xf32>,
    %slice3A_2948 = vector.extract_strided_slice %add3A_1199 {offsets = [8], sizes = [1], strides = [1]} : vector<16xf32> to vector<1xf32>
    %squeeze3A_2949 = vector.extract %slice3A_2948[0] : f32 from vector<1xf32>
    %add3A_2950 = arith.addf %squeeze3A_2949, %squeeze3A : f32
    %add3A_2951 = vector.broadcast %add3A_2950 : f32 to vector<16xf32>
    %add3A_2952 = arith.addf %add3A_1196, %add3A_2951 : vector<16xf32>
    %neg3A_2953 = arith.constant 0.000000e+00 : f32
    %neg3A_2954 = vector.broadcast %neg3A_2953 : f32 to vector<16xf32>
    %neg3A_2955 = arith.subf %neg3A_2954, %add3A_2952 : vector<16xf32>
    %exp3A_2956 = math.exp %neg3A_2955 : vector<16xf32>
    %add3A_2957 = arith.constant 1.000000e+00 : f32
    %add3A_2958 = vector.broadcast %add3A_2957 : f32 to vector<16xf32>
    %add3A_2959 = arith.addf %add3A_2958, %exp3A_2956 : vector<16xf32>
    %div3A_2960 = arith.constant 1.000000e+00 : f32
    %div3A_2961 = vector.broadcast %div3A_2960 : f32 to vector<16xf32>
    %div3A_2962 = arith.divf %div3A_2961, %add3A_2959 : vector<16xf32>
    %swap3A_2963 = arith.constant 1280 : index
    %swap3A_2964 = tpu.vector_load %arg9[%swap3A_2963] {strides = array<i32>} : memref<2048xf32, #tpu.memory_space<vmem>>, vector<16xf32>,
    %swap3A_2965 = vector.shape_cast %swap3A_2964 : vector<16xf32> to vector<16xf32>
    %swap3A_2966 = vector.shape_cast %div3A_2962 : vector<16xf32> to vector<16xf32>
    tpu.vector_store %arg9[%swap3A_2963], %swap3A_2966 {strides = array<i32>} : memref<2048xf32, #tpu.memory_space<vmem>>, vector<16xf32>,
    %add3A_2967 = vector.broadcast %add3A_2950 : f32 to vector<16xf32>
    %add3A_2968 = arith.addf %add3A_1548, %add3A_2967 : vector<16xf32>
    %neg3A_2969 = arith.constant 0.000000e+00 : f32
    %neg3A_2970 = vector.broadcast %neg3A_2969 : f32 to vector<16xf32>
    %neg3A_2971 = arith.subf %neg3A_2970, %add3A_2968 : vector<16xf32>
    %exp3A_2972 = math.exp %neg3A_2971 : vector<16xf32>
    %add3A_2973 = arith.constant 1.000000e+00 : f32
    %add3A_2974 = vector.broadcast %add3A_2973 : f32 to vector<16xf32>
    %add3A_2975 = arith.addf %add3A_2974, %exp3A_2972 : vector<16xf32>
    %div3A_2976 = arith.constant 1.000000e+00 : f32
    %div3A_2977 = vector.broadcast %div3A_2976 : f32 to vector<16xf32>
    %div3A_2978 = arith.divf %div3A_2977, %add3A_2975 : vector<16xf32>
    %swap3A_2979 = arith.constant 1296 : index
    %swap3A_2980 = tpu.vector_load %arg9[%swap3A_2979] {strides = array<i32>} : memref<2048xf32, #tpu.memory_space<vmem>>, vector<16xf32>,
    %swap3A_2981 = vector.shape_cast %swap3A_2980 : vector<16xf32> to vector<16xf32>
    %swap3A_2982 = vector.shape_cast %div3A_2978 : vector<16xf32> to vector<16xf32>
    tpu.vector_store %arg9[%swap3A_2979], %swap3A_2982 {strides = array<i32>} : memref<2048xf32, #tpu.memory_space<vmem>>, vector<16xf32>,
    %slice3A_2983 = vector.extract_strided_slice %add3A_1199 {offsets = [9], sizes = [1], strides = [1]} : vector<16xf32> to vector<1xf32>
    %squeeze3A_2984 = vector.extract %slice3A_2983[0] : f32 from vector<1xf32>
    %add3A_2985 = arith.addf %squeeze3A_2984, %squeeze3A : f32
    %add3A_2986 = vector.broadcast %add3A_2985 : f32 to vector<16xf32>
    %add3A_2987 = arith.addf %add3A_1196, %add3A_2986 : vector<16xf32>
    %neg3A_2988 = arith.constant 0.000000e+00 : f32
    %neg3A_2989 = vector.broadcast %neg3A_2988 : f32 to vector<16xf32>
    %neg3A_2990 = arith.subf %neg3A_2989, %add3A_2987 : vector<16xf32>
    %exp3A_2991 = math.exp %neg3A_2990 : vector<16xf32>
    %add3A_2992 = arith.constant 1.000000e+00 : f32
    %add3A_2993 = vector.broadcast %add3A_2992 : f32 to vector<16xf32>
    %add3A_2994 = arith.addf %add3A_2993, %exp3A_2991 : vector<16xf32>
    %div3A_2995 = arith.constant 1.000000e+00 : f32
    %div3A_2996 = vector.broadcast %div3A_2995 : f32 to vector<16xf32>
    %div3A_2997 = arith.divf %div3A_2996, %add3A_2994 : vector<16xf32>
    %swap3A_2998 = arith.constant 1312 : index
    %swap3A_2999 = tpu.vector_load %arg9[%swap3A_2998] {strides = array<i32>} : memref<2048xf32, #tpu.memory_space<vmem>>, vector<16xf32>,
    %swap3A_3000 = vector.shape_cast %swap3A_2999 : vector<16xf32> to vector<16xf32>
    %swap3A_3001 = vector.shape_cast %div3A_2997 : vector<16xf32> to vector<16xf32>
    tpu.vector_store %arg9[%swap3A_2998], %swap3A_3001 {strides = array<i32>} : memref<2048xf32, #tpu.memory_space<vmem>>, vector<16xf32>,
    %add3A_3002 = vector.broadcast %add3A_2985 : f32 to vector<16xf32>
    %add3A_3003 = arith.addf %add3A_1548, %add3A_3002 : vector<16xf32>
    %neg3A_3004 = arith.constant 0.000000e+00 : f32
    %neg3A_3005 = vector.broadcast %neg3A_3004 : f32 to vector<16xf32>
    %neg3A_3006 = arith.subf %neg3A_3005, %add3A_3003 : vector<16xf32>
    %exp3A_3007 = math.exp %neg3A_3006 : vector<16xf32>
    %add3A_3008 = arith.constant 1.000000e+00 : f32
    %add3A_3009 = vector.broadcast %add3A_3008 : f32 to vector<16xf32>
    %add3A_3010 = arith.addf %add3A_3009, %exp3A_3007 : vector<16xf32>
    %div3A_3011 = arith.constant 1.000000e+00 : f32
    %div3A_3012 = vector.broadcast %div3A_3011 : f32 to vector<16xf32>
    %div3A_3013 = arith.divf %div3A_3012, %add3A_3010 : vector<16xf32>
    %swap3A_3014 = arith.constant 1328 : index
    %swap3A_3015 = tpu.vector_load %arg9[%swap3A_3014] {strides = array<i32>} : memref<2048xf32, #tpu.memory_space<vmem>>, vector<16xf32>,
    %swap3A_3016 = vector.shape_cast %swap3A_3015 : vector<16xf32> to vector<16xf32>
    %swap3A_3017 = vector.shape_cast %div3A_3013 : vector<16xf32> to vector<16xf32>
    tpu.vector_store %arg9[%swap3A_3014], %swap3A_3017 {strides = array<i32>} : memref<2048xf32, #tpu.memory_space<vmem>>, vector<16xf32>,
    %slice3A_3018 = vector.extract_strided_slice %add3A_1199 {offsets = [10], sizes = [1], strides = [1]} : vector<16xf32> to vector<1xf32>
    %squeeze3A_3019 = vector.extract %slice3A_3018[0] : f32 from vector<1xf32>
    %add3A_3020 = arith.addf %squeeze3A_3019, %squeeze3A : f32
    %add3A_3021 = vector.broadcast %add3A_3020 : f32 to vector<16xf32>
    %add3A_3022 = arith.addf %add3A_1196, %add3A_3021 : vector<16xf32>
    %neg3A_3023 = arith.constant 0.000000e+00 : f32
    %neg3A_3024 = vector.broadcast %neg3A_3023 : f32 to vector<16xf32>
    %neg3A_3025 = arith.subf %neg3A_3024, %add3A_3022 : vector<16xf32>
    %exp3A_3026 = math.exp %neg3A_3025 : vector<16xf32>
    %add3A_3027 = arith.constant 1.000000e+00 : f32
    %add3A_3028 = vector.broadcast %add3A_3027 : f32 to vector<16xf32>
    %add3A_3029 = arith.addf %add3A_3028, %exp3A_3026 : vector<16xf32>
    %div3A_3030 = arith.constant 1.000000e+00 : f32
    %div3A_3031 = vector.broadcast %div3A_3030 : f32 to vector<16xf32>
    %div3A_3032 = arith.divf %div3A_3031, %add3A_3029 : vector<16xf32>
    %swap3A_3033 = arith.constant 1344 : index
    %swap3A_3034 = tpu.vector_load %arg9[%swap3A_3033] {strides = array<i32>} : memref<2048xf32, #tpu.memory_space<vmem>>, vector<16xf32>,
    %swap3A_3035 = vector.shape_cast %swap3A_3034 : vector<16xf32> to vector<16xf32>
    %swap3A_3036 = vector.shape_cast %div3A_3032 : vector<16xf32> to vector<16xf32>
    tpu.vector_store %arg9[%swap3A_3033], %swap3A_3036 {strides = array<i32>} : memref<2048xf32, #tpu.memory_space<vmem>>, vector<16xf32>,
    %add3A_3037 = vector.broadcast %add3A_3020 : f32 to vector<16xf32>
    %add3A_3038 = arith.addf %add3A_1548, %add3A_3037 : vector<16xf32>
    %neg3A_3039 = arith.constant 0.000000e+00 : f32
    %neg3A_3040 = vector.broadcast %neg3A_3039 : f32 to vector<16xf32>
    %neg3A_3041 = arith.subf %neg3A_3040, %add3A_3038 : vector<16xf32>
    %exp3A_3042 = math.exp %neg3A_3041 : vector<16xf32>
    %add3A_3043 = arith.constant 1.000000e+00 : f32
    %add3A_3044 = vector.broadcast %add3A_3043 : f32 to vector<16xf32>
    %add3A_3045 = arith.addf %add3A_3044, %exp3A_3042 : vector<16xf32>
    %div3A_3046 = arith.constant 1.000000e+00 : f32
    %div3A_3047 = vector.broadcast %div3A_3046 : f32 to vector<16xf32>
    %div3A_3048 = arith.divf %div3A_3047, %add3A_3045 : vector<16xf32>
    %swap3A_3049 = arith.constant 1360 : index
    %swap3A_3050 = tpu.vector_load %arg9[%swap3A_3049] {strides = array<i32>} : memref<2048xf32, #tpu.memory_space<vmem>>, vector<16xf32>,
    %swap3A_3051 = vector.shape_cast %swap3A_3050 : vector<16xf32> to vector<16xf32>
    %swap3A_3052 = vector.shape_cast %div3A_3048 : vector<16xf32> to vector<16xf32>
    tpu.vector_store %arg9[%swap3A_3049], %swap3A_3052 {strides = array<i32>} : memref<2048xf32, #tpu.memory_space<vmem>>, vector<16xf32>,
    %slice3A_3053 = vector.extract_strided_slice %add3A_1199 {offsets = [11], sizes = [1], strides = [1]} : vector<16xf32> to vector<1xf32>
    %squeeze3A_3054 = vector.extract %slice3A_3053[0] : f32 from vector<1xf32>
    %add3A_3055 = arith.addf %squeeze3A_3054, %squeeze3A : f32
    %add3A_3056 = vector.broadcast %add3A_3055 : f32 to vector<16xf32>
    %add3A_3057 = arith.addf %add3A_1196, %add3A_3056 : vector<16xf32>
    %neg3A_3058 = arith.constant 0.000000e+00 : f32
    %neg3A_3059 = vector.broadcast %neg3A_3058 : f32 to vector<16xf32>
    %neg3A_3060 = arith.subf %neg3A_3059, %add3A_3057 : vector<16xf32>
    %exp3A_3061 = math.exp %neg3A_3060 : vector<16xf32>
    %add3A_3062 = arith.constant 1.000000e+00 : f32
    %add3A_3063 = vector.broadcast %add3A_3062 : f32 to vector<16xf32>
    %add3A_3064 = arith.addf %add3A_3063, %exp3A_3061 : vector<16xf32>
    %div3A_3065 = arith.constant 1.000000e+00 : f32
    %div3A_3066 = vector.broadcast %div3A_3065 : f32 to vector<16xf32>
    %div3A_3067 = arith.divf %div3A_3066, %add3A_3064 : vector<16xf32>
    %swap3A_3068 = arith.constant 1376 : index
    %swap3A_3069 = tpu.vector_load %arg9[%swap3A_3068] {strides = array<i32>} : memref<2048xf32, #tpu.memory_space<vmem>>, vector<16xf32>,
    %swap3A_3070 = vector.shape_cast %swap3A_3069 : vector<16xf32> to vector<16xf32>
    %swap3A_3071 = vector.shape_cast %div3A_3067 : vector<16xf32> to vector<16xf32>
    tpu.vector_store %arg9[%swap3A_3068], %swap3A_3071 {strides = array<i32>} : memref<2048xf32, #tpu.memory_space<vmem>>, vector<16xf32>,
    %add3A_3072 = vector.broadcast %add3A_3055 : f32 to vector<16xf32>
    %add3A_3073 = arith.addf %add3A_1548, %add3A_3072 : vector<16xf32>
    %neg3A_3074 = arith.constant 0.000000e+00 : f32
    %neg3A_3075 = vector.broadcast %neg3A_3074 : f32 to vector<16xf32>
    %neg3A_3076 = arith.subf %neg3A_3075, %add3A_3073 : vector<16xf32>
    %exp3A_3077 = math.exp %neg3A_3076 : vector<16xf32>
    %add3A_3078 = arith.constant 1.000000e+00 : f32
    %add3A_3079 = vector.broadcast %add3A_3078 : f32 to vector<16xf32>
    %add3A_3080 = arith.addf %add3A_3079, %exp3A_3077 : vector<16xf32>
    %div3A_3081 = arith.constant 1.000000e+00 : f32
    %div3A_3082 = vector.broadcast %div3A_3081 : f32 to vector<16xf32>
    %div3A_3083 = arith.divf %div3A_3082, %add3A_3080 : vector<16xf32>
    %swap3A_3084 = arith.constant 1392 : index
    %swap3A_3085 = tpu.vector_load %arg9[%swap3A_3084] {strides = array<i32>} : memref<2048xf32, #tpu.memory_space<vmem>>, vector<16xf32>,
    %swap3A_3086 = vector.shape_cast %swap3A_3085 : vector<16xf32> to vector<16xf32>
    %swap3A_3087 = vector.shape_cast %div3A_3083 : vector<16xf32> to vector<16xf32>
    tpu.vector_store %arg9[%swap3A_3084], %swap3A_3087 {strides = array<i32>} : memref<2048xf32, #tpu.memory_space<vmem>>, vector<16xf32>,
    %slice3A_3088 = vector.extract_strided_slice %add3A_1199 {offsets = [12], sizes = [1], strides = [1]} : vector<16xf32> to vector<1xf32>
    %squeeze3A_3089 = vector.extract %slice3A_3088[0] : f32 from vector<1xf32>
    %add3A_3090 = arith.addf %squeeze3A_3089, %squeeze3A : f32
    %add3A_3091 = vector.broadcast %add3A_3090 : f32 to vector<16xf32>
    %add3A_3092 = arith.addf %add3A_1196, %add3A_3091 : vector<16xf32>
    %neg3A_3093 = arith.constant 0.000000e+00 : f32
    %neg3A_3094 = vector.broadcast %neg3A_3093 : f32 to vector<16xf32>
    %neg3A_3095 = arith.subf %neg3A_3094, %add3A_3092 : vector<16xf32>
    %exp3A_3096 = math.exp %neg3A_3095 : vector<16xf32>
    %add3A_3097 = arith.constant 1.000000e+00 : f32
    %add3A_3098 = vector.broadcast %add3A_3097 : f32 to vector<16xf32>
    %add3A_3099 = arith.addf %add3A_3098, %exp3A_3096 : vector<16xf32>
    %div3A_3100 = arith.constant 1.000000e+00 : f32
    %div3A_3101 = vector.broadcast %div3A_3100 : f32 to vector<16xf32>
    %div3A_3102 = arith.divf %div3A_3101, %add3A_3099 : vector<16xf32>
    %swap3A_3103 = arith.constant 1408 : index
    %swap3A_3104 = tpu.vector_load %arg9[%swap3A_3103] {strides = array<i32>} : memref<2048xf32, #tpu.memory_space<vmem>>, vector<16xf32>,
    %swap3A_3105 = vector.shape_cast %swap3A_3104 : vector<16xf32> to vector<16xf32>
    %swap3A_3106 = vector.shape_cast %div3A_3102 : vector<16xf32> to vector<16xf32>
    tpu.vector_store %arg9[%swap3A_3103], %swap3A_3106 {strides = array<i32>} : memref<2048xf32, #tpu.memory_space<vmem>>, vector<16xf32>,
    %add3A_3107 = vector.broadcast %add3A_3090 : f32 to vector<16xf32>
    %add3A_3108 = arith.addf %add3A_1548, %add3A_3107 : vector<16xf32>
    %neg3A_3109 = arith.constant 0.000000e+00 : f32
    %neg3A_3110 = vector.broadcast %neg3A_3109 : f32 to vector<16xf32>
    %neg3A_3111 = arith.subf %neg3A_3110, %add3A_3108 : vector<16xf32>
    %exp3A_3112 = math.exp %neg3A_3111 : vector<16xf32>
    %add3A_3113 = arith.constant 1.000000e+00 : f32
    %add3A_3114 = vector.broadcast %add3A_3113 : f32 to vector<16xf32>
    %add3A_3115 = arith.addf %add3A_3114, %exp3A_3112 : vector<16xf32>
    %div3A_3116 = arith.constant 1.000000e+00 : f32
    %div3A_3117 = vector.broadcast %div3A_3116 : f32 to vector<16xf32>
    %div3A_3118 = arith.divf %div3A_3117, %add3A_3115 : vector<16xf32>
    %swap3A_3119 = arith.constant 1424 : index
    %swap3A_3120 = tpu.vector_load %arg9[%swap3A_3119] {strides = array<i32>} : memref<2048xf32, #tpu.memory_space<vmem>>, vector<16xf32>,
    %swap3A_3121 = vector.shape_cast %swap3A_3120 : vector<16xf32> to vector<16xf32>
    %swap3A_3122 = vector.shape_cast %div3A_3118 : vector<16xf32> to vector<16xf32>
    tpu.vector_store %arg9[%swap3A_3119], %swap3A_3122 {strides = array<i32>} : memref<2048xf32, #tpu.memory_space<vmem>>, vector<16xf32>,
    %slice3A_3123 = vector.extract_strided_slice %add3A_1199 {offsets = [13], sizes = [1], strides = [1]} : vector<16xf32> to vector<1xf32>
    %squeeze3A_3124 = vector.extract %slice3A_3123[0] : f32 from vector<1xf32>
    %add3A_3125 = arith.addf %squeeze3A_3124, %squeeze3A : f32
    %add3A_3126 = vector.broadcast %add3A_3125 : f32 to vector<16xf32>
    %add3A_3127 = arith.addf %add3A_1196, %add3A_3126 : vector<16xf32>
    %neg3A_3128 = arith.constant 0.000000e+00 : f32
    %neg3A_3129 = vector.broadcast %neg3A_3128 : f32 to vector<16xf32>
    %neg3A_3130 = arith.subf %neg3A_3129, %add3A_3127 : vector<16xf32>
    %exp3A_3131 = math.exp %neg3A_3130 : vector<16xf32>
    %add3A_3132 = arith.constant 1.000000e+00 : f32
    %add3A_3133 = vector.broadcast %add3A_3132 : f32 to vector<16xf32>
    %add3A_3134 = arith.addf %add3A_3133, %exp3A_3131 : vector<16xf32>
    %div3A_3135 = arith.constant 1.000000e+00 : f32
    %div3A_3136 = vector.broadcast %div3A_3135 : f32 to vector<16xf32>
    %div3A_3137 = arith.divf %div3A_3136, %add3A_3134 : vector<16xf32>
    %swap3A_3138 = arith.constant 1440 : index
    %swap3A_3139 = tpu.vector_load %arg9[%swap3A_3138] {strides = array<i32>} : memref<2048xf32, #tpu.memory_space<vmem>>, vector<16xf32>,
    %swap3A_3140 = vector.shape_cast %swap3A_3139 : vector<16xf32> to vector<16xf32>
    %swap3A_3141 = vector.shape_cast %div3A_3137 : vector<16xf32> to vector<16xf32>
    tpu.vector_store %arg9[%swap3A_3138], %swap3A_3141 {strides = array<i32>} : memref<2048xf32, #tpu.memory_space<vmem>>, vector<16xf32>,
    %add3A_3142 = vector.broadcast %add3A_3125 : f32 to vector<16xf32>
    %add3A_3143 = arith.addf %add3A_1548, %add3A_3142 : vector<16xf32>
    %neg3A_3144 = arith.constant 0.000000e+00 : f32
    %neg3A_3145 = vector.broadcast %neg3A_3144 : f32 to vector<16xf32>
    %neg3A_3146 = arith.subf %neg3A_3145, %add3A_3143 : vector<16xf32>
    %exp3A_3147 = math.exp %neg3A_3146 : vector<16xf32>
    %add3A_3148 = arith.constant 1.000000e+00 : f32
    %add3A_3149 = vector.broadcast %add3A_3148 : f32 to vector<16xf32>
    %add3A_3150 = arith.addf %add3A_3149, %exp3A_3147 : vector<16xf32>
    %div3A_3151 = arith.constant 1.000000e+00 : f32
    %div3A_3152 = vector.broadcast %div3A_3151 : f32 to vector<16xf32>
    %div3A_3153 = arith.divf %div3A_3152, %add3A_3150 : vector<16xf32>
    %swap3A_3154 = arith.constant 1456 : index
    %swap3A_3155 = tpu.vector_load %arg9[%swap3A_3154] {strides = array<i32>} : memref<2048xf32, #tpu.memory_space<vmem>>, vector<16xf32>,
    %swap3A_3156 = vector.shape_cast %swap3A_3155 : vector<16xf32> to vector<16xf32>
    %swap3A_3157 = vector.shape_cast %div3A_3153 : vector<16xf32> to vector<16xf32>
    tpu.vector_store %arg9[%swap3A_3154], %swap3A_3157 {strides = array<i32>} : memref<2048xf32, #tpu.memory_space<vmem>>, vector<16xf32>,
    %slice3A_3158 = vector.extract_strided_slice %add3A_1199 {offsets = [14], sizes = [1], strides = [1]} : vector<16xf32> to vector<1xf32>
    %squeeze3A_3159 = vector.extract %slice3A_3158[0] : f32 from vector<1xf32>
    %add3A_3160 = arith.addf %squeeze3A_3159, %squeeze3A : f32
    %add3A_3161 = vector.broadcast %add3A_3160 : f32 to vector<16xf32>
    %add3A_3162 = arith.addf %add3A_1196, %add3A_3161 : vector<16xf32>
    %neg3A_3163 = arith.constant 0.000000e+00 : f32
    %neg3A_3164 = vector.broadcast %neg3A_3163 : f32 to vector<16xf32>
    %neg3A_3165 = arith.subf %neg3A_3164, %add3A_3162 : vector<16xf32>
    %exp3A_3166 = math.exp %neg3A_3165 : vector<16xf32>
    %add3A_3167 = arith.constant 1.000000e+00 : f32
    %add3A_3168 = vector.broadcast %add3A_3167 : f32 to vector<16xf32>
    %add3A_3169 = arith.addf %add3A_3168, %exp3A_3166 : vector<16xf32>
    %div3A_3170 = arith.constant 1.000000e+00 : f32
    %div3A_3171 = vector.broadcast %div3A_3170 : f32 to vector<16xf32>
    %div3A_3172 = arith.divf %div3A_3171, %add3A_3169 : vector<16xf32>
    %swap3A_3173 = arith.constant 1472 : index
    %swap3A_3174 = tpu.vector_load %arg9[%swap3A_3173] {strides = array<i32>} : memref<2048xf32, #tpu.memory_space<vmem>>, vector<16xf32>,
    %swap3A_3175 = vector.shape_cast %swap3A_3174 : vector<16xf32> to vector<16xf32>
    %swap3A_3176 = vector.shape_cast %div3A_3172 : vector<16xf32> to vector<16xf32>
    tpu.vector_store %arg9[%swap3A_3173], %swap3A_3176 {strides = array<i32>} : memref<2048xf32, #tpu.memory_space<vmem>>, vector<16xf32>,
    %add3A_3177 = vector.broadcast %add3A_3160 : f32 to vector<16xf32>
    %add3A_3178 = arith.addf %add3A_1548, %add3A_3177 : vector<16xf32>
    %neg3A_3179 = arith.constant 0.000000e+00 : f32
    %neg3A_3180 = vector.broadcast %neg3A_3179 : f32 to vector<16xf32>
    %neg3A_3181 = arith.subf %neg3A_3180, %add3A_3178 : vector<16xf32>
    %exp3A_3182 = math.exp %neg3A_3181 : vector<16xf32>
    %add3A_3183 = arith.constant 1.000000e+00 : f32
    %add3A_3184 = vector.broadcast %add3A_3183 : f32 to vector<16xf32>
    %add3A_3185 = arith.addf %add3A_3184, %exp3A_3182 : vector<16xf32>
    %div3A_3186 = arith.constant 1.000000e+00 : f32
    %div3A_3187 = vector.broadcast %div3A_3186 : f32 to vector<16xf32>
    %div3A_3188 = arith.divf %div3A_3187, %add3A_3185 : vector<16xf32>
    %swap3A_3189 = arith.constant 1488 : index
    %swap3A_3190 = tpu.vector_load %arg9[%swap3A_3189] {strides = array<i32>} : memref<2048xf32, #tpu.memory_space<vmem>>, vector<16xf32>,
    %swap3A_3191 = vector.shape_cast %swap3A_3190 : vector<16xf32> to vector<16xf32>
    %swap3A_3192 = vector.shape_cast %div3A_3188 : vector<16xf32> to vector<16xf32>
    tpu.vector_store %arg9[%swap3A_3189], %swap3A_3192 {strides = array<i32>} : memref<2048xf32, #tpu.memory_space<vmem>>, vector<16xf32>,
    %slice3A_3193 = vector.extract_strided_slice %add3A_1199 {offsets = [15], sizes = [1], strides = [1]} : vector<16xf32> to vector<1xf32>
    %squeeze3A_3194 = vector.extract %slice3A_3193[0] : f32 from vector<1xf32>
    %add3A_3195 = arith.addf %squeeze3A_3194, %squeeze3A : f32
    %add3A_3196 = vector.broadcast %add3A_3195 : f32 to vector<16xf32>
    %add3A_3197 = arith.addf %add3A_1196, %add3A_3196 : vector<16xf32>
    %neg3A_3198 = arith.constant 0.000000e+00 : f32
    %neg3A_3199 = vector.broadcast %neg3A_3198 : f32 to vector<16xf32>
    %neg3A_3200 = arith.subf %neg3A_3199, %add3A_3197 : vector<16xf32>
    %exp3A_3201 = math.exp %neg3A_3200 : vector<16xf32>
    %add3A_3202 = arith.constant 1.000000e+00 : f32
    %add3A_3203 = vector.broadcast %add3A_3202 : f32 to vector<16xf32>
    %add3A_3204 = arith.addf %add3A_3203, %exp3A_3201 : vector<16xf32>
    %div3A_3205 = arith.constant 1.000000e+00 : f32
    %div3A_3206 = vector.broadcast %div3A_3205 : f32 to vector<16xf32>
    %div3A_3207 = arith.divf %div3A_3206, %add3A_3204 : vector<16xf32>
    %swap3A_3208 = arith.constant 1504 : index
    %swap3A_3209 = tpu.vector_load %arg9[%swap3A_3208] {strides = array<i32>} : memref<2048xf32, #tpu.memory_space<vmem>>, vector<16xf32>,
    %swap3A_3210 = vector.shape_cast %swap3A_3209 : vector<16xf32> to vector<16xf32>
    %swap3A_3211 = vector.shape_cast %div3A_3207 : vector<16xf32> to vector<16xf32>
    tpu.vector_store %arg9[%swap3A_3208], %swap3A_3211 {strides = array<i32>} : memref<2048xf32, #tpu.memory_space<vmem>>, vector<16xf32>,
    %add3A_3212 = vector.broadcast %add3A_3195 : f32 to vector<16xf32>
    %add3A_3213 = arith.addf %add3A_1548, %add3A_3212 : vector<16xf32>
    %neg3A_3214 = arith.constant 0.000000e+00 : f32
    %neg3A_3215 = vector.broadcast %neg3A_3214 : f32 to vector<16xf32>
    %neg3A_3216 = arith.subf %neg3A_3215, %add3A_3213 : vector<16xf32>
    %exp3A_3217 = math.exp %neg3A_3216 : vector<16xf32>
    %add3A_3218 = arith.constant 1.000000e+00 : f32
    %add3A_3219 = vector.broadcast %add3A_3218 : f32 to vector<16xf32>
    %add3A_3220 = arith.addf %add3A_3219, %exp3A_3217 : vector<16xf32>
    %div3A_3221 = arith.constant 1.000000e+00 : f32
    %div3A_3222 = vector.broadcast %div3A_3221 : f32 to vector<16xf32>
    %div3A_3223 = arith.divf %div3A_3222, %add3A_3220 : vector<16xf32>
    %swap3A_3224 = arith.constant 1520 : index
    %swap3A_3225 = tpu.vector_load %arg9[%swap3A_3224] {strides = array<i32>} : memref<2048xf32, #tpu.memory_space<vmem>>, vector<16xf32>,
    %swap3A_3226 = vector.shape_cast %swap3A_3225 : vector<16xf32> to vector<16xf32>
    %swap3A_3227 = vector.shape_cast %div3A_3223 : vector<16xf32> to vector<16xf32>
    tpu.vector_store %arg9[%swap3A_3224], %swap3A_3227 {strides = array<i32>} : memref<2048xf32, #tpu.memory_space<vmem>>, vector<16xf32>,
    %slice3A_3228 = vector.extract_strided_slice %add3A_1551 {offsets = [0], sizes = [1], strides = [1]} : vector<16xf32> to vector<1xf32>
    %squeeze3A_3229 = vector.extract %slice3A_3228[0] : f32 from vector<1xf32>
    %add3A_3230 = arith.addf %squeeze3A_3229, %squeeze3A : f32
    %add3A_3231 = vector.broadcast %add3A_3230 : f32 to vector<16xf32>
    %add3A_3232 = arith.addf %add3A_1196, %add3A_3231 : vector<16xf32>
    %neg3A_3233 = arith.constant 0.000000e+00 : f32
    %neg3A_3234 = vector.broadcast %neg3A_3233 : f32 to vector<16xf32>
    %neg3A_3235 = arith.subf %neg3A_3234, %add3A_3232 : vector<16xf32>
    %exp3A_3236 = math.exp %neg3A_3235 : vector<16xf32>
    %add3A_3237 = arith.constant 1.000000e+00 : f32
    %add3A_3238 = vector.broadcast %add3A_3237 : f32 to vector<16xf32>
    %add3A_3239 = arith.addf %add3A_3238, %exp3A_3236 : vector<16xf32>
    %div3A_3240 = arith.constant 1.000000e+00 : f32
    %div3A_3241 = vector.broadcast %div3A_3240 : f32 to vector<16xf32>
    %div3A_3242 = arith.divf %div3A_3241, %add3A_3239 : vector<16xf32>
    %swap3A_3243 = arith.constant 1536 : index
    %swap3A_3244 = tpu.vector_load %arg9[%swap3A_3243] {strides = array<i32>} : memref<2048xf32, #tpu.memory_space<vmem>>, vector<16xf32>,
    %swap3A_3245 = vector.shape_cast %swap3A_3244 : vector<16xf32> to vector<16xf32>
    %swap3A_3246 = vector.shape_cast %div3A_3242 : vector<16xf32> to vector<16xf32>
    tpu.vector_store %arg9[%swap3A_3243], %swap3A_3246 {strides = array<i32>} : memref<2048xf32, #tpu.memory_space<vmem>>, vector<16xf32>,
    %add3A_3247 = vector.broadcast %add3A_3230 : f32 to vector<16xf32>
    %add3A_3248 = arith.addf %add3A_1548, %add3A_3247 : vector<16xf32>
    %neg3A_3249 = arith.constant 0.000000e+00 : f32
    %neg3A_3250 = vector.broadcast %neg3A_3249 : f32 to vector<16xf32>
    %neg3A_3251 = arith.subf %neg3A_3250, %add3A_3248 : vector<16xf32>
    %exp3A_3252 = math.exp %neg3A_3251 : vector<16xf32>
    %add3A_3253 = arith.constant 1.000000e+00 : f32
    %add3A_3254 = vector.broadcast %add3A_3253 : f32 to vector<16xf32>
    %add3A_3255 = arith.addf %add3A_3254, %exp3A_3252 : vector<16xf32>
    %div3A_3256 = arith.constant 1.000000e+00 : f32
    %div3A_3257 = vector.broadcast %div3A_3256 : f32 to vector<16xf32>
    %div3A_3258 = arith.divf %div3A_3257, %add3A_3255 : vector<16xf32>
    %swap3A_3259 = arith.constant 1552 : index
    %swap3A_3260 = tpu.vector_load %arg9[%swap3A_3259] {strides = array<i32>} : memref<2048xf32, #tpu.memory_space<vmem>>, vector<16xf32>,
    %swap3A_3261 = vector.shape_cast %swap3A_3260 : vector<16xf32> to vector<16xf32>
    %swap3A_3262 = vector.shape_cast %div3A_3258 : vector<16xf32> to vector<16xf32>
    tpu.vector_store %arg9[%swap3A_3259], %swap3A_3262 {strides = array<i32>} : memref<2048xf32, #tpu.memory_space<vmem>>, vector<16xf32>,
    %slice3A_3263 = vector.extract_strided_slice %add3A_1551 {offsets = [1], sizes = [1], strides = [1]} : vector<16xf32> to vector<1xf32>
    %squeeze3A_3264 = vector.extract %slice3A_3263[0] : f32 from vector<1xf32>
    %add3A_3265 = arith.addf %squeeze3A_3264, %squeeze3A : f32
    %add3A_3266 = vector.broadcast %add3A_3265 : f32 to vector<16xf32>
    %add3A_3267 = arith.addf %add3A_1196, %add3A_3266 : vector<16xf32>
    %neg3A_3268 = arith.constant 0.000000e+00 : f32
    %neg3A_3269 = vector.broadcast %neg3A_3268 : f32 to vector<16xf32>
    %neg3A_3270 = arith.subf %neg3A_3269, %add3A_3267 : vector<16xf32>
    %exp3A_3271 = math.exp %neg3A_3270 : vector<16xf32>
    %add3A_3272 = arith.constant 1.000000e+00 : f32
    %add3A_3273 = vector.broadcast %add3A_3272 : f32 to vector<16xf32>
    %add3A_3274 = arith.addf %add3A_3273, %exp3A_3271 : vector<16xf32>
    %div3A_3275 = arith.constant 1.000000e+00 : f32
    %div3A_3276 = vector.broadcast %div3A_3275 : f32 to vector<16xf32>
    %div3A_3277 = arith.divf %div3A_3276, %add3A_3274 : vector<16xf32>
    %swap3A_3278 = arith.constant 1568 : index
    %swap3A_3279 = tpu.vector_load %arg9[%swap3A_3278] {strides = array<i32>} : memref<2048xf32, #tpu.memory_space<vmem>>, vector<16xf32>,
    %swap3A_3280 = vector.shape_cast %swap3A_3279 : vector<16xf32> to vector<16xf32>
    %swap3A_3281 = vector.shape_cast %div3A_3277 : vector<16xf32> to vector<16xf32>
    tpu.vector_store %arg9[%swap3A_3278], %swap3A_3281 {strides = array<i32>} : memref<2048xf32, #tpu.memory_space<vmem>>, vector<16xf32>,
    %add3A_3282 = vector.broadcast %add3A_3265 : f32 to vector<16xf32>
    %add3A_3283 = arith.addf %add3A_1548, %add3A_3282 : vector<16xf32>
    %neg3A_3284 = arith.constant 0.000000e+00 : f32
    %neg3A_3285 = vector.broadcast %neg3A_3284 : f32 to vector<16xf32>
    %neg3A_3286 = arith.subf %neg3A_3285, %add3A_3283 : vector<16xf32>
    %exp3A_3287 = math.exp %neg3A_3286 : vector<16xf32>
    %add3A_3288 = arith.constant 1.000000e+00 : f32
    %add3A_3289 = vector.broadcast %add3A_3288 : f32 to vector<16xf32>
    %add3A_3290 = arith.addf %add3A_3289, %exp3A_3287 : vector<16xf32>
    %div3A_3291 = arith.constant 1.000000e+00 : f32
    %div3A_3292 = vector.broadcast %div3A_3291 : f32 to vector<16xf32>
    %div3A_3293 = arith.divf %div3A_3292, %add3A_3290 : vector<16xf32>
    %swap3A_3294 = arith.constant 1584 : index
    %swap3A_3295 = tpu.vector_load %arg9[%swap3A_3294] {strides = array<i32>} : memref<2048xf32, #tpu.memory_space<vmem>>, vector<16xf32>,
    %swap3A_3296 = vector.shape_cast %swap3A_3295 : vector<16xf32> to vector<16xf32>
    %swap3A_3297 = vector.shape_cast %div3A_3293 : vector<16xf32> to vector<16xf32>
    tpu.vector_store %arg9[%swap3A_3294], %swap3A_3297 {strides = array<i32>} : memref<2048xf32, #tpu.memory_space<vmem>>, vector<16xf32>,
    %slice3A_3298 = vector.extract_strided_slice %add3A_1551 {offsets = [2], sizes = [1], strides = [1]} : vector<16xf32> to vector<1xf32>
    %squeeze3A_3299 = vector.extract %slice3A_3298[0] : f32 from vector<1xf32>
    %add3A_3300 = arith.addf %squeeze3A_3299, %squeeze3A : f32
    %add3A_3301 = vector.broadcast %add3A_3300 : f32 to vector<16xf32>
    %add3A_3302 = arith.addf %add3A_1196, %add3A_3301 : vector<16xf32>
    %neg3A_3303 = arith.constant 0.000000e+00 : f32
    %neg3A_3304 = vector.broadcast %neg3A_3303 : f32 to vector<16xf32>
    %neg3A_3305 = arith.subf %neg3A_3304, %add3A_3302 : vector<16xf32>
    %exp3A_3306 = math.exp %neg3A_3305 : vector<16xf32>
    %add3A_3307 = arith.constant 1.000000e+00 : f32
    %add3A_3308 = vector.broadcast %add3A_3307 : f32 to vector<16xf32>
    %add3A_3309 = arith.addf %add3A_3308, %exp3A_3306 : vector<16xf32>
    %div3A_3310 = arith.constant 1.000000e+00 : f32
    %div3A_3311 = vector.broadcast %div3A_3310 : f32 to vector<16xf32>
    %div3A_3312 = arith.divf %div3A_3311, %add3A_3309 : vector<16xf32>
    %swap3A_3313 = arith.constant 1600 : index
    %swap3A_3314 = tpu.vector_load %arg9[%swap3A_3313] {strides = array<i32>} : memref<2048xf32, #tpu.memory_space<vmem>>, vector<16xf32>,
    %swap3A_3315 = vector.shape_cast %swap3A_3314 : vector<16xf32> to vector<16xf32>
    %swap3A_3316 = vector.shape_cast %div3A_3312 : vector<16xf32> to vector<16xf32>
    tpu.vector_store %arg9[%swap3A_3313], %swap3A_3316 {strides = array<i32>} : memref<2048xf32, #tpu.memory_space<vmem>>, vector<16xf32>,
    %add3A_3317 = vector.broadcast %add3A_3300 : f32 to vector<16xf32>
    %add3A_3318 = arith.addf %add3A_1548, %add3A_3317 : vector<16xf32>
    %neg3A_3319 = arith.constant 0.000000e+00 : f32
    %neg3A_3320 = vector.broadcast %neg3A_3319 : f32 to vector<16xf32>
    %neg3A_3321 = arith.subf %neg3A_3320, %add3A_3318 : vector<16xf32>
    %exp3A_3322 = math.exp %neg3A_3321 : vector<16xf32>
    %add3A_3323 = arith.constant 1.000000e+00 : f32
    %add3A_3324 = vector.broadcast %add3A_3323 : f32 to vector<16xf32>
    %add3A_3325 = arith.addf %add3A_3324, %exp3A_3322 : vector<16xf32>
    %div3A_3326 = arith.constant 1.000000e+00 : f32
    %div3A_3327 = vector.broadcast %div3A_3326 : f32 to vector<16xf32>
    %div3A_3328 = arith.divf %div3A_3327, %add3A_3325 : vector<16xf32>
    %swap3A_3329 = arith.constant 1616 : index
    %swap3A_3330 = tpu.vector_load %arg9[%swap3A_3329] {strides = array<i32>} : memref<2048xf32, #tpu.memory_space<vmem>>, vector<16xf32>,
    %swap3A_3331 = vector.shape_cast %swap3A_3330 : vector<16xf32> to vector<16xf32>
    %swap3A_3332 = vector.shape_cast %div3A_3328 : vector<16xf32> to vector<16xf32>
    tpu.vector_store %arg9[%swap3A_3329], %swap3A_3332 {strides = array<i32>} : memref<2048xf32, #tpu.memory_space<vmem>>, vector<16xf32>,
    %slice3A_3333 = vector.extract_strided_slice %add3A_1551 {offsets = [3], sizes = [1], strides = [1]} : vector<16xf32> to vector<1xf32>
    %squeeze3A_3334 = vector.extract %slice3A_3333[0] : f32 from vector<1xf32>
    %add3A_3335 = arith.addf %squeeze3A_3334, %squeeze3A : f32
    %add3A_3336 = vector.broadcast %add3A_3335 : f32 to vector<16xf32>
    %add3A_3337 = arith.addf %add3A_1196, %add3A_3336 : vector<16xf32>
    %neg3A_3338 = arith.constant 0.000000e+00 : f32
    %neg3A_3339 = vector.broadcast %neg3A_3338 : f32 to vector<16xf32>
    %neg3A_3340 = arith.subf %neg3A_3339, %add3A_3337 : vector<16xf32>
    %exp3A_3341 = math.exp %neg3A_3340 : vector<16xf32>
    %add3A_3342 = arith.constant 1.000000e+00 : f32
    %add3A_3343 = vector.broadcast %add3A_3342 : f32 to vector<16xf32>
    %add3A_3344 = arith.addf %add3A_3343, %exp3A_3341 : vector<16xf32>
    %div3A_3345 = arith.constant 1.000000e+00 : f32
    %div3A_3346 = vector.broadcast %div3A_3345 : f32 to vector<16xf32>
    %div3A_3347 = arith.divf %div3A_3346, %add3A_3344 : vector<16xf32>
    %swap3A_3348 = arith.constant 1632 : index
    %swap3A_3349 = tpu.vector_load %arg9[%swap3A_3348] {strides = array<i32>} : memref<2048xf32, #tpu.memory_space<vmem>>, vector<16xf32>,
    %swap3A_3350 = vector.shape_cast %swap3A_3349 : vector<16xf32> to vector<16xf32>
    %swap3A_3351 = vector.shape_cast %div3A_3347 : vector<16xf32> to vector<16xf32>
    tpu.vector_store %arg9[%swap3A_3348], %swap3A_3351 {strides = array<i32>} : memref<2048xf32, #tpu.memory_space<vmem>>, vector<16xf32>,
    %add3A_3352 = vector.broadcast %add3A_3335 : f32 to vector<16xf32>
    %add3A_3353 = arith.addf %add3A_1548, %add3A_3352 : vector<16xf32>
    %neg3A_3354 = arith.constant 0.000000e+00 : f32
    %neg3A_3355 = vector.broadcast %neg3A_3354 : f32 to vector<16xf32>
    %neg3A_3356 = arith.subf %neg3A_3355, %add3A_3353 : vector<16xf32>
    %exp3A_3357 = math.exp %neg3A_3356 : vector<16xf32>
    %add3A_3358 = arith.constant 1.000000e+00 : f32
    %add3A_3359 = vector.broadcast %add3A_3358 : f32 to vector<16xf32>
    %add3A_3360 = arith.addf %add3A_3359, %exp3A_3357 : vector<16xf32>
    %div3A_3361 = arith.constant 1.000000e+00 : f32
    %div3A_3362 = vector.broadcast %div3A_3361 : f32 to vector<16xf32>
    %div3A_3363 = arith.divf %div3A_3362, %add3A_3360 : vector<16xf32>
    %swap3A_3364 = arith.constant 1648 : index
    %swap3A_3365 = tpu.vector_load %arg9[%swap3A_3364] {strides = array<i32>} : memref<2048xf32, #tpu.memory_space<vmem>>, vector<16xf32>,
    %swap3A_3366 = vector.shape_cast %swap3A_3365 : vector<16xf32> to vector<16xf32>
    %swap3A_3367 = vector.shape_cast %div3A_3363 : vector<16xf32> to vector<16xf32>
    tpu.vector_store %arg9[%swap3A_3364], %swap3A_3367 {strides = array<i32>} : memref<2048xf32, #tpu.memory_space<vmem>>, vector<16xf32>,
    %slice3A_3368 = vector.extract_strided_slice %add3A_1551 {offsets = [4], sizes = [1], strides = [1]} : vector<16xf32> to vector<1xf32>
    %squeeze3A_3369 = vector.extract %slice3A_3368[0] : f32 from vector<1xf32>
    %add3A_3370 = arith.addf %squeeze3A_3369, %squeeze3A : f32
    %add3A_3371 = vector.broadcast %add3A_3370 : f32 to vector<16xf32>
    %add3A_3372 = arith.addf %add3A_1196, %add3A_3371 : vector<16xf32>
    %neg3A_3373 = arith.constant 0.000000e+00 : f32
    %neg3A_3374 = vector.broadcast %neg3A_3373 : f32 to vector<16xf32>
    %neg3A_3375 = arith.subf %neg3A_3374, %add3A_3372 : vector<16xf32>
    %exp3A_3376 = math.exp %neg3A_3375 : vector<16xf32>
    %add3A_3377 = arith.constant 1.000000e+00 : f32
    %add3A_3378 = vector.broadcast %add3A_3377 : f32 to vector<16xf32>
    %add3A_3379 = arith.addf %add3A_3378, %exp3A_3376 : vector<16xf32>
    %div3A_3380 = arith.constant 1.000000e+00 : f32
    %div3A_3381 = vector.broadcast %div3A_3380 : f32 to vector<16xf32>
    %div3A_3382 = arith.divf %div3A_3381, %add3A_3379 : vector<16xf32>
    %swap3A_3383 = arith.constant 1664 : index
    %swap3A_3384 = tpu.vector_load %arg9[%swap3A_3383] {strides = array<i32>} : memref<2048xf32, #tpu.memory_space<vmem>>, vector<16xf32>,
    %swap3A_3385 = vector.shape_cast %swap3A_3384 : vector<16xf32> to vector<16xf32>
    %swap3A_3386 = vector.shape_cast %div3A_3382 : vector<16xf32> to vector<16xf32>
    tpu.vector_store %arg9[%swap3A_3383], %swap3A_3386 {strides = array<i32>} : memref<2048xf32, #tpu.memory_space<vmem>>, vector<16xf32>,
    %add3A_3387 = vector.broadcast %add3A_3370 : f32 to vector<16xf32>
    %add3A_3388 = arith.addf %add3A_1548, %add3A_3387 : vector<16xf32>
    %neg3A_3389 = arith.constant 0.000000e+00 : f32
    %neg3A_3390 = vector.broadcast %neg3A_3389 : f32 to vector<16xf32>
    %neg3A_3391 = arith.subf %neg3A_3390, %add3A_3388 : vector<16xf32>
    %exp3A_3392 = math.exp %neg3A_3391 : vector<16xf32>
    %add3A_3393 = arith.constant 1.000000e+00 : f32
    %add3A_3394 = vector.broadcast %add3A_3393 : f32 to vector<16xf32>
    %add3A_3395 = arith.addf %add3A_3394, %exp3A_3392 : vector<16xf32>
    %div3A_3396 = arith.constant 1.000000e+00 : f32
    %div3A_3397 = vector.broadcast %div3A_3396 : f32 to vector<16xf32>
    %div3A_3398 = arith.divf %div3A_3397, %add3A_3395 : vector<16xf32>
    %swap3A_3399 = arith.constant 1680 : index
    %swap3A_3400 = tpu.vector_load %arg9[%swap3A_3399] {strides = array<i32>} : memref<2048xf32, #tpu.memory_space<vmem>>, vector<16xf32>,
    %swap3A_3401 = vector.shape_cast %swap3A_3400 : vector<16xf32> to vector<16xf32>
    %swap3A_3402 = vector.shape_cast %div3A_3398 : vector<16xf32> to vector<16xf32>
    tpu.vector_store %arg9[%swap3A_3399], %swap3A_3402 {strides = array<i32>} : memref<2048xf32, #tpu.memory_space<vmem>>, vector<16xf32>,
    %slice3A_3403 = vector.extract_strided_slice %add3A_1551 {offsets = [5], sizes = [1], strides = [1]} : vector<16xf32> to vector<1xf32>
    %squeeze3A_3404 = vector.extract %slice3A_3403[0] : f32 from vector<1xf32>
    %add3A_3405 = arith.addf %squeeze3A_3404, %squeeze3A : f32
    %add3A_3406 = vector.broadcast %add3A_3405 : f32 to vector<16xf32>
    %add3A_3407 = arith.addf %add3A_1196, %add3A_3406 : vector<16xf32>
    %neg3A_3408 = arith.constant 0.000000e+00 : f32
    %neg3A_3409 = vector.broadcast %neg3A_3408 : f32 to vector<16xf32>
    %neg3A_3410 = arith.subf %neg3A_3409, %add3A_3407 : vector<16xf32>
    %exp3A_3411 = math.exp %neg3A_3410 : vector<16xf32>
    %add3A_3412 = arith.constant 1.000000e+00 : f32
    %add3A_3413 = vector.broadcast %add3A_3412 : f32 to vector<16xf32>
    %add3A_3414 = arith.addf %add3A_3413, %exp3A_3411 : vector<16xf32>
    %div3A_3415 = arith.constant 1.000000e+00 : f32
    %div3A_3416 = vector.broadcast %div3A_3415 : f32 to vector<16xf32>
    %div3A_3417 = arith.divf %div3A_3416, %add3A_3414 : vector<16xf32>
    %swap3A_3418 = arith.constant 1696 : index
    %swap3A_3419 = tpu.vector_load %arg9[%swap3A_3418] {strides = array<i32>} : memref<2048xf32, #tpu.memory_space<vmem>>, vector<16xf32>,
    %swap3A_3420 = vector.shape_cast %swap3A_3419 : vector<16xf32> to vector<16xf32>
    %swap3A_3421 = vector.shape_cast %div3A_3417 : vector<16xf32> to vector<16xf32>
    tpu.vector_store %arg9[%swap3A_3418], %swap3A_3421 {strides = array<i32>} : memref<2048xf32, #tpu.memory_space<vmem>>, vector<16xf32>,
    %add3A_3422 = vector.broadcast %add3A_3405 : f32 to vector<16xf32>
    %add3A_3423 = arith.addf %add3A_1548, %add3A_3422 : vector<16xf32>
    %neg3A_3424 = arith.constant 0.000000e+00 : f32
    %neg3A_3425 = vector.broadcast %neg3A_3424 : f32 to vector<16xf32>
    %neg3A_3426 = arith.subf %neg3A_3425, %add3A_3423 : vector<16xf32>
    %exp3A_3427 = math.exp %neg3A_3426 : vector<16xf32>
    %add3A_3428 = arith.constant 1.000000e+00 : f32
    %add3A_3429 = vector.broadcast %add3A_3428 : f32 to vector<16xf32>
    %add3A_3430 = arith.addf %add3A_3429, %exp3A_3427 : vector<16xf32>
    %div3A_3431 = arith.constant 1.000000e+00 : f32
    %div3A_3432 = vector.broadcast %div3A_3431 : f32 to vector<16xf32>
    %div3A_3433 = arith.divf %div3A_3432, %add3A_3430 : vector<16xf32>
    %swap3A_3434 = arith.constant 1712 : index
    %swap3A_3435 = tpu.vector_load %arg9[%swap3A_3434] {strides = array<i32>} : memref<2048xf32, #tpu.memory_space<vmem>>, vector<16xf32>,
    %swap3A_3436 = vector.shape_cast %swap3A_3435 : vector<16xf32> to vector<16xf32>
    %swap3A_3437 = vector.shape_cast %div3A_3433 : vector<16xf32> to vector<16xf32>
    tpu.vector_store %arg9[%swap3A_3434], %swap3A_3437 {strides = array<i32>} : memref<2048xf32, #tpu.memory_space<vmem>>, vector<16xf32>,
    %slice3A_3438 = vector.extract_strided_slice %add3A_1551 {offsets = [6], sizes = [1], strides = [1]} : vector<16xf32> to vector<1xf32>
    %squeeze3A_3439 = vector.extract %slice3A_3438[0] : f32 from vector<1xf32>
    %add3A_3440 = arith.addf %squeeze3A_3439, %squeeze3A : f32
    %add3A_3441 = vector.broadcast %add3A_3440 : f32 to vector<16xf32>
    %add3A_3442 = arith.addf %add3A_1196, %add3A_3441 : vector<16xf32>
    %neg3A_3443 = arith.constant 0.000000e+00 : f32
    %neg3A_3444 = vector.broadcast %neg3A_3443 : f32 to vector<16xf32>
    %neg3A_3445 = arith.subf %neg3A_3444, %add3A_3442 : vector<16xf32>
    %exp3A_3446 = math.exp %neg3A_3445 : vector<16xf32>
    %add3A_3447 = arith.constant 1.000000e+00 : f32
    %add3A_3448 = vector.broadcast %add3A_3447 : f32 to vector<16xf32>
    %add3A_3449 = arith.addf %add3A_3448, %exp3A_3446 : vector<16xf32>
    %div3A_3450 = arith.constant 1.000000e+00 : f32
    %div3A_3451 = vector.broadcast %div3A_3450 : f32 to vector<16xf32>
    %div3A_3452 = arith.divf %div3A_3451, %add3A_3449 : vector<16xf32>
    %swap3A_3453 = arith.constant 1728 : index
    %swap3A_3454 = tpu.vector_load %arg9[%swap3A_3453] {strides = array<i32>} : memref<2048xf32, #tpu.memory_space<vmem>>, vector<16xf32>,
    %swap3A_3455 = vector.shape_cast %swap3A_3454 : vector<16xf32> to vector<16xf32>
    %swap3A_3456 = vector.shape_cast %div3A_3452 : vector<16xf32> to vector<16xf32>
    tpu.vector_store %arg9[%swap3A_3453], %swap3A_3456 {strides = array<i32>} : memref<2048xf32, #tpu.memory_space<vmem>>, vector<16xf32>,
    %add3A_3457 = vector.broadcast %add3A_3440 : f32 to vector<16xf32>
    %add3A_3458 = arith.addf %add3A_1548, %add3A_3457 : vector<16xf32>
    %neg3A_3459 = arith.constant 0.000000e+00 : f32
    %neg3A_3460 = vector.broadcast %neg3A_3459 : f32 to vector<16xf32>
    %neg3A_3461 = arith.subf %neg3A_3460, %add3A_3458 : vector<16xf32>
    %exp3A_3462 = math.exp %neg3A_3461 : vector<16xf32>
    %add3A_3463 = arith.constant 1.000000e+00 : f32
    %add3A_3464 = vector.broadcast %add3A_3463 : f32 to vector<16xf32>
    %add3A_3465 = arith.addf %add3A_3464, %exp3A_3462 : vector<16xf32>
    %div3A_3466 = arith.constant 1.000000e+00 : f32
    %div3A_3467 = vector.broadcast %div3A_3466 : f32 to vector<16xf32>
    %div3A_3468 = arith.divf %div3A_3467, %add3A_3465 : vector<16xf32>
    %swap3A_3469 = arith.constant 1744 : index
    %swap3A_3470 = tpu.vector_load %arg9[%swap3A_3469] {strides = array<i32>} : memref<2048xf32, #tpu.memory_space<vmem>>, vector<16xf32>,
    %swap3A_3471 = vector.shape_cast %swap3A_3470 : vector<16xf32> to vector<16xf32>
    %swap3A_3472 = vector.shape_cast %div3A_3468 : vector<16xf32> to vector<16xf32>
    tpu.vector_store %arg9[%swap3A_3469], %swap3A_3472 {strides = array<i32>} : memref<2048xf32, #tpu.memory_space<vmem>>, vector<16xf32>,
    %slice3A_3473 = vector.extract_strided_slice %add3A_1551 {offsets = [7], sizes = [1], strides = [1]} : vector<16xf32> to vector<1xf32>
    %squeeze3A_3474 = vector.extract %slice3A_3473[0] : f32 from vector<1xf32>
    %add3A_3475 = arith.addf %squeeze3A_3474, %squeeze3A : f32
    %add3A_3476 = vector.broadcast %add3A_3475 : f32 to vector<16xf32>
    %add3A_3477 = arith.addf %add3A_1196, %add3A_3476 : vector<16xf32>
    %neg3A_3478 = arith.constant 0.000000e+00 : f32
    %neg3A_3479 = vector.broadcast %neg3A_3478 : f32 to vector<16xf32>
    %neg3A_3480 = arith.subf %neg3A_3479, %add3A_3477 : vector<16xf32>
    %exp3A_3481 = math.exp %neg3A_3480 : vector<16xf32>
    %add3A_3482 = arith.constant 1.000000e+00 : f32
    %add3A_3483 = vector.broadcast %add3A_3482 : f32 to vector<16xf32>
    %add3A_3484 = arith.addf %add3A_3483, %exp3A_3481 : vector<16xf32>
    %div3A_3485 = arith.constant 1.000000e+00 : f32
    %div3A_3486 = vector.broadcast %div3A_3485 : f32 to vector<16xf32>
    %div3A_3487 = arith.divf %div3A_3486, %add3A_3484 : vector<16xf32>
    %swap3A_3488 = arith.constant 1760 : index
    %swap3A_3489 = tpu.vector_load %arg9[%swap3A_3488] {strides = array<i32>} : memref<2048xf32, #tpu.memory_space<vmem>>, vector<16xf32>,
    %swap3A_3490 = vector.shape_cast %swap3A_3489 : vector<16xf32> to vector<16xf32>
    %swap3A_3491 = vector.shape_cast %div3A_3487 : vector<16xf32> to vector<16xf32>
    tpu.vector_store %arg9[%swap3A_3488], %swap3A_3491 {strides = array<i32>} : memref<2048xf32, #tpu.memory_space<vmem>>, vector<16xf32>,
    %add3A_3492 = vector.broadcast %add3A_3475 : f32 to vector<16xf32>
    %add3A_3493 = arith.addf %add3A_1548, %add3A_3492 : vector<16xf32>
    %neg3A_3494 = arith.constant 0.000000e+00 : f32
    %neg3A_3495 = vector.broadcast %neg3A_3494 : f32 to vector<16xf32>
    %neg3A_3496 = arith.subf %neg3A_3495, %add3A_3493 : vector<16xf32>
    %exp3A_3497 = math.exp %neg3A_3496 : vector<16xf32>
    %add3A_3498 = arith.constant 1.000000e+00 : f32
    %add3A_3499 = vector.broadcast %add3A_3498 : f32 to vector<16xf32>
    %add3A_3500 = arith.addf %add3A_3499, %exp3A_3497 : vector<16xf32>
    %div3A_3501 = arith.constant 1.000000e+00 : f32
    %div3A_3502 = vector.broadcast %div3A_3501 : f32 to vector<16xf32>
    %div3A_3503 = arith.divf %div3A_3502, %add3A_3500 : vector<16xf32>
    %swap3A_3504 = arith.constant 1776 : index
    %swap3A_3505 = tpu.vector_load %arg9[%swap3A_3504] {strides = array<i32>} : memref<2048xf32, #tpu.memory_space<vmem>>, vector<16xf32>,
    %swap3A_3506 = vector.shape_cast %swap3A_3505 : vector<16xf32> to vector<16xf32>
    %swap3A_3507 = vector.shape_cast %div3A_3503 : vector<16xf32> to vector<16xf32>
    tpu.vector_store %arg9[%swap3A_3504], %swap3A_3507 {strides = array<i32>} : memref<2048xf32, #tpu.memory_space<vmem>>, vector<16xf32>,
    %slice3A_3508 = vector.extract_strided_slice %add3A_1551 {offsets = [8], sizes = [1], strides = [1]} : vector<16xf32> to vector<1xf32>
    %squeeze3A_3509 = vector.extract %slice3A_3508[0] : f32 from vector<1xf32>
    %add3A_3510 = arith.addf %squeeze3A_3509, %squeeze3A : f32
    %add3A_3511 = vector.broadcast %add3A_3510 : f32 to vector<16xf32>
    %add3A_3512 = arith.addf %add3A_1196, %add3A_3511 : vector<16xf32>
    %neg3A_3513 = arith.constant 0.000000e+00 : f32
    %neg3A_3514 = vector.broadcast %neg3A_3513 : f32 to vector<16xf32>
    %neg3A_3515 = arith.subf %neg3A_3514, %add3A_3512 : vector<16xf32>
    %exp3A_3516 = math.exp %neg3A_3515 : vector<16xf32>
    %add3A_3517 = arith.constant 1.000000e+00 : f32
    %add3A_3518 = vector.broadcast %add3A_3517 : f32 to vector<16xf32>
    %add3A_3519 = arith.addf %add3A_3518, %exp3A_3516 : vector<16xf32>
    %div3A_3520 = arith.constant 1.000000e+00 : f32
    %div3A_3521 = vector.broadcast %div3A_3520 : f32 to vector<16xf32>
    %div3A_3522 = arith.divf %div3A_3521, %add3A_3519 : vector<16xf32>
    %swap3A_3523 = arith.constant 1792 : index
    %swap3A_3524 = tpu.vector_load %arg9[%swap3A_3523] {strides = array<i32>} : memref<2048xf32, #tpu.memory_space<vmem>>, vector<16xf32>,
    %swap3A_3525 = vector.shape_cast %swap3A_3524 : vector<16xf32> to vector<16xf32>
    %swap3A_3526 = vector.shape_cast %div3A_3522 : vector<16xf32> to vector<16xf32>
    tpu.vector_store %arg9[%swap3A_3523], %swap3A_3526 {strides = array<i32>} : memref<2048xf32, #tpu.memory_space<vmem>>, vector<16xf32>,
    %add3A_3527 = vector.broadcast %add3A_3510 : f32 to vector<16xf32>
    %add3A_3528 = arith.addf %add3A_1548, %add3A_3527 : vector<16xf32>
    %neg3A_3529 = arith.constant 0.000000e+00 : f32
    %neg3A_3530 = vector.broadcast %neg3A_3529 : f32 to vector<16xf32>
    %neg3A_3531 = arith.subf %neg3A_3530, %add3A_3528 : vector<16xf32>
    %exp3A_3532 = math.exp %neg3A_3531 : vector<16xf32>
    %add3A_3533 = arith.constant 1.000000e+00 : f32
    %add3A_3534 = vector.broadcast %add3A_3533 : f32 to vector<16xf32>
    %add3A_3535 = arith.addf %add3A_3534, %exp3A_3532 : vector<16xf32>
    %div3A_3536 = arith.constant 1.000000e+00 : f32
    %div3A_3537 = vector.broadcast %div3A_3536 : f32 to vector<16xf32>
    %div3A_3538 = arith.divf %div3A_3537, %add3A_3535 : vector<16xf32>
    %swap3A_3539 = arith.constant 1808 : index
    %swap3A_3540 = tpu.vector_load %arg9[%swap3A_3539] {strides = array<i32>} : memref<2048xf32, #tpu.memory_space<vmem>>, vector<16xf32>,
    %swap3A_3541 = vector.shape_cast %swap3A_3540 : vector<16xf32> to vector<16xf32>
    %swap3A_3542 = vector.shape_cast %div3A_3538 : vector<16xf32> to vector<16xf32>
    tpu.vector_store %arg9[%swap3A_3539], %swap3A_3542 {strides = array<i32>} : memref<2048xf32, #tpu.memory_space<vmem>>, vector<16xf32>,
    %slice3A_3543 = vector.extract_strided_slice %add3A_1551 {offsets = [9], sizes = [1], strides = [1]} : vector<16xf32> to vector<1xf32>
    %squeeze3A_3544 = vector.extract %slice3A_3543[0] : f32 from vector<1xf32>
    %add3A_3545 = arith.addf %squeeze3A_3544, %squeeze3A : f32
    %add3A_3546 = vector.broadcast %add3A_3545 : f32 to vector<16xf32>
    %add3A_3547 = arith.addf %add3A_1196, %add3A_3546 : vector<16xf32>
    %neg3A_3548 = arith.constant 0.000000e+00 : f32
    %neg3A_3549 = vector.broadcast %neg3A_3548 : f32 to vector<16xf32>
    %neg3A_3550 = arith.subf %neg3A_3549, %add3A_3547 : vector<16xf32>
    %exp3A_3551 = math.exp %neg3A_3550 : vector<16xf32>
    %add3A_3552 = arith.constant 1.000000e+00 : f32
    %add3A_3553 = vector.broadcast %add3A_3552 : f32 to vector<16xf32>
    %add3A_3554 = arith.addf %add3A_3553, %exp3A_3551 : vector<16xf32>
    %div3A_3555 = arith.constant 1.000000e+00 : f32
    %div3A_3556 = vector.broadcast %div3A_3555 : f32 to vector<16xf32>
    %div3A_3557 = arith.divf %div3A_3556, %add3A_3554 : vector<16xf32>
    %swap3A_3558 = arith.constant 1824 : index
    %swap3A_3559 = tpu.vector_load %arg9[%swap3A_3558] {strides = array<i32>} : memref<2048xf32, #tpu.memory_space<vmem>>, vector<16xf32>,
    %swap3A_3560 = vector.shape_cast %swap3A_3559 : vector<16xf32> to vector<16xf32>
    %swap3A_3561 = vector.shape_cast %div3A_3557 : vector<16xf32> to vector<16xf32>
    tpu.vector_store %arg9[%swap3A_3558], %swap3A_3561 {strides = array<i32>} : memref<2048xf32, #tpu.memory_space<vmem>>, vector<16xf32>,
    %add3A_3562 = vector.broadcast %add3A_3545 : f32 to vector<16xf32>
    %add3A_3563 = arith.addf %add3A_1548, %add3A_3562 : vector<16xf32>
    %neg3A_3564 = arith.constant 0.000000e+00 : f32
    %neg3A_3565 = vector.broadcast %neg3A_3564 : f32 to vector<16xf32>
    %neg3A_3566 = arith.subf %neg3A_3565, %add3A_3563 : vector<16xf32>
    %exp3A_3567 = math.exp %neg3A_3566 : vector<16xf32>
    %add3A_3568 = arith.constant 1.000000e+00 : f32
    %add3A_3569 = vector.broadcast %add3A_3568 : f32 to vector<16xf32>
    %add3A_3570 = arith.addf %add3A_3569, %exp3A_3567 : vector<16xf32>
    %div3A_3571 = arith.constant 1.000000e+00 : f32
    %div3A_3572 = vector.broadcast %div3A_3571 : f32 to vector<16xf32>
    %div3A_3573 = arith.divf %div3A_3572, %add3A_3570 : vector<16xf32>
    %swap3A_3574 = arith.constant 1840 : index
    %swap3A_3575 = tpu.vector_load %arg9[%swap3A_3574] {strides = array<i32>} : memref<2048xf32, #tpu.memory_space<vmem>>, vector<16xf32>,
    %swap3A_3576 = vector.shape_cast %swap3A_3575 : vector<16xf32> to vector<16xf32>
    %swap3A_3577 = vector.shape_cast %div3A_3573 : vector<16xf32> to vector<16xf32>
    tpu.vector_store %arg9[%swap3A_3574], %swap3A_3577 {strides = array<i32>} : memref<2048xf32, #tpu.memory_space<vmem>>, vector<16xf32>,
    %slice3A_3578 = vector.extract_strided_slice %add3A_1551 {offsets = [10], sizes = [1], strides = [1]} : vector<16xf32> to vector<1xf32>
    %squeeze3A_3579 = vector.extract %slice3A_3578[0] : f32 from vector<1xf32>
    %add3A_3580 = arith.addf %squeeze3A_3579, %squeeze3A : f32
    %add3A_3581 = vector.broadcast %add3A_3580 : f32 to vector<16xf32>
    %add3A_3582 = arith.addf %add3A_1196, %add3A_3581 : vector<16xf32>
    %neg3A_3583 = arith.constant 0.000000e+00 : f32
    %neg3A_3584 = vector.broadcast %neg3A_3583 : f32 to vector<16xf32>
    %neg3A_3585 = arith.subf %neg3A_3584, %add3A_3582 : vector<16xf32>
    %exp3A_3586 = math.exp %neg3A_3585 : vector<16xf32>
    %add3A_3587 = arith.constant 1.000000e+00 : f32
    %add3A_3588 = vector.broadcast %add3A_3587 : f32 to vector<16xf32>
    %add3A_3589 = arith.addf %add3A_3588, %exp3A_3586 : vector<16xf32>
    %div3A_3590 = arith.constant 1.000000e+00 : f32
    %div3A_3591 = vector.broadcast %div3A_3590 : f32 to vector<16xf32>
    %div3A_3592 = arith.divf %div3A_3591, %add3A_3589 : vector<16xf32>
    %swap3A_3593 = arith.constant 1856 : index
    %swap3A_3594 = tpu.vector_load %arg9[%swap3A_3593] {strides = array<i32>} : memref<2048xf32, #tpu.memory_space<vmem>>, vector<16xf32>,
    %swap3A_3595 = vector.shape_cast %swap3A_3594 : vector<16xf32> to vector<16xf32>
    %swap3A_3596 = vector.shape_cast %div3A_3592 : vector<16xf32> to vector<16xf32>
    tpu.vector_store %arg9[%swap3A_3593], %swap3A_3596 {strides = array<i32>} : memref<2048xf32, #tpu.memory_space<vmem>>, vector<16xf32>,
    %add3A_3597 = vector.broadcast %add3A_3580 : f32 to vector<16xf32>
    %add3A_3598 = arith.addf %add3A_1548, %add3A_3597 : vector<16xf32>
    %neg3A_3599 = arith.constant 0.000000e+00 : f32
    %neg3A_3600 = vector.broadcast %neg3A_3599 : f32 to vector<16xf32>
    %neg3A_3601 = arith.subf %neg3A_3600, %add3A_3598 : vector<16xf32>
    %exp3A_3602 = math.exp %neg3A_3601 : vector<16xf32>
    %add3A_3603 = arith.constant 1.000000e+00 : f32
    %add3A_3604 = vector.broadcast %add3A_3603 : f32 to vector<16xf32>
    %add3A_3605 = arith.addf %add3A_3604, %exp3A_3602 : vector<16xf32>
    %div3A_3606 = arith.constant 1.000000e+00 : f32
    %div3A_3607 = vector.broadcast %div3A_3606 : f32 to vector<16xf32>
    %div3A_3608 = arith.divf %div3A_3607, %add3A_3605 : vector<16xf32>
    %swap3A_3609 = arith.constant 1872 : index
    %swap3A_3610 = tpu.vector_load %arg9[%swap3A_3609] {strides = array<i32>} : memref<2048xf32, #tpu.memory_space<vmem>>, vector<16xf32>,
    %swap3A_3611 = vector.shape_cast %swap3A_3610 : vector<16xf32> to vector<16xf32>
    %swap3A_3612 = vector.shape_cast %div3A_3608 : vector<16xf32> to vector<16xf32>
    tpu.vector_store %arg9[%swap3A_3609], %swap3A_3612 {strides = array<i32>} : memref<2048xf32, #tpu.memory_space<vmem>>, vector<16xf32>,
    %slice3A_3613 = vector.extract_strided_slice %add3A_1551 {offsets = [11], sizes = [1], strides = [1]} : vector<16xf32> to vector<1xf32>
    %squeeze3A_3614 = vector.extract %slice3A_3613[0] : f32 from vector<1xf32>
    %add3A_3615 = arith.addf %squeeze3A_3614, %squeeze3A : f32
    %add3A_3616 = vector.broadcast %add3A_3615 : f32 to vector<16xf32>
    %add3A_3617 = arith.addf %add3A_1196, %add3A_3616 : vector<16xf32>
    %neg3A_3618 = arith.constant 0.000000e+00 : f32
    %neg3A_3619 = vector.broadcast %neg3A_3618 : f32 to vector<16xf32>
    %neg3A_3620 = arith.subf %neg3A_3619, %add3A_3617 : vector<16xf32>
    %exp3A_3621 = math.exp %neg3A_3620 : vector<16xf32>
    %add3A_3622 = arith.constant 1.000000e+00 : f32
    %add3A_3623 = vector.broadcast %add3A_3622 : f32 to vector<16xf32>
    %add3A_3624 = arith.addf %add3A_3623, %exp3A_3621 : vector<16xf32>
    %div3A_3625 = arith.constant 1.000000e+00 : f32
    %div3A_3626 = vector.broadcast %div3A_3625 : f32 to vector<16xf32>
    %div3A_3627 = arith.divf %div3A_3626, %add3A_3624 : vector<16xf32>
    %swap3A_3628 = arith.constant 1888 : index
    %swap3A_3629 = tpu.vector_load %arg9[%swap3A_3628] {strides = array<i32>} : memref<2048xf32, #tpu.memory_space<vmem>>, vector<16xf32>,
    %swap3A_3630 = vector.shape_cast %swap3A_3629 : vector<16xf32> to vector<16xf32>
    %swap3A_3631 = vector.shape_cast %div3A_3627 : vector<16xf32> to vector<16xf32>
    tpu.vector_store %arg9[%swap3A_3628], %swap3A_3631 {strides = array<i32>} : memref<2048xf32, #tpu.memory_space<vmem>>, vector<16xf32>,
    %add3A_3632 = vector.broadcast %add3A_3615 : f32 to vector<16xf32>
    %add3A_3633 = arith.addf %add3A_1548, %add3A_3632 : vector<16xf32>
    %neg3A_3634 = arith.constant 0.000000e+00 : f32
    %neg3A_3635 = vector.broadcast %neg3A_3634 : f32 to vector<16xf32>
    %neg3A_3636 = arith.subf %neg3A_3635, %add3A_3633 : vector<16xf32>
    %exp3A_3637 = math.exp %neg3A_3636 : vector<16xf32>
    %add3A_3638 = arith.constant 1.000000e+00 : f32
    %add3A_3639 = vector.broadcast %add3A_3638 : f32 to vector<16xf32>
    %add3A_3640 = arith.addf %add3A_3639, %exp3A_3637 : vector<16xf32>
    %div3A_3641 = arith.constant 1.000000e+00 : f32
    %div3A_3642 = vector.broadcast %div3A_3641 : f32 to vector<16xf32>
    %div3A_3643 = arith.divf %div3A_3642, %add3A_3640 : vector<16xf32>
    %swap3A_3644 = arith.constant 1904 : index
    %swap3A_3645 = tpu.vector_load %arg9[%swap3A_3644] {strides = array<i32>} : memref<2048xf32, #tpu.memory_space<vmem>>, vector<16xf32>,
    %swap3A_3646 = vector.shape_cast %swap3A_3645 : vector<16xf32> to vector<16xf32>
    %swap3A_3647 = vector.shape_cast %div3A_3643 : vector<16xf32> to vector<16xf32>
    tpu.vector_store %arg9[%swap3A_3644], %swap3A_3647 {strides = array<i32>} : memref<2048xf32, #tpu.memory_space<vmem>>, vector<16xf32>,
    %slice3A_3648 = vector.extract_strided_slice %add3A_1551 {offsets = [12], sizes = [1], strides = [1]} : vector<16xf32> to vector<1xf32>
    %squeeze3A_3649 = vector.extract %slice3A_3648[0] : f32 from vector<1xf32>
    %add3A_3650 = arith.addf %squeeze3A_3649, %squeeze3A : f32
    %add3A_3651 = vector.broadcast %add3A_3650 : f32 to vector<16xf32>
    %add3A_3652 = arith.addf %add3A_1196, %add3A_3651 : vector<16xf32>
    %neg3A_3653 = arith.constant 0.000000e+00 : f32
    %neg3A_3654 = vector.broadcast %neg3A_3653 : f32 to vector<16xf32>
    %neg3A_3655 = arith.subf %neg3A_3654, %add3A_3652 : vector<16xf32>
    %exp3A_3656 = math.exp %neg3A_3655 : vector<16xf32>
    %add3A_3657 = arith.constant 1.000000e+00 : f32
    %add3A_3658 = vector.broadcast %add3A_3657 : f32 to vector<16xf32>
    %add3A_3659 = arith.addf %add3A_3658, %exp3A_3656 : vector<16xf32>
    %div3A_3660 = arith.constant 1.000000e+00 : f32
    %div3A_3661 = vector.broadcast %div3A_3660 : f32 to vector<16xf32>
    %div3A_3662 = arith.divf %div3A_3661, %add3A_3659 : vector<16xf32>
    %swap3A_3663 = arith.constant 1920 : index
    %swap3A_3664 = tpu.vector_load %arg9[%swap3A_3663] {strides = array<i32>} : memref<2048xf32, #tpu.memory_space<vmem>>, vector<16xf32>,
    %swap3A_3665 = vector.shape_cast %swap3A_3664 : vector<16xf32> to vector<16xf32>
    %swap3A_3666 = vector.shape_cast %div3A_3662 : vector<16xf32> to vector<16xf32>
    tpu.vector_store %arg9[%swap3A_3663], %swap3A_3666 {strides = array<i32>} : memref<2048xf32, #tpu.memory_space<vmem>>, vector<16xf32>,
    %add3A_3667 = vector.broadcast %add3A_3650 : f32 to vector<16xf32>
    %add3A_3668 = arith.addf %add3A_1548, %add3A_3667 : vector<16xf32>
    %neg3A_3669 = arith.constant 0.000000e+00 : f32
    %neg3A_3670 = vector.broadcast %neg3A_3669 : f32 to vector<16xf32>
    %neg3A_3671 = arith.subf %neg3A_3670, %add3A_3668 : vector<16xf32>
    %exp3A_3672 = math.exp %neg3A_3671 : vector<16xf32>
    %add3A_3673 = arith.constant 1.000000e+00 : f32
    %add3A_3674 = vector.broadcast %add3A_3673 : f32 to vector<16xf32>
    %add3A_3675 = arith.addf %add3A_3674, %exp3A_3672 : vector<16xf32>
    %div3A_3676 = arith.constant 1.000000e+00 : f32
    %div3A_3677 = vector.broadcast %div3A_3676 : f32 to vector<16xf32>
    %div3A_3678 = arith.divf %div3A_3677, %add3A_3675 : vector<16xf32>
    %swap3A_3679 = arith.constant 1936 : index
    %swap3A_3680 = tpu.vector_load %arg9[%swap3A_3679] {strides = array<i32>} : memref<2048xf32, #tpu.memory_space<vmem>>, vector<16xf32>,
    %swap3A_3681 = vector.shape_cast %swap3A_3680 : vector<16xf32> to vector<16xf32>
    %swap3A_3682 = vector.shape_cast %div3A_3678 : vector<16xf32> to vector<16xf32>
    tpu.vector_store %arg9[%swap3A_3679], %swap3A_3682 {strides = array<i32>} : memref<2048xf32, #tpu.memory_space<vmem>>, vector<16xf32>,
    %slice3A_3683 = vector.extract_strided_slice %add3A_1551 {offsets = [13], sizes = [1], strides = [1]} : vector<16xf32> to vector<1xf32>
    %squeeze3A_3684 = vector.extract %slice3A_3683[0] : f32 from vector<1xf32>
    %add3A_3685 = arith.addf %squeeze3A_3684, %squeeze3A : f32
    %add3A_3686 = vector.broadcast %add3A_3685 : f32 to vector<16xf32>
    %add3A_3687 = arith.addf %add3A_1196, %add3A_3686 : vector<16xf32>
    %neg3A_3688 = arith.constant 0.000000e+00 : f32
    %neg3A_3689 = vector.broadcast %neg3A_3688 : f32 to vector<16xf32>
    %neg3A_3690 = arith.subf %neg3A_3689, %add3A_3687 : vector<16xf32>
    %exp3A_3691 = math.exp %neg3A_3690 : vector<16xf32>
    %add3A_3692 = arith.constant 1.000000e+00 : f32
    %add3A_3693 = vector.broadcast %add3A_3692 : f32 to vector<16xf32>
    %add3A_3694 = arith.addf %add3A_3693, %exp3A_3691 : vector<16xf32>
    %div3A_3695 = arith.constant 1.000000e+00 : f32
    %div3A_3696 = vector.broadcast %div3A_3695 : f32 to vector<16xf32>
    %div3A_3697 = arith.divf %div3A_3696, %add3A_3694 : vector<16xf32>
    %swap3A_3698 = arith.constant 1952 : index
    %swap3A_3699 = tpu.vector_load %arg9[%swap3A_3698] {strides = array<i32>} : memref<2048xf32, #tpu.memory_space<vmem>>, vector<16xf32>,
    %swap3A_3700 = vector.shape_cast %swap3A_3699 : vector<16xf32> to vector<16xf32>
    %swap3A_3701 = vector.shape_cast %div3A_3697 : vector<16xf32> to vector<16xf32>
    tpu.vector_store %arg9[%swap3A_3698], %swap3A_3701 {strides = array<i32>} : memref<2048xf32, #tpu.memory_space<vmem>>, vector<16xf32>,
    %add3A_3702 = vector.broadcast %add3A_3685 : f32 to vector<16xf32>
    %add3A_3703 = arith.addf %add3A_1548, %add3A_3702 : vector<16xf32>
    %neg3A_3704 = arith.constant 0.000000e+00 : f32
    %neg3A_3705 = vector.broadcast %neg3A_3704 : f32 to vector<16xf32>
    %neg3A_3706 = arith.subf %neg3A_3705, %add3A_3703 : vector<16xf32>
    %exp3A_3707 = math.exp %neg3A_3706 : vector<16xf32>
    %add3A_3708 = arith.constant 1.000000e+00 : f32
    %add3A_3709 = vector.broadcast %add3A_3708 : f32 to vector<16xf32>
    %add3A_3710 = arith.addf %add3A_3709, %exp3A_3707 : vector<16xf32>
    %div3A_3711 = arith.constant 1.000000e+00 : f32
    %div3A_3712 = vector.broadcast %div3A_3711 : f32 to vector<16xf32>
    %div3A_3713 = arith.divf %div3A_3712, %add3A_3710 : vector<16xf32>
    %swap3A_3714 = arith.constant 1968 : index
    %swap3A_3715 = tpu.vector_load %arg9[%swap3A_3714] {strides = array<i32>} : memref<2048xf32, #tpu.memory_space<vmem>>, vector<16xf32>,
    %swap3A_3716 = vector.shape_cast %swap3A_3715 : vector<16xf32> to vector<16xf32>
    %swap3A_3717 = vector.shape_cast %div3A_3713 : vector<16xf32> to vector<16xf32>
    tpu.vector_store %arg9[%swap3A_3714], %swap3A_3717 {strides = array<i32>} : memref<2048xf32, #tpu.memory_space<vmem>>, vector<16xf32>,
    %slice3A_3718 = vector.extract_strided_slice %add3A_1551 {offsets = [14], sizes = [1], strides = [1]} : vector<16xf32> to vector<1xf32>
    %squeeze3A_3719 = vector.extract %slice3A_3718[0] : f32 from vector<1xf32>
    %add3A_3720 = arith.addf %squeeze3A_3719, %squeeze3A : f32
    %add3A_3721 = vector.broadcast %add3A_3720 : f32 to vector<16xf32>
    %add3A_3722 = arith.addf %add3A_1196, %add3A_3721 : vector<16xf32>
    %neg3A_3723 = arith.constant 0.000000e+00 : f32
    %neg3A_3724 = vector.broadcast %neg3A_3723 : f32 to vector<16xf32>
    %neg3A_3725 = arith.subf %neg3A_3724, %add3A_3722 : vector<16xf32>
    %exp3A_3726 = math.exp %neg3A_3725 : vector<16xf32>
    %add3A_3727 = arith.constant 1.000000e+00 : f32
    %add3A_3728 = vector.broadcast %add3A_3727 : f32 to vector<16xf32>
    %add3A_3729 = arith.addf %add3A_3728, %exp3A_3726 : vector<16xf32>
    %div3A_3730 = arith.constant 1.000000e+00 : f32
    %div3A_3731 = vector.broadcast %div3A_3730 : f32 to vector<16xf32>
    %div3A_3732 = arith.divf %div3A_3731, %add3A_3729 : vector<16xf32>
    %swap3A_3733 = arith.constant 1984 : index
    %swap3A_3734 = tpu.vector_load %arg9[%swap3A_3733] {strides = array<i32>} : memref<2048xf32, #tpu.memory_space<vmem>>, vector<16xf32>,
    %swap3A_3735 = vector.shape_cast %swap3A_3734 : vector<16xf32> to vector<16xf32>
    %swap3A_3736 = vector.shape_cast %div3A_3732 : vector<16xf32> to vector<16xf32>
    tpu.vector_store %arg9[%swap3A_3733], %swap3A_3736 {strides = array<i32>} : memref<2048xf32, #tpu.memory_space<vmem>>, vector<16xf32>,
    %add3A_3737 = vector.broadcast %add3A_3720 : f32 to vector<16xf32>
    %add3A_3738 = arith.addf %add3A_1548, %add3A_3737 : vector<16xf32>
    %neg3A_3739 = arith.constant 0.000000e+00 : f32
    %neg3A_3740 = vector.broadcast %neg3A_3739 : f32 to vector<16xf32>
    %neg3A_3741 = arith.subf %neg3A_3740, %add3A_3738 : vector<16xf32>
    %exp3A_3742 = math.exp %neg3A_3741 : vector<16xf32>
    %add3A_3743 = arith.constant 1.000000e+00 : f32
    %add3A_3744 = vector.broadcast %add3A_3743 : f32 to vector<16xf32>
    %add3A_3745 = arith.addf %add3A_3744, %exp3A_3742 : vector<16xf32>
    %div3A_3746 = arith.constant 1.000000e+00 : f32
    %div3A_3747 = vector.broadcast %div3A_3746 : f32 to vector<16xf32>
    %div3A_3748 = arith.divf %div3A_3747, %add3A_3745 : vector<16xf32>
    %swap3A_3749 = arith.constant 2000 : index
    %swap3A_3750 = tpu.vector_load %arg9[%swap3A_3749] {strides = array<i32>} : memref<2048xf32, #tpu.memory_space<vmem>>, vector<16xf32>,
    %swap3A_3751 = vector.shape_cast %swap3A_3750 : vector<16xf32> to vector<16xf32>
    %swap3A_3752 = vector.shape_cast %div3A_3748 : vector<16xf32> to vector<16xf32>
    tpu.vector_store %arg9[%swap3A_3749], %swap3A_3752 {strides = array<i32>} : memref<2048xf32, #tpu.memory_space<vmem>>, vector<16xf32>,
    %slice3A_3753 = vector.extract_strided_slice %add3A_1551 {offsets = [15], sizes = [1], strides = [1]} : vector<16xf32> to vector<1xf32>
    %squeeze3A_3754 = vector.extract %slice3A_3753[0] : f32 from vector<1xf32>
    %add3A_3755 = arith.addf %squeeze3A_3754, %squeeze3A : f32
    %add3A_3756 = vector.broadcast %add3A_3755 : f32 to vector<16xf32>
    %add3A_3757 = arith.addf %add3A_1196, %add3A_3756 : vector<16xf32>
    %neg3A_3758 = arith.constant 0.000000e+00 : f32
    %neg3A_3759 = vector.broadcast %neg3A_3758 : f32 to vector<16xf32>
    %neg3A_3760 = arith.subf %neg3A_3759, %add3A_3757 : vector<16xf32>
    %exp3A_3761 = math.exp %neg3A_3760 : vector<16xf32>
    %add3A_3762 = arith.constant 1.000000e+00 : f32
    %add3A_3763 = vector.broadcast %add3A_3762 : f32 to vector<16xf32>
    %add3A_3764 = arith.addf %add3A_3763, %exp3A_3761 : vector<16xf32>
    %div3A_3765 = arith.constant 1.000000e+00 : f32
    %div3A_3766 = vector.broadcast %div3A_3765 : f32 to vector<16xf32>
    %div3A_3767 = arith.divf %div3A_3766, %add3A_3764 : vector<16xf32>
    %swap3A_3768 = arith.constant 2016 : index
    %swap3A_3769 = tpu.vector_load %arg9[%swap3A_3768] {strides = array<i32>} : memref<2048xf32, #tpu.memory_space<vmem>>, vector<16xf32>,
    %swap3A_3770 = vector.shape_cast %swap3A_3769 : vector<16xf32> to vector<16xf32>
    %swap3A_3771 = vector.shape_cast %div3A_3767 : vector<16xf32> to vector<16xf32>
    tpu.vector_store %arg9[%swap3A_3768], %swap3A_3771 {strides = array<i32>} : memref<2048xf32, #tpu.memory_space<vmem>>, vector<16xf32>,
    %add3A_3772 = vector.broadcast %add3A_3755 : f32 to vector<16xf32>
    %add3A_3773 = arith.addf %add3A_1548, %add3A_3772 : vector<16xf32>
    %neg3A_3774 = arith.constant 0.000000e+00 : f32
    %neg3A_3775 = vector.broadcast %neg3A_3774 : f32 to vector<16xf32>
    %neg3A_3776 = arith.subf %neg3A_3775, %add3A_3773 : vector<16xf32>
    %exp3A_3777 = math.exp %neg3A_3776 : vector<16xf32>
    %add3A_3778 = arith.constant 1.000000e+00 : f32
    %add3A_3779 = vector.broadcast %add3A_3778 : f32 to vector<16xf32>
    %add3A_3780 = arith.addf %add3A_3779, %exp3A_3777 : vector<16xf32>
    %div3A_3781 = arith.constant 1.000000e+00 : f32
    %div3A_3782 = vector.broadcast %div3A_3781 : f32 to vector<16xf32>
    %div3A_3783 = arith.divf %div3A_3782, %add3A_3780 : vector<16xf32>
    %swap3A_3784 = arith.constant 2032 : index
    %swap3A_3785 = tpu.vector_load %arg9[%swap3A_3784] {strides = array<i32>} : memref<2048xf32, #tpu.memory_space<vmem>>, vector<16xf32>,
    %swap3A_3786 = vector.shape_cast %swap3A_3785 : vector<16xf32> to vector<16xf32>
    %swap3A_3787 = vector.shape_cast %div3A_3783 : vector<16xf32> to vector<16xf32>
    tpu.vector_store %arg9[%swap3A_3784], %swap3A_3787 {strides = array<i32>} : memref<2048xf32, #tpu.memory_space<vmem>>, vector<16xf32>,
    %mul3A_3788 = arith.constant 64 : i32
    %mul3A_3789 = arith.muli %add3A, %mul3A_3788 : i32
    %mul3A_3790 = arith.constant 32 : i32
    %mul3A_3791 = arith.muli %mul3A_3789, %mul3A_3790 : i32
    "tpu.region"() ({
      %run_scoped3A = tpu.sem_alloc : memref<!tpu.dma_semaphore, #tpu.memory_space<semaphore_mem>>
      %dma_start3A = tpu.memref_slice %arg5[%mul3A_3791] : memref<65536xf32, #tpu.memory_space<hbm>> -> memref<2048xf32, #tpu.memory_space<hbm>>
      %dma_start3A_3792 = tpu.memref_slice %arg5[%mul3A_3791] : memref<65536xf32, #tpu.memory_space<hbm>> -> memref<2048xf32, #tpu.memory_space<hbm>>
      tpu.enqueue_dma source(%arg9 : memref<2048xf32, #tpu.memory_space<vmem>>) target(%dma_start3A_3792 : memref<2048xf32, #tpu.memory_space<hbm>>) target_semaphore(%run_scoped3A : memref<!tpu.dma_semaphore, #tpu.memory_space<semaphore_mem>>)
      %dma_wait3A = tpu.memref_slice %arg5[%mul3A_3791] : memref<65536xf32, #tpu.memory_space<hbm>> -> memref<2048xf32, #tpu.memory_space<hbm>>
      %dma_wait3A_3793 = tpu.memref_slice %arg5[%mul3A_3791] : memref<65536xf32, #tpu.memory_space<hbm>> -> memref<2048xf32, #tpu.memory_space<hbm>>
      tpu.wait_dma2 semaphore(%run_scoped3A : memref<!tpu.dma_semaphore, #tpu.memory_space<semaphore_mem>>) src(%arg9 : memref<2048xf32, #tpu.memory_space<vmem>>) dst(%dma_wait3A_3793 : memref<2048xf32, #tpu.memory_space<hbm>>)
      tpu.yield
    }) : () -> ()
    return
  }
}

module attributes {stable_mosaic.version = 14 : i64} {
  func.func @_critic_kernel(%arg0: i32, %arg1: memref<512x64xf32, #tpu.memory_space<vmem>>, %arg2: memref<512x32xf32, #tpu.memory_space<vmem>>, %arg3: memref<512x8xf32, #tpu.memory_space<vmem>>, %arg4: memref<512x8xf32, #tpu.memory_space<vmem>>, %arg5: memref<64x64xf32, #tpu.memory_space<vmem>>, %arg6: memref<64xf32, #tpu.memory_space<vmem>>, %arg7: memref<1x128xf32, #tpu.memory_space<vmem>>, %arg8: memref<1xf32, #tpu.memory_space<vmem>>, %arg9: memref<1x64xf32, #tpu.memory_space<vmem>>, %arg10: memref<1xf32, #tpu.memory_space<vmem>>, %arg11: memref<1x72xf32, #tpu.memory_space<vmem>>, %arg12: memref<1xf32, #tpu.memory_space<vmem>>, %arg13: memref<512x32xf32, #tpu.memory_space<vmem>>) attributes {dimension_semantics = [#tpu.dimension_semantics<arbitrary>], iteration_bounds = array<i64: 4>, scalar_prefetch = 0 : i64, scratch_operands = 0 : i64, tpu.core_type = #tpu.core_type<tc>, window_params = [{transform_indices = @transform_0, window_bounds = array<i64: 512, 64>}, {transform_indices = @transform_1, window_bounds = array<i64: 512, 32>}, {transform_indices = @transform_2, window_bounds = array<i64: 512, 8>}, {transform_indices = @transform_3, window_bounds = array<i64: 512, 8>}, {pipeline_mode = #tpu.pipeline_mode<synchronous>, transform_indices = @transform_4, window_bounds = array<i64: 64, 64>}, {pipeline_mode = #tpu.pipeline_mode<synchronous>, transform_indices = @transform_5, window_bounds = array<i64: 64>}, {pipeline_mode = #tpu.pipeline_mode<synchronous>, transform_indices = @transform_6, window_bounds = array<i64: 1, 128>}, {pipeline_mode = #tpu.pipeline_mode<synchronous>, transform_indices = @transform_7, window_bounds = array<i64: 1>}, {pipeline_mode = #tpu.pipeline_mode<synchronous>, transform_indices = @transform_8, window_bounds = array<i64: 1, 64>}, {pipeline_mode = #tpu.pipeline_mode<synchronous>, transform_indices = @transform_9, window_bounds = array<i64: 1>}, {pipeline_mode = #tpu.pipeline_mode<synchronous>, transform_indices = @transform_10, window_bounds = array<i64: 1, 72>}, {pipeline_mode = #tpu.pipeline_mode<synchronous>, transform_indices = @transform_11, window_bounds = array<i64: 1>}, {transform_indices = @transform_12, window_bounds = array<i64: 512, 32>}]} {
    %iota3A = tpu.iota {dimensions = array<i32: 0>} : vector<512x512xi32>
    %jit3A = arith.constant 32 : i32
    %div3A = vector.broadcast %jit3A : i32 to vector<512x512xi32>
    %div3A_0 = arith.divsi %iota3A, %div3A : vector<512x512xi32>
    %sign3A = arith.constant 0 : i32
    %sign3A_1 = vector.broadcast %sign3A : i32 to vector<512x512xi32>
    %sign3A_2 = arith.cmpi sgt, %iota3A, %sign3A_1 : vector<512x512xi32>
    %sign3A_3 = arith.extui %sign3A_2 : vector<512x512xi1> to vector<512x512xi32>
    %sign3A_4 = arith.constant 0 : i32
    %sign3A_5 = vector.broadcast %sign3A_4 : i32 to vector<512x512xi32>
    %sign3A_6 = arith.cmpi slt, %iota3A, %sign3A_5 : vector<512x512xi32>
    %sign3A_7 = arith.extui %sign3A_6 : vector<512x512xi1> to vector<512x512xi32>
    %sign3A_8 = arith.subi %sign3A_3, %sign3A_7 : vector<512x512xi32>
    %sign3A_9 = arith.constant 0 : i32
    %sign3A_10 = arith.cmpi sgt, %jit3A, %sign3A_9 : i32
    %sign3A_11 = arith.extui %sign3A_10 : i1 to i32
    %sign3A_12 = arith.constant 0 : i32
    %sign3A_13 = arith.cmpi slt, %jit3A, %sign3A_12 : i32
    %sign3A_14 = arith.extui %sign3A_13 : i1 to i32
    %sign3A_15 = arith.subi %sign3A_11, %sign3A_14 : i32
    %ne3A = vector.broadcast %sign3A_15 : i32 to vector<512x512xi32>
    %ne3A_16 = arith.cmpi ne, %sign3A_8, %ne3A : vector<512x512xi32>
    %rem3A = vector.broadcast %jit3A : i32 to vector<512x512xi32>
    %rem3A_17 = arith.remsi %iota3A, %rem3A : vector<512x512xi32>
    %ne3A_18 = arith.constant 0 : i32
    %ne3A_19 = vector.broadcast %ne3A_18 : i32 to vector<512x512xi32>
    %ne3A_20 = arith.cmpi ne, %rem3A_17, %ne3A_19 : vector<512x512xi32>
    %and3A = arith.andi %ne3A_16, %ne3A_20 : vector<512x512xi1>
    %sub3A = arith.constant 1 : i32
    %sub3A_21 = vector.broadcast %sub3A : i32 to vector<512x512xi32>
    %sub3A_22 = arith.subi %div3A_0, %sub3A_21 : vector<512x512xi32>
    %select_n3A = arith.select %and3A, %sub3A_22, %div3A_0 : vector<512x512xi1>, vector<512x512xi32>
    %iota3A_23 = tpu.iota {dimensions = array<i32: 1>} : vector<512x512xi32>
    %jit3A_24 = arith.constant 32 : i32
    %div3A_25 = vector.broadcast %jit3A_24 : i32 to vector<512x512xi32>
    %div3A_26 = arith.divsi %iota3A_23, %div3A_25 : vector<512x512xi32>
    %sign3A_27 = arith.constant 0 : i32
    %sign3A_28 = vector.broadcast %sign3A_27 : i32 to vector<512x512xi32>
    %sign3A_29 = arith.cmpi sgt, %iota3A_23, %sign3A_28 : vector<512x512xi32>
    %sign3A_30 = arith.extui %sign3A_29 : vector<512x512xi1> to vector<512x512xi32>
    %sign3A_31 = arith.constant 0 : i32
    %sign3A_32 = vector.broadcast %sign3A_31 : i32 to vector<512x512xi32>
    %sign3A_33 = arith.cmpi slt, %iota3A_23, %sign3A_32 : vector<512x512xi32>
    %sign3A_34 = arith.extui %sign3A_33 : vector<512x512xi1> to vector<512x512xi32>
    %sign3A_35 = arith.subi %sign3A_30, %sign3A_34 : vector<512x512xi32>
    %sign3A_36 = arith.constant 0 : i32
    %sign3A_37 = arith.cmpi sgt, %jit3A_24, %sign3A_36 : i32
    %sign3A_38 = arith.extui %sign3A_37 : i1 to i32
    %sign3A_39 = arith.constant 0 : i32
    %sign3A_40 = arith.cmpi slt, %jit3A_24, %sign3A_39 : i32
    %sign3A_41 = arith.extui %sign3A_40 : i1 to i32
    %sign3A_42 = arith.subi %sign3A_38, %sign3A_41 : i32
    %ne3A_43 = vector.broadcast %sign3A_42 : i32 to vector<512x512xi32>
    %ne3A_44 = arith.cmpi ne, %sign3A_35, %ne3A_43 : vector<512x512xi32>
    %rem3A_45 = vector.broadcast %jit3A_24 : i32 to vector<512x512xi32>
    %rem3A_46 = arith.remsi %iota3A_23, %rem3A_45 : vector<512x512xi32>
    %ne3A_47 = arith.constant 0 : i32
    %ne3A_48 = vector.broadcast %ne3A_47 : i32 to vector<512x512xi32>
    %ne3A_49 = arith.cmpi ne, %rem3A_46, %ne3A_48 : vector<512x512xi32>
    %and3A_50 = arith.andi %ne3A_44, %ne3A_49 : vector<512x512xi1>
    %sub3A_51 = arith.constant 1 : i32
    %sub3A_52 = vector.broadcast %sub3A_51 : i32 to vector<512x512xi32>
    %sub3A_53 = arith.subi %div3A_26, %sub3A_52 : vector<512x512xi32>
    %select_n3A_54 = arith.select %and3A_50, %sub3A_53, %div3A_26 : vector<512x512xi1>, vector<512x512xi32>
    %eq3A = arith.cmpi eq, %select_n3A, %select_n3A_54 : vector<512x512xi32>
    %convert_element_type3A = arith.extui %eq3A : vector<512x512xi1> to vector<512x512xi32>
    %convert_element_type3A_55 = arith.sitofp %convert_element_type3A : vector<512x512xi32> to vector<512x512xf32>
    %iota3A_56 = tpu.iota {dimensions = array<i32: 0>} : vector<512x32xi32>
    %jit3A_57 = arith.constant 32 : i32
    %eq3A_58 = arith.constant 0 : i32
    %eq3A_59 = arith.cmpi eq, %jit3A_57, %eq3A_58 : i32
    %jit3A_60 = arith.constant 1 : i32
    %select_n3A_61 = arith.select %eq3A_59, %jit3A_60, %jit3A_57 : i32
    %rem3A_62 = vector.broadcast %select_n3A_61 : i32 to vector<512x32xi32>
    %rem3A_63 = arith.remsi %iota3A_56, %rem3A_62 : vector<512x32xi32>
    %ne3A_64 = arith.constant 0 : i32
    %ne3A_65 = vector.broadcast %ne3A_64 : i32 to vector<512x32xi32>
    %ne3A_66 = arith.cmpi ne, %rem3A_63, %ne3A_65 : vector<512x32xi32>
    %lt3A = arith.constant 0 : i32
    %lt3A_67 = vector.broadcast %lt3A : i32 to vector<512x32xi32>
    %lt3A_68 = arith.cmpi slt, %rem3A_63, %lt3A_67 : vector<512x32xi32>
    %lt3A_69 = arith.constant 0 : i32
    %lt3A_70 = arith.cmpi slt, %select_n3A_61, %lt3A_69 : i32
    %ne3A_71 = vector.broadcast %lt3A_70 : i1 to vector<512x32xi1>
    %ne3A_72 = vector.broadcast %ne3A_71 : vector<512x32xi1> to vector<512x32xi1>
    %ne3A_73 = arith.xori %lt3A_68, %ne3A_72 : vector<512x32xi1>
    %and3A_74 = arith.andi %ne3A_73, %ne3A_66 : vector<512x32xi1>
    %add3A = vector.broadcast %select_n3A_61 : i32 to vector<512x32xi32>
    %add3A_75 = arith.addi %rem3A_63, %add3A : vector<512x32xi32>
    %select_n3A_76 = arith.select %and3A_74, %add3A_75, %rem3A_63 : vector<512x32xi1>, vector<512x32xi32>
    %iota3A_77 = tpu.iota {dimensions = array<i32: 1>} : vector<512x32xi32>
    %eq3A_78 = arith.cmpi eq, %select_n3A_76, %iota3A_77 : vector<512x32xi32>
    %convert_element_type3A_79 = arith.extui %eq3A_78 : vector<512x32xi1> to vector<512x32xi32>
    %convert_element_type3A_80 = arith.sitofp %convert_element_type3A_79 : vector<512x32xi32> to vector<512x32xf32>
    %get3A = arith.constant 0 : index
    %get3A_81 = arith.constant 0 : index
    %get3A_82 = vector.load %arg7[%get3A, %get3A_81] : memref<1x128xf32, #tpu.memory_space<vmem>>, vector<1x64xf32>
    %get3A_83 = arith.constant 0 : index
    %get3A_84 = arith.constant 64 : index
    %get3A_85 = vector.load %arg7[%get3A_83, %get3A_84] : memref<1x128xf32, #tpu.memory_space<vmem>>, vector<1x64xf32>
    %get3A_86 = arith.constant 0 : index
    %get3A_87 = arith.constant 0 : index
    %get3A_88 = vector.load %arg9[%get3A_86, %get3A_87] : memref<1x64xf32, #tpu.memory_space<vmem>>, vector<1x32xf32>
    %get3A_89 = arith.constant 0 : index
    %get3A_90 = arith.constant 32 : index
    %get3A_91 = vector.load %arg9[%get3A_89, %get3A_90] : memref<1x64xf32, #tpu.memory_space<vmem>>, vector<1x32xf32>
    %get3A_92 = arith.constant 0 : index
    %get3A_93 = arith.constant 0 : index
    %get3A_94 = vector.load %arg11[%get3A_92, %get3A_93] : memref<1x72xf32, #tpu.memory_space<vmem>>, vector<1x64xf32>
    %get3A_95 = arith.constant 0 : index
    %get3A_96 = arith.constant 64 : index
    %get3A_97 = vector.load %arg11[%get3A_95, %get3A_96] : memref<1x72xf32, #tpu.memory_space<vmem>>, vector<1x8xf32>
    %get3A_98 = arith.constant 0 : index
    %get3A_99 = vector.load %arg8[%get3A_98] : memref<1xf32, #tpu.memory_space<vmem>>, vector<1xf32>
    %get3A_100 = vector.extract %get3A_99[0] : f32 from vector<1xf32>
    %get3A_101 = arith.constant 0 : index
    %get3A_102 = vector.load %arg10[%get3A_101] : memref<1xf32, #tpu.memory_space<vmem>>, vector<1xf32>
    %get3A_103 = vector.extract %get3A_102[0] : f32 from vector<1xf32>
    %get3A_104 = arith.constant 0 : index
    %get3A_105 = vector.load %arg12[%get3A_104] : memref<1xf32, #tpu.memory_space<vmem>>, vector<1xf32>
    %get3A_106 = vector.extract %get3A_105[0] : f32 from vector<1xf32>
    %get3A_107 = arith.constant 0 : index
    %get3A_108 = arith.constant 0 : index
    %get3A_109 = vector.load %arg1[%get3A_107, %get3A_108] : memref<512x64xf32, #tpu.memory_space<vmem>>, vector<512x64xf32>
    %get3A_110 = arith.constant 0 : index
    %get3A_111 = arith.constant 0 : index
    %get3A_112 = vector.load %arg5[%get3A_110, %get3A_111] : memref<64x64xf32, #tpu.memory_space<vmem>>, vector<64x64xf32>
    %dot_general3A = arith.constant dense<0.000000e+00> : vector<512x64xf32>
    %dot_general3A_113 = tpu.matmul %get3A_109, %get3A_112, %dot_general3A {dimension_numbers = #tpu.dot_dimension_numbers<[1], [1], [0], [0], [0, 0, 1, 0], [], []>, transpose_lhs_hint = false} : vector<512x64xf32>, vector<64x64xf32>, vector<512x64xf32> -> vector<512x64xf32>
    %get3A_114 = arith.constant 0 : index
    %get3A_115 = vector.load %arg6[%get3A_114] : memref<64xf32, #tpu.memory_space<vmem>>, vector<64xf32>
    %broadcast_in_dim3A = vector.shape_cast %get3A_115 : vector<64xf32> to vector<1x64xf32>
    %add3A_116 = vector.broadcast %broadcast_in_dim3A : vector<1x64xf32> to vector<512x64xf32>
    %add3A_117 = arith.addf %dot_general3A_113, %add3A_116 : vector<512x64xf32>
    %dot_general3A_118 = arith.constant dense<0.000000e+00> : vector<1x512xf32>
    %dot_general3A_119 = tpu.matmul %get3A_82, %add3A_117, %dot_general3A_118 {dimension_numbers = #tpu.dot_dimension_numbers<[1], [1], [0], [0], [0, 0, 1, 0], [], []>, transpose_lhs_hint = false} : vector<1x64xf32>, vector<512x64xf32>, vector<1x512xf32> -> vector<1x512xf32>
    %dot_general3A_120 = arith.constant dense<0.000000e+00> : vector<512x1xf32>
    %dot_general3A_121 = tpu.matmul %add3A_117, %get3A_85, %dot_general3A_120 {dimension_numbers = #tpu.dot_dimension_numbers<[1], [1], [0], [0], [0, 0, 1, 0], [], []>, transpose_lhs_hint = false} : vector<512x64xf32>, vector<1x64xf32>, vector<512x1xf32> -> vector<512x1xf32>
    %add3A_122 = vector.broadcast %dot_general3A_121 : vector<512x1xf32> to vector<512x512xf32>
    %add3A_123 = vector.broadcast %dot_general3A_119 : vector<1x512xf32> to vector<512x512xf32>
    %add3A_124 = arith.addf %add3A_122, %add3A_123 : vector<512x512xf32>
    %add3A_125 = vector.broadcast %get3A_100 : f32 to vector<512x512xf32>
    %add3A_126 = arith.addf %add3A_124, %add3A_125 : vector<512x512xf32>
    %logistic3A = arith.negf %add3A_126 : vector<512x512xf32>
    %logistic3A_127 = math.exp %logistic3A : vector<512x512xf32>
    %logistic3A_128 = arith.constant 1.000000e+00 : f32
    %logistic3A_129 = vector.broadcast %logistic3A_128 : f32 to vector<512x512xf32>
    %logistic3A_130 = arith.addf %logistic3A_129, %logistic3A_127 : vector<512x512xf32>
    %logistic3A_131 = arith.divf %logistic3A_129, %logistic3A_130 : vector<512x512xf32>
    %mul3A = arith.mulf %logistic3A_131, %convert_element_type3A_55 : vector<512x512xf32>
    %dot_general3A_132 = arith.constant dense<0.000000e+00> : vector<512x64xf32>
    %dot_general3A_133 = tpu.matmul %mul3A, %add3A_117, %dot_general3A_132 {dimension_numbers = #tpu.dot_dimension_numbers<[1], [0], [0], [1], [0, 0, 1, 1], [], []>, transpose_lhs_hint = false} : vector<512x512xf32>, vector<512x64xf32>, vector<512x64xf32> -> vector<512x64xf32>
    %dot_general3A_134 = arith.constant dense<0.000000e+00> : vector<512x1xf32>
    %dot_general3A_135 = tpu.matmul %dot_general3A_133, %get3A_94, %dot_general3A_134 {dimension_numbers = #tpu.dot_dimension_numbers<[1], [1], [0], [0], [0, 0, 1, 0], [], []>, transpose_lhs_hint = false} : vector<512x64xf32>, vector<1x64xf32>, vector<512x1xf32> -> vector<512x1xf32>
    %get3A_136 = arith.constant 0 : index
    %get3A_137 = arith.constant 0 : index
    %get3A_138 = vector.load %arg2[%get3A_136, %get3A_137] : memref<512x32xf32, #tpu.memory_space<vmem>>, vector<512x32xf32>
    %dot_general3A_139 = arith.constant dense<0.000000e+00> : vector<1x512xf32>
    %dot_general3A_140 = tpu.matmul %get3A_88, %get3A_138, %dot_general3A_139 {dimension_numbers = #tpu.dot_dimension_numbers<[1], [1], [0], [0], [0, 0, 1, 0], [], []>, transpose_lhs_hint = false} : vector<1x32xf32>, vector<512x32xf32>, vector<1x512xf32> -> vector<1x512xf32>
    %dot_general3A_141 = arith.constant dense<0.000000e+00> : vector<512x1xf32>
    %dot_general3A_142 = tpu.matmul %get3A_138, %get3A_91, %dot_general3A_141 {dimension_numbers = #tpu.dot_dimension_numbers<[1], [1], [0], [0], [0, 0, 1, 0], [], []>, transpose_lhs_hint = false} : vector<512x32xf32>, vector<1x32xf32>, vector<512x1xf32> -> vector<512x1xf32>
    %add3A_143 = vector.broadcast %dot_general3A_142 : vector<512x1xf32> to vector<512x512xf32>
    %add3A_144 = vector.broadcast %dot_general3A_140 : vector<1x512xf32> to vector<512x512xf32>
    %add3A_145 = arith.addf %add3A_143, %add3A_144 : vector<512x512xf32>
    %add3A_146 = vector.broadcast %get3A_103 : f32 to vector<512x512xf32>
    %add3A_147 = arith.addf %add3A_145, %add3A_146 : vector<512x512xf32>
    %logistic3A_148 = arith.negf %add3A_147 : vector<512x512xf32>
    %logistic3A_149 = math.exp %logistic3A_148 : vector<512x512xf32>
    %logistic3A_150 = arith.constant 1.000000e+00 : f32
    %logistic3A_151 = vector.broadcast %logistic3A_150 : f32 to vector<512x512xf32>
    %logistic3A_152 = arith.addf %logistic3A_151, %logistic3A_149 : vector<512x512xf32>
    %logistic3A_153 = arith.divf %logistic3A_151, %logistic3A_152 : vector<512x512xf32>
    %mul3A_154 = arith.mulf %logistic3A_153, %convert_element_type3A_55 : vector<512x512xf32>
    %get3A_155 = arith.constant 0 : index
    %get3A_156 = arith.constant 0 : index
    %get3A_157 = vector.load %arg3[%get3A_155, %get3A_156] : memref<512x8xf32, #tpu.memory_space<vmem>>, vector<512x8xf32>
    %get3A_158 = arith.constant 0 : index
    %get3A_159 = arith.constant 0 : index
    %get3A_160 = vector.load %arg4[%get3A_158, %get3A_159] : memref<512x8xf32, #tpu.memory_space<vmem>>, vector<512x8xf32>
    %sub3A_161 = arith.subf %get3A_160, %get3A_157 : vector<512x8xf32>
    %dot_general3A_162 = arith.constant dense<0.000000e+00> : vector<512x1xf32>
    %dot_general3A_163 = tpu.matmul %sub3A_161, %get3A_97, %dot_general3A_162 {dimension_numbers = #tpu.dot_dimension_numbers<[1], [1], [0], [0], [0, 0, 1, 0], [], []>, transpose_lhs_hint = false} : vector<512x8xf32>, vector<1x8xf32>, vector<512x1xf32> -> vector<512x1xf32>
    %dot_general3A_164 = arith.constant dense<0.000000e+00> : vector<512x1xf32>
    %dot_general3A_165 = tpu.matmul %get3A_157, %get3A_97, %dot_general3A_164 {dimension_numbers = #tpu.dot_dimension_numbers<[1], [1], [0], [0], [0, 0, 1, 0], [], []>, transpose_lhs_hint = false} : vector<512x8xf32>, vector<1x8xf32>, vector<512x1xf32> -> vector<512x1xf32>
    %mul3A_166 = arith.constant 3.125000e-02 : f32
    %mul3A_167 = vector.broadcast %mul3A_166 : f32 to vector<512x1xf32>
    %mul3A_168 = arith.mulf %dot_general3A_163, %mul3A_167 : vector<512x1xf32>
    %concatenate3A = tpu.concatenate %convert_element_type3A_80, %mul3A_168 in 1 : vector<512x32xf32>, vector<512x1xf32> -> vector<512x33xf32>
    %dot_general3A_169 = arith.constant dense<0.000000e+00> : vector<512x33xf32>
    %dot_general3A_170 = tpu.matmul %mul3A_154, %concatenate3A, %dot_general3A_169 {dimension_numbers = #tpu.dot_dimension_numbers<[1], [0], [0], [1], [0, 0, 1, 1], [], []>, transpose_lhs_hint = false} : vector<512x512xf32>, vector<512x33xf32>, vector<512x33xf32> -> vector<512x33xf32>
    %slice3A = vector.extract_strided_slice %dot_general3A_170 {offsets = [0, 0], sizes = [512, 32], strides = [1, 1]} : vector<512x33xf32> to vector<512x32xf32>
    %slice3A_171 = vector.extract_strided_slice %dot_general3A_170 {offsets = [0, 32], sizes = [512, 1], strides = [1, 1]} : vector<512x33xf32> to vector<512x1xf32>
    %mul3A_172 = vector.broadcast %dot_general3A_135 : vector<512x1xf32> to vector<512x32xf32>
    %mul3A_173 = arith.mulf %convert_element_type3A_80, %mul3A_172 : vector<512x32xf32>
    %mul3A_174 = vector.broadcast %dot_general3A_163 : vector<512x1xf32> to vector<512x32xf32>
    %mul3A_175 = arith.mulf %convert_element_type3A_80, %mul3A_174 : vector<512x32xf32>
    %mul3A_176 = arith.constant 3.125000e-02 : f32
    %mul3A_177 = vector.broadcast %mul3A_176 : f32 to vector<512x1xf32>
    %mul3A_178 = arith.mulf %dot_general3A_165, %mul3A_177 : vector<512x1xf32>
    %concatenate3A_179 = tpu.concatenate %mul3A_173, %mul3A_175, %mul3A_178 in 1 : vector<512x32xf32>, vector<512x32xf32>, vector<512x1xf32> -> vector<512x65xf32>
    %dot_general3A_180 = arith.constant dense<0.000000e+00> : vector<512x65xf32>
    %dot_general3A_181 = tpu.matmul %convert_element_type3A_55, %concatenate3A_179, %dot_general3A_180 {dimension_numbers = #tpu.dot_dimension_numbers<[1], [0], [0], [1], [0, 0, 1, 1], [], []>, transpose_lhs_hint = false} : vector<512x512xf32>, vector<512x65xf32>, vector<512x65xf32> -> vector<512x65xf32>
    %slice3A_182 = vector.extract_strided_slice %dot_general3A_181 {offsets = [0, 0], sizes = [512, 32], strides = [1, 1]} : vector<512x65xf32> to vector<512x32xf32>
    %slice3A_183 = vector.extract_strided_slice %dot_general3A_181 {offsets = [0, 32], sizes = [512, 32], strides = [1, 1]} : vector<512x65xf32> to vector<512x32xf32>
    %slice3A_184 = vector.extract_strided_slice %dot_general3A_181 {offsets = [0, 64], sizes = [512, 1], strides = [1, 1]} : vector<512x65xf32> to vector<512x1xf32>
    %add3A_185 = arith.addf %slice3A_171, %slice3A_184 : vector<512x1xf32>
    %add3A_186 = vector.broadcast %get3A_106 : f32 to vector<512x1xf32>
    %add3A_187 = arith.addf %add3A_185, %add3A_186 : vector<512x1xf32>
    %add3A_188 = vector.broadcast %add3A_187 : vector<512x1xf32> to vector<512x32xf32>
    %add3A_189 = arith.addf %add3A_188, %slice3A_182 : vector<512x32xf32>
    %mul3A_190 = arith.mulf %slice3A, %slice3A_183 : vector<512x32xf32>
    %mul3A_191 = arith.constant 3.125000e-02 : f32
    %mul3A_192 = vector.broadcast %mul3A_191 : f32 to vector<512x32xf32>
    %mul3A_193 = arith.mulf %mul3A_190, %mul3A_192 : vector<512x32xf32>
    %sub3A_194 = arith.subf %add3A_189, %mul3A_193 : vector<512x32xf32>
    %swap3A = arith.constant 0 : index
    %swap3A_195 = arith.constant 0 : index
    %swap3A_196 = vector.load %arg13[%swap3A, %swap3A_195] : memref<512x32xf32, #tpu.memory_space<vmem>>, vector<512x32xf32>
    tpu.vector_store %arg13[%swap3A, %swap3A_195], %sub3A_194 {strides = array<i32>} : memref<512x32xf32, #tpu.memory_space<vmem>>, vector<512x32xf32>,
    return
  }
  func.func @transform_0(%arg0: i32) -> (i32, i32) {
    %c0_i32 = arith.constant 0 : i32
    %c0_i32_0 = arith.constant 0 : i32
    return %arg0, %c0_i32 : i32, i32
  }
  func.func @transform_1(%arg0: i32) -> (i32, i32) {
    %c0_i32 = arith.constant 0 : i32
    %c0_i32_0 = arith.constant 0 : i32
    return %arg0, %c0_i32 : i32, i32
  }
  func.func @transform_2(%arg0: i32) -> (i32, i32) {
    %c0_i32 = arith.constant 0 : i32
    %c0_i32_0 = arith.constant 0 : i32
    return %arg0, %c0_i32 : i32, i32
  }
  func.func @transform_3(%arg0: i32) -> (i32, i32) {
    %c0_i32 = arith.constant 0 : i32
    %c0_i32_0 = arith.constant 0 : i32
    return %arg0, %c0_i32 : i32, i32
  }
  func.func @transform_4(%arg0: i32) -> (i32, i32) {
    %c0_i32 = arith.constant 0 : i32
    %c0_i32_0 = arith.constant 0 : i32
    %c0_i32_1 = arith.constant 0 : i32
    return %c0_i32, %c0_i32_0 : i32, i32
  }
  func.func @transform_5(%arg0: i32) -> i32 {
    %c0_i32 = arith.constant 0 : i32
    %c0_i32_0 = arith.constant 0 : i32
    return %c0_i32 : i32
  }
  func.func @transform_6(%arg0: i32) -> (i32, i32) {
    %c0_i32 = arith.constant 0 : i32
    %c0_i32_0 = arith.constant 0 : i32
    %c0_i32_1 = arith.constant 0 : i32
    return %c0_i32, %c0_i32_0 : i32, i32
  }
  func.func @transform_7(%arg0: i32) -> i32 {
    %c0_i32 = arith.constant 0 : i32
    %c0_i32_0 = arith.constant 0 : i32
    return %c0_i32 : i32
  }
  func.func @transform_8(%arg0: i32) -> (i32, i32) {
    %c0_i32 = arith.constant 0 : i32
    %c0_i32_0 = arith.constant 0 : i32
    %c0_i32_1 = arith.constant 0 : i32
    return %c0_i32, %c0_i32_0 : i32, i32
  }
  func.func @transform_9(%arg0: i32) -> i32 {
    %c0_i32 = arith.constant 0 : i32
    %c0_i32_0 = arith.constant 0 : i32
    return %c0_i32 : i32
  }
  func.func @transform_10(%arg0: i32) -> (i32, i32) {
    %c0_i32 = arith.constant 0 : i32
    %c0_i32_0 = arith.constant 0 : i32
    %c0_i32_1 = arith.constant 0 : i32
    return %c0_i32, %c0_i32_0 : i32, i32
  }
  func.func @transform_11(%arg0: i32) -> i32 {
    %c0_i32 = arith.constant 0 : i32
    %c0_i32_0 = arith.constant 0 : i32
    return %c0_i32 : i32
  }
  func.func @transform_12(%arg0: i32) -> (i32, i32) {
    %c0_i32 = arith.constant 0 : i32
    %c0_i32_0 = arith.constant 0 : i32
    return %arg0, %c0_i32 : i32, i32
  }
}

</mosaic_0001>

<sc_bundles>
// kernel: kernel.4.cloned.1.call-start
scs
__scs_entry_jumppad:
0x0: {  	(pc) =	sbr.rel $0x88, $3  }
0x1: {  	(tag) =	ssettag $0x0;
	lr =	simm.s32 $0x1  }
0x2: {  	[smem:$0x3F95] =	sst lr;
	_ =	strace $0xD0000000  }
0x3: {  	_ = 	snop  }
0x4: {  	_ = 	snop  }
0x5: {  	_ = 	snop  }
0x6: {  	_ = 	snop  }
0x7: {  	_ = 	snop  }
__scs_overlays_trampoline_lowered:
0x8: {  	[smem:$0x3FA4] =	sst s0  }
0x9: {  	[smem:$0x3FA5] =	sst s1  }
0xa: {  	[smem:$0x3FA6] =	sst s2  }
0xb: {  	[smem:$0x3FA7] =	sst s3  }
0xc: {  	[smem:$0x3FA8] =	sst s4  }
0xd: {  	[smem:$0x3FA9] =	sst s5  }
0xe: {  	[smem:$0x3FAA] =	sst s6  }
0xf: {  	[smem:$0x3FAB] =	sst s7  }
0x10: {  	[smem:$0x3FAC] =	sst s8  }
0x11: {  	[smem:$0x3FAD] =	sst s9;
	s0 =	simm.s32 @!p0 $0x0  }
0x12: {  	s1 =	sld [smem:$0x3F93];
	s0 =	simm.s32 @p0 $0x1  }
0x13: {  	[smem:$0x3FAE] =	sst s0;
	s0 =	simm.s32 @!p1 $0x0  }
0x14: {  	s2 =	sld [smem:$0x3F92];
	s0 =	simm.s32 @p1 $0x1  }
0x15: {  	[smem:$0x3FAF] =	sst s0;
	s0 =	simm.s32 @!p2 $0x0  }
0x16: {  	s3 =	sld [smem:$0x3FDB];
	s0 =	simm.s32 @p2 $0x1  }
0x17: {  	s4 =	simm.s32 $0x1BF5;
	[smem:$0x3FB1] =	sst s0  }
0x18: {  	s0 =	sld [smem:$0x3F94];
	_ =	swait.ge [sflag:s4], $0x0  }
0x19: {  	s7 =	sld [smem:$0x3F95]  }
0x1a: {  	s8 =	sadd.s32 $0xFFFFE003, lr  }
0x1b: {  	s9 =	sadd.s32 $0xFFFFFEF7, lr;
	s5 =	simm.s32 $0xFFFFFFFF;
	p2 =	slt.u32 s8, $0xFFFFF086  }
0x1c: {  	p1 =	slt.u32 s9, $0xF7A;
	s5 =	simm.s32 @!p2 $0x0  }
0x1d: {  	s5 =	simm.s32 @p1 $0x1;
	p0 =	seq.s32 s7, s2  }
0x1e: {  	s7 =	smul.u32 @!p0 $0xF7A, s2;
	p2 =	seq.s32 @!p0 s5, $0x0  }
0x1f: {  	s9 =	smul.u32 $0xF7A, s1;
	s8 =	simm.s32 @!p0 $0x1BF5;
	p2 =	por !p2, p0  }
0x20: {  	[sflag:s8] =	ssyncset.s32 @!p0 $0xFFFFF086;
	s6 =	sadd.s32 @!p0 s3, s7;
	s7 =	simm.s32 @!p0 $0x108  }
0x21: {  	s3 =	sadd.s32 s3, s9;
	s6 =	sadd.s32 @!p0 $0x88, s6;
	s7 =	simm.s32 @p2 $0x1082  }
0x22: {  	[simem:s7], [sflag:s8] =	dma.local @!p0 [hbm:s6], $0xF7A  }
0x23: {  	s9 =	sor.u32 $0xD0000000, s2;
	s6 =	simm.s32 $0x108;
	_ =	swait.ge @!p0 [sflag:s8], $0x0  }
0x24: {  	s3 =	sadd.s32 $0x88, s3;
	s6 =	simm.s32 @!p1 $0x1082;
	[sflag:s4] =	ssyncset.s32 $0xFFFFF086  }
0x25: {  	[simem:s6], [sflag:s4] =	dma.local [hbm:s3], $0xF7A  }
0x26: {  	[smem:$0x3F95] =	sst s1;
	(tag) =	ssettag s2;
	_ =	strace s9  }
0x27: {  	s1 =	sld [smem:$0x3FA5]  }
0x28: {  	s2 =	sld [smem:$0x3FA6]  }
0x29: {  	s4 =	sld [smem:$0x3FA8]  }
0x2a: {  	p0 =	seq.s32 s5, $0x0;
	s5 =	sld [smem:$0x3FA9]  }
0x2b: {  	s6 =	sld [smem:$0x3FAA]  }
0x2c: {  	s7 =	sld [smem:$0x3FAB]  }
0x2d: {  	s3 =	simm.s32 $0x108;
	s8 =	sld [smem:$0x3FAC]  }
0x2e: {  	s3 =	simm.s32 @!p0 $0x1082;
	s9 =	sld [smem:$0x3FAD]  }
0x2f: {  	lr =	sadd.s32 s0, s3;
	s0 =	sld [smem:$0x3FA4]  }
0x30: {  	s3 =	sld [smem:$0x3FA7]  }
0x31: {  	[smem:$0x3FB0] =	sst s10  }
0x32: {  	s10 =	sld [smem:$0x3FAE];
	_ =	sdelay $0x3  }
0x33: {  	p0 =	seq.s32 s10, $0x1;
	s10 =	sld [smem:$0x3FB0];
	_ =	sdelay $0x3  }
0x34: {  	[smem:$0x3FB0] =	sst s10  }
0x35: {  	s10 =	sld [smem:$0x3FAF];
	_ =	sdelay $0x3  }
0x36: {  	p1 =	seq.s32 s10, $0x1;
	s10 =	sld [smem:$0x3FB0];
	_ =	sdelay $0x3  }
0x37: {  	[smem:$0x3FB0] =	sst s10  }
0x38: {  	s10 =	sld [smem:$0x3FB1]  }
0x39: {  	_ = 	snop;
	(pc) =	sbr.ind lr, $3  }
0x3a: {  	_ = 	snop  }
0x3b: {  	_ = 	snop  }
0x3c: {  	p2 =	seq.s32 s10, $0x1;
	s10 =	sld [smem:$0x3FB0]  }
0x3d: {  	_ =	shalt  }
0x3e: {  	_ =	shalt  }
0x3f: {  	_ =	shalt  }
0x40: {  	_ =	shalt  }
0x41: {  	_ =	shalt  }
0x42: {  	_ =	shalt  }
0x43: {  	_ =	shalt  }
0x44: {  	_ =	shalt  }
0x45: {  	_ =	shalt  }
0x46: {  	_ =	shalt  }
0x47: {  	_ =	shalt  }
0x48: {  	_ =	shalt  }
0x49: {  	_ =	shalt  }
0x4a: {  	_ =	shalt  }
0x4b: {  	_ =	shalt  }
0x4c: {  	_ =	shalt  }
0x4d: {  	_ =	shalt  }
0x4e: {  	_ =	shalt  }
0x4f: {  	_ =	shalt  }
0x50: {  	_ =	shalt  }
0x51: {  	_ =	shalt  }
0x52: {  	_ =	shalt  }
0x53: {  	_ =	shalt  }
0x54: {  	_ =	shalt  }
0x55: {  	_ =	shalt  }
0x56: {  	_ =	shalt  }
0x57: {  	_ =	shalt  }
0x58: {  	_ =	shalt  }
0x59: {  	_ =	shalt  }
0x5a: {  	_ =	shalt  }
0x5b: {  	_ =	shalt  }
0x5c: {  	_ =	shalt  }
0x5d: {  	_ =	shalt  }
0x5e: {  	_ =	shalt  }
0x5f: {  	_ =	shalt  }
0x60: {  	_ =	shalt  }
0x61: {  	_ =	shalt  }
0x62: {  	_ =	shalt  }
0x63: {  	_ =	shalt  }
0x64: {  	_ =	shalt  }
0x65: {  	_ =	shalt  }
0x66: {  	_ =	shalt  }
0x67: {  	_ =	shalt  }
0x68: {  	_ =	shalt  }
0x69: {  	_ =	shalt  }
0x6a: {  	_ =	shalt  }
0x6b: {  	_ =	shalt  }
0x6c: {  	_ =	shalt  }
0x6d: {  	_ =	shalt  }
0x6e: {  	_ =	shalt  }
0x6f: {  	_ =	shalt  }
0x70: {  	_ =	shalt  }
0x71: {  	_ =	shalt  }
0x72: {  	_ =	shalt  }
0x73: {  	_ =	shalt  }
0x74: {  	_ =	shalt  }
0x75: {  	_ =	shalt  }
0x76: {  	_ =	shalt  }
0x77: {  	_ =	shalt  }
0x78: {  	_ =	shalt  }
0x79: {  	_ =	shalt  }
0x7a: {  	_ =	shalt  }
0x7b: {  	_ =	shalt  }
0x7c: {  	_ =	shalt  }
0x7d: {  	_ =	shalt  }
0x7e: {  	_ =	shalt  }
0x7f: {  	_ =	shalt  }
0x80: {  	_ =	shalt  }
0x81: {  	_ =	shalt  }
0x82: {  	_ =	shalt  }
0x83: {  	_ =	shalt  }
0x84: {  	_ =	shalt  }
0x85: {  	_ =	shalt  }
0x86: {  	_ =	shalt  }
0x87: {  	_ =	shalt  }
.Lfunc_end0:
.L_simem_size_0:
called_computation_lowered:
.L_overlay_start_0:
0x88: {  	s2 =	sld [smem:$0x3FD9]  }
0x89: {  	s3 =	sld [smem:$0x3FFE];
	_ =	sdelay $0x1  }
0x8a: {  	s1 =	srdreg.scid  }
0x8b: {  	s0 =	sand.u32 $0x1, s1  }
0x8c: {  	s14 =	sshll.u32 s0, $0xA;
	s2 =	sadd.s32 s3, s2  }
0x8d: {  	s2 =	sadd.s32 s2, s14  }
0x8e: {  	[smem:$0x3FBC] =	sst s2  }
0x8f: {  	_ = 	snop  }
0x90: {  	s2 =	sld [smem:$0x3FD0];
	_ =	sdelay $0x1  }
0x91: {  	s15 =	sld [smem:$0x3FC1]  }
0x92: {  	s5 =	simm.s32 $0xA;
	s6 =	simm.s32 $0x10;
	s4 =	sld [smem:$0x3FC0]  }
0x93: {  	[smem:s6], [sflag:s5] =	dma.local [hbm:s2], $0x1  }
0x94: {  	_ =	swait.eq [sflag:s5], $0x1  }
0x95: {  	[sflag:s5] =	ssyncset.done $0x0  }
0x96: {  	[sflag:s5] =	ssyncadd.s32 $0xFFFFFFFF  }
0x97: {  	s16 =	sld [smem:$0x11];
	(tm) =	ssettm $0x1  }
0x98: {  	s17 =	sld [smem:$0x3FFB];
	_ =	sdelay $0x3  }
0x99: {  	_ =	strace s17  }
0x9a: {  	s5 =	sld [smem:$0x3FFC];
	_ =	sdelay $0x3  }
0x9b: {  	_ =	strace s5  }
0x9c: {  	s5 =	sld [smem:$0x3FFD];
	_ =	sdelay $0x3  }
0x9d: {  	_ =	strace s5  }
0x9e: {  	_ =	strace $0x8FFFFFFF  }
0x9f: {  	s18 =	sld [smem:$0x3FDB];
	_ =	sdelay $0x1  }
0xa0: {  	s19 =	simm.s32 $_scs_section_size  }
0xa1: {  	s7 =	simm.s32 $_size__tile_overlayer_lowered;
	s8 =	simm.s32 $_tile_overlayer_lowered  }
0xa2: {  	s22 =	simm.s32 $0x1BFF;
	s21 =	sshll.u32 s8, $0x1;
	s5 =	sadd.s32 s19, s18  }
0xa3: {  	s9 =	simm.s32 $0x0;
	s20 =	sshll.u32 s7, $0x1;
	s7 =	sadd.s32 s21, s5  }
0xa4: {  	[timem:s9], [sflag:s22] =	dma.local [hbm:s7], s20  }
0xa5: {  	_ =	swait.ge [sflag:s22], s20  }
0xa6: {  	s6 =	ssub.s32 $0x0, s20;
	[sflag:s22] =	ssyncset.done $0x0  }
0xa7: {  	[sflag:s22] =	ssyncadd.s32 s6;
	_ =	sdelay $0x1  }
0xa8: {  	s23 =	simm.s32 $0x1B8B  }
0xa9: {  	_ =	swait.ge [sflag:s23], $0x1  }
0xaa: {  	[sflag:s23] =	ssyncset.done $0x0  }
0xab: {  	s25 =	simm.s32 $0x1B8E;
	s24 =	sld [smem:$0x3FFE];
	[sflag:s23] =	ssyncadd.s32 $0xFFFFFFFF  }
0xac: {  	s26 =	simm.s32 $execute0_lowered;
	[smem:$0x3FD2] =	sst s25  }
0xad: {  	s7 =	sshll.u32 s26, $0x1;
	_ =	strace $0x80000046;
	[dreg:$0x1] =	wrdreg $0xFFFFFFFF  }
0xae: {  	s28 =	simm.s32 $_size_execute0_lowered;
	s5 =	sadd.s32 s5, s7;
	[dreg:$0x0] =	wrdreg $0x0  }
0xaf: {  	s7 =	sshll.u32 s28, $0x1;
	[dreg:$0x2] =	wrdreg s5  }
0xb0: {  	[dreg:$0x3] =	wrdreg s7  }
0xb1: {  	[dreg:$0x4] =	wrdreg $0xC0  }
0xb2: {  	_ =	task [dreg:s9], $0x5FFFF  }
0xb3: {  	[dreg:$0x1] =	wrdreg $0xFFFFFFFF  }
0xb4: {  	[dreg:$0x0] =	wrdreg $0x60  }
0xb5: {  	[dreg:$0x2] =	wrdreg s24  }
0xb6: {  	[dreg:$0x3] =	wrdreg s15  }
0xb7: {  	[dreg:$0x4] =	wrdreg s4  }
0xb8: {  	[dreg:$0x5] =	wrdreg s16  }
0xb9: {  	[dreg:$0x6] =	wrdreg $0x9  }
0xba: {  	_ =	task.clear_ibuf [dreg:s9], $0x7FFFF;
	_ =	strace $0x90000046  }
0xbb: {  	s29 =	simm.s32 $0x9;
	_ =	strace $0x80000048  }
0xbc: {  	_ =	swait.ge [sflag:s29], $0x1  }
0xbd: {  	[sflag:s29] =	ssyncadd.s32 $0xFFFFFFFF  }
0xbe: {  	_ =	strace $0x90000048  }
0xbf: {  	_ =	sfence  }
0xc0: {  	s30 =	sld [smem:$0x0];
	_ =	sdelay $0x2  }
0xc1: {  	s31 =	sshll.u32 s1, $0xD;
	s1 =	sshrl.u32 s1, $0x2  }
0xc2: {  	s3 =	sand.u32 $0x4000, s31;
	s1 =	sadd.s32 s1, s30  }
0xc3: {  	s0 =	sor.u32 s3, s0;
	s1 =	sshll.u32 s1, $0x11  }
0xc4: {  	s0 =	sor.u32 s1, s0  }
0xc5: {  	s0 =	sadd.s32 $0x8F2B, s0  }
0xc6: {  	[sflag:s0] =	ssyncadd.remote.s32 $0x1  }
0xc7: {  	_ =	sfence.sel $0xFFFF  }
0xc8: {  	[dreg:$0x0] =	wrdreg $0xFFFFFFFF;
	(pc) =	sbr.abs _section_cstart, $3  }
0xc9: {  	[dreg:$0x1] =	wrdreg $0xFFFFFFFF  }
0xca: {  	_ =	task.clear_ibuf [dreg:s9], $0x2FFFF;
	_ =	strace $0x9FFFFFFF  }
0xcb: {  	(tm) =	ssettm $0x7FFFFFFF  }
tec
execute0_lowered:
.L_overlay_start_1:
0x0: {  	(tag) =	ssettag $0x1  }
0x1: {  	s3 =	rddreg [dreg:$0x0]  }
0x2: {  	s0 =	rddreg [dreg:$0x1]  }
0x3: {  	s1 =	rddreg [dreg:$0x2]  }
0x4: {  	s5 =	rddreg [dreg:$0x3]  }
0x5: {  	s2 =	srdreg.scid;
	[dreg:$0x7] =	wrdreg s0  }
0x6: {  	s28 =	simm.s32 $0x1000;
	s30 =	simm.s32 $0x1080;
	[dreg:$0x9] =	wrdreg s1  }
0x7: {  	s4 =	sand.u32 $0x1, s2;
	s1 =	rddreg [dreg:$0x4];
	s2 =	simm.s32 $0x0  }
0x8: {  	s31 =	simm.s32 $0x1100;
	s0 =	stileid.u32;
	[smem:$0x7FF] =	sst s2  }
0x9: {  	s25 =	sshll.u32 s0, $0x1;
	_ =	strace $0x80000047;
	[dreg:$0x6] =	wrdreg s28  }
0xa: {  	s6 =	sor.u32 s4, s25;
	s4 =	ssub.s32 $0x2, s4;
	[dreg:$0x8] =	wrdreg s30  }
0xb: {  	[dreg:$0xb] =	wrdreg s31;
	s7 =	sshll.u32 s6, $0x9;
	s6 =	sshll.u32 s6, $0x8  }
0xc: {  	s29 =	sshrl.u32 s4, $0x1;
	s3 =	sadd.s32 s7, s3;
	s26 =	sadd.s32 s5, s6  }
0xd: {  	s4 =	ssub.s32 s4, s29;
	s3 =	sadd.s32 $0x1600, s3;
	[dreg:$0xa] =	wrdreg s26  }
0xe: {  	[dreg:$0x5] =	wrdreg s3;
	s3 =	smax.u32 s4, $0x1;
	s4 =	simm.s32 $0x1  }
.LBB2_1:
0xf: {  	s5 =	rddreg [dreg:$0x5]  }
0x10: {  	[tilespmem:s2], [sflag:$0x1] =	stream.linear.gather [hbm4b:s5+s2], $0x1000, $0x38;
	[tilespmem:$0x1900] =	vst v63  }
0x11: {  	_ =	swait.ge [sflag:s4], $0x1000  }
0x12: {  	s10 =	rddreg [dreg:$0x6];
	[sflag:s4] =	ssyncset.done $0x0  }
0x13: {  	s6 =	rddreg [dreg:$0x7];
	[sflag:s4] =	ssyncadd.s32 $0xFFFFF000  }
0x14: {  	[tilespmem:s10], [sflag:$0x1] =	stream.linear.gather [hbm4b:s6+s2], $0x80, $0x38;
	[tilespmem:$0x1900] =	vst v63  }
0x15: {  	_ =	swait.ge [sflag:s4], $0x80  }
0x16: {  	s11 =	rddreg [dreg:$0x8];
	[sflag:s4] =	ssyncset.done $0x0  }
0x17: {  	s12 =	rddreg [dreg:$0x9];
	[sflag:s4] =	ssyncadd.s32 $0xFFFFFF80  }
0x18: {  	[tilespmem:s11], [sflag:$0x1] =	stream.linear.gather [hbm4b:s12+s2], $0x1, $0x38;
	[tilespmem:$0x1900] =	vst v63  }
0x19: {  	_ =	swait.ge [sflag:s4], $0x1  }
0x1a: {  	[sflag:s4] =	ssyncset.done $0x0  }
0x1b: {  	[sflag:s4] =	ssyncadd.s32 $0xFFFFFFFF  }
0x1c: {  	v2 =	vld [tilespmem:$0x1000]  }
0x1d: {  	v3 =	vld [tilespmem:$0x1020];
	_ =	sdelay $0x4  }
0x1e: {  	v13 =	vbroadcast v2, $0x0;
	v6 =	vbroadcast v3, $0x0  }
0x1f: {  	v0 =	vld [tilespmem:$0x0];
	v14 =	vbroadcast v2, $0x1;
	v8 =	vbroadcast v3, $0x1  }
0x20: {  	v15 =	vbroadcast v2, $0x2;
	v52 =	vbroadcast v3, $0x2  }
0x21: {  	v1 =	vld [tilespmem:$0x80];
	v16 =	vbroadcast v2, $0x3;
	v9 =	vbroadcast v3, $0x3  }
0x22: {  	v18 =	vbroadcast v2, $0x4;
	v23 =	vbroadcast v3, $0x4  }
0x23: {  	v4 =	vld [tilespmem:$0x100];
	v17 =	vbroadcast v2, $0x5;
	v27 =	vbroadcast v3, $0x5  }
0x24: {  	v5 =	vmul.f32 v0, v13;
	v0 =	vmul.f32 v0, v6  }
0x25: {  	v60 =	vld [tilespmem:$0x180];
	v35 =	vbroadcast v2, $0x6;
	v31 =	vbroadcast v3, $0x6  }
0x26: {  	v7 =	vmul.f32 v1, v14;
	v1 =	vmul.f32 v1, v8;
	v0 =	vadd.f32 $0.0e+00, v0  }
0x27: {  	v61 =	vld [tilespmem:$0x200];
	v36 =	vbroadcast v3, $0x7;
	v40 =	vbroadcast v3, $0x8  }
0x28: {  	v44 =	vbroadcast v3, $0x9;
	v63 =	vmul.f32 v4, v52;
	v0 =	vadd.f32 v1, v0  }
0x29: {  	v12 =	vld [tilespmem:$0x280];
	v51 =	vbroadcast v3, $0xA;
	v57 =	vbroadcast v3, $0xB;
	v5 =	vadd.f32 $0.0e+00, v5  }
0x2a: {  	v24 =	vld [tilespmem:$0x300];
	v10 =	vbroadcast v3, $0xC;
	v22 =	vmul.f32 v60, v9;
	v0 =	vadd.f32 v63, v0  }
0x2b: {  	v28 =	vld [tilespmem:$0x380];
	v11 =	vbroadcast v3, $0xD;
	v62 =	vmul.f32 v4, v15;
	v5 =	vadd.f32 v7, v5  }
0x2c: {  	v32 =	vld [tilespmem:$0x400];
	v19 =	vbroadcast v3, $0xE;
	v26 =	vmul.f32 v61, v23;
	v0 =	vadd.f32 v22, v0  }
0x2d: {  	v37 =	vld [tilespmem:$0x480];
	v21 =	vmul.f32 v60, v16;
	v25 =	vmul.f32 v61, v18;
	v5 =	vadd.f32 v62, v5  }
0x2e: {  	v41 =	vld [tilespmem:$0x500];
	v29 =	vmul.f32 v12, v17;
	v30 =	vmul.f32 v12, v27;
	v0 =	vadd.f32 v26, v0  }
0x2f: {  	v45 =	vld [tilespmem:$0x580];
	v33 =	vmul.f32 v24, v35;
	v34 =	vmul.f32 v24, v31;
	v5 =	vadd.f32 v21, v5  }
0x30: {  	v54 =	vld [tilespmem:$0x600];
	[tilespmem:$0x1FD00] =	vst v23;
	v23 =	vbroadcast v2, $0x8;
	v39 =	vmul.f32 v28, v36;
	v0 =	vadd.f32 v30, v0  }
0x31: {  	v58 =	vld [tilespmem:$0x680];
	v24 =	vbroadcast v2, $0x9;
	v43 =	vmul.f32 v32, v40;
	v5 =	vadd.f32 v25, v5  }
0x32: {  	[tilespmem:$0x1FD20] =	vst v27;
	v47 =	vmul.f32 v37, v44;
	v27 =	vbroadcast v2, $0xB;
	v0 =	vadd.f32 v34, v0  }
0x33: {  	v56 =	vmul.f32 v41, v51;
	v21 =	vbroadcast v2, $0x7;
	v5 =	vadd.f32 v29, v5  }
0x34: {  	[tilespmem:$0x1FD40] =	vst v31;
	v4 =	vmul.f32 v45, v57;
	v60 =	vld [tilespmem:$0x700];
	v31 =	vbroadcast v2, $0xD;
	v0 =	vadd.f32 v39, v0  }
0x35: {  	[tilespmem:$0x1FC80] =	vst v6;
	v6 =	vmul.f32 v54, v10;
	v1 =	vld [tilespmem:$0x1010];
	v38 =	vmul.f32 v28, v21;
	v5 =	vadd.f32 v33, v5  }
0x36: {  	v20 =	vld [tilespmem:$0x800];
	[tilespmem:$0x1FD80] =	vst v40;
	v40 =	vbroadcast v2, $0xE;
	v12 =	vmul.f32 v58, v11;
	v0 =	vadd.f32 v43, v0  }
0x37: {  	v42 =	vmul.f32 v32, v23;
	v46 =	vmul.f32 v37, v24;
	v62 =	vld [tilespmem:$0x780];
	v5 =	vadd.f32 v38, v5  }
0x38: {  	v59 =	vmul.f32 v45, v27;
	v32 =	vld [tilespmem:$0x110];
	v63 =	vmul.f32 v58, v31;
	v0 =	vadd.f32 v47, v0  }
0x39: {  	v22 =	vmul.f32 v60, v40;
	v26 =	vbroadcast v2, $0xA;
	v34 =	vld [tilespmem:$0x10];
	v5 =	vadd.f32 v42, v5  }
0x3a: {  	[tilespmem:$0x1FDC0] =	vst v57;
	v57 =	vbroadcast v1, $0x0;
	v30 =	vbroadcast v3, $0xF;
	v33 =	vld [tilespmem:$0x90];
	v0 =	vadd.f32 v56, v0  }
0x3b: {  	v55 =	vmul.f32 v41, v26;
	v29 =	vbroadcast v2, $0xC;
	v38 =	vld [tilespmem:$0x880];
	v5 =	vadd.f32 v46, v5  }
0x3c: {  	v28 =	vmul.f32 v60, v19;
	[tilespmem:$0x1FE00] =	vst v30;
	v39 =	vmul.f32 v62, v30;
	v30 =	vld [tilespmem:$0x190];
	v4 =	vadd.f32 v4, v0  }
0x3d: {  	[tilespmem:$0x1FDF0] =	vst v19;
	v19 =	vbroadcast v1, $0x3;
	v61 =	vmul.f32 v54, v29;
	v5 =	vadd.f32 v55, v5;
	v0 =	vld [tilespmem:$0x1030]  }
0x3e: {  	v54 =	vbroadcast v1, $0x1;
	v42 =	vmul.f32 v20, v57;
	v43 =	vld [tilespmem:$0x900];
	v4 =	vadd.f32 v6, v4  }
0x3f: {  	v45 =	vmul.f32 v34, v13;
	v50 =	vmul.f32 v33, v14;
	v5 =	vadd.f32 v59, v5  }
0x40: {  	v47 =	vld [tilespmem:$0x980];
	v46 =	vmul.f32 v38, v54;
	v56 =	vbroadcast v2, $0xF;
	v25 =	vadd.f32 v12, v4  }
0x41: {  	[tilespmem:$0x1F840] =	vst v13;
	v13 =	vmul.f32 v30, v16;
	v55 =	vbroadcast v1, $0x2;
	v5 =	vadd.f32 v61, v5  }
0x42: {  	[tilespmem:$0x1FCA0] =	vst v8;
	v37 =	vmul.f32 v62, v56;
	v41 =	vbroadcast v0, $0x0;
	v2 =	vadd.f32 v28, v25  }
0x43: {  	[tilespmem:$0x1FD60] =	vst v36;
	v58 =	vmul.f32 v43, v55;
	v59 =	vmul.f32 v32, v15;
	v5 =	vadd.f32 v63, v5  }
0x44: {  	[tilespmem:$0x1FDA0] =	vst v44;
	v63 =	vbroadcast v0, $0x1;
	v44 =	vmul.f32 v20, v41;
	v2 =	vadd.f32 v39, v2  }
0x45: {  	[tilespmem:$0x1FDD0] =	vst v10;
	v10 =	vld [tilespmem:$0xA00];
	v8 =	vmul.f32 v47, v19;
	v36 =	vadd.f32 v22, v5;
	v5 =	vadd.f32 $0.0e+00, v45  }
0x46: {  	v62 =	vbroadcast v0, $0x2;
	v28 =	vld [tilespmem:$0x210];
	v53 =	vmul.f32 v38, v63;
	v2 =	vadd.f32 v44, v2  }
0x47: {  	[tilespmem:$0x1FCE0] =	vst v9;
	v9 =	vld [tilespmem:$0xB00];
	v61 =	vbroadcast v0, $0x3;
	v3 =	vadd.f32 v37, v36;
	v5 =	vadd.f32 v50, v5  }
0x48: {  	v49 =	vbroadcast v0, $0x7;
	v25 =	vld [tilespmem:$0x290];
	v12 =	vmul.f32 v43, v62;
	v2 =	vadd.f32 v53, v2  }
0x49: {  	[tilespmem:$0x1F850] =	vst v14;
	v6 =	vld [tilespmem:$0xA80];
	v45 =	vbroadcast v0, $0xC;
	v3 =	vadd.f32 v42, v3;
	v5 =	vadd.f32 v59, v5  }
0x4a: {  	[tilespmem:$0x1F860] =	vst v15;
	v22 =	vld [tilespmem:$0x310];
	v14 =	vmul.f32 v47, v61;
	v53 =	vbroadcast v0, $0x4;
	v2 =	vadd.f32 v12, v2  }
0x4b: {  	[tilespmem:$0x1FDE0] =	vst v11;
	v11 =	vld [tilespmem:$0xB80];
	v15 =	vmul.f32 v28, v18;
	v3 =	vadd.f32 v46, v3;
	v5 =	vadd.f32 v13, v5  }
0x4c: {  	[tilespmem:$0x1F870] =	vst v16;
	v20 =	vld [tilespmem:$0x390];
	v50 =	vbroadcast v0, $0x5;
	v16 =	vmul.f32 v10, v53;
	v2 =	vadd.f32 v14, v2  }
0x4d: {  	[tilespmem:$0x1F880] =	vst v18;
	v43 =	vld [tilespmem:$0x410];
	v18 =	vmul.f32 v25, v17;
	v3 =	vadd.f32 v58, v3;
	v5 =	vadd.f32 v15, v5  }
0x4e: {  	[tilespmem:$0x1FE10] =	vst v41;
	v41 =	vld [tilespmem:$0x490];
	v36 =	vmul.f32 v6, v50;
	v59 =	vbroadcast v0, $0x6;
	v2 =	vadd.f32 v16, v2  }
0x4f: {  	v37 =	vmul.f32 v22, v35;
	v3 =	vadd.f32 v8, v3;
	v8 =	vld [tilespmem:$0xC00];
	v5 =	vadd.f32 v18, v5  }
0x50: {  	v7 =	vld [tilespmem:$0xC80];
	v47 =	vbroadcast v0, $0x8;
	v38 =	vmul.f32 v9, v59;
	v2 =	vadd.f32 v36, v2  }
0x51: {  	[tilespmem:$0x1F890] =	vst v17;
	v17 =	vld [tilespmem:$0xD00];
	v12 =	vmul.f32 v20, v21;
	v18 =	vbroadcast v1, $0x4;
	v5 =	vadd.f32 v37, v5  }
0x52: {  	[tilespmem:$0x1F8B0] =	vst v21;
	v39 =	vmul.f32 v11, v49;
	v42 =	vmul.f32 v43, v23;
	v21 =	vld [tilespmem:$0x510];
	v2 =	vadd.f32 v38, v2  }
0x53: {  	[tilespmem:$0x1F8A0] =	vst v35;
	v35 =	vld [tilespmem:$0xE00];
	v46 =	vbroadcast v0, $0x9;
	v10 =	vmul.f32 v10, v18;
	v5 =	vadd.f32 v12, v5  }
0x54: {  	v58 =	vmul.f32 v41, v24;
	v48 =	vmul.f32 v8, v47;
	v2 =	vadd.f32 v39, v2;
	v39 =	vld [tilespmem:$0x590]  }
0x55: {  	v3 =	vadd.f32 v10, v3;
	v12 =	vld [tilespmem:$0xD80];
	v10 =	vbroadcast v1, $0x5;
	v5 =	vadd.f32 v42, v5  }
0x56: {  	v44 =	vbroadcast v0, $0xA;
	v60 =	vmul.f32 v7, v46;
	v38 =	vld [tilespmem:$0x610];
	v2 =	vadd.f32 v48, v2  }
0x57: {  	[tilespmem:$0x1F8E0] =	vst v26;
	v16 =	vmul.f32 v21, v26;
	v26 =	vld [tilespmem:$0x690];
	v6 =	vmul.f32 v6, v10;
	v5 =	vadd.f32 v58, v5  }
0x58: {  	[tilespmem:$0x1F8C0] =	vst v23;
	v23 =	vmul.f32 v17, v44;
	v36 =	vld [tilespmem:$0xE80];
	v2 =	vadd.f32 v60, v2;
	v60 =	vbroadcast v0, $0xB  }
0x59: {  	v3 =	vadd.f32 v6, v3;
	v6 =	vld [tilespmem:$0xF00];
	v5 =	vadd.f32 v16, v5;
	v37 =	vmul.f32 v39, v27  }
0x5a: {  	[tilespmem:$0x1F8F0] =	vst v27;
	v27 =	vld [tilespmem:$0x710];
	v2 =	vadd.f32 v23, v2;
	v42 =	vmul.f32 v12, v60  }
0x5b: {  	[tilespmem:$0x1F900] =	vst v29;
	v58 =	vmul.f32 v35, v45;
	v48 =	vmul.f32 v38, v29;
	v29 =	vld [tilespmem:$0x790];
	v5 =	vadd.f32 v37, v5  }
0x5c: {  	[tilespmem:$0x1F910] =	vst v31;
	v16 =	vbroadcast v0, $0xD;
	v23 =	vmul.f32 v26, v31;
	v31 =	vld [tilespmem:$0x810];
	v2 =	vadd.f32 v42, v2  }
0x5d: {  	v14 =	vbroadcast v1, $0x7;
	v37 =	vld [tilespmem:$0xF80];
	v5 =	vadd.f32 v48, v5  }
0x5e: {  	[tilespmem:$0x1F8D0] =	vst v24;
	v24 =	vmul.f32 v36, v16;
	v42 =	vbroadcast v0, $0xE;
	v2 =	vadd.f32 v58, v2  }
0x5f: {  	[tilespmem:$0x1F920] =	vst v40;
	v13 =	vld [tilespmem:$0x1080];
	v48 =	vbroadcast v1, $0x6;
	v58 =	vmul.f32 v27, v40;
	v5 =	vadd.f32 v23, v5  }
0x60: {  	[tilespmem:$0x1FA90] =	vst v16;
	v40 =	vbroadcast v0, $0xF;
	v16 =	vmul.f32 v6, v42;
	v2 =	vadd.f32 v24, v2;
	v24 =	vld [tilespmem:$0x890]  }
0x61: {  	[tilespmem:$0x1F940] =	vst v57;
	v9 =	vmul.f32 v9, v48;
	v23 =	vadd.f32 v58, v5;
	v58 =	vmul.f32 v29, v56  }
0x62: {  	[tilespmem:$0x1F950] =	vst v54;
	v57 =	vmul.f32 v31, v57;
	v0 =	vadd.f32 v16, v2;
	v2 =	vmul.f32 v37, v40;
	v16 =	vld [tilespmem:$0x910]  }
0x63: {  	[tilespmem:$0x1F930] =	vst v56;
	v3 =	vadd.f32 v9, v3;
	v4 =	vadd.f32 v58, v23;
	v23 =	vmul.f32 v11, v14  }
0x64: {  	v15 =	vld [tilespmem:$0x990];
	(v2sf) =	vpush v13, $0x0;
	[tilespmem:$0x1FB10] =	vst v14;
	v58 =	vbroadcast v1, $0x8;
	v0 =	vadd.f32 v2, v0  }
0x65: {  	v56 =	vmovc v14;
	v2 =	vadd.f32 v23, v3;
	v13 =	vadd.f32 v57, v4;
	v14 =	vmul.f32 v24, v54  }
0x66: {  	v57 =	vmul.f32 v8, v58;
	v54 =	vmovc v58;
	[tilespmem:$0x1FB30] =	vst v58;
	v58 =	vbroadcast v1, $0x9;
	v23 =	vld [tilespmem:$0xA10];
	(v2sf) =	vpush v0, $0x0  }
0x67: {  	[tilespmem:$0x1F960] =	vst v55;
	v3 =	vadd.f32 v14, v13;
	v11 =	vmul.f32 v16, v55  }
0x68: {  	v2 =	vadd.f32 v57, v2;
	v57 =	vmul.f32 v7, v58;
	v55 =	vmovc v58;
	[tilespmem:$0x1FB50] =	vst v58;
	v58 =	vbroadcast v1, $0xA;
	v13 =	vld [tilespmem:$0xA90]  }
0x69: {  	v9 =	vmul.f32 v15, v19;
	v3 =	vadd.f32 v11, v3  }
0x6a: {  	v14 =	vld [tilespmem:$0xB10];
	v2 =	vadd.f32 v57, v2;
	v11 =	vmul.f32 v17, v58;
	v57 =	vbroadcast v1, $0xB  }
0x6b: {  	v17 =	vmov v58;
	[tilespmem:$0x1FB70] =	vst v58;
	v58 =	vmul.f32 v23, v18;
	v3 =	vadd.f32 v9, v3  }
0x6c: {  	[tilespmem:$0x1F9E0] =	vst v18;
	v18 =	vbroadcast v1, $0xC;
	v2 =	vadd.f32 v11, v2;
	v12 =	vmul.f32 v12, v57;
	v11 =	vld [tilespmem:$0xB90]  }
0x6d: {  	[tilespmem:$0x1F990] =	vst v19;
	v3 =	vadd.f32 v58, v3;
	v58 =	vmul.f32 v13, v10  }
0x6e: {  	[tilespmem:$0x1FA20] =	vst v10;
	v19 =	vmul.f32 v35, v18;
	v2 =	vadd.f32 v12, v2;
	v12 =	vbroadcast v1, $0xD;
	v10 =	vld [tilespmem:$0xC10]  }
0x6f: {  	v35 =	vmul.f32 v14, v48;
	v3 =	vadd.f32 v58, v3  }
0x70: {  	v9 =	vld [tilespmem:$0xC90];
	v2 =	vadd.f32 v19, v2;
	v36 =	vmul.f32 v36, v12;
	v19 =	vbroadcast v1, $0xE  }
0x71: {  	[tilespmem:$0x1FA70] =	vst v48;
	v48 =	vmul.f32 v11, v56;
	v3 =	vadd.f32 v35, v3  }
0x72: {  	v8 =	vld [tilespmem:$0xD10];
	v58 =	vbroadcast v1, $0xF;
	v2 =	vadd.f32 v36, v2;
	v56 =	vmul.f32 v6, v19  }
0x73: {  	v35 =	vadd.f32 v48, v3;
	v48 =	vmul.f32 v10, v54  }
0x74: {  	s5 =	spop (v2sf);
	v7 =	vld [tilespmem:$0xD90];
	v2 =	vadd.f32 v56, v2;
	v54 =	vmul.f32 v37, v58  }
0x75: {  	v55 =	vmul.f32 v9, v55;
	v3 =	vadd.f32 v48, v35;
	s13 =	spop (v2sf)  }
0x76: {  	v6 =	vld [tilespmem:$0xE10];
	v1 =	vadd.f32 v54, v2;
	s6 =	sadd.f32 s13, s5  }
0x77: {  	[tilespmem:$0x1FC00] =	vst v58;
	v37 =	vmov v58;
	v58 =	vmul.f32 v8, v17;
	v56 =	vadd.f32 v55, v3  }
0x78: {  	v4 =	vld [tilespmem:$0xE90];
	v17 =	vadd.f32 s6, v1  }
0x79: {  	v36 =	vmul.f32 v7, v57;
	v2 =	vadd.f32 v58, v56  }
0x7a: {  	v3 =	vld [tilespmem:$0xF10];
	v5 =	vsub.f32 $0.0e+00, v17  }
0x7b: {  	v48 =	vmul.f32 v6, v18;
	v2 =	vadd.f32 v36, v2  }
0x7c: {  	v54 =	vmul.f32 $1.442695020e+00, v5;
	v5 =	vld [tilespmem:$0xF90]  }
0x7d: {  	v55 =	vmul.f32 v4, v12;
	v2 =	vadd.f32 v48, v2  }
0x7e: {  	(erf) = vpow2.f32 v54  }
0x7f: {  	v56 =	vmul.f32 v3, v19;
	v2 =	vadd.f32 v55, v2  }
0x80: {  	(v2sf) =	vpush v0, $0x1  }
0x81: {  	[tilespmem:$0x1FB90] =	vst v57;
	v2 =	vadd.f32 v56, v2;
	v57 =	vmul.f32 v5, v37;
	_ =	sdelay $0x1  }
0x82: {  	v2 =	vadd.f32 v57, v2;
	_ =	sdelay $0x1  }
0x83: {  	v35 =	vadd.f32 s6, v2;
	_ =	sdelay $0x1  }
0x84: {  	v35 =	vsub.f32 $0.0e+00, v35;
	v36 =	vpop (erf)  }
0x85: {  	v36 =	vadd.f32 $1.000000000e+00, v36  }
0x86: {  	v35 =	vmul.f32 $1.442695020e+00, v35  }
0x87: {  	(erf) = vrcp.f32 v36  }
0x88: {  	(erf) = vpow2.f32 v35;
	_ =	sdelay $0x3  }
0x89: {  	s14 =	spop (v2sf)  }
0x8a: {  	s6 =	sadd.f32 s14, s5;
	_ =	sdelay $0x1  }
0x8b: {  	v58 =	vadd.f32 s6, v1  }
0x8c: {  	v54 =	vpop (erf)  }
0x8d: {  	[tilespmem:$0x1FBD0] =	vst v12;
	v35 =	vsub.f32 $0.0e+00, v58;
	v12 =	vpop (erf)  }
0x8e: {  	v36 =	vadd.f32 $1.000000000e+00, v12  }
0x8f: {  	v35 =	vmul.f32 $1.442695020e+00, v35  }
0x90: {  	(erf) = vrcp.f32 v36  }
0x91: {  	(erf) = vpow2.f32 v35;
	_ =	sdelay $0x1  }
0x92: {  	(v2sf) =	vpush v0, $0x2;
	_ =	sdelay $0x4  }
0x93: {  	v17 =	vadd.f32 s6, v2  }
0x94: {  	[tilespmem:$0x1FBB0] =	vst v18;
	v18 =	vpop (erf)  }
0x95: {  	[tilespmem:$0x1FBE0] =	vst v19;
	v35 =	vsub.f32 $0.0e+00, v17;
	v19 =	vpop (erf)  }
0x96: {  	v36 =	vadd.f32 $1.000000000e+00, v19  }
0x97: {  	v35 =	vmul.f32 $1.442695020e+00, v35  }
0x98: {  	(erf) = vrcp.f32 v36  }
0x99: {  	(erf) = vpow2.f32 v35;
	_ =	sdelay $0x3  }
0x9a: {  	s15 =	spop (v2sf)  }
0x9b: {  	s6 =	sadd.f32 s15, s5;
	_ =	sdelay $0x1  }
0x9c: {  	v48 =	vadd.f32 s6, v1  }
0x9d: {  	v55 =	vpop (erf)  }
0x9e: {  	v35 =	vsub.f32 $0.0e+00, v48;
	v56 =	vpop (erf)  }
0x9f: {  	v36 =	vadd.f32 $1.000000000e+00, v56  }
0xa0: {  	v35 =	vmul.f32 $1.442695020e+00, v35  }
0xa1: {  	(erf) = vrcp.f32 v36  }
0xa2: {  	(erf) = vpow2.f32 v35;
	_ =	sdelay $0x1  }
0xa3: {  	(v2sf) =	vpush v0, $0x3;
	_ =	sdelay $0x4  }
0xa4: {  	v57 =	vadd.f32 s6, v2  }
0xa5: {  	v58 =	vpop (erf)  }
0xa6: {  	v35 =	vsub.f32 $0.0e+00, v57;
	v12 =	vpop (erf)  }
0xa7: {  	v36 =	vadd.f32 $1.000000000e+00, v12  }
0xa8: {  	v35 =	vmul.f32 $1.442695020e+00, v35  }
0xa9: {  	(erf) = vrcp.f32 v36  }
0xaa: {  	(erf) = vpow2.f32 v35;
	_ =	sdelay $0x3  }
0xab: {  	s16 =	spop (v2sf)  }
0xac: {  	s6 =	sadd.f32 s16, s5;
	_ =	sdelay $0x1  }
0xad: {  	v17 =	vadd.f32 s6, v1  }
0xae: {  	[tilespmem:$0x1F6F0] =	vst v18;
	v18 =	vpop (erf)  }
0xaf: {  	v35 =	vsub.f32 $0.0e+00, v17;
	v19 =	vpop (erf)  }
0xb0: {  	v36 =	vadd.f32 $1.000000000e+00, v19  }
0xb1: {  	v35 =	vmul.f32 $1.442695020e+00, v35  }
0xb2: {  	(erf) = vrcp.f32 v36  }
0xb3: {  	(erf) = vpow2.f32 v35;
	_ =	sdelay $0x1  }
0xb4: {  	(v2sf) =	vpush v0, $0x4;
	_ =	sdelay $0x4  }
0xb5: {  	v48 =	vadd.f32 s6, v2  }
0xb6: {  	[tilespmem:$0x1F700] =	vst v55;
	v55 =	vpop (erf)  }
0xb7: {  	v35 =	vsub.f32 $0.0e+00, v48;
	v56 =	vpop (erf)  }
0xb8: {  	v36 =	vadd.f32 $1.000000000e+00, v56  }
0xb9: {  	v35 =	vmul.f32 $1.442695020e+00, v35  }
0xba: {  	(erf) = vrcp.f32 v36  }
0xbb: {  	(erf) = vpow2.f32 v35;
	_ =	sdelay $0x3  }
0xbc: {  	s17 =	spop (v2sf)  }
0xbd: {  	s6 =	sadd.f32 s17, s5;
	_ =	sdelay $0x1  }
0xbe: {  	v57 =	vadd.f32 s6, v1  }
0xbf: {  	[tilespmem:$0x1F710] =	vst v58;
	v58 =	vpop (erf)  }
0xc0: {  	v35 =	vsub.f32 $0.0e+00, v57;
	v12 =	vpop (erf)  }
0xc1: {  	v36 =	vadd.f32 $1.000000000e+00, v12  }
0xc2: {  	v35 =	vmul.f32 $1.442695020e+00, v35  }
0xc3: {  	(erf) = vrcp.f32 v36  }
0xc4: {  	(erf) = vpow2.f32 v35;
	_ =	sdelay $0x1  }
0xc5: {  	(v2sf) =	vpush v0, $0x5;
	_ =	sdelay $0x4  }
0xc6: {  	v17 =	vadd.f32 s6, v2  }
0xc7: {  	[tilespmem:$0x1F720] =	vst v18;
	v18 =	vpop (erf)  }
0xc8: {  	v35 =	vsub.f32 $0.0e+00, v17;
	v19 =	vpop (erf)  }
0xc9: {  	v36 =	vadd.f32 $1.000000000e+00, v19  }
0xca: {  	v35 =	vmul.f32 $1.442695020e+00, v35  }
0xcb: {  	(erf) = vrcp.f32 v36  }
0xcc: {  	(erf) = vpow2.f32 v35;
	_ =	sdelay $0x3  }
0xcd: {  	s18 =	spop (v2sf)  }
0xce: {  	s6 =	sadd.f32 s18, s5;
	_ =	sdelay $0x1  }
0xcf: {  	v48 =	vadd.f32 s6, v1  }
0xd0: {  	[tilespmem:$0x1F730] =	vst v55;
	v55 =	vpop (erf)  }
0xd1: {  	v35 =	vsub.f32 $0.0e+00, v48;
	v56 =	vpop (erf)  }
0xd2: {  	v36 =	vadd.f32 $1.000000000e+00, v56  }
0xd3: {  	v35 =	vmul.f32 $1.442695020e+00, v35  }
0xd4: {  	(erf) = vrcp.f32 v36  }
0xd5: {  	(erf) = vpow2.f32 v35;
	_ =	sdelay $0x1  }
0xd6: {  	(v2sf) =	vpush v0, $0x6;
	_ =	sdelay $0x4  }
0xd7: {  	v57 =	vadd.f32 s6, v2  }
0xd8: {  	[tilespmem:$0x1F740] =	vst v58;
	v58 =	vpop (erf)  }
0xd9: {  	v35 =	vsub.f32 $0.0e+00, v57;
	v17 =	vpop (erf)  }
0xda: {  	v36 =	vadd.f32 $1.000000000e+00, v17  }
0xdb: {  	v35 =	vmul.f32 $1.442695020e+00, v35  }
0xdc: {  	(erf) = vrcp.f32 v36  }
0xdd: {  	(erf) = vpow2.f32 v35;
	_ =	sdelay $0x3  }
0xde: {  	s19 =	spop (v2sf)  }
0xdf: {  	s6 =	sadd.f32 s19, s5;
	_ =	sdelay $0x1  }
0xe0: {  	[tilespmem:$0x1F750] =	vst v18;
	v18 =	vadd.f32 s6, v1  }
0xe1: {  	v57 =	vpop (erf)  }
0xe2: {  	v35 =	vsub.f32 $0.0e+00, v18;
	v19 =	vpop (erf)  }
0xe3: {  	v36 =	vadd.f32 $1.000000000e+00, v19  }
0xe4: {  	v35 =	vmul.f32 $1.442695020e+00, v35  }
0xe5: {  	(erf) = vrcp.f32 v36  }
0xe6: {  	(erf) = vpow2.f32 v35;
	_ =	sdelay $0x1  }
0xe7: {  	(v2sf) =	vpush v0, $0x7;
	_ =	sdelay $0x4  }
0xe8: {  	v37 =	vadd.f32 s6, v2  }
0xe9: {  	v48 =	vpop (erf)  }
0xea: {  	[tilespmem:$0x1F760] =	vst v55;
	v35 =	vsub.f32 $0.0e+00, v37;
	v55 =	vpop (erf)  }
0xeb: {  	v36 =	vadd.f32 $1.000000000e+00, v55  }
0xec: {  	v35 =	vmul.f32 $1.442695020e+00, v35  }
0xed: {  	(erf) = vrcp.f32 v36  }
0xee: {  	(erf) = vpow2.f32 v35;
	_ =	sdelay $0x3  }
0xef: {  	s20 =	spop (v2sf)  }
0xf0: {  	s6 =	sadd.f32 s20, s5;
	_ =	sdelay $0x1  }
0xf1: {  	v56 =	vadd.f32 s6, v1  }
0xf2: {  	[tilespmem:$0x1F770] =	vst v58;
	v58 =	vpop (erf)  }
0xf3: {  	v35 =	vsub.f32 $0.0e+00, v56;
	v12 =	vpop (erf)  }
0xf4: {  	v36 =	vadd.f32 $1.000000000e+00, v12  }
0xf5: {  	v35 =	vmul.f32 $1.442695020e+00, v35  }
0xf6: {  	(erf) = vrcp.f32 v36  }
0xf7: {  	(erf) = vpow2.f32 v35;
	_ =	sdelay $0x1  }
0xf8: {  	(v2sf) =	vpush v0, $0x8;
	_ =	sdelay $0x4  }
0xf9: {  	v17 =	vadd.f32 s6, v2  }
0xfa: {  	v18 =	vpop (erf)  }
0xfb: {  	v35 =	vsub.f32 $0.0e+00, v17;
	v19 =	vpop (erf)  }
0xfc: {  	v36 =	vadd.f32 $1.000000000e+00, v19  }
0xfd: {  	v35 =	vmul.f32 $1.442695020e+00, v35  }
0xfe: {  	(erf) = vrcp.f32 v36  }
0xff: {  	(erf) = vpow2.f32 v35;
	_ =	sdelay $0x3  }
0x100: {  	[tilespmem:$0x1FCC0] =	vst v52;
	s21 =	spop (v2sf)  }
0x101: {  	[tilespmem:$0x1FDB0] =	vst v51;
	s6 =	sadd.f32 s21, s5  }
0x102: {  	[tilespmem:$0x1FE20] =	vst v63  }
0x103: {  	[tilespmem:$0x1FE30] =	vst v62;
	v37 =	vadd.f32 s6, v1  }
0x104: {  	[tilespmem:$0x1F780] =	vst v48;
	v48 =	vpop (erf)  }
0x105: {  	[tilespmem:$0x1FE40] =	vst v61;
	v35 =	vsub.f32 $0.0e+00, v37;
	v55 =	vpop (erf)  }
0x106: {  	[tilespmem:$0x1F9B0] =	vst v49;
	v36 =	vadd.f32 $1.000000000e+00, v55  }
0x107: {  	[tilespmem:$0x1FA50] =	vst v45;
	v35 =	vmul.f32 $1.442695020e+00, v35  }
0x108: {  	[tilespmem:$0x1F9C0] =	vst v47;
	(erf) = vrcp.f32 v36  }
0x109: {  	[tilespmem:$0x1F980] =	vst v50;
	(erf) = vpow2.f32 v35  }
0x10a: {  	[tilespmem:$0x1F9A0] =	vst v59  }
0x10b: {  	[tilespmem:$0x1FA00] =	vst v44;
	(v2sf) =	vpush v0, $0x9  }
0x10c: {  	[tilespmem:$0x1F970] =	vst v53  }
0x10d: {  	[tilespmem:$0x1F9D0] =	vst v46  }
0x10e: {  	[tilespmem:$0x1FA30] =	vst v60  }
0x10f: {  	[tilespmem:$0x1FAB0] =	vst v42  }
0x110: {  	[tilespmem:$0x1FAE0] =	vst v40;
	v56 =	vadd.f32 s6, v2  }
0x111: {  	[tilespmem:$0x1F790] =	vst v58;
	v58 =	vpop (erf)  }
0x112: {  	[tilespmem:$0x1F7A0] =	vst v18;
	v35 =	vsub.f32 $0.0e+00, v56;
	v17 =	vpop (erf)  }
0x113: {  	[tilespmem:$0x1F7B0] =	vst v48;
	v36 =	vadd.f32 $1.000000000e+00, v17  }
0x114: {  	v35 =	vmul.f32 $1.442695020e+00, v35;
	[tilespmem:$0x1F7C0] =	vst v58  }
0x115: {  	(erf) = vrcp.f32 v36  }
0x116: {  	(erf) = vpow2.f32 v35;
	_ =	sdelay $0x3  }
0x117: {  	s22 =	spop (v2sf)  }
0x118: {  	s6 =	sadd.f32 s22, s5;
	_ =	sdelay $0x1  }
0x119: {  	v18 =	vadd.f32 s6, v1  }
0x11a: {  	v19 =	vpop (erf)  }
0x11b: {  	v35 =	vsub.f32 $0.0e+00, v18;
	v36 =	vpop (erf)  }
0x11c: {  	v36 =	vadd.f32 $1.000000000e+00, v36  }
0x11d: {  	v35 =	vmul.f32 $1.442695020e+00, v35  }
0x11e: {  	(erf) = vrcp.f32 v36  }
0x11f: {  	(erf) = vpow2.f32 v35;
	_ =	sdelay $0x1  }
0x120: {  	(v2sf) =	vpush v0, $0xA;
	_ =	sdelay $0x4  }
0x121: {  	v36 =	vadd.f32 s6, v2  }
0x122: {  	v37 =	vpop (erf)  }
0x123: {  	v35 =	vsub.f32 $0.0e+00, v36;
	v48 =	vpop (erf)  }
0x124: {  	v36 =	vadd.f32 $1.000000000e+00, v48  }
0x125: {  	v35 =	vmul.f32 $1.442695020e+00, v35  }
0x126: {  	(erf) = vrcp.f32 v36  }
0x127: {  	(erf) = vpow2.f32 v35;
	_ =	sdelay $0x3  }
0x128: {  	s23 =	spop (v2sf)  }
0x129: {  	s6 =	sadd.f32 s23, s5;
	_ =	sdelay $0x1  }
0x12a: {  	v55 =	vadd.f32 s6, v1  }
0x12b: {  	v58 =	vpop (erf)  }
0x12c: {  	v35 =	vsub.f32 $0.0e+00, v55;
	v12 =	vpop (erf)  }
0x12d: {  	v36 =	vadd.f32 $1.000000000e+00, v12  }
0x12e: {  	v35 =	vmul.f32 $1.442695020e+00, v35  }
0x12f: {  	(erf) = vrcp.f32 v36  }
0x130: {  	(erf) = vpow2.f32 v35;
	_ =	sdelay $0x1  }
0x131: {  	(v2sf) =	vpush v0, $0xB;
	_ =	sdelay $0x4  }
0x132: {  	v17 =	vadd.f32 s6, v2  }
0x133: {  	v18 =	vpop (erf)  }
0x134: {  	[tilespmem:$0x1F7D0] =	vst v19;
	v35 =	vsub.f32 $0.0e+00, v17;
	v19 =	vpop (erf)  }
0x135: {  	v36 =	vadd.f32 $1.000000000e+00, v19  }
0x136: {  	v35 =	vmul.f32 $1.442695020e+00, v35  }
0x137: {  	(erf) = vrcp.f32 v36  }
0x138: {  	(erf) = vpow2.f32 v35;
	_ =	sdelay $0x3  }
0x139: {  	s24 =	spop (v2sf)  }
0x13a: {  	s6 =	sadd.f32 s24, s5;
	_ =	sdelay $0x1  }
0x13b: {  	v36 =	vadd.f32 s6, v1  }
0x13c: {  	[tilespmem:$0x1F7E0] =	vst v37;
	v37 =	vpop (erf)  }
0x13d: {  	v35 =	vsub.f32 $0.0e+00, v36;
	v48 =	vpop (erf)  }
0x13e: {  	v36 =	vadd.f32 $1.000000000e+00, v48  }
0x13f: {  	v35 =	vmul.f32 $1.442695020e+00, v35  }
0x140: {  	(erf) = vrcp.f32 v36  }
0x141: {  	(erf) = vpow2.f32 v35;
	_ =	sdelay $0x1  }
0x142: {  	(v2sf) =	vpush v0, $0xC;
	_ =	sdelay $0x4  }
0x143: {  	v55 =	vadd.f32 s6, v2  }
0x144: {  	v56 =	vpop (erf)  }
0x145: {  	v35 =	vsub.f32 $0.0e+00, v55;
	v12 =	vpop (erf)  }
0x146: {  	v36 =	vadd.f32 $1.000000000e+00, v12  }
0x147: {  	v35 =	vmul.f32 $1.442695020e+00, v35  }
0x148: {  	(erf) = vrcp.f32 v36  }
0x149: {  	(erf) = vpow2.f32 v35;
	_ =	sdelay $0x3  }
0x14a: {  	s25 =	spop (v2sf)  }
0x14b: {  	s6 =	sadd.f32 s25, s5;
	_ =	sdelay $0x1  }
0x14c: {  	v17 =	vadd.f32 s6, v1  }
0x14d: {  	[tilespmem:$0x1F7F0] =	vst v18;
	v18 =	vpop (erf)  }
0x14e: {  	v35 =	vsub.f32 $0.0e+00, v17;
	v19 =	vpop (erf)  }
0x14f: {  	v36 =	vadd.f32 $1.000000000e+00, v19  }
0x150: {  	v35 =	vmul.f32 $1.442695020e+00, v35  }
0x151: {  	(erf) = vrcp.f32 v36  }
0x152: {  	(erf) = vpow2.f32 v35;
	_ =	sdelay $0x5  }
0x153: {  	(v2sf) =	vpush v0, $0xD  }
0x154: {  	v48 =	vadd.f32 s6, v2  }
0x155: {  	v55 =	vpop (erf)  }
0x156: {  	[tilespmem:$0x1F810] =	vst v56;
	v35 =	vsub.f32 $0.0e+00, v48;
	v56 =	vpop (erf)  }
0x157: {  	v36 =	vadd.f32 $1.000000000e+00, v56  }
0x158: {  	v35 =	vmul.f32 $1.442695020e+00, v35  }
0x159: {  	v12 =	vld [tilespmem:$0x1FC80];
	(erf) = vrcp.f32 v36  }
0x15a: {  	(erf) = vpow2.f32 v35  }
0x15b: {  	v35 =	vld [tilespmem:$0x1FCA0];
	_ =	sdelay $0x2  }
0x15c: {  	v34 =	vmul.f32 v34, v12;
	_ =	sdelay $0x1  }
0x15d: {  	v34 =	vadd.f32 $0.0e+00, v34;
	v36 =	vld [tilespmem:$0x1FCE0];
	v33 =	vmul.f32 v33, v35;
	_ =	sdelay $0x1  }
0x15e: {  	v32 =	vmul.f32 v32, v52;
	s26 =	spop (v2sf);
	v48 =	vld [tilespmem:$0x1FD00];
	v33 =	vadd.f32 v33, v34;
	v56 =	vpop (erf)  }
0x15f: {  	s6 =	sadd.f32 s26, s5;
	[tilespmem:$0x1F830] =	vst v55;
	v55 =	vpop (erf)  }
0x160: {  	v12 =	vld [tilespmem:$0x1FD20];
	v32 =	vadd.f32 v32, v33;
	v33 =	vadd.f32 $1.000000000e+00, v55  }
0x161: {  	[tilespmem:$0x1F800] =	vst v37;
	v37 =	vadd.f32 s6, v1;
	v30 =	vmul.f32 v30, v36  }
0x162: {  	(erf) = vrcp.f32 v33;
	v33 =	vld [tilespmem:$0x1FD40]  }
0x163: {  	v52 =	vsub.f32 $0.0e+00, v37;
	v28 =	vmul.f32 v28, v48;
	v30 =	vadd.f32 v30, v32  }
0x164: {  	v34 =	vld [tilespmem:$0x1FD60]  }
0x165: {  	v25 =	vmul.f32 v25, v12;
	v19 =	vmul.f32 $1.442695020e+00, v52;
	v28 =	vadd.f32 v28, v30  }
0x166: {  	v35 =	vld [tilespmem:$0x1FD80]  }
0x167: {  	(erf) = vpow2.f32 v19;
	v25 =	vadd.f32 v25, v28;
	v22 =	vmul.f32 v22, v33  }
0x168: {  	v37 =	vld [tilespmem:$0x1FDA0]  }
0x169: {  	(v2sf) =	vpush v0, $0xE;
	v20 =	vmul.f32 v20, v34;
	v22 =	vadd.f32 v22, v25;
	_ =	sdelay $0x1  }
0x16a: {  	v36 =	vmul.f32 v43, v35;
	v20 =	vadd.f32 v20, v22  }
0x16b: {  	v52 =	vld [tilespmem:$0x1FDC0]  }
0x16c: {  	v41 =	vmul.f32 v41, v37;
	[tilespmem:$0x1F820] =	vst v18;
	v18 =	vadd.f32 v36, v20  }
0x16d: {  	v43 =	vadd.f32 s6, v2;
	v22 =	vld [tilespmem:$0x1FDD0]  }
0x16e: {  	v48 =	vmul.f32 v21, v51;
	v55 =	vpop (erf);
	v18 =	vadd.f32 v41, v18  }
0x16f: {  	v28 =	vld [tilespmem:$0x1FDE0];
	v51 =	vpop (erf);
	v20 =	vsub.f32 $0.0e+00, v43  }
0x170: {  	v12 =	vmul.f32 v39, v52;
	v21 =	vadd.f32 $1.000000000e+00, v51;
	v18 =	vadd.f32 v48, v18  }
0x171: {  	v32 =	vld [tilespmem:$0x1FDF0];
	v20 =	vmul.f32 $1.442695020e+00, v20  }
0x172: {  	(erf) = vrcp.f32 v21;
	v25 =	vmul.f32 v38, v22;
	v18 =	vadd.f32 v12, v18  }
0x173: {  	v34 =	vld [tilespmem:$0x1FE00];
	(erf) = vpow2.f32 v20  }
0x174: {  	v30 =	vmul.f32 v26, v28;
	v18 =	vadd.f32 v25, v18  }
0x175: {  	v36 =	vld [tilespmem:$0x1FE10]  }
0x176: {  	v33 =	vmul.f32 v27, v32;
	v18 =	vadd.f32 v30, v18  }
0x177: {  	s28 =	spop (v2sf)  }
0x178: {  	s6 =	sadd.f32 s28, s5;
	v35 =	vmul.f32 v29, v34;
	v18 =	vadd.f32 v33, v18;
	_ =	sdelay $0x1  }
0x179: {  	v38 =	vadd.f32 s6, v1;
	v37 =	vmul.f32 v31, v36;
	v18 =	vadd.f32 v35, v18  }
0x17a: {  	v41 =	vpop (erf)  }
0x17b: {  	v39 =	vmul.f32 v24, v63;
	v43 =	vsub.f32 $0.0e+00, v38;
	v48 =	vpop (erf);
	v18 =	vadd.f32 v37, v18  }
0x17c: {  	v20 =	vadd.f32 $1.000000000e+00, v48  }
0x17d: {  	v16 =	vmul.f32 v16, v62;
	v51 =	vmul.f32 $1.442695020e+00, v43;
	v17 =	vadd.f32 v39, v18  }
0x17e: {  	(erf) = vrcp.f32 v20  }
0x17f: {  	v15 =	vmul.f32 v15, v61;
	(erf) = vpow2.f32 v51;
	v16 =	vadd.f32 v16, v17;
	_ =	sdelay $0x1  }
0x180: {  	(v2sf) =	vpush v0, $0xF;
	v52 =	vmul.f32 v23, v53;
	v15 =	vadd.f32 v15, v16;
	_ =	sdelay $0x1  }
0x181: {  	v13 =	vmul.f32 v13, v50;
	v0 =	vadd.f32 v52, v15;
	_ =	sdelay $0x1  }
0x182: {  	v53 =	vmul.f32 v14, v59;
	v0 =	vadd.f32 v13, v0  }
0x183: {  	v59 =	vadd.f32 s6, v2  }
0x184: {  	v11 =	vmul.f32 v11, v49;
	v36 =	vpop (erf);
	v0 =	vadd.f32 v53, v0  }
0x185: {  	v61 =	vsub.f32 $0.0e+00, v59;
	v62 =	vpop (erf)  }
0x186: {  	v10 =	vmul.f32 v10, v47;
	v63 =	vadd.f32 $1.000000000e+00, v62;
	v0 =	vadd.f32 v11, v0  }
0x187: {  	v12 =	vmul.f32 $1.442695020e+00, v61  }
0x188: {  	v9 =	vmul.f32 v9, v46;
	(erf) = vrcp.f32 v63;
	v0 =	vadd.f32 v10, v0  }
0x189: {  	(erf) = vpow2.f32 v12  }
0x18a: {  	v8 =	vmul.f32 v8, v44;
	v0 =	vadd.f32 v9, v0  }
0x18b: {  	v13 =	vld [tilespmem:$0x1FA90]  }
0x18c: {  	v7 =	vmul.f32 v7, v60;
	v0 =	vadd.f32 v8, v0  }
0x18d: {  	s29 =	spop (v2sf)  }
0x18e: {  	v6 =	vmul.f32 v6, v45;
	s6 =	sadd.f32 s29, s5;
	v0 =	vadd.f32 v7, v0;
	_ =	sdelay $0x1  }
0x18f: {  	v14 =	vadd.f32 s6, v1;
	v4 =	vmul.f32 v4, v13;
	v0 =	vadd.f32 v6, v0  }
0x190: {  	v33 =	vpop (erf)  }
0x191: {  	v3 =	vmul.f32 v3, v42;
	v15 =	vsub.f32 $0.0e+00, v14;
	v16 =	vpop (erf);
	v0 =	vadd.f32 v4, v0  }
0x192: {  	v6 =	vadd.f32 $1.000000000e+00, v16  }
0x193: {  	v17 =	vmul.f32 v5, v40;
	v4 =	vmul.f32 $1.442695020e+00, v15;
	v0 =	vadd.f32 v3, v0  }
0x194: {  	(erf) = vrcp.f32 v6  }
0x195: {  	(erf) = vpow2.f32 v4;
	v0 =	vadd.f32 v17, v0;
	_ =	sdelay $0x1  }
0x196: {  	(v2sf) =	vpush v0, $0x0;
	_ =	sdelay $0x4  }
0x197: {  	v18 =	vadd.f32 s6, v2  }
0x198: {  	v31 =	vpop (erf)  }
0x199: {  	v3 =	vsub.f32 $0.0e+00, v18;
	v4 =	vpop (erf)  }
0x19a: {  	v4 =	vadd.f32 $1.000000000e+00, v4  }
0x19b: {  	v3 =	vmul.f32 $1.442695020e+00, v3  }
0x19c: {  	(erf) = vrcp.f32 v4  }
0x19d: {  	(erf) = vpow2.f32 v3;
	_ =	sdelay $0x3  }
0x19e: {  	s30 =	spop (v2sf)  }
0x19f: {  	s6 =	sadd.f32 s30, s5;
	_ =	sdelay $0x1  }
0x1a0: {  	v19 =	vadd.f32 s6, v1  }
0x1a1: {  	v30 =	vpop (erf)  }
0x1a2: {  	v20 =	vpop (erf);
	v3 =	vsub.f32 $0.0e+00, v19  }
0x1a3: {  	v4 =	vadd.f32 $1.000000000e+00, v20  }
0x1a4: {  	v3 =	vmul.f32 $1.442695020e+00, v3  }
0x1a5: {  	(erf) = vrcp.f32 v4  }
0x1a6: {  	(erf) = vpow2.f32 v3;
	_ =	sdelay $0x1  }
0x1a7: {  	(v2sf) =	vpush v0, $0x1;
	_ =	sdelay $0x4  }
0x1a8: {  	v21 =	vadd.f32 s6, v2  }
0x1a9: {  	v27 =	vpop (erf)  }
0x1aa: {  	v3 =	vsub.f32 $0.0e+00, v21;
	v22 =	vpop (erf)  }
0x1ab: {  	v4 =	vadd.f32 $1.000000000e+00, v22  }
0x1ac: {  	v3 =	vmul.f32 $1.442695020e+00, v3  }
0x1ad: {  	(erf) = vrcp.f32 v4  }
0x1ae: {  	(erf) = vpow2.f32 v3;
	_ =	sdelay $0x3  }
0x1af: {  	s31 =	spop (v2sf)  }
0x1b0: {  	s6 =	sadd.f32 s31, s5;
	_ =	sdelay $0x1  }
0x1b1: {  	v23 =	vadd.f32 s6, v1  }
0x1b2: {  	v37 =	vpop (erf)  }
0x1b3: {  	v3 =	vsub.f32 $0.0e+00, v23;
	v24 =	vpop (erf)  }
0x1b4: {  	v4 =	vadd.f32 $1.000000000e+00, v24  }
0x1b5: {  	v3 =	vmul.f32 $1.442695020e+00, v3  }
0x1b6: {  	(erf) = vrcp.f32 v4  }
0x1b7: {  	(erf) = vpow2.f32 v3;
	_ =	sdelay $0x1  }
0x1b8: {  	(v2sf) =	vpush v0, $0x2;
	_ =	sdelay $0x4  }
0x1b9: {  	v25 =	vadd.f32 s6, v2  }
0x1ba: {  	v20 =	vpop (erf)  }
0x1bb: {  	v3 =	vsub.f32 $0.0e+00, v25;
	v26 =	vpop (erf)  }
0x1bc: {  	v4 =	vadd.f32 $1.000000000e+00, v26  }
0x1bd: {  	v3 =	vmul.f32 $1.442695020e+00, v3  }
0x1be: {  	(erf) = vrcp.f32 v4  }
0x1bf: {  	(erf) = vpow2.f32 v3;
	_ =	sdelay $0x3  }
0x1c0: {  	s7 =	spop (v2sf)  }
0x1c1: {  	s6 =	sadd.f32 s7, s5;
	_ =	sdelay $0x1  }
0x1c2: {  	v28 =	vadd.f32 s6, v1  }
0x1c3: {  	v15 =	vpop (erf)  }
0x1c4: {  	v3 =	vsub.f32 $0.0e+00, v28;
	v29 =	vpop (erf)  }
0x1c5: {  	v4 =	vadd.f32 $1.000000000e+00, v29  }
0x1c6: {  	v3 =	vmul.f32 $1.442695020e+00, v3  }
0x1c7: {  	(erf) = vrcp.f32 v4  }
0x1c8: {  	(erf) = vpow2.f32 v3;
	_ =	sdelay $0x1  }
0x1c9: {  	(v2sf) =	vpush v0, $0x3;
	_ =	sdelay $0x4  }
0x1ca: {  	v32 =	vadd.f32 s6, v2  }
0x1cb: {  	v12 =	vpop (erf)  }
0x1cc: {  	v3 =	vsub.f32 $0.0e+00, v32;
	v34 =	vpop (erf)  }
0x1cd: {  	v4 =	vadd.f32 $1.000000000e+00, v34  }
0x1ce: {  	v3 =	vmul.f32 $1.442695020e+00, v3  }
0x1cf: {  	(erf) = vrcp.f32 v4  }
0x1d0: {  	(erf) = vpow2.f32 v3;
	_ =	sdelay $0x3  }
0x1d1: {  	s8 =	spop (v2sf)  }
0x1d2: {  	s6 =	sadd.f32 s8, s5;
	_ =	sdelay $0x1  }
0x1d3: {  	v35 =	vadd.f32 s6, v1  }
0x1d4: {  	v10 =	vpop (erf)  }
0x1d5: {  	v3 =	vsub.f32 $0.0e+00, v35;
	v38 =	vpop (erf)  }
0x1d6: {  	v4 =	vadd.f32 $1.000000000e+00, v38  }
0x1d7: {  	v3 =	vmul.f32 $1.442695020e+00, v3  }
0x1d8: {  	(erf) = vrcp.f32 v4  }
0x1d9: {  	(erf) = vpow2.f32 v3;
	_ =	sdelay $0x1  }
0x1da: {  	(v2sf) =	vpush v0, $0x4;
	_ =	sdelay $0x4  }
0x1db: {  	v39 =	vadd.f32 s6, v2  }
0x1dc: {  	v9 =	vpop (erf)  }
0x1dd: {  	v3 =	vsub.f32 $0.0e+00, v39;
	v40 =	vpop (erf)  }
0x1de: {  	v4 =	vadd.f32 $1.000000000e+00, v40  }
0x1df: {  	v3 =	vmul.f32 $1.442695020e+00, v3  }
0x1e0: {  	(erf) = vrcp.f32 v4  }
0x1e1: {  	(erf) = vpow2.f32 v3;
	_ =	sdelay $0x3  }
0x1e2: {  	s9 =	spop (v2sf)  }
0x1e3: {  	s6 =	sadd.f32 s9, s5;
	_ =	sdelay $0x1  }
0x1e4: {  	v42 =	vadd.f32 s6, v1  }
0x1e5: {  	v6 =	vpop (erf)  }
0x1e6: {  	v3 =	vsub.f32 $0.0e+00, v42;
	v43 =	vpop (erf)  }
0x1e7: {  	v7 =	vadd.f32 $1.000000000e+00, v43  }
0x1e8: {  	v3 =	vmul.f32 $1.442695020e+00, v3  }
0x1e9: {  	(erf) = vrcp.f32 v7  }
0x1ea: {  	(erf) = vpow2.f32 v3;
	_ =	sdelay $0x1  }
0x1eb: {  	(v2sf) =	vpush v0, $0x5;
	_ =	sdelay $0x4  }
0x1ec: {  	v44 =	vadd.f32 s6, v2  }
0x1ed: {  	v5 =	vpop (erf)  }
0x1ee: {  	v7 =	vsub.f32 $0.0e+00, v44;
	v45 =	vpop (erf)  }
0x1ef: {  	v8 =	vadd.f32 $1.000000000e+00, v45  }
0x1f0: {  	v7 =	vmul.f32 $1.442695020e+00, v7  }
0x1f1: {  	(erf) = vrcp.f32 v8  }
0x1f2: {  	(erf) = vpow2.f32 v7;
	_ =	sdelay $0x3  }
0x1f3: {  	s10 =	spop (v2sf)  }
0x1f4: {  	s6 =	sadd.f32 s10, s5;
	_ =	sdelay $0x1  }
0x1f5: {  	v46 =	vadd.f32 s6, v1  }
0x1f6: {  	v4 =	vpop (erf)  }
0x1f7: {  	v47 =	vsub.f32 $0.0e+00, v46;
	v48 =	vpop (erf)  }
0x1f8: {  	v49 =	vadd.f32 $1.000000000e+00, v48  }
0x1f9: {  	v50 =	vmul.f32 $1.442695020e+00, v47  }
0x1fa: {  	(erf) = vrcp.f32 v49  }
0x1fb: {  	(erf) = vpow2.f32 v50  }
0x1fc: {  	(v2sf) =	vpush v0, $0x6;
	_ =	sdelay $0x5  }
0x1fd: {  	v52 =	vadd.f32 s6, v2  }
0x1fe: {  	v3 =	vpop (erf)  }
0x1ff: {  	v61 =	vld [tilespmem:$0x1F710];
	v62 =	vsub.f32 $0.0e+00, v52;
	v63 =	vpop (erf)  }
0x200: {  	v22 =	vadd.f32 $1.000000000e+00, v63  }
0x201: {  	v28 =	vmul.f32 $1.442695020e+00, v62  }
0x202: {  	(erf) = vrcp.f32 v22  }
0x203: {  	(erf) = vpow2.f32 v28  }
0x204: {  	[tilespmem:$0x1130] =	vst v61;
	v61 =	vld [tilespmem:$0x1F780]  }
0x205: {  	v62 =	vld [tilespmem:$0xF20]  }
0x206: {  	v38 =	vld [tilespmem:$0x1F760];
	s11 =	spop (v2sf)  }
0x207: {  	s6 =	sadd.f32 s11, s5;
	v42 =	vld [tilespmem:$0xE20]  }
0x208: {  	v63 =	vld [tilespmem:$0x1F790]  }
0x209: {  	[tilespmem:$0x11B0] =	vst v61;
	v28 =	vadd.f32 s6, v1  }
0x20a: {  	[tilespmem:$0x1FAC0] =	vst v62  }
0x20b: {  	[tilespmem:$0x1180] =	vst v38;
	v62 =	vsub.f32 $0.0e+00, v28;
	v61 =	vpop (erf)  }
0x20c: {  	[tilespmem:$0x1FA60] =	vst v42;
	v38 =	vpop (erf)  }
0x20d: {  	[tilespmem:$0x11C0] =	vst v63;
	v42 =	vmul.f32 $1.442695020e+00, v62;
	v62 =	vld [tilespmem:$0x1F7F0];
	v63 =	vadd.f32 $1.000000000e+00, v38;
	_ =	sdelay $0x1  }
0x20e: {  	(erf) = vrcp.f32 v63;
	v63 =	vld [tilespmem:$0x1F800];
	_ =	sdelay $0x2  }
0x20f: {  	[tilespmem:$0x1230] =	vst v62;
	v62 =	vld [tilespmem:$0x1F830]  }
0x210: {  	[tilespmem:$0x1220] =	vst v58;
	v58 =	vld [tilespmem:$0x1F820]  }
0x211: {  	[tilespmem:$0x1240] =	vst v63;
	v63 =	vld [tilespmem:$0x530];
	_ =	sdelay $0x2  }
0x212: {  	(erf) = vpow2.f32 v42;
	[tilespmem:$0x1270] =	vst v62;
	v62 =	vld [tilespmem:$0x5B0]  }
0x213: {  	[tilespmem:$0x1260] =	vst v58;
	v58 =	vld [tilespmem:$0x6B0]  }
0x214: {  	(v2sf) =	vpush v0, $0x7;
	[tilespmem:$0x1F9F0] =	vst v63;
	v63 =	vld [tilespmem:$0x630];
	_ =	sdelay $0x2  }
0x215: {  	[tilespmem:$0x1FA10] =	vst v62;
	v62 =	vld [tilespmem:$0x730]  }
0x216: {  	[tilespmem:$0x1FA80] =	vst v58  }
0x217: {  	[tilespmem:$0x1FA40] =	vst v63;
	v63 =	vadd.f32 s6, v2  }
0x218: {  	[tilespmem:$0x12C0] =	vst v33;
	v33 =	vpop (erf)  }
0x219: {  	[tilespmem:$0x1290] =	vst v55;
	v58 =	vpop (erf);
	v55 =	vsub.f32 $0.0e+00, v63  }
0x21a: {  	[tilespmem:$0x1FAA0] =	vst v62;
	v62 =	vadd.f32 $1.000000000e+00, v58  }
0x21b: {  	[tilespmem:$0x12B0] =	vst v36;
	v36 =	vmul.f32 $1.442695020e+00, v55  }
0x21c: {  	(erf) = vrcp.f32 v62  }
0x21d: {  	(erf) = vpow2.f32 v36;
	_ =	sdelay $0x1  }
0x21e: {  	v55 =	vld [tilespmem:$0x9B0];
	_ =	sdelay $0x1  }
0x21f: {  	s12 =	spop (v2sf)  }
0x220: {  	s6 =	sadd.f32 s12, s5  }
0x221: {  	[tilespmem:$0x1280] =	vst v56  }
0x222: {  	[tilespmem:$0x1FB60] =	vst v55;
	v55 =	vadd.f32 s6, v1  }
0x223: {  	[tilespmem:$0x12E0] =	vst v30;
	v30 =	vpop (erf)  }
0x224: {  	[tilespmem:$0x1390] =	vst v3;
	v3 =	vsub.f32 $0.0e+00, v55;
	v36 =	vpop (erf)  }
0x225: {  	v56 =	vld [tilespmem:$0x830];
	[tilespmem:$0x1380] =	vst v4;
	v4 =	vadd.f32 $1.000000000e+00, v36  }
0x226: {  	v3 =	vmul.f32 $1.442695020e+00, v3  }
0x227: {  	(erf) = vrcp.f32 v4  }
0x228: {  	(erf) = vpow2.f32 v3;
	_ =	sdelay $0x1  }
0x229: {  	[tilespmem:$0x1FB00] =	vst v56;
	v56 =	vld [tilespmem:$0xA30];
	(v2sf) =	vpush v0, $0x8;
	_ =	sdelay $0x1  }
0x22a: {  	v58 =	vld [tilespmem:$0xAB0];
	_ =	sdelay $0x2  }
0x22b: {  	[tilespmem:$0x1FB80] =	vst v56;
	v56 =	vadd.f32 s6, v2  }
0x22c: {  	v4 =	vpop (erf)  }
0x22d: {  	[tilespmem:$0x1FBA0] =	vst v58;
	v3 =	vsub.f32 $0.0e+00, v56;
	v58 =	vpop (erf)  }
0x22e: {  	[tilespmem:$0x1FE50] =	vst v4;
	v4 =	vadd.f32 $1.000000000e+00, v58  }
0x22f: {  	v3 =	vmul.f32 $1.442695020e+00, v3  }
0x230: {  	(erf) = vrcp.f32 v4  }
0x231: {  	(erf) = vpow2.f32 v3;
	_ =	sdelay $0x3  }
0x232: {  	s13 =	spop (v2sf);
	v62 =	vld [tilespmem:$0xB30]  }
0x233: {  	s6 =	sadd.f32 s13, s5;
	_ =	sdelay $0x1  }
0x234: {  	[tilespmem:$0x13A0] =	vst v61;
	v61 =	vadd.f32 s6, v1  }
0x235: {  	v4 =	vpop (erf)  }
0x236: {  	[tilespmem:$0x1FBC0] =	vst v62;
	v3 =	vsub.f32 $0.0e+00, v61;
	v62 =	vpop (erf)  }
0x237: {  	v63 =	vld [tilespmem:$0x8B0];
	[tilespmem:$0x1FE60] =	vst v4;
	v4 =	vadd.f32 $1.000000000e+00, v62  }
0x238: {  	v3 =	vmul.f32 $1.442695020e+00, v3  }
0x239: {  	(erf) = vrcp.f32 v4  }
0x23a: {  	(erf) = vpow2.f32 v3;
	_ =	sdelay $0x1  }
0x23b: {  	(v2sf) =	vpush v0, $0x9;
	[tilespmem:$0x1FB20] =	vst v63;
	v63 =	vld [tilespmem:$0xC30];
	_ =	sdelay $0x4  }
0x23c: {  	[tilespmem:$0x1FBF0] =	vst v63;
	v63 =	vadd.f32 s6, v2  }
0x23d: {  	v4 =	vpop (erf)  }
0x23e: {  	[tilespmem:$0x1350] =	vst v9;
	v3 =	vsub.f32 $0.0e+00, v63;
	v9 =	vpop (erf)  }
0x23f: {  	[tilespmem:$0x1FE70] =	vst v4;
	v4 =	vadd.f32 $1.000000000e+00, v9  }
0x240: {  	v3 =	vmul.f32 $1.442695020e+00, v3  }
0x241: {  	(erf) = vrcp.f32 v4  }
0x242: {  	(erf) = vpow2.f32 v3;
	_ =	sdelay $0x1  }
0x243: {  	[tilespmem:$0x1340] =	vst v10;
	v10 =	vld [tilespmem:$0xCB0];
	_ =	sdelay $0x1  }
0x244: {  	[tilespmem:$0x1330] =	vst v12;
	v12 =	vld [tilespmem:$0xD30];
	s14 =	spop (v2sf)  }
0x245: {  	s6 =	sadd.f32 s14, s5;
	_ =	sdelay $0x1  }
0x246: {  	[tilespmem:$0x1FC10] =	vst v10;
	v10 =	vadd.f32 s6, v1  }
0x247: {  	v4 =	vpop (erf)  }
0x248: {  	[tilespmem:$0x1FC20] =	vst v12;
	v3 =	vsub.f32 $0.0e+00, v10;
	v12 =	vpop (erf)  }
0x249: {  	[tilespmem:$0x1FE80] =	vst v4;
	v4 =	vadd.f32 $1.000000000e+00, v12  }
0x24a: {  	v3 =	vmul.f32 $1.442695020e+00, v3  }
0x24b: {  	(erf) = vrcp.f32 v4  }
0x24c: {  	(erf) = vpow2.f32 v3;
	_ =	sdelay $0x1  }
0x24d: {  	[tilespmem:$0x1310] =	vst v20;
	v20 =	vld [tilespmem:$0xDB0];
	(v2sf) =	vpush v0, $0xA;
	_ =	sdelay $0x1  }
0x24e: {  	[tilespmem:$0x12F0] =	vst v27;
	v27 =	vld [tilespmem:$0xE30];
	_ =	sdelay $0x2  }
0x24f: {  	[tilespmem:$0x1FC30] =	vst v20;
	v20 =	vadd.f32 s6, v2  }
0x250: {  	v4 =	vpop (erf)  }
0x251: {  	[tilespmem:$0x1FC40] =	vst v27;
	v3 =	vsub.f32 $0.0e+00, v20;
	v27 =	vpop (erf)  }
0x252: {  	[tilespmem:$0x1FE90] =	vst v4;
	v4 =	vadd.f32 $1.000000000e+00, v27  }
0x253: {  	v3 =	vmul.f32 $1.442695020e+00, v3  }
0x254: {  	(erf) = vrcp.f32 v4  }
0x255: {  	(erf) = vpow2.f32 v3;
	_ =	sdelay $0x3  }
0x256: {  	[tilespmem:$0x12D0] =	vst v31;
	v31 =	vld [tilespmem:$0xEB0];
	s15 =	spop (v2sf)  }
0x257: {  	s6 =	sadd.f32 s15, s5;
	_ =	sdelay $0x1  }
0x258: {  	[tilespmem:$0x13C0] =	vst v30;
	v30 =	vadd.f32 s6, v1  }
0x259: {  	v4 =	vpop (erf)  }
0x25a: {  	[tilespmem:$0x1FC50] =	vst v31;
	v3 =	vsub.f32 $0.0e+00, v30;
	v31 =	vpop (erf)  }
0x25b: {  	[tilespmem:$0x1FEA0] =	vst v4;
	v4 =	vadd.f32 $1.000000000e+00, v31  }
0x25c: {  	v3 =	vmul.f32 $1.442695020e+00, v3  }
0x25d: {  	(erf) = vrcp.f32 v4  }
0x25e: {  	(erf) = vpow2.f32 v3;
	_ =	sdelay $0x1  }
0x25f: {  	(v2sf) =	vpush v0, $0xB;
	_ =	sdelay $0x3  }
0x260: {  	[tilespmem:$0x12A0] =	vst v41  }
0x261: {  	v41 =	vld [tilespmem:$0x7B0];
	[tilespmem:$0x13B0] =	vst v33;
	v33 =	vadd.f32 s6, v2  }
0x262: {  	v4 =	vpop (erf)  }
0x263: {  	v3 =	vsub.f32 $0.0e+00, v33;
	v36 =	vpop (erf)  }
0x264: {  	[tilespmem:$0x1FEB0] =	vst v4;
	v4 =	vadd.f32 $1.000000000e+00, v36  }
0x265: {  	v3 =	vmul.f32 $1.442695020e+00, v3  }
0x266: {  	[tilespmem:$0x1FAD0] =	vst v41;
	v41 =	vld [tilespmem:$0x930];
	(erf) = vrcp.f32 v4  }
0x267: {  	(erf) = vpow2.f32 v3;
	_ =	sdelay $0x1  }
0x268: {  	[tilespmem:$0x1300] =	vst v37;
	v37 =	vld [tilespmem:$0xF30];
	_ =	sdelay $0x1  }
0x269: {  	[tilespmem:$0x1FB40] =	vst v41;
	v41 =	vld [tilespmem:$0xFB0];
	s16 =	spop (v2sf)  }
0x26a: {  	s6 =	sadd.f32 s16, s5;
	_ =	sdelay $0x1  }
0x26b: {  	[tilespmem:$0x1FC60] =	vst v37;
	v37 =	vadd.f32 s6, v1  }
0x26c: {  	v4 =	vpop (erf)  }
0x26d: {  	[tilespmem:$0x1FC70] =	vst v41;
	v3 =	vsub.f32 $0.0e+00, v37;
	v41 =	vpop (erf)  }
0x26e: {  	[tilespmem:$0x1FEC0] =	vst v4;
	v4 =	vadd.f32 $1.000000000e+00, v41  }
0x26f: {  	v3 =	vmul.f32 $1.442695020e+00, v3  }
0x270: {  	(erf) = vrcp.f32 v4  }
0x271: {  	(erf) = vpow2.f32 v3;
	_ =	sdelay $0x1  }
0x272: {  	(v2sf) =	vpush v0, $0xC;
	_ =	sdelay $0x3  }
0x273: {  	[tilespmem:$0x1100] =	vst v54;
	v54 =	vld [tilespmem:$0x1F700]  }
0x274: {  	v55 =	vadd.f32 s6, v2  }
0x275: {  	v51 =	vld [tilespmem:$0x1F6F0];
	v4 =	vpop (erf)  }
0x276: {  	[tilespmem:$0x11A0] =	vst v57;
	v60 =	vld [tilespmem:$0x7A0];
	v3 =	vsub.f32 $0.0e+00, v55;
	v56 =	vpop (erf)  }
0x277: {  	v57 =	vld [tilespmem:$0xEA0];
	[tilespmem:$0x1FED0] =	vst v4;
	v4 =	vadd.f32 $1.000000000e+00, v56  }
0x278: {  	[tilespmem:$0x1120] =	vst v54;
	v54 =	vld [tilespmem:$0xDA0];
	v3 =	vmul.f32 $1.442695020e+00, v3  }
0x279: {  	v59 =	vld [tilespmem:$0x820];
	(erf) = vrcp.f32 v4  }
0x27a: {  	[tilespmem:$0x1110] =	vst v51;
	v51 =	vld [tilespmem:$0xB20];
	(erf) = vpow2.f32 v3  }
0x27b: {  	v14 =	vld [tilespmem:$0x220]  }
0x27c: {  	v53 =	vld [tilespmem:$0x9A0]  }
0x27d: {  	v21 =	vld [tilespmem:$0x1F720]  }
0x27e: {  	v11 =	vld [tilespmem:$0x120];
	s17 =	spop (v2sf)  }
0x27f: {  	v13 =	vld [tilespmem:$0x1A0];
	s6 =	sadd.f32 s17, s5  }
0x280: {  	v16 =	vld [tilespmem:$0x2A0]  }
0x281: {  	v24 =	vld [tilespmem:$0x1F730];
	v58 =	vadd.f32 s6, v1  }
0x282: {  	[tilespmem:$0x1140] =	vst v21;
	v21 =	vld [tilespmem:$0xFA0];
	v4 =	vpop (erf)  }
0x283: {  	v18 =	vld [tilespmem:$0x30];
	v3 =	vsub.f32 $0.0e+00, v58;
	v61 =	vpop (erf)  }
0x284: {  	v17 =	vld [tilespmem:$0x320];
	[tilespmem:$0x1FEE0] =	vst v4;
	v4 =	vadd.f32 $1.000000000e+00, v61  }
0x285: {  	v19 =	vld [tilespmem:$0x4A0];
	v3 =	vmul.f32 $1.442695020e+00, v3  }
0x286: {  	[tilespmem:$0x1150] =	vst v24;
	v24 =	vld [tilespmem:$0x1F7B0];
	(erf) = vrcp.f32 v4  }
0x287: {  	[tilespmem:$0x1FAF0] =	vst v21;
	v21 =	vld [tilespmem:$0xB0];
	(erf) = vpow2.f32 v3  }
0x288: {  	v23 =	vld [tilespmem:$0x5A0]  }
0x289: {  	v25 =	vld [tilespmem:$0x3A0]  }
0x28a: {  	v29 =	vld [tilespmem:$0x1F740]  }
0x28b: {  	[tilespmem:$0x11E0] =	vst v24;
	v24 =	vld [tilespmem:$0x1B0]  }
0x28c: {  	v7 =	vld [tilespmem:$0x20]  }
0x28d: {  	v12 =	vld [tilespmem:$0x1F840]  }
0x28e: {  	v62 =	vadd.f32 s6, v2;
	v10 =	vld [tilespmem:$0x1FC80]  }
0x28f: {  	[tilespmem:$0x1160] =	vst v29;
	v29 =	vld [tilespmem:$0x1F7C0];
	v4 =	vpop (erf)  }
0x290: {  	v8 =	vld [tilespmem:$0xA0];
	v3 =	vsub.f32 $0.0e+00, v62;
	v63 =	vpop (erf)  }
0x291: {  	v27 =	vld [tilespmem:$0x1FCA0];
	[tilespmem:$0x1FEF0] =	vst v4;
	v4 =	vadd.f32 $1.000000000e+00, v63  }
0x292: {  	v9 =	vmul.f32 v7, v12;
	v31 =	vld [tilespmem:$0x1FCC0];
	v3 =	vmul.f32 $1.442695020e+00, v3  }
0x293: {  	(erf) = vrcp.f32 v4;
	v4 =	vmul.f32 v7, v10;
	v10 =	vld [tilespmem:$0x1F860]  }
0x294: {  	(erf) = vpow2.f32 v3;
	v3 =	vadd.f32 $0.0e+00, v9;
	v9 =	vld [tilespmem:$0x1F850]  }
0x295: {  	v26 =	vld [tilespmem:$0x6A0]  }
0x296: {  	v34 =	vld [tilespmem:$0x1F750];
	[tilespmem:$0x1360] =	vst v6;
	(v2sf) =	vpush v0, $0xD;
	v6 =	vmul.f32 v8, v27;
	v4 =	vadd.f32 $0.0e+00, v4  }
0x297: {  	v32 =	vld [tilespmem:$0x420]  }
0x298: {  	v4 =	vadd.f32 v6, v4;
	v6 =	vmul.f32 v11, v31;
	v30 =	vmul.f32 v11, v10;
	v11 =	vld [tilespmem:$0x1F870]  }
0x299: {  	[tilespmem:$0x11F0] =	vst v29;
	v29 =	vld [tilespmem:$0x2B0];
	v20 =	vmul.f32 v8, v9  }
0x29a: {  	v35 =	vld [tilespmem:$0x520]  }
0x29b: {  	[tilespmem:$0x1170] =	vst v34;
	v34 =	vld [tilespmem:$0x1F7D0];
	v3 =	vadd.f32 v20, v3  }
0x29c: {  	v46 =	vld [tilespmem:$0x720]  }
0x29d: {  	v36 =	vld [tilespmem:$0x1FCE0];
	v3 =	vadd.f32 v30, v3;
	v33 =	vmul.f32 v13, v11  }
0x29e: {  	v56 =	vld [tilespmem:$0x1FD00]  }
0x29f: {  	v3 =	vadd.f32 v33, v3;
	v33 =	vld [tilespmem:$0x1F880]  }
0x2a0: {  	v39 =	vld [tilespmem:$0x1F770]  }
0x2a1: {  	v52 =	vld [tilespmem:$0xBA0]  }
0x2a2: {  	[tilespmem:$0x1200] =	vst v34;
	v34 =	vld [tilespmem:$0x330];
	v4 =	vadd.f32 v6, v4;
	v6 =	vmul.f32 v13, v36  }
0x2a3: {  	v63 =	vld [tilespmem:$0x1FD20]  }
0x2a4: {  	v4 =	vadd.f32 v6, v4;
	v6 =	vmul.f32 v14, v56;
	v41 =	vmul.f32 v14, v33;
	v14 =	vld [tilespmem:$0x1F890]  }
0x2a5: {  	[tilespmem:$0x1190] =	vst v39;
	v39 =	vld [tilespmem:$0x1F7E0];
	s18 =	spop (v2sf)  }
0x2a6: {  	v47 =	vld [tilespmem:$0x8A0];
	s6 =	sadd.f32 s18, s5  }
0x2a7: {  	v40 =	vld [tilespmem:$0x620]  }
0x2a8: {  	v37 =	vadd.f32 s6, v1;
	v20 =	vld [tilespmem:$0x1FD40]  }
0x2a9: {  	v55 =	vpop (erf);
	v4 =	vadd.f32 v6, v4;
	v6 =	vmul.f32 v16, v63;
	v62 =	vmul.f32 v16, v14;
	v16 =	vld [tilespmem:$0x1F8A0]  }
0x2aa: {  	[tilespmem:$0x1210] =	vst v39;
	v39 =	vld [tilespmem:$0x430];
	v58 =	vpop (erf)  }
0x2ab: {  	v7 =	vsub.f32 $0.0e+00, v37;
	v30 =	vld [tilespmem:$0x1FD60];
	v61 =	vadd.f32 $1.000000000e+00, v58  }
0x2ac: {  	v36 =	vld [tilespmem:$0x1FD80]  }
0x2ad: {  	v7 =	vmul.f32 $1.442695020e+00, v7;
	[tilespmem:$0x1FF00] =	vst v55;
	v55 =	vld [tilespmem:$0x1F8D0];
	(erf) = vrcp.f32 v61  }
0x2ae: {  	v4 =	vadd.f32 v6, v4;
	v6 =	vmul.f32 v17, v20;
	v13 =	vmul.f32 v17, v16;
	v17 =	vld [tilespmem:$0x1F8B0]  }
0x2af: {  	(erf) = vpow2.f32 v7;
	v3 =	vadd.f32 v41, v3;
	v41 =	vld [tilespmem:$0x1FDA0]  }
0x2b0: {  	v20 =	vld [tilespmem:$0x1F8C0];
	v4 =	vadd.f32 v6, v4;
	v6 =	vmul.f32 v25, v30  }
0x2b1: {  	v48 =	vld [tilespmem:$0x920];
	v3 =	vadd.f32 v62, v3  }
0x2b2: {  	v49 =	vld [tilespmem:$0xA20];
	v4 =	vadd.f32 v6, v4;
	v6 =	vmul.f32 v32, v36  }
0x2b3: {  	v50 =	vld [tilespmem:$0xAA0];
	v3 =	vadd.f32 v13, v3;
	v27 =	vmul.f32 v25, v17  }
0x2b4: {  	v37 =	vmul.f32 v19, v55;
	v4 =	vadd.f32 v6, v4;
	v6 =	vmul.f32 v19, v41;
	v19 =	vld [tilespmem:$0x1F8E0]  }
0x2b5: {  	(v2sf) =	vpush v0, $0xE;
	v61 =	vld [tilespmem:$0x1FDB0];
	v31 =	vmul.f32 v32, v20;
	v3 =	vadd.f32 v27, v3  }
0x2b6: {  	v22 =	vld [tilespmem:$0x1F7A0];
	v58 =	vadd.f32 s6, v2  }
0x2b7: {  	v62 =	vpop (erf);
	v27 =	vld [tilespmem:$0x1FDC0];
	v3 =	vadd.f32 v31, v3  }
0x2b8: {  	v28 =	vld [tilespmem:$0x230];
	v63 =	vsub.f32 $0.0e+00, v58;
	v25 =	vpop (erf)  }
0x2b9: {  	v56 =	vmul.f32 v35, v19;
	v8 =	vadd.f32 $1.000000000e+00, v25;
	v31 =	vld [tilespmem:$0x1FDD0];
	v3 =	vadd.f32 v37, v3  }
0x2ba: {  	[tilespmem:$0x1370] =	vst v5;
	v5 =	vmul.f32 $1.442695020e+00, v63;
	v4 =	vadd.f32 v6, v4;
	v6 =	vmul.f32 v35, v61;
	v35 =	vld [tilespmem:$0x1FDE0]  }
0x2bb: {  	v12 =	vmul.f32 v18, v12;
	(erf) = vrcp.f32 v8;
	v3 =	vadd.f32 v56, v3;
	v56 =	vld [tilespmem:$0x1F8F0]  }
0x2bc: {  	[tilespmem:$0x1FC90] =	vst v18;
	v18 =	vld [tilespmem:$0x1FE20];
	v4 =	vadd.f32 v6, v4;
	(erf) = vpow2.f32 v5;
	v6 =	vmul.f32 v23, v27  }
0x2bd: {  	v37 =	vld [tilespmem:$0x1FDF0]  }
0x2be: {  	v61 =	vld [tilespmem:$0x1F910];
	v4 =	vadd.f32 v6, v4;
	v6 =	vmul.f32 v40, v31  }
0x2bf: {  	v41 =	vld [tilespmem:$0x1FE00]  }
0x2c0: {  	v4 =	vadd.f32 v6, v4;
	v6 =	vmul.f32 v26, v35;
	v13 =	vmul.f32 v23, v56;
	v23 =	vld [tilespmem:$0x1F900]  }
0x2c1: {  	v58 =	vld [tilespmem:$0x1FE10]  }
0x2c2: {  	[tilespmem:$0x1FF10] =	vst v62;
	v62 =	vld [tilespmem:$0x1F930];
	v4 =	vadd.f32 v6, v4;
	v6 =	vmul.f32 v46, v37  }
0x2c3: {  	v9 =	vmul.f32 v21, v9;
	v32 =	vmul.f32 v26, v61;
	v5 =	vadd.f32 $0.0e+00, v12;
	v26 =	vld [tilespmem:$0x1F920]  }
0x2c4: {  	s19 =	spop (v2sf);
	v7 =	vmul.f32 v47, v18;
	v63 =	vld [tilespmem:$0x1F940];
	v8 =	vpop (erf);
	v4 =	vadd.f32 v6, v4;
	v6 =	vmul.f32 v60, v41  }
0x2c5: {  	[tilespmem:$0x11D0] =	vst v22;
	v22 =	vld [tilespmem:$0x130];
	s6 =	sadd.f32 s19, s5;
	v5 =	vadd.f32 v9, v5;
	v25 =	vpop (erf);
	v3 =	vadd.f32 v13, v3;
	v30 =	vmul.f32 v40, v23  }
0x2c6: {  	v27 =	vld [tilespmem:$0x1FE30];
	[tilespmem:$0x1FF20] =	vst v8;
	v8 =	vadd.f32 $1.000000000e+00, v25;
	v4 =	vadd.f32 v6, v4;
	v6 =	vmul.f32 v59, v58  }
0x2c7: {  	v42 =	vld [tilespmem:$0x1F810];
	v40 =	vmul.f32 v60, v62;
	v60 =	vadd.f32 s6, v1;
	v3 =	vadd.f32 v30, v3  }
0x2c8: {  	v35 =	vld [tilespmem:$0x1FE40];
	v41 =	vmul.f32 v29, v14;
	v36 =	vmul.f32 v46, v26;
	v4 =	vadd.f32 v6, v4  }
0x2c9: {  	v9 =	vld [tilespmem:$0x1F950];
	v46 =	vmul.f32 v59, v63;
	v13 =	vsub.f32 $0.0e+00, v60;
	v3 =	vadd.f32 v32, v3  }
0x2ca: {  	(erf) = vrcp.f32 v8;
	v30 =	vmul.f32 v22, v10;
	v60 =	vld [tilespmem:$0x1F970];
	v4 =	vadd.f32 v7, v4  }
0x2cb: {  	v59 =	vld [tilespmem:$0x1F980];
	v7 =	vmul.f32 v48, v27;
	v6 =	vmul.f32 $1.442695020e+00, v13;
	v3 =	vadd.f32 v36, v3  }
0x2cc: {  	v5 =	vadd.f32 v30, v5;
	v32 =	vmul.f32 v24, v11;
	v36 =	vmul.f32 v28, v33;
	v33 =	vld [tilespmem:$0x1F960]  }
0x2cd: {  	v14 =	vld [tilespmem:$0x1F990];
	v8 =	vmul.f32 v53, v35;
	v4 =	vadd.f32 v7, v4;
	v3 =	vadd.f32 v40, v3  }
0x2ce: {  	v43 =	vld [tilespmem:$0xC20];
	v31 =	vmul.f32 v47, v9;
	(erf) = vpow2.f32 v6;
	v5 =	vadd.f32 v32, v5  }
0x2cf: {  	v38 =	vld [tilespmem:$0x3B0];
	v4 =	vadd.f32 v8, v4;
	v40 =	vmul.f32 v49, v60;
	v3 =	vadd.f32 v46, v3  }
0x2d0: {  	(v2sf) =	vpush v0, $0xF;
	v58 =	vld [tilespmem:$0x1F9A0];
	v47 =	vmul.f32 v50, v59;
	v5 =	vadd.f32 v36, v5  }
0x2d1: {  	[tilespmem:$0x1250] =	vst v42;
	v42 =	vld [tilespmem:$0x4B0];
	v46 =	vadd.f32 v40, v4;
	v37 =	vmul.f32 v48, v33;
	v3 =	vadd.f32 v31, v3  }
0x2d2: {  	v32 =	vld [tilespmem:$0x1F9F0];
	v5 =	vadd.f32 v41, v5;
	v48 =	vmul.f32 v53, v14;
	v53 =	vmul.f32 v34, v16  }
0x2d3: {  	v0 =	vadd.f32 v37, v3;
	v3 =	vadd.f32 v47, v46;
	v47 =	vld [tilespmem:$0x1F9B0]  }
0x2d4: {  	v16 =	vmul.f32 v38, v17;
	v5 =	vadd.f32 v53, v5;
	v53 =	vld [tilespmem:$0x1F9C0]  }
0x2d5: {  	v44 =	vld [tilespmem:$0xCA0];
	v12 =	vmul.f32 v51, v58  }
0x2d6: {  	[tilespmem:$0x1FCF0] =	vst v24;
	v24 =	vmul.f32 v39, v20;
	v41 =	vld [tilespmem:$0x1F9D0];
	v17 =	vpop (erf);
	v5 =	vadd.f32 v16, v5  }
0x2d7: {  	[tilespmem:$0x1FCD0] =	vst v22;
	v27 =	vmul.f32 v42, v55;
	v31 =	vld [tilespmem:$0x1FA10];
	v22 =	vpop (erf);
	v3 =	vadd.f32 v12, v3  }
0x2d8: {  	[tilespmem:$0x1FCB0] =	vst v21;
	v45 =	vld [tilespmem:$0xD20];
	v8 =	vadd.f32 $1.000000000e+00, v22;
	v5 =	vadd.f32 v24, v5;
	v21 =	vmul.f32 v52, v47  }
0x2d9: {  	[tilespmem:$0x1FD70] =	vst v38;
	v35 =	vmul.f32 v32, v19;
	v38 =	vld [tilespmem:$0x1FA00];
	v25 =	vmul.f32 v43, v53  }
0x2da: {  	(erf) = vrcp.f32 v8;
	v8 =	vld [tilespmem:$0x1F9E0];
	v5 =	vadd.f32 v27, v5;
	v3 =	vadd.f32 v21, v3  }
0x2db: {  	[tilespmem:$0x1FD10] =	vst v28;
	v40 =	vld [tilespmem:$0x1FA30];
	v28 =	vmul.f32 v44, v41  }
0x2dc: {  	v16 =	vld [tilespmem:$0x1FA20];
	v37 =	vmul.f32 v31, v56;
	v5 =	vadd.f32 v35, v5;
	v3 =	vadd.f32 v25, v3  }
0x2dd: {  	v13 =	vadd.f32 s6, v2;
	v12 =	vld [tilespmem:$0x1FA60]  }
0x2de: {  	v36 =	vmul.f32 v45, v38;
	v5 =	vadd.f32 v37, v5;
	v37 =	vld [tilespmem:$0x1FA50];
	v3 =	vadd.f32 v28, v3  }
0x2df: {  	[tilespmem:$0x1FD30] =	vst v29;
	v30 =	vld [tilespmem:$0x1FA40];
	v0 =	vadd.f32 v48, v0;
	v29 =	vmul.f32 v49, v8  }
0x2e0: {  	v18 =	vsub.f32 $0.0e+00, v13;
	v3 =	vadd.f32 v36, v3;
	v36 =	vld [tilespmem:$0x1FA90]  }
0x2e1: {  	v48 =	vmul.f32 v54, v40;
	v0 =	vadd.f32 v29, v0;
	v29 =	vld [tilespmem:$0x1FA80]  }
0x2e2: {  	v20 =	vld [tilespmem:$0x1FA70];
	v4 =	vmul.f32 $1.442695020e+00, v18  }
0x2e3: {  	v46 =	vmul.f32 v50, v16;
	v28 =	vld [tilespmem:$0x1FAA0];
	v50 =	vmul.f32 v12, v37;
	v3 =	vadd.f32 v48, v3  }
0x2e4: {  	(erf) = vpow2.f32 v4;
	v49 =	vmul.f32 v30, v23  }
0x2e5: {  	[tilespmem:$0x1FD50] =	vst v34;
	v34 =	vld [tilespmem:$0x1FAE0];
	v3 =	vadd.f32 v50, v3;
	v11 =	vmul.f32 v57, v36  }
0x2e6: {  	v35 =	vld [tilespmem:$0x1FAB0];
	v5 =	vadd.f32 v49, v5;
	v10 =	vmul.f32 v29, v61  }
0x2e7: {  	v56 =	vmul.f32 v51, v20;
	v3 =	vadd.f32 v11, v3;
	v11 =	vld [tilespmem:$0x1FAC0]  }
0x2e8: {  	s20 =	spop (v2sf);
	[tilespmem:$0x1FF30] =	vst v17;
	v27 =	vld [tilespmem:$0x1FAD0];
	v0 =	vadd.f32 v46, v0;
	v17 =	vmul.f32 v28, v26;
	v13 =	vadd.f32 v10, v5  }
0x2e9: {  	s6 =	sadd.f32 s20, s5;
	v10 =	vld [tilespmem:$0x1FAF0]  }
0x2ea: {  	v6 =	vadd.f32 v56, v0;
	v0 =	vadd.f32 v17, v13;
	v17 =	vld [tilespmem:$0x1FB10]  }
0x2eb: {  	v1 =	vadd.f32 s6, v1  }
0x2ec: {  	v49 =	vld [tilespmem:$0x1FB30];
	v18 =	vpop (erf);
	v19 =	vmul.f32 v11, v35  }
0x2ed: {  	v1 =	vsub.f32 $0.0e+00, v1;
	v22 =	vmul.f32 v27, v62;
	v21 =	vpop (erf);
	v26 =	vld [tilespmem:$0x1FB00]  }
0x2ee: {  	v7 =	vadd.f32 $1.000000000e+00, v21;
	v23 =	vmul.f32 v10, v34;
	v3 =	vadd.f32 v19, v3  }
0x2ef: {  	v55 =	vmov v42;
	v1 =	vmul.f32 $1.442695020e+00, v1;
	v25 =	vld [tilespmem:$0x1FB20];
	v42 =	vmul.f32 v52, v17  }
0x2f0: {  	[tilespmem:$0x1320] =	vst v15;
	v15 =	vld [tilespmem:$0xBB0];
	(erf) = vrcp.f32 v7;
	v5 =	vadd.f32 v22, v0;
	v0 =	vadd.f32 v23, v3  }
0x2f1: {  	[tilespmem:$0x1FD90] =	vst v39;
	v24 =	vld [tilespmem:$0x1FB40];
	(erf) = vpow2.f32 v1;
	v1 =	vadd.f32 v42, v6;
	v23 =	vmul.f32 v43, v49  }
0x2f2: {  	[tilespmem:$0x1FF40] =	vst v18;
	v39 =	vmul.f32 v26, v63;
	v42 =	vld [tilespmem:$0x1FB50];
	(v2sf) =	vpush v0, $0x0  }
0x2f3: {  	v1 =	vadd.f32 v23, v1;
	v23 =	vld [tilespmem:$0x1FB60]  }
0x2f4: {  	v48 =	vmul.f32 v25, v9;
	v46 =	vadd.f32 v39, v5  }
0x2f5: {  	v22 =	vld [tilespmem:$0x1FB80]  }
0x2f6: {  	v39 =	vmul.f32 v24, v33;
	v3 =	vadd.f32 v48, v46;
	v21 =	vld [tilespmem:$0x1FBA0]  }
0x2f7: {  	v46 =	vld [tilespmem:$0x1FB70]  }
0x2f8: {  	v3 =	vadd.f32 v39, v3;
	v43 =	vmul.f32 v44, v42;
	v52 =	vld [tilespmem:$0x1FB90];
	v44 =	vmul.f32 v23, v14  }
0x2f9: {  	v61 =	vpop (erf);
	v18 =	vld [tilespmem:$0x1FBC0]  }
0x2fa: {  	v63 =	vpop (erf);
	v51 =	vmul.f32 v22, v8;
	v3 =	vadd.f32 v44, v3  }
0x2fb: {  	v33 =	vmul.f32 v15, v17;
	v6 =	vadd.f32 $1.000000000e+00, v63;
	v62 =	vmul.f32 v21, v16;
	v16 =	vld [tilespmem:$0x1FBB0]  }
0x2fc: {  	v1 =	vadd.f32 v43, v1;
	v50 =	vmul.f32 v45, v46;
	v3 =	vadd.f32 v51, v3  }
0x2fd: {  	v2 =	vadd.f32 s6, v2;
	(erf) = vrcp.f32 v6;
	v6 =	vld [tilespmem:$0x1FBD0];
	v56 =	vmul.f32 v54, v52  }
0x2fe: {  	v13 =	vmul.f32 v18, v20;
	v20 =	vmovc v15;
	v15 =	vld [tilespmem:$0x1FBF0];
	v1 =	vadd.f32 v50, v1;
	v3 =	vadd.f32 v62, v3  }
0x2ff: {  	v2 =	vsub.f32 $0.0e+00, v2;
	v50 =	vld [tilespmem:$0x1FC00]  }
0x300: {  	v1 =	vadd.f32 v56, v1;
	v12 =	vmul.f32 v12, v16;
	v3 =	vadd.f32 v13, v3;
	v13 =	vld [tilespmem:$0x1FC10]  }
0x301: {  	v2 =	vmul.f32 $1.442695020e+00, v2;
	v39 =	vld [tilespmem:$0x1FBE0]  }
0x302: {  	v1 =	vadd.f32 v12, v1;
	v12 =	vld [tilespmem:$0x1FC20]  }
0x303: {  	(erf) = vpow2.f32 v2;
	v49 =	vmul.f32 v15, v49;
	v2 =	vadd.f32 v33, v3  }
0x304: {  	v14 =	vmul.f32 v57, v6;
	v56 =	vmul.f32 v10, v50;
	v10 =	vld [tilespmem:$0x1FC30]  }
0x305: {  	v2 =	vadd.f32 v49, v2;
	v57 =	vmul.f32 v13, v42  }
0x306: {  	v48 =	vmul.f32 v11, v39;
	v44 =	vld [tilespmem:$0x1FC40];
	v1 =	vadd.f32 v14, v1  }
0x307: {  	[tilespmem:$0x1FF50] =	vst v61;
	v61 =	vmul.f32 v12, v46;
	v2 =	vadd.f32 v57, v2  }
0x308: {  	v1 =	vadd.f32 v48, v1;
	v46 =	vld [tilespmem:$0x1FC50]  }
0x309: {  	v62 =	vmul.f32 v10, v52;
	v2 =	vadd.f32 v61, v2  }
0x30a: {  	s21 =	spop (v2sf);
	v14 =	vadd.f32 v56, v1;
	v1 =	vld [tilespmem:$0x1FC60]  }
0x30b: {  	v8 =	vmul.f32 v44, v16;
	s6 =	sadd.f32 s21, s5;
	v2 =	vadd.f32 v62, v2;
	_ =	sdelay $0x1  }
0x30c: {  	v4 =	vadd.f32 s6, v14;
	v9 =	vmul.f32 v46, v6;
	v2 =	vadd.f32 v8, v2  }
0x30d: {  	v52 =	vpop (erf)  }
0x30e: {  	v63 =	vpop (erf);
	v4 =	vsub.f32 $0.0e+00, v4;
	v11 =	vmul.f32 v1, v39;
	v2 =	vadd.f32 v9, v2  }
0x30f: {  	v5 =	vadd.f32 $1.000000000e+00, v63  }
0x310: {  	v4 =	vmul.f32 $1.442695020e+00, v4;
	v2 =	vadd.f32 v11, v2;
	v11 =	vld [tilespmem:$0x1FC70]  }
0x311: {  	(erf) = vrcp.f32 v5  }
0x312: {  	(erf) = vpow2.f32 v4;
	_ =	sdelay $0x1  }
0x313: {  	(v2sf) =	vpush v0, $0x1  }
0x314: {  	v16 =	vmul.f32 v11, v50;
	_ =	sdelay $0x1  }
0x315: {  	v33 =	vadd.f32 v16, v2;
	_ =	sdelay $0x1  }
0x316: {  	v2 =	vadd.f32 s6, v33  }
0x317: {  	v17 =	vpop (erf)  }
0x318: {  	v19 =	vpop (erf);
	v2 =	vsub.f32 $0.0e+00, v2  }
0x319: {  	v3 =	vadd.f32 $1.000000000e+00, v19  }
0x31a: {  	v2 =	vmul.f32 $1.442695020e+00, v2  }
0x31b: {  	(erf) = vrcp.f32 v3  }
0x31c: {  	(erf) = vpow2.f32 v2;
	_ =	sdelay $0x3  }
0x31d: {  	s22 =	spop (v2sf)  }
0x31e: {  	s6 =	sadd.f32 s22, s5;
	_ =	sdelay $0x1  }
0x31f: {  	v39 =	vadd.f32 s6, v14  }
0x320: {  	v3 =	vpop (erf)  }
0x321: {  	v2 =	vsub.f32 $0.0e+00, v39;
	v42 =	vpop (erf)  }
0x322: {  	[tilespmem:$0x1FF70] =	vst v3;
	v3 =	vadd.f32 $1.000000000e+00, v42  }
0x323: {  	v2 =	vmul.f32 $1.442695020e+00, v2  }
0x324: {  	(erf) = vrcp.f32 v3  }
0x325: {  	(erf) = vpow2.f32 v2;
	_ =	sdelay $0x1  }
0x326: {  	(v2sf) =	vpush v0, $0x2;
	_ =	sdelay $0x4  }
0x327: {  	v43 =	vadd.f32 s6, v33  }
0x328: {  	v3 =	vpop (erf)  }
0x329: {  	v2 =	vsub.f32 $0.0e+00, v43;
	v45 =	vpop (erf)  }
0x32a: {  	[tilespmem:$0x1FF80] =	vst v3;
	v3 =	vadd.f32 $1.000000000e+00, v45  }
0x32b: {  	v2 =	vmul.f32 $1.442695020e+00, v2  }
0x32c: {  	(erf) = vrcp.f32 v3  }
0x32d: {  	(erf) = vpow2.f32 v2;
	_ =	sdelay $0x3  }
0x32e: {  	s23 =	spop (v2sf)  }
0x32f: {  	s6 =	sadd.f32 s23, s5;
	_ =	sdelay $0x1  }
0x330: {  	v48 =	vadd.f32 s6, v14  }
0x331: {  	v3 =	vpop (erf)  }
0x332: {  	v2 =	vsub.f32 $0.0e+00, v48;
	v49 =	vpop (erf)  }
0x333: {  	[tilespmem:$0x1FF90] =	vst v3;
	v3 =	vadd.f32 $1.000000000e+00, v49  }
0x334: {  	v2 =	vmul.f32 $1.442695020e+00, v2  }
0x335: {  	(erf) = vrcp.f32 v3  }
0x336: {  	(erf) = vpow2.f32 v2;
	_ =	sdelay $0x1  }
0x337: {  	(v2sf) =	vpush v0, $0x3;
	_ =	sdelay $0x4  }
0x338: {  	v50 =	vadd.f32 s6, v33  }
0x339: {  	v3 =	vpop (erf)  }
0x33a: {  	v2 =	vsub.f32 $0.0e+00, v50;
	v51 =	vpop (erf)  }
0x33b: {  	[tilespmem:$0x1FFA0] =	vst v3;
	v3 =	vadd.f32 $1.000000000e+00, v51  }
0x33c: {  	v2 =	vmul.f32 $1.442695020e+00, v2  }
0x33d: {  	(erf) = vrcp.f32 v3  }
0x33e: {  	(erf) = vpow2.f32 v2;
	_ =	sdelay $0x3  }
0x33f: {  	s24 =	spop (v2sf)  }
0x340: {  	s6 =	sadd.f32 s24, s5;
	_ =	sdelay $0x1  }
0x341: {  	v54 =	vadd.f32 s6, v14  }
0x342: {  	v3 =	vpop (erf)  }
0x343: {  	v2 =	vsub.f32 $0.0e+00, v54;
	v56 =	vpop (erf)  }
0x344: {  	[tilespmem:$0x1FFB0] =	vst v3;
	v3 =	vadd.f32 $1.000000000e+00, v56  }
0x345: {  	v2 =	vmul.f32 $1.442695020e+00, v2  }
0x346: {  	(erf) = vrcp.f32 v3  }
0x347: {  	(erf) = vpow2.f32 v2;
	_ =	sdelay $0x1  }
0x348: {  	(v2sf) =	vpush v0, $0x4;
	_ =	sdelay $0x4  }
0x349: {  	v57 =	vadd.f32 s6, v33  }
0x34a: {  	v3 =	vpop (erf)  }
0x34b: {  	v2 =	vsub.f32 $0.0e+00, v57;
	v61 =	vpop (erf)  }
0x34c: {  	[tilespmem:$0x1FFC0] =	vst v3;
	v3 =	vadd.f32 $1.000000000e+00, v61  }
0x34d: {  	v2 =	vmul.f32 $1.442695020e+00, v2  }
0x34e: {  	(erf) = vrcp.f32 v3  }
0x34f: {  	(erf) = vpow2.f32 v2;
	_ =	sdelay $0x3  }
0x350: {  	s25 =	spop (v2sf)  }
0x351: {  	s6 =	sadd.f32 s25, s5;
	_ =	sdelay $0x1  }
0x352: {  	v62 =	vadd.f32 s6, v14  }
0x353: {  	v3 =	vpop (erf)  }
0x354: {  	v2 =	vsub.f32 $0.0e+00, v62;
	v63 =	vpop (erf)  }
0x355: {  	[tilespmem:$0x1FFD0] =	vst v3;
	v3 =	vadd.f32 $1.000000000e+00, v63  }
0x356: {  	v2 =	vmul.f32 $1.442695020e+00, v2  }
0x357: {  	(erf) = vrcp.f32 v3  }
0x358: {  	(erf) = vpow2.f32 v2;
	_ =	sdelay $0x1  }
0x359: {  	(v2sf) =	vpush v0, $0x5;
	_ =	sdelay $0x4  }
0x35a: {  	v6 =	vadd.f32 s6, v33  }
0x35b: {  	v3 =	vpop (erf)  }
0x35c: {  	v2 =	vsub.f32 $0.0e+00, v6;
	v7 =	vpop (erf)  }
0x35d: {  	[tilespmem:$0x1FFE0] =	vst v3;
	v3 =	vadd.f32 $1.000000000e+00, v7  }
0x35e: {  	v2 =	vmul.f32 $1.442695020e+00, v2  }
0x35f: {  	(erf) = vrcp.f32 v3  }
0x360: {  	(erf) = vpow2.f32 v2;
	_ =	sdelay $0x3  }
0x361: {  	s26 =	spop (v2sf)  }
0x362: {  	s6 =	sadd.f32 s26, s5;
	_ =	sdelay $0x1  }
0x363: {  	v8 =	vadd.f32 s6, v14  }
0x364: {  	v3 =	vpop (erf)  }
0x365: {  	v2 =	vsub.f32 $0.0e+00, v8;
	v9 =	vpop (erf)  }
0x366: {  	[tilespmem:$0x1FFF0] =	vst v3;
	v3 =	vadd.f32 $1.000000000e+00, v9  }
0x367: {  	v2 =	vmul.f32 $1.442695020e+00, v2  }
0x368: {  	(erf) = vrcp.f32 v3  }
0x369: {  	(erf) = vpow2.f32 v2;
	_ =	sdelay $0x1  }
0x36a: {  	(v2sf) =	vpush v0, $0x6;
	_ =	sdelay $0x4  }
0x36b: {  	v16 =	vadd.f32 s6, v33  }
0x36c: {  	v63 =	vpop (erf)  }
0x36d: {  	[tilespmem:$0x1FF60] =	vst v17;
	v2 =	vsub.f32 $0.0e+00, v16;
	v17 =	vpop (erf)  }
0x36e: {  	v3 =	vadd.f32 $1.000000000e+00, v17  }
0x36f: {  	v2 =	vmul.f32 $1.442695020e+00, v2  }
0x370: {  	(erf) = vrcp.f32 v3  }
0x371: {  	(erf) = vpow2.f32 v2;
	_ =	sdelay $0x3  }
0x372: {  	s28 =	spop (v2sf)  }
0x373: {  	s6 =	sadd.f32 s28, s5;
	_ =	sdelay $0x1  }
0x374: {  	v19 =	vadd.f32 s6, v14  }
0x375: {  	v62 =	vpop (erf)  }
0x376: {  	v2 =	vsub.f32 $0.0e+00, v19;
	v39 =	vpop (erf)  }
0x377: {  	v3 =	vadd.f32 $1.000000000e+00, v39  }
0x378: {  	v2 =	vmul.f32 $1.442695020e+00, v2  }
0x379: {  	(erf) = vrcp.f32 v3  }
0x37a: {  	(erf) = vpow2.f32 v2;
	_ =	sdelay $0x1  }
0x37b: {  	(v2sf) =	vpush v0, $0x7;
	_ =	sdelay $0x4  }
0x37c: {  	v42 =	vadd.f32 s6, v33  }
0x37d: {  	v61 =	vpop (erf)  }
0x37e: {  	v2 =	vsub.f32 $0.0e+00, v42;
	v43 =	vpop (erf)  }
0x37f: {  	v3 =	vadd.f32 $1.000000000e+00, v43  }
0x380: {  	v2 =	vmul.f32 $1.442695020e+00, v2  }
0x381: {  	(erf) = vrcp.f32 v3  }
0x382: {  	(erf) = vpow2.f32 v2;
	_ =	sdelay $0x3  }
0x383: {  	s29 =	spop (v2sf)  }
0x384: {  	s6 =	sadd.f32 s29, s5;
	_ =	sdelay $0x1  }
0x385: {  	v45 =	vadd.f32 s6, v14  }
0x386: {  	v50 =	vpop (erf)  }
0x387: {  	v2 =	vsub.f32 $0.0e+00, v45;
	v54 =	vpop (erf)  }
0x388: {  	v3 =	vadd.f32 $1.000000000e+00, v54  }
0x389: {  	v2 =	vmul.f32 $1.442695020e+00, v2  }
0x38a: {  	(erf) = vrcp.f32 v3  }
0x38b: {  	(erf) = vpow2.f32 v2;
	_ =	sdelay $0x1  }
0x38c: {  	(v2sf) =	vpush v0, $0x8;
	_ =	sdelay $0x4  }
0x38d: {  	v56 =	vadd.f32 s6, v33  }
0x38e: {  	v49 =	vpop (erf)  }
0x38f: {  	v2 =	vsub.f32 $0.0e+00, v56;
	v57 =	vpop (erf)  }
0x390: {  	v3 =	vadd.f32 $1.000000000e+00, v57  }
0x391: {  	v2 =	vmul.f32 $1.442695020e+00, v2  }
0x392: {  	(erf) = vrcp.f32 v3  }
0x393: {  	(erf) = vpow2.f32 v2;
	_ =	sdelay $0x3  }
0x394: {  	s30 =	spop (v2sf)  }
0x395: {  	s6 =	sadd.f32 s30, s5;
	_ =	sdelay $0x1  }
0x396: {  	v5 =	vadd.f32 s6, v14  }
0x397: {  	v48 =	vpop (erf)  }
0x398: {  	v2 =	vsub.f32 $0.0e+00, v5;
	v6 =	vpop (erf)  }
0x399: {  	v3 =	vadd.f32 $1.000000000e+00, v6  }
0x39a: {  	v2 =	vmul.f32 $1.442695020e+00, v2  }
0x39b: {  	(erf) = vrcp.f32 v3  }
0x39c: {  	(erf) = vpow2.f32 v2;
	_ =	sdelay $0x1  }
0x39d: {  	(v2sf) =	vpush v0, $0x9;
	_ =	sdelay $0x4  }
0x39e: {  	v7 =	vadd.f32 s6, v33  }
0x39f: {  	v51 =	vpop (erf)  }
0x3a0: {  	v2 =	vsub.f32 $0.0e+00, v7;
	v8 =	vpop (erf)  }
0x3a1: {  	v3 =	vadd.f32 $1.000000000e+00, v8  }
0x3a2: {  	v2 =	vmul.f32 $1.442695020e+00, v2  }
0x3a3: {  	(erf) = vrcp.f32 v3  }
0x3a4: {  	(erf) = vpow2.f32 v2;
	_ =	sdelay $0x3  }
0x3a5: {  	s31 =	spop (v2sf)  }
0x3a6: {  	s6 =	sadd.f32 s31, s5;
	_ =	sdelay $0x1  }
0x3a7: {  	v9 =	vadd.f32 s6, v14  }
0x3a8: {  	v45 =	vpop (erf)  }
0x3a9: {  	v2 =	vsub.f32 $0.0e+00, v9;
	v16 =	vpop (erf)  }
0x3aa: {  	v3 =	vadd.f32 $1.000000000e+00, v16  }
0x3ab: {  	v2 =	vmul.f32 $1.442695020e+00, v2  }
0x3ac: {  	(erf) = vrcp.f32 v3  }
0x3ad: {  	(erf) = vpow2.f32 v2;
	_ =	sdelay $0x1  }
0x3ae: {  	(v2sf) =	vpush v0, $0xA;
	_ =	sdelay $0x4  }
0x3af: {  	v17 =	vadd.f32 s6, v33  }
0x3b0: {  	v43 =	vpop (erf)  }
0x3b1: {  	v2 =	vsub.f32 $0.0e+00, v17;
	v19 =	vpop (erf)  }
0x3b2: {  	v3 =	vadd.f32 $1.000000000e+00, v19  }
0x3b3: {  	v2 =	vmul.f32 $1.442695020e+00, v2  }
0x3b4: {  	(erf) = vrcp.f32 v3  }
0x3b5: {  	(erf) = vpow2.f32 v2;
	_ =	sdelay $0x3  }
0x3b6: {  	s7 =	spop (v2sf)  }
0x3b7: {  	s6 =	sadd.f32 s7, s5;
	_ =	sdelay $0x1  }
0x3b8: {  	v39 =	vadd.f32 s6, v14  }
0x3b9: {  	v42 =	vpop (erf)  }
0x3ba: {  	v2 =	vsub.f32 $0.0e+00, v39;
	v54 =	vpop (erf)  }
0x3bb: {  	v3 =	vadd.f32 $1.000000000e+00, v54  }
0x3bc: {  	v2 =	vmul.f32 $1.442695020e+00, v2  }
0x3bd: {  	(erf) = vrcp.f32 v3  }
0x3be: {  	(erf) = vpow2.f32 v2;
	_ =	sdelay $0x1  }
0x3bf: {  	(v2sf) =	vpush v0, $0xB;
	_ =	sdelay $0x4  }
0x3c0: {  	v56 =	vadd.f32 s6, v33  }
0x3c1: {  	v39 =	vpop (erf)  }
0x3c2: {  	v2 =	vsub.f32 $0.0e+00, v56;
	v57 =	vpop (erf)  }
0x3c3: {  	v3 =	vadd.f32 $1.000000000e+00, v57  }
0x3c4: {  	v2 =	vmul.f32 $1.442695020e+00, v2  }
0x3c5: {  	(erf) = vrcp.f32 v3  }
0x3c6: {  	(erf) = vpow2.f32 v2;
	_ =	sdelay $0x3  }
0x3c7: {  	s8 =	spop (v2sf)  }
0x3c8: {  	s6 =	sadd.f32 s8, s5;
	_ =	sdelay $0x1  }
0x3c9: {  	v5 =	vadd.f32 s6, v14  }
0x3ca: {  	v19 =	vpop (erf)  }
0x3cb: {  	v2 =	vsub.f32 $0.0e+00, v5;
	v6 =	vpop (erf)  }
0x3cc: {  	v3 =	vadd.f32 $1.000000000e+00, v6  }
0x3cd: {  	v2 =	vmul.f32 $1.442695020e+00, v2  }
0x3ce: {  	(erf) = vrcp.f32 v3  }
0x3cf: {  	(erf) = vpow2.f32 v2;
	_ =	sdelay $0x1  }
0x3d0: {  	(v2sf) =	vpush v0, $0xC;
	_ =	sdelay $0x4  }
0x3d1: {  	v7 =	vadd.f32 s6, v33  }
0x3d2: {  	v56 =	vpop (erf)  }
0x3d3: {  	v2 =	vsub.f32 $0.0e+00, v7;
	v8 =	vpop (erf)  }
0x3d4: {  	v3 =	vadd.f32 $1.000000000e+00, v8  }
0x3d5: {  	v2 =	vmul.f32 $1.442695020e+00, v2  }
0x3d6: {  	(erf) = vrcp.f32 v3  }
0x3d7: {  	(erf) = vpow2.f32 v2;
	_ =	sdelay $0x3  }
0x3d8: {  	s9 =	spop (v2sf)  }
0x3d9: {  	s6 =	sadd.f32 s9, s5;
	_ =	sdelay $0x1  }
0x3da: {  	v9 =	vadd.f32 s6, v14  }
0x3db: {  	v17 =	vpop (erf)  }
0x3dc: {  	v3 =	vsub.f32 $0.0e+00, v9;
	v54 =	vpop (erf)  }
0x3dd: {  	v4 =	vadd.f32 $1.000000000e+00, v54  }
0x3de: {  	v3 =	vmul.f32 $1.442695020e+00, v3  }
0x3df: {  	(erf) = vrcp.f32 v4  }
0x3e0: {  	(erf) = vpow2.f32 v3;
	_ =	sdelay $0x1  }
0x3e1: {  	(v2sf) =	vpush v0, $0xD;
	_ =	sdelay $0x2  }
0x3e2: {  	v6 =	vld [tilespmem:$0x1FC80]  }
0x3e3: {  	v8 =	vld [tilespmem:$0x1FCA0]  }
0x3e4: {  	v57 =	vadd.f32 s6, v33;
	v9 =	vld [tilespmem:$0x1FCB0]  }
0x3e5: {  	v7 =	vld [tilespmem:$0x1FC90];
	v16 =	vpop (erf)  }
0x3e6: {  	v3 =	vsub.f32 $0.0e+00, v57;
	v2 =	vpop (erf)  }
0x3e7: {  	v54 =	vld [tilespmem:$0x1FCC0];
	v4 =	vadd.f32 $1.000000000e+00, v2  }
0x3e8: {  	v57 =	vld [tilespmem:$0x1FCD0];
	v3 =	vmul.f32 $1.442695020e+00, v3  }
0x3e9: {  	(erf) = vrcp.f32 v4;
	v4 =	vmul.f32 v9, v8;
	v8 =	vld [tilespmem:$0x1FCF0]  }
0x3ea: {  	(erf) = vpow2.f32 v3;
	v3 =	vmul.f32 v7, v6;
	v7 =	vld [tilespmem:$0x1FCE0];
	_ =	sdelay $0x1  }
0x3eb: {  	v3 =	vadd.f32 $0.0e+00, v3;
	_ =	sdelay $0x1  }
0x3ec: {  	s10 =	spop (v2sf);
	v3 =	vadd.f32 v4, v3;
	v4 =	vmul.f32 v57, v54;
	v57 =	vld [tilespmem:$0x1FD00]  }
0x3ed: {  	s6 =	sadd.f32 s10, s5;
	v9 =	vmul.f32 v8, v7;
	v8 =	vld [tilespmem:$0x1FD10];
	_ =	sdelay $0x1  }
0x3ee: {  	v54 =	vadd.f32 s6, v14;
	_ =	sdelay $0x1  }
0x3ef: {  	v4 =	vadd.f32 v4, v3;
	v6 =	vsub.f32 $0.0e+00, v54;
	v54 =	vld [tilespmem:$0x1FD20]  }
0x3f0: {  	v3 =	vpop (erf);
	v5 =	vmul.f32 v8, v57;
	v57 =	vld [tilespmem:$0x1FD30]  }
0x3f1: {  	v4 =	vadd.f32 v9, v4;
	v9 =	vpop (erf);
	v8 =	vld [tilespmem:$0x1FD40]  }
0x3f2: {  	v7 =	vadd.f32 $1.000000000e+00, v9;
	v9 =	vld [tilespmem:$0x1FD50];
	_ =	sdelay $0x2  }
0x3f3: {  	v4 =	vadd.f32 v5, v4;
	v5 =	vmul.f32 v57, v54;
	v54 =	vld [tilespmem:$0x1FD60]  }
0x3f4: {  	v57 =	vld [tilespmem:$0x1FD70]  }
0x3f5: {  	v4 =	vadd.f32 v5, v4;
	v5 =	vmul.f32 v9, v8;
	v8 =	vld [tilespmem:$0x1FD80]  }
0x3f6: {  	v9 =	vld [tilespmem:$0x1FD90];
	_ =	sdelay $0x1  }
0x3f7: {  	v6 =	vmul.f32 $1.442695020e+00, v6  }
0x3f8: {  	(erf) = vrcp.f32 v7;
	v4 =	vadd.f32 v5, v4;
	v5 =	vmul.f32 v57, v54  }
0x3f9: {  	(erf) = vpow2.f32 v6;
	v54 =	vld [tilespmem:$0x1FDA0]  }
0x3fa: {  	v57 =	vadd.f32 s6, v33;
	v4 =	vadd.f32 v5, v4;
	v5 =	vmul.f32 v9, v8;
	v9 =	vld [tilespmem:$0x1FDB0]  }
0x3fb: {  	(v2sf) =	vpush v0, $0xE  }
0x3fc: {  	v6 =	vsub.f32 $0.0e+00, v57;
	v57 =	vld [tilespmem:$0x1FDC0]  }
0x3fd: {  	v4 =	vadd.f32 v5, v4  }
0x3fe: {  	v55 =	vmul.f32 v55, v54  }
0x3ff: {  	v54 =	vmul.f32 v32, v9;
	v9 =	vld [tilespmem:$0x1FDD0]  }
0x400: {  	v5 =	vadd.f32 v55, v4  }
0x401: {  	v2 =	vmul.f32 v31, v57;
	v31 =	vld [tilespmem:$0x1FDE0];
	v4 =	vpop (erf)  }
0x402: {  	v55 =	vpop (erf);
	v5 =	vadd.f32 v54, v5  }
0x403: {  	v54 =	vld [tilespmem:$0x1FDF0];
	v8 =	vadd.f32 $1.000000000e+00, v55  }
0x404: {  	v6 =	vmul.f32 $1.442695020e+00, v6;
	v5 =	vadd.f32 v2, v5;
	v30 =	vmul.f32 v30, v9  }
0x405: {  	(erf) = vrcp.f32 v8  }
0x406: {  	v57 =	vld [tilespmem:$0x1FE00];
	v32 =	vmul.f32 v29, v31;
	(erf) = vpow2.f32 v6;
	v5 =	vadd.f32 v30, v5;
	_ =	sdelay $0x1  }
0x407: {  	v9 =	vld [tilespmem:$0x1FE10];
	v55 =	vmul.f32 v28, v54;
	v5 =	vadd.f32 v32, v5;
	_ =	sdelay $0x1  }
0x408: {  	s11 =	spop (v2sf);
	v29 =	vld [tilespmem:$0x1FE20];
	v5 =	vadd.f32 v55, v5  }
0x409: {  	s6 =	sadd.f32 s11, s5;
	v2 =	vmul.f32 v27, v57  }
0x40a: {  	v32 =	vld [tilespmem:$0x1FE30]  }
0x40b: {  	v28 =	vadd.f32 s6, v14;
	v27 =	vmul.f32 v26, v9;
	v6 =	vadd.f32 v2, v5  }
0x40c: {  	v55 =	vld [tilespmem:$0x1FE40];
	v5 =	vpop (erf)  }
0x40d: {  	v8 =	vsub.f32 $0.0e+00, v28;
	v30 =	vmul.f32 v25, v29;
	v6 =	vadd.f32 v27, v6;
	v31 =	vpop (erf)  }
0x40e: {  	v9 =	vadd.f32 $1.000000000e+00, v31  }
0x40f: {  	v8 =	vmul.f32 $1.442695020e+00, v8;
	v54 =	vmul.f32 v24, v32;
	v6 =	vadd.f32 v30, v6  }
0x410: {  	(erf) = vrcp.f32 v9  }
0x411: {  	v57 =	vmul.f32 v23, v55;
	v6 =	vadd.f32 v54, v6;
	(erf) = vpow2.f32 v8;
	_ =	sdelay $0x1  }
0x412: {  	(v2sf) =	vpush v0, $0xF;
	v2 =	vmul.f32 v22, v60;
	v6 =	vadd.f32 v57, v6;
	_ =	sdelay $0x1  }
0x413: {  	v22 =	vmul.f32 v21, v59;
	v9 =	vadd.f32 v2, v6;
	_ =	sdelay $0x1  }
0x414: {  	v23 =	vmul.f32 v18, v58;
	v0 =	vadd.f32 v22, v9  }
0x415: {  	v24 =	vadd.f32 s6, v33  }
0x416: {  	v25 =	vmul.f32 v20, v47;
	v0 =	vadd.f32 v23, v0;
	v6 =	vpop (erf)  }
0x417: {  	v7 =	vsub.f32 $0.0e+00, v24;
	v26 =	vpop (erf)  }
0x418: {  	v27 =	vmul.f32 v15, v53;
	v0 =	vadd.f32 v25, v0;
	v9 =	vadd.f32 $1.000000000e+00, v26  }
0x419: {  	v7 =	vmul.f32 $1.442695020e+00, v7  }
0x41a: {  	v28 =	vmul.f32 v13, v41;
	v0 =	vadd.f32 v27, v0;
	(erf) = vrcp.f32 v9  }
0x41b: {  	(erf) = vpow2.f32 v7  }
0x41c: {  	v29 =	vmul.f32 v12, v38;
	v0 =	vadd.f32 v28, v0;
	_ =	sdelay $0x1  }
0x41d: {  	v30 =	vmul.f32 v10, v40;
	v0 =	vadd.f32 v29, v0  }
0x41e: {  	s12 =	spop (v2sf)  }
0x41f: {  	s6 =	sadd.f32 s12, s5;
	v31 =	vmul.f32 v44, v37;
	v0 =	vadd.f32 v30, v0;
	_ =	sdelay $0x1  }
0x420: {  	v32 =	vmul.f32 v46, v36;
	v36 =	vadd.f32 s6, v14;
	v7 =	vadd.f32 v31, v0  }
0x421: {  	v2 =	vpop (erf)  }
0x422: {  	v37 =	vmul.f32 v1, v35;
	v9 =	vsub.f32 $0.0e+00, v36;
	v7 =	vadd.f32 v32, v7;
	v38 =	vpop (erf)  }
0x423: {  	v10 =	vadd.f32 $1.000000000e+00, v38  }
0x424: {  	v40 =	vmul.f32 v11, v34;
	v9 =	vmul.f32 $1.442695020e+00, v9;
	v7 =	vadd.f32 v37, v7  }
0x425: {  	(erf) = vrcp.f32 v10  }
0x426: {  	v12 =	vadd.f32 v40, v7;
	(erf) = vpow2.f32 v9;
	_ =	sdelay $0x1  }
0x427: {  	(v2sf) =	vpush v12, $0x0;
	_ =	sdelay $0x4  }
0x428: {  	v41 =	vadd.f32 s6, v33  }
0x429: {  	v7 =	vpop (erf)  }
0x42a: {  	v8 =	vsub.f32 $0.0e+00, v41;
	v9 =	vpop (erf)  }
0x42b: {  	v9 =	vadd.f32 $1.000000000e+00, v9  }
0x42c: {  	v8 =	vmul.f32 $1.442695020e+00, v8  }
0x42d: {  	(erf) = vrcp.f32 v9  }
0x42e: {  	(erf) = vpow2.f32 v8;
	_ =	sdelay $0x3  }
0x42f: {  	s13 =	spop (v2sf)  }
0x430: {  	s6 =	sadd.f32 s13, s5;
	_ =	sdelay $0x1  }
0x431: {  	v44 =	vadd.f32 s6, v14  }
0x432: {  	v8 =	vpop (erf)  }
0x433: {  	v9 =	vsub.f32 $0.0e+00, v44;
	v46 =	vpop (erf)  }
0x434: {  	v10 =	vadd.f32 $1.000000000e+00, v46  }
0x435: {  	v9 =	vmul.f32 $1.442695020e+00, v9  }
0x436: {  	(erf) = vrcp.f32 v10  }
0x437: {  	(erf) = vpow2.f32 v9;
	_ =	sdelay $0x1  }
0x438: {  	(v2sf) =	vpush v12, $0x1;
	_ =	sdelay $0x4  }
0x439: {  	v47 =	vadd.f32 s6, v33  }
0x43a: {  	v9 =	vpop (erf)  }
0x43b: {  	v10 =	vsub.f32 $0.0e+00, v47;
	v53 =	vpop (erf)  }
0x43c: {  	v11 =	vadd.f32 $1.000000000e+00, v53  }
0x43d: {  	v10 =	vmul.f32 $1.442695020e+00, v10  }
0x43e: {  	(erf) = vrcp.f32 v11  }
0x43f: {  	(erf) = vpow2.f32 v10;
	_ =	sdelay $0x3  }
0x440: {  	s14 =	spop (v2sf)  }
0x441: {  	s6 =	sadd.f32 s14, s5;
	_ =	sdelay $0x1  }
0x442: {  	v54 =	vadd.f32 s6, v14  }
0x443: {  	v10 =	vpop (erf)  }
0x444: {  	v11 =	vsub.f32 $0.0e+00, v54;
	v55 =	vpop (erf)  }
0x445: {  	v13 =	vadd.f32 $1.000000000e+00, v55  }
0x446: {  	v11 =	vmul.f32 $1.442695020e+00, v11  }
0x447: {  	(erf) = vrcp.f32 v13  }
0x448: {  	(erf) = vpow2.f32 v11;
	_ =	sdelay $0x1  }
0x449: {  	(v2sf) =	vpush v12, $0x2;
	_ =	sdelay $0x4  }
0x44a: {  	v57 =	vadd.f32 s6, v33  }
0x44b: {  	v11 =	vpop (erf)  }
0x44c: {  	v13 =	vsub.f32 $0.0e+00, v57;
	v58 =	vpop (erf)  }
0x44d: {  	v15 =	vadd.f32 $1.000000000e+00, v58  }
0x44e: {  	v13 =	vmul.f32 $1.442695020e+00, v13  }
0x44f: {  	(erf) = vrcp.f32 v15  }
0x450: {  	(erf) = vpow2.f32 v13;
	_ =	sdelay $0x3  }
0x451: {  	s15 =	spop (v2sf)  }
0x452: {  	s6 =	sadd.f32 s15, s5;
	_ =	sdelay $0x1  }
0x453: {  	v59 =	vadd.f32 s6, v14  }
0x454: {  	v13 =	vpop (erf)  }
0x455: {  	v15 =	vsub.f32 $0.0e+00, v59;
	v60 =	vpop (erf)  }
0x456: {  	v21 =	vadd.f32 $1.000000000e+00, v60  }
0x457: {  	v15 =	vmul.f32 $1.442695020e+00, v15  }
0x458: {  	(erf) = vrcp.f32 v21  }
0x459: {  	(erf) = vpow2.f32 v15;
	_ =	sdelay $0x1  }
0x45a: {  	(v2sf) =	vpush v12, $0x3;
	_ =	sdelay $0x4  }
0x45b: {  	v0 =	vadd.f32 s6, v33  }
0x45c: {  	v15 =	vpop (erf)  }
0x45d: {  	v21 =	vsub.f32 $0.0e+00, v0;
	v1 =	vpop (erf)  }
0x45e: {  	v22 =	vadd.f32 $1.000000000e+00, v1  }
0x45f: {  	v21 =	vmul.f32 $1.442695020e+00, v21  }
0x460: {  	(erf) = vrcp.f32 v22  }
0x461: {  	(erf) = vpow2.f32 v21;
	_ =	sdelay $0x3  }
0x462: {  	s16 =	spop (v2sf)  }
0x463: {  	s6 =	sadd.f32 s16, s5;
	_ =	sdelay $0x1  }
0x464: {  	v18 =	vadd.f32 s6, v14  }
0x465: {  	v21 =	vpop (erf)  }
0x466: {  	v22 =	vsub.f32 $0.0e+00, v18;
	v28 =	vpop (erf)  }
0x467: {  	v24 =	vadd.f32 $1.000000000e+00, v28  }
0x468: {  	v22 =	vmul.f32 $1.442695020e+00, v22  }
0x469: {  	(erf) = vrcp.f32 v24  }
0x46a: {  	(erf) = vpow2.f32 v22;
	_ =	sdelay $0x1  }
0x46b: {  	(v2sf) =	vpush v12, $0x4;
	_ =	sdelay $0x4  }
0x46c: {  	v29 =	vadd.f32 s6, v33  }
0x46d: {  	v22 =	vpop (erf)  }
0x46e: {  	v24 =	vsub.f32 $0.0e+00, v29;
	v30 =	vpop (erf)  }
0x46f: {  	v25 =	vadd.f32 $1.000000000e+00, v30  }
0x470: {  	v24 =	vmul.f32 $1.442695020e+00, v24  }
0x471: {  	(erf) = vrcp.f32 v25  }
0x472: {  	(erf) = vpow2.f32 v24;
	_ =	sdelay $0x3  }
0x473: {  	s17 =	spop (v2sf)  }
0x474: {  	s6 =	sadd.f32 s17, s5;
	_ =	sdelay $0x1  }
0x475: {  	v31 =	vadd.f32 s6, v14  }
0x476: {  	v24 =	vpop (erf)  }
0x477: {  	v25 =	vsub.f32 $0.0e+00, v31;
	v32 =	vpop (erf)  }
0x478: {  	v27 =	vadd.f32 $1.000000000e+00, v32  }
0x479: {  	v25 =	vmul.f32 $1.442695020e+00, v25  }
0x47a: {  	(erf) = vrcp.f32 v27  }
0x47b: {  	(erf) = vpow2.f32 v25;
	_ =	sdelay $0x1  }
0x47c: {  	(v2sf) =	vpush v12, $0x5;
	_ =	sdelay $0x4  }
0x47d: {  	v34 =	vadd.f32 s6, v33  }
0x47e: {  	v25 =	vpop (erf)  }
0x47f: {  	v27 =	vsub.f32 $0.0e+00, v34;
	v35 =	vpop (erf)  }
0x480: {  	v28 =	vadd.f32 $1.000000000e+00, v35  }
0x481: {  	v27 =	vmul.f32 $1.442695020e+00, v27  }
0x482: {  	(erf) = vrcp.f32 v28  }
0x483: {  	(erf) = vpow2.f32 v27;
	_ =	sdelay $0x3  }
0x484: {  	s18 =	spop (v2sf)  }
0x485: {  	s6 =	sadd.f32 s18, s5;
	_ =	sdelay $0x1  }
0x486: {  	v36 =	vadd.f32 s6, v14  }
0x487: {  	v27 =	vpop (erf)  }
0x488: {  	v28 =	vsub.f32 $0.0e+00, v36;
	v37 =	vpop (erf)  }
0x489: {  	v29 =	vadd.f32 $1.000000000e+00, v37  }
0x48a: {  	v28 =	vmul.f32 $1.442695020e+00, v28  }
0x48b: {  	(erf) = vrcp.f32 v29  }
0x48c: {  	(erf) = vpow2.f32 v28;
	_ =	sdelay $0x1  }
0x48d: {  	(v2sf) =	vpush v12, $0x6;
	_ =	sdelay $0x4  }
0x48e: {  	v38 =	vadd.f32 s6, v33  }
0x48f: {  	v28 =	vpop (erf)  }
0x490: {  	v29 =	vsub.f32 $0.0e+00, v38;
	v40 =	vpop (erf)  }
0x491: {  	v30 =	vadd.f32 $1.000000000e+00, v40  }
0x492: {  	v29 =	vmul.f32 $1.442695020e+00, v29  }
0x493: {  	(erf) = vrcp.f32 v30  }
0x494: {  	(erf) = vpow2.f32 v29;
	_ =	sdelay $0x3  }
0x495: {  	s19 =	spop (v2sf)  }
0x496: {  	s6 =	sadd.f32 s19, s5;
	_ =	sdelay $0x1  }
0x497: {  	v41 =	vadd.f32 s6, v14  }
0x498: {  	v29 =	vpop (erf)  }
0x499: {  	v30 =	vsub.f32 $0.0e+00, v41;
	v44 =	vpop (erf)  }
0x49a: {  	v31 =	vadd.f32 $1.000000000e+00, v44  }
0x49b: {  	v30 =	vmul.f32 $1.442695020e+00, v30  }
0x49c: {  	(erf) = vrcp.f32 v31  }
0x49d: {  	(erf) = vpow2.f32 v30;
	_ =	sdelay $0x1  }
0x49e: {  	(v2sf) =	vpush v12, $0x7;
	_ =	sdelay $0x4  }
0x49f: {  	v46 =	vadd.f32 s6, v33  }
0x4a0: {  	v30 =	vpop (erf)  }
0x4a1: {  	v31 =	vsub.f32 $0.0e+00, v46;
	v47 =	vpop (erf)  }
0x4a2: {  	v32 =	vadd.f32 $1.000000000e+00, v47  }
0x4a3: {  	v31 =	vmul.f32 $1.442695020e+00, v31  }
0x4a4: {  	(erf) = vrcp.f32 v32  }
0x4a5: {  	(erf) = vpow2.f32 v31;
	_ =	sdelay $0x3  }
0x4a6: {  	s20 =	spop (v2sf)  }
0x4a7: {  	s6 =	sadd.f32 s20, s5;
	_ =	sdelay $0x1  }
0x4a8: {  	v53 =	vadd.f32 s6, v14  }
0x4a9: {  	v31 =	vpop (erf)  }
0x4aa: {  	v32 =	vsub.f32 $0.0e+00, v53;
	v54 =	vpop (erf)  }
0x4ab: {  	v35 =	vadd.f32 $1.000000000e+00, v54  }
0x4ac: {  	v32 =	vmul.f32 $1.442695020e+00, v32  }
0x4ad: {  	(erf) = vrcp.f32 v35  }
0x4ae: {  	(erf) = vpow2.f32 v32;
	_ =	sdelay $0x1  }
0x4af: {  	(v2sf) =	vpush v12, $0x8;
	_ =	sdelay $0x4  }
0x4b0: {  	v55 =	vadd.f32 s6, v33  }
0x4b1: {  	v32 =	vpop (erf)  }
0x4b2: {  	v35 =	vsub.f32 $0.0e+00, v55;
	v57 =	vpop (erf)  }
0x4b3: {  	v36 =	vadd.f32 $1.000000000e+00, v57  }
0x4b4: {  	v35 =	vmul.f32 $1.442695020e+00, v35  }
0x4b5: {  	(erf) = vrcp.f32 v36  }
0x4b6: {  	(erf) = vpow2.f32 v35;
	_ =	sdelay $0x3  }
0x4b7: {  	s21 =	spop (v2sf)  }
0x4b8: {  	s6 =	sadd.f32 s21, s5;
	_ =	sdelay $0x1  }
0x4b9: {  	v58 =	vadd.f32 s6, v14  }
0x4ba: {  	v35 =	vpop (erf)  }
0x4bb: {  	v36 =	vsub.f32 $0.0e+00, v58;
	v59 =	vpop (erf)  }
0x4bc: {  	v37 =	vadd.f32 $1.000000000e+00, v59  }
0x4bd: {  	v36 =	vmul.f32 $1.442695020e+00, v36  }
0x4be: {  	(erf) = vrcp.f32 v37  }
0x4bf: {  	(erf) = vpow2.f32 v36;
	_ =	sdelay $0x1  }
0x4c0: {  	(v2sf) =	vpush v12, $0x9;
	_ =	sdelay $0x4  }
0x4c1: {  	v60 =	vadd.f32 s6, v33  }
0x4c2: {  	v36 =	vpop (erf)  }
0x4c3: {  	v37 =	vsub.f32 $0.0e+00, v60;
	v0 =	vpop (erf)  }
0x4c4: {  	v40 =	vadd.f32 $1.000000000e+00, v0  }
0x4c5: {  	v37 =	vmul.f32 $1.442695020e+00, v37  }
0x4c6: {  	(erf) = vrcp.f32 v40  }
0x4c7: {  	(erf) = vpow2.f32 v37;
	_ =	sdelay $0x3  }
0x4c8: {  	s22 =	spop (v2sf)  }
0x4c9: {  	s6 =	sadd.f32 s22, s5;
	_ =	sdelay $0x1  }
0x4ca: {  	v1 =	vadd.f32 s6, v14  }
0x4cb: {  	v37 =	vpop (erf)  }
0x4cc: {  	v40 =	vsub.f32 $0.0e+00, v1;
	v18 =	vpop (erf)  }
0x4cd: {  	v41 =	vadd.f32 $1.000000000e+00, v18  }
0x4ce: {  	v40 =	vmul.f32 $1.442695020e+00, v40  }
0x4cf: {  	(erf) = vrcp.f32 v41  }
0x4d0: {  	(erf) = vpow2.f32 v40;
	_ =	sdelay $0x1  }
0x4d1: {  	(v2sf) =	vpush v12, $0xA;
	_ =	sdelay $0x4  }
0x4d2: {  	v20 =	vadd.f32 s6, v33  }
0x4d3: {  	v40 =	vpop (erf)  }
0x4d4: {  	v41 =	vsub.f32 $0.0e+00, v20;
	v23 =	vpop (erf)  }
0x4d5: {  	v44 =	vadd.f32 $1.000000000e+00, v23  }
0x4d6: {  	v41 =	vmul.f32 $1.442695020e+00, v41  }
0x4d7: {  	(erf) = vrcp.f32 v44  }
0x4d8: {  	(erf) = vpow2.f32 v41;
	_ =	sdelay $0x3  }
0x4d9: {  	s23 =	spop (v2sf)  }
0x4da: {  	s6 =	sadd.f32 s23, s5;
	_ =	sdelay $0x1  }
0x4db: {  	v26 =	vadd.f32 s6, v14  }
0x4dc: {  	v41 =	vpop (erf)  }
0x4dd: {  	v44 =	vsub.f32 $0.0e+00, v26;
	v34 =	vpop (erf)  }
0x4de: {  	v46 =	vadd.f32 $1.000000000e+00, v34  }
0x4df: {  	v44 =	vmul.f32 $1.442695020e+00, v44  }
0x4e0: {  	(erf) = vrcp.f32 v46  }
0x4e1: {  	(erf) = vpow2.f32 v44;
	_ =	sdelay $0x1  }
0x4e2: {  	(v2sf) =	vpush v12, $0xB;
	_ =	sdelay $0x4  }
0x4e3: {  	v38 =	vadd.f32 s6, v33  }
0x4e4: {  	v44 =	vpop (erf)  }
0x4e5: {  	v46 =	vsub.f32 $0.0e+00, v38;
	v47 =	vpop (erf)  }
0x4e6: {  	v53 =	vadd.f32 $1.000000000e+00, v47  }
0x4e7: {  	v46 =	vmul.f32 $1.442695020e+00, v46  }
0x4e8: {  	(erf) = vrcp.f32 v53  }
0x4e9: {  	(erf) = vpow2.f32 v46;
	_ =	sdelay $0x3  }
0x4ea: {  	s24 =	spop (v2sf)  }
0x4eb: {  	s6 =	sadd.f32 s24, s5;
	_ =	sdelay $0x1  }
0x4ec: {  	v57 =	vadd.f32 s6, v14  }
0x4ed: {  	v46 =	vpop (erf)  }
0x4ee: {  	v53 =	vsub.f32 $0.0e+00, v57;
	v58 =	vpop (erf)  }
0x4ef: {  	v54 =	vadd.f32 $1.000000000e+00, v58  }
0x4f0: {  	v53 =	vmul.f32 $1.442695020e+00, v53  }
0x4f1: {  	(erf) = vrcp.f32 v54  }
0x4f2: {  	(erf) = vpow2.f32 v53;
	_ =	sdelay $0x1  }
0x4f3: {  	(v2sf) =	vpush v12, $0xC;
	_ =	sdelay $0x4  }
0x4f4: {  	v59 =	vadd.f32 s6, v33  }
0x4f5: {  	v53 =	vpop (erf)  }
0x4f6: {  	v54 =	vsub.f32 $0.0e+00, v59;
	v60 =	vpop (erf)  }
0x4f7: {  	v57 =	vadd.f32 $1.000000000e+00, v60  }
0x4f8: {  	v54 =	vmul.f32 $1.442695020e+00, v54  }
0x4f9: {  	(erf) = vrcp.f32 v57  }
0x4fa: {  	(erf) = vpow2.f32 v54;
	_ =	sdelay $0x3  }
0x4fb: {  	s25 =	spop (v2sf)  }
0x4fc: {  	s6 =	sadd.f32 s25, s5;
	_ =	sdelay $0x1  }
0x4fd: {  	v0 =	vadd.f32 s6, v14  }
0x4fe: {  	v54 =	vpop (erf)  }
0x4ff: {  	v57 =	vsub.f32 $0.0e+00, v0;
	v1 =	vpop (erf)  }
0x500: {  	v58 =	vadd.f32 $1.000000000e+00, v1  }
0x501: {  	v57 =	vmul.f32 $1.442695020e+00, v57  }
0x502: {  	(erf) = vrcp.f32 v58  }
0x503: {  	(erf) = vpow2.f32 v57;
	_ =	sdelay $0x1  }
0x504: {  	(v2sf) =	vpush v12, $0xD;
	_ =	sdelay $0x4  }
0x505: {  	v18 =	vadd.f32 s6, v33  }
0x506: {  	v57 =	vpop (erf)  }
0x507: {  	v58 =	vsub.f32 $0.0e+00, v18;
	v20 =	vpop (erf)  }
0x508: {  	v59 =	vadd.f32 $1.000000000e+00, v20  }
0x509: {  	v58 =	vmul.f32 $1.442695020e+00, v58  }
0x50a: {  	(erf) = vrcp.f32 v59  }
0x50b: {  	(erf) = vpow2.f32 v58;
	_ =	sdelay $0x3  }
0x50c: {  	s26 =	spop (v2sf)  }
0x50d: {  	s6 =	sadd.f32 s26, s5;
	_ =	sdelay $0x1  }
0x50e: {  	v23 =	vadd.f32 s6, v14  }
0x50f: {  	v58 =	vpop (erf)  }
0x510: {  	v59 =	vsub.f32 $0.0e+00, v23;
	v26 =	vpop (erf)  }
0x511: {  	v60 =	vadd.f32 $1.000000000e+00, v26  }
0x512: {  	v59 =	vmul.f32 $1.442695020e+00, v59  }
0x513: {  	(erf) = vrcp.f32 v60  }
0x514: {  	(erf) = vpow2.f32 v59  }
0x515: {  	[tilespmem:$0x14E0] =	vst v52;
	v52 =	vld [tilespmem:$0x1FFA0]  }
0x516: {  	(v2sf) =	vpush v12, $0xE;
	_ =	sdelay $0x3  }
0x517: {  	[tilespmem:$0x1530] =	vst v52  }
0x518: {  	[tilespmem:$0x1590] =	vst v63;
	v55 =	vadd.f32 s6, v33  }
0x519: {  	[tilespmem:$0x15A0] =	vst v62;
	v38 =	vld [tilespmem:$0x1FE60];
	v60 =	vpop (erf)  }
0x51a: {  	[tilespmem:$0x15B0] =	vst v61;
	v59 =	vsub.f32 $0.0e+00, v55;
	v23 =	vpop (erf)  }
0x51b: {  	[tilespmem:$0x15C0] =	vst v50;
	v0 =	vadd.f32 $1.000000000e+00, v23  }
0x51c: {  	[tilespmem:$0x15D0] =	vst v49;
	v59 =	vmul.f32 $1.442695020e+00, v59  }
0x51d: {  	[tilespmem:$0x15E0] =	vst v48;
	v34 =	vld [tilespmem:$0x1FE50];
	(erf) = vrcp.f32 v0  }
0x51e: {  	[tilespmem:$0x13E0] =	vst v38;
	v38 =	vld [tilespmem:$0x1FEC0];
	(erf) = vpow2.f32 v59  }
0x51f: {  	[tilespmem:$0x15F0] =	vst v51;
	v47 =	vld [tilespmem:$0x1FE70]  }
0x520: {  	[tilespmem:$0x1600] =	vst v45;
	v55 =	vld [tilespmem:$0x1FEE0]  }
0x521: {  	[tilespmem:$0x1610] =	vst v43;
	v59 =	vld [tilespmem:$0x1FEF0]  }
0x522: {  	s28 =	spop (v2sf);
	[tilespmem:$0x13D0] =	vst v34;
	v23 =	vld [tilespmem:$0x1FF20]  }
0x523: {  	s6 =	sadd.f32 s28, s5;
	v34 =	vld [tilespmem:$0x1FEB0];
	[tilespmem:$0x1440] =	vst v38  }
0x524: {  	[tilespmem:$0x13F0] =	vst v47  }
0x525: {  	v38 =	vadd.f32 s6, v14;
	v47 =	vld [tilespmem:$0x1FED0];
	[tilespmem:$0x1460] =	vst v55  }
0x526: {  	[tilespmem:$0x1470] =	vst v59;
	v59 =	vpop (erf)  }
0x527: {  	v55 =	vsub.f32 $0.0e+00, v38;
	[tilespmem:$0x14A0] =	vst v23;
	v23 =	vpop (erf)  }
0x528: {  	[tilespmem:$0x1430] =	vst v34;
	v34 =	vld [tilespmem:$0x1FF40];
	v0 =	vadd.f32 $1.000000000e+00, v23  }
0x529: {  	[tilespmem:$0x1620] =	vst v42;
	v1 =	vmul.f32 $1.442695020e+00, v55  }
0x52a: {  	[tilespmem:$0x1450] =	vst v47;
	v47 =	vld [tilespmem:$0x1FF50];
	(erf) = vrcp.f32 v0  }
0x52b: {  	[tilespmem:$0x1630] =	vst v39;
	(erf) = vpow2.f32 v1  }
0x52c: {  	[tilespmem:$0x1640] =	vst v19  }
0x52d: {  	(v2sf) =	vpush v12, $0xF;
	[tilespmem:$0x14C0] =	vst v34;
	v34 =	vld [tilespmem:$0x1FF70]  }
0x52e: {  	[tilespmem:$0x1650] =	vst v56;
	v38 =	vld [tilespmem:$0x1FF80]  }
0x52f: {  	[tilespmem:$0x14D0] =	vst v47;
	v47 =	vld [tilespmem:$0x1FF90]  }
0x530: {  	[tilespmem:$0x1660] =	vst v17  }
0x531: {  	[tilespmem:$0x1670] =	vst v16  }
0x532: {  	[tilespmem:$0x1500] =	vst v34;
	v34 =	vadd.f32 s6, v33  }
0x533: {  	[tilespmem:$0x1510] =	vst v38;
	v38 =	vpop (erf)  }
0x534: {  	[tilespmem:$0x1520] =	vst v47;
	v0 =	vsub.f32 $0.0e+00, v34;
	v47 =	vpop (erf)  }
0x535: {  	[tilespmem:$0x1680] =	vst v3;
	v12 =	vadd.f32 $1.000000000e+00, v47  }
0x536: {  	[tilespmem:$0x1690] =	vst v4;
	v0 =	vmul.f32 $1.442695020e+00, v0  }
0x537: {  	[tilespmem:$0x16A0] =	vst v5;
	(erf) = vrcp.f32 v12  }
0x538: {  	[tilespmem:$0x16B0] =	vst v6;
	(erf) = vpow2.f32 v0  }
0x539: {  	[tilespmem:$0x16C0] =	vst v2  }
0x53a: {  	[tilespmem:$0x16D0] =	vst v7  }
0x53b: {  	[tilespmem:$0x16E0] =	vst v8  }
0x53c: {  	[tilespmem:$0x16F0] =	vst v9;
	s29 =	spop (v2sf)  }
0x53d: {  	[tilespmem:$0x1700] =	vst v10;
	s5 =	sadd.f32 s29, s5  }
0x53e: {  	[tilespmem:$0x1710] =	vst v11  }
0x53f: {  	[tilespmem:$0x1720] =	vst v13;
	v50 =	vadd.f32 s5, v14  }
0x540: {  	[tilespmem:$0x1730] =	vst v15;
	v12 =	vpop (erf)  }
0x541: {  	[tilespmem:$0x1740] =	vst v21;
	v0 =	vsub.f32 $0.0e+00, v50;
	v51 =	vpop (erf)  }
0x542: {  	[tilespmem:$0x1750] =	vst v22;
	v3 =	vadd.f32 $1.000000000e+00, v51  }
0x543: {  	[tilespmem:$0x1760] =	vst v24;
	v0 =	vmul.f32 $1.442695020e+00, v0  }
0x544: {  	[tilespmem:$0x1770] =	vst v25;
	(erf) = vrcp.f32 v3  }
0x545: {  	[tilespmem:$0x1780] =	vst v27;
	(erf) = vpow2.f32 v0  }
0x546: {  	[tilespmem:$0x1790] =	vst v28  }
0x547: {  	[tilespmem:$0x17A0] =	vst v29  }
0x548: {  	[tilespmem:$0x17B0] =	vst v30;
	v55 =	vld [tilespmem:$0x1FFB0]  }
0x549: {  	[tilespmem:$0x17C0] =	vst v31  }
0x54a: {  	[tilespmem:$0x17D0] =	vst v32  }
0x54b: {  	[tilespmem:$0x17E0] =	vst v35  }
0x54c: {  	[tilespmem:$0x17F0] =	vst v36;
	v52 =	vadd.f32 s5, v33  }
0x54d: {  	v26 =	vld [tilespmem:$0x1FEA0];
	[tilespmem:$0x1540] =	vst v55;
	v55 =	vpop (erf)  }
0x54e: {  	[tilespmem:$0x1800] =	vst v37;
	v18 =	vld [tilespmem:$0x1FE80];
	v0 =	vsub.f32 $0.0e+00, v52;
	v56 =	vpop (erf)  }
0x54f: {  	[tilespmem:$0x1810] =	vst v40;
	v3 =	vadd.f32 $1.000000000e+00, v56  }
0x550: {  	[tilespmem:$0x1820] =	vst v41;
	v20 =	vld [tilespmem:$0x1FE90];
	v0 =	vmul.f32 $1.442695020e+00, v0  }
0x551: {  	[tilespmem:$0x1830] =	vst v44;
	(erf) = vrcp.f32 v3  }
0x552: {  	[tilespmem:$0x1420] =	vst v26;
	v26 =	vld [tilespmem:$0x1FF30];
	(erf) = vpow2.f32 v0  }
0x553: {  	[tilespmem:$0x1400] =	vst v18;
	v18 =	vld [tilespmem:$0x1FF00]  }
0x554: {  	[tilespmem:$0x1840] =	vst v46  }
0x555: {  	[tilespmem:$0x1410] =	vst v20;
	v20 =	vld [tilespmem:$0x1FF10]  }
0x556: {  	[tilespmem:$0x1850] =	vst v53  }
0x557: {  	[tilespmem:$0x14B0] =	vst v26;
	v26 =	vld [tilespmem:$0x1FF60]  }
0x558: {  	[tilespmem:$0x1480] =	vst v18;
	v18 =	vld [tilespmem:$0x1FFC0]  }
0x559: {  	[tilespmem:$0x1860] =	vst v54  }
0x55a: {  	[tilespmem:$0x1490] =	vst v20;
	v20 =	vld [tilespmem:$0x1FFD0];
	v61 =	vpop (erf)  }
0x55b: {  	[tilespmem:$0x1870] =	vst v57;
	v62 =	vpop (erf)  }
0x55c: {  	[tilespmem:$0x14F0] =	vst v26;
	v26 =	vld [tilespmem:$0x1FFF0];
	v3 =	vadd.f32 $1.000000000e+00, v62  }
0x55d: {  	[tilespmem:$0x1550] =	vst v18  }
0x55e: {  	[tilespmem:$0x1880] =	vst v58;
	v23 =	vld [tilespmem:$0x1FFE0];
	(erf) = vrcp.f32 v3  }
0x55f: {  	[tilespmem:$0x1560] =	vst v20  }
0x560: {  	[tilespmem:$0x1890] =	vst v60  }
0x561: {  	[tilespmem:$0x1580] =	vst v26  }
0x562: {  	[tilespmem:$0x18A0] =	vst v59  }
0x563: {  	[tilespmem:$0x1570] =	vst v23  }
0x564: {  	[tilespmem:$0x18B0] =	vst v38  }
0x565: {  	[tilespmem:$0x18C0] =	vst v12  }
0x566: {  	[tilespmem:$0x18D0] =	vst v55  }
0x567: {  	p0 =	sne.s32 s3, $0x1;
	s30 =	rddreg [dreg:$0xa];
	[tilespmem:$0x18E0] =	vst v61;
	v63 =	vpop (erf)  }
.Ltmp0:
0x568: {  	s31 =	rddreg [dreg:$0xb];
	[tilespmem:$0x18F0] =	vst v63;
	(pc) =	sbr.rel @p0 .LBB2_1-.Ltmp0, $4  }
0x569: {  	[hbm4b:s30+s2] =	stream.linear.scatter [tilespmem:s31], [sflag:$0x1], $0x800, $0x38;
	[tilespmem:$0x1900] =	vst v63  }
0x56a: {  	_ =	swait.ge [sflag:s4], $0x800  }
0x56b: {  	[sflag:s4] =	ssyncset.done $0x0  }
0x56c: {  	s3 =	sadd.s32 $0xFFFFFFFF, s3;
	[sflag:s4] =	ssyncadd.s32 $0xFFFFF800  }
0x56d: {  	_ =	sfence.sel $0x180000  }
0x56e: {  	[bflag:$0x0] =	sbarrier.arrive $0xFFFF  }
0x56f: {  	p0 =	sne.s32 s0, $0x0;
	_ =	strace $0x90000047  }
0x570: {  	s0 =	sadd.s32 @!p0 $0x100000, s1;
	[bflag:$0x2] =	sbarrier.arrive $0xFFFF  }
0x571: {  	[sflag:s0] =	ssyncadd.tile.s32 @!p0 $0x1;
	_ =	shalt  }
.Lfunc_end2:
_tile_overlayer_lowered:
.L_overlay_start_2:
0x572: {  	(tag) =	ssettag $0x2  }
0x573: {  	s0 =	rddreg [dreg:$0x0];
	s2 =	stileid.u32  }
0x574: {  	s1 =	rddreg [dreg:$0x1];
	p0 =	sne.s32 s2, $0x0  }
0x575: {  	s3 =	rddreg [dreg:$0x2];
	[bflag:$0x3] =	sbarrier.arrive $0xFFFF;
	s2 =	simm.s32 @!p0 $0x1C01  }
0x576: {  	[timem:s3], [sflag:s2] =	dma.local @!p0 [hbm:s0], s1  }
0x577: {  	s0 =	simm.s32 @!p0 $0x1  }
0x578: {  	_ =	swait.ge @!p0 [sflag:s0], s1  }
0x579: {  	s1 =	ssub.s32 @!p0 $0x0, s1;
	[sflag:s0] =	ssyncset.done @!p0 $0x0  }
0x57a: {  	[sflag:s0] =	ssyncadd.s32 @!p0 s1  }
0x57b: {  	[bflag:$0x3] =	sbarrier.arrive $0xFFFF  }
0x57c: {  	_ =	shalt  }

</sc_bundles>
